<compile_context>
chip_gen: v7x
topology: tpu7x:2x2x1
jax: 0.10.2.dev20260603
libtpu: 0.0.44.dev20260713+nightly
codegen_flags: <defaults>
</compile_context>

<pallas_src>
import jax
import jax.numpy as jnp
from jax import lax
from jax.experimental import pallas as pl
from jax.experimental.pallas import tpu as pltpu
from jax.experimental.pallas import tpu_sc as plsc

N = 10000
D = 128
E = 320000
NP = 10240
CB = 128
NC = 2
NS = 16
CPT = 80
NW = NC * NS
NCHUNK = NW * CPT
EP = NCHUNK * CB
STRIPE = NP // NS
BM = 512



def _pre_body(x_ref, wl_ref, wr_ref, b_ref, p_ref, r_ref):
    x = x_ref[...]
    p_ref[...] = jnp.dot(x, wl_ref[...], preferred_element_type=jnp.float32)
    r_ref[...] = jnp.dot(x, wr_ref[...], preferred_element_type=jnp.float32) + b_ref[...]


def _tc_pre(x, wl, wr, b):
    return pl.pallas_call(
        _pre_body,
        grid=(NP // BM,),
        in_specs=[
            pl.BlockSpec((BM, D), lambda i: (i, 0)),
            pl.BlockSpec((D, D), lambda i: (0, 0)),
            pl.BlockSpec((D, D), lambda i: (0, 0)),
            pl.BlockSpec((1, D), lambda i: (0, 0)),
        ],
        out_specs=[
            pl.BlockSpec((BM, D), lambda i: (i, 0)),
            pl.BlockSpec((BM, D), lambda i: (i, 0)),
        ],
        out_shape=[
            jax.ShapeDtypeStruct((NP, D), jnp.float32),
            jax.ShapeDtypeStruct((NP, D), jnp.float32),
        ],
    )(x, wl, wr, b)


def _inv_body(cnt_ref, inv_ref):
    cnt = jnp.sum(cnt_ref[...], axis=0, keepdims=True)
    inv_ref[...] = 1.0 / jnp.maximum(cnt, 1.0)


def _tc_inv(cnt):
    return pl.pallas_call(
        _inv_body,
        grid=(NP // 2048,),
        in_specs=[pl.BlockSpec((NW, 2048), lambda i: (0, i))],
        out_specs=pl.BlockSpec((1, 2048), lambda i: (0, i)),
        out_shape=jax.ShapeDtypeStruct((1, NP), jnp.float32),
    )(cnt)


def _mid_body(s_ref, inv_ref, r1_ref, wl_ref, wr_ref, b_ref, p2_ref, r2_ref):
    s = s_ref[0] + s_ref[1]
    h = jnp.maximum(s * inv_ref[...] + r1_ref[...], 0.0)
    p2_ref[...] = jnp.dot(h, wl_ref[...], preferred_element_type=jnp.float32)
    r2_ref[...] = jnp.dot(h, wr_ref[...], preferred_element_type=jnp.float32) + b_ref[...] + h


def _tc_mid(s, inv, r1, wl, wr, b):
    return pl.pallas_call(
        _mid_body,
        grid=(NP // BM,),
        in_specs=[
            pl.BlockSpec((NC, BM, D), lambda i: (0, i, 0)),
            pl.BlockSpec((BM, 1), lambda i: (i, 0)),
            pl.BlockSpec((BM, D), lambda i: (i, 0)),
            pl.BlockSpec((D, D), lambda i: (0, 0)),
            pl.BlockSpec((D, D), lambda i: (0, 0)),
            pl.BlockSpec((1, D), lambda i: (0, 0)),
        ],
        out_specs=[
            pl.BlockSpec((BM, D), lambda i: (i, 0)),
            pl.BlockSpec((BM, D), lambda i: (i, 0)),
        ],
        out_shape=[
            jax.ShapeDtypeStruct((NP, D), jnp.float32),
            jax.ShapeDtypeStruct((NP, D), jnp.float32),
        ],
    )(s, inv, r1, wl, wr, b)


def _post_body(s_ref, inv_ref, r2_ref, o_ref):
    s = s_ref[0] + s_ref[1]
    o_ref[...] = s * inv_ref[...] + r2_ref[...]


def _tc_post(s, inv, r2):
    return pl.pallas_call(
        _post_body,
        grid=(NP // BM,),
        in_specs=[
            pl.BlockSpec((NC, BM, D), lambda i: (0, i, 0)),
            pl.BlockSpec((BM, 1), lambda i: (i, 0)),
            pl.BlockSpec((BM, D), lambda i: (i, 0)),
        ],
        out_specs=pl.BlockSpec((BM, D), lambda i: (i, 0)),
        out_shape=jax.ShapeDtypeStruct((N, D), jnp.float32),
    )(s, inv, r2)



_SC_PARAMS = pltpu.CompilerParams(needs_layout_passes=False)
_MESH = plsc.VectorSubcoreMesh(core_axis_name="c", subcore_axis_name="s")


def _sc_cnt_body(pk_hbm, cnt_hbm, pkb, cntv):
    cid = lax.axis_index("c")
    sid = lax.axis_index("s")
    wid = cid * NS + sid
    zeros16 = jnp.zeros((16,), jnp.float32)
    ones16 = jnp.ones((16,), jnp.float32)

    def zcnt(i, c):
        cntv[pl.ds(i * 16, 16)] = zeros16
        return c
    lax.fori_loop(0, NP // 16, zcnt, 0)

    pltpu.sync_copy(pk_hbm.at[pl.ds(wid * CPT, CPT)], pkb)

    def cbody(j, c):
        for v in range(CB // 16):
            pkv = pkb[j, pl.ds(v * 16, 16)]
            dstv = lax.shift_right_logical(pkv, 16)
            plsc.addupdate_scatter(cntv, [dstv], ones16)
        return c
    lax.fori_loop(0, CPT, cbody, 0)
    pltpu.sync_copy(cntv, cnt_hbm.at[wid])


_sc_cnt = pl.kernel(
    _sc_cnt_body,
    out_type=jax.ShapeDtypeStruct((NW, NP), jnp.float32),
    mesh=_MESH,
    scratch_types=[
        pltpu.VMEM((CPT, CB), jnp.int32),
        pltpu.VMEM((NP,), jnp.float32),
    ],
    compiler_params=_SC_PARAMS,
)


def _sc_agg_body(p_hbm, pk_hbm, s_hbm, pkb, sbuf, dbuf, rowbuf, acc, gsem0, gsem1):
    gsems = (gsem0, gsem1)
    cid = lax.axis_index("c")
    sid = lax.axis_index("s")
    wid = cid * NS + sid
    zeros16 = jnp.zeros((16,), jnp.float32)

    def zrow(r, c):
        for v in range(D // 16):
            rowbuf[0, r, pl.ds(v * 16, 16)] = zeros16
        return c
    lax.fori_loop(0, CB, zrow, 0)
    for t in range(STRIPE // CB):
        pltpu.sync_copy(rowbuf.at[0], acc.at[pl.ds(sid * STRIPE + t * CB, CB)])

    pltpu.sync_copy(pk_hbm.at[pl.ds(wid * CPT, CPT)], pkb)

    def unpack(j, b):
        for v in range(CB // 16):
            pkv = pkb[j, pl.ds(v * 16, 16)]
            sbuf[b, pl.ds(v * 16, 16)] = jnp.bitwise_and(pkv, 0xFFFF)
            dbuf[b, pl.ds(v * 16, 16)] = lax.shift_right_logical(pkv, 16)

    def handle(b):
        pltpu.make_async_copy(p_hbm.at[sbuf.at[b]], rowbuf.at[b], gsems[b]).wait()
        pltpu.sync_copy(rowbuf.at[b], acc.at[dbuf.at[b]], add=True)

    plsc.subcore_barrier()

    for b in range(2):
        unpack(b, b)
        pltpu.async_copy(p_hbm.at[sbuf.at[b]], rowbuf.at[b], gsems[b])

    def loop_body(k, c):
        for b in range(2):
            j = k * 2 + b
            handle(b)
            unpack(j + 2, b)
            pltpu.async_copy(p_hbm.at[sbuf.at[b]], rowbuf.at[b], gsems[b])
        return c
    lax.fori_loop(0, CPT // 2 - 1, loop_body, 0)
    for b in range(2):
        handle(b)

    plsc.subcore_barrier()
    pltpu.sync_copy(acc.at[pl.ds(sid * STRIPE, STRIPE)],
                    s_hbm.at[cid, pl.ds(sid * STRIPE, STRIPE)])


_sc_agg = pl.kernel(
    _sc_agg_body,
    out_type=jax.ShapeDtypeStruct((NC, NP, D), jnp.float32),
    mesh=_MESH,
    scratch_types=[
        pltpu.VMEM((CPT, CB), jnp.int32),
        pltpu.VMEM((2, CB), jnp.int32),
        pltpu.VMEM((2, CB), jnp.int32),
        pltpu.VMEM((2, CB, D), jnp.float32),
        pltpu.VMEM_SHARED((NP, D), jnp.float32),
        pltpu.SemaphoreType.DMA,
        pltpu.SemaphoreType.DMA,
    ],
    compiler_params=_SC_PARAMS,
)



def kernel(node_features, edge_index, Wl1, bl1, Wr1, Wl2, bl2, Wr2):
    pad = (N + jnp.arange(EP - E, dtype=jnp.int32) % (NP - N)).astype(jnp.int32)
    src = jnp.concatenate([edge_index[0], pad])
    dst = jnp.concatenate([edge_index[1], pad])
    packed = jnp.bitwise_or(src, jnp.left_shift(dst, 16)).reshape(NCHUNK, CB)
    bl1r = bl1.reshape(1, D)
    bl2r = bl2.reshape(1, D)

    cnt = _sc_cnt(packed)
    p1, r1 = _tc_pre(node_features, Wl1, Wr1, bl1r)
    s1 = _sc_agg(p1, packed)
    if isinstance(s1, (list, tuple)):
        s1 = s1[0]
    inv = _tc_inv(cnt.reshape(NW, NP)).reshape(NP, 1)
    p2, r2 = _tc_mid(s1, inv, r1, Wl2, Wr2, bl2r)
    s2 = _sc_agg(p2, packed)
    if isinstance(s2, (list, tuple)):
        s2 = s2[0]
    return _tc_post(s2, inv, r2)

# --- scband reference (transcript-rebuilt; emitter-appended) ---
"""Pipeline reference for scband-training-matched-graph-sage-encoder-33122787786831 (READ-ONLY COPY).

The authoritative reference and input builder live on the scoring server;
editing this copy changes nothing except your own understanding.
"""

import jax, jax.numpy as jnp
import numpy as np

N_NODES = 10000
N_EDGES = 320000
D = 128


def setup_inputs(seed: int = 0) -> dict:
    key = jax.random.key(seed)
    ks = jax.random.split(key, 9)
    x = jax.random.normal(ks[0], (N_NODES, D), dtype=jnp.float32)
    edge_index = jax.random.randint(ks[1], (2, N_EDGES), 0, N_NODES, dtype=jnp.int32)
    s = 1.0 / np.sqrt(D)
    Wl1 = jax.random.normal(ks[2], (D, D), dtype=jnp.float32) * s
    bl1 = jnp.zeros((D,), dtype=jnp.float32)
    Wr1 = jax.random.normal(ks[3], (D, D), dtype=jnp.float32) * s
    Wl2 = jax.random.normal(ks[4], (D, D), dtype=jnp.float32) * s
    bl2 = jnp.zeros((D,), dtype=jnp.float32)
    Wr2 = jax.random.normal(ks[5], (D, D), dtype=jnp.float32) * s
    return {"node_features": x, "edge_index": edge_index, "Wl1": Wl1, "bl1": bl1, "Wr1": Wr1, "Wl2": Wl2, "bl2": bl2, "Wr2": Wr2}


def _sage_conv(h, edge_index, Wl, bl, Wr):
    # PyG SAGEConv with mean aggregation:
    # out[i] = lin_l(mean_{j->i} h[j]) + lin_r(h[i])
    src = edge_index[0]
    dst = edge_index[1]
    msgs = jnp.take(h, src, axis=0)                     # gather  [E, D]
    agg = jax.ops.segment_sum(msgs, dst, num_segments=h.shape[0])  # scatter-add
    cnt = jax.ops.segment_sum(jnp.ones((msgs.shape[0],), dtype=h.dtype), dst, num_segments=h.shape[0])
    agg = agg / jnp.maximum(cnt, 1.0)[:, None]          # mean
    return agg @ Wl + bl + h @ Wr


def reference(node_features, edge_index, Wl1, bl1, Wr1, Wl2, bl2, Wr2):
    # Layer 1 + ReLU (dropout_rate=0.0 -> identity)
    hidden = _sage_conv(node_features, edge_index, Wl1, bl1, Wr1)
    hidden = jax.nn.relu(hidden)
    # Final layer with residual (hidden_dim == output_dim -> no projection)
    residual = hidden
    hidden = _sage_conv(hidden, edge_index, Wl2, bl2, Wr2)
    hidden = hidden + residual
    return hidden

if __name__ == "__main__":
    import jax
    _d = setup_inputs()
    print(jax.jit(kernel)(*tuple(_d.values())))

</pallas_src>

<mosaic_0001>
#map = affine_map<(d0, d1) -> (0, 0)>
#map1 = affine_map<(d0, d1) -> (0, 0, 0)>
module attributes {stable_mosaic.version = 14 : i64} {
  func.func @_sc_agg_body(%arg0: i32, %arg1: i32, %arg2: memref<10240x128xf32, #tpu.memory_space<hbm>>, %arg3: memref<2560x128xi32, #tpu.memory_space<hbm>>, %arg4: memref<2x10240x128xf32, #tpu.memory_space<hbm>>, %arg5: memref<80x128xi32, #tpu.memory_space<vmem>>, %arg6: memref<2x128xi32, #tpu.memory_space<vmem>>, %arg7: memref<2x128xi32, #tpu.memory_space<vmem>>, %arg8: memref<2x128x128xf32, #tpu.memory_space<vmem>>, %arg9: memref<10240x128xf32, #tpu.memory_space<vmem_shared>>, %arg10: memref<!tpu.dma_semaphore, #tpu.memory_space<semaphore_mem>>, %arg11: memref<!tpu.dma_semaphore, #tpu.memory_space<semaphore_mem>>) attributes {dimension_semantics = [#tpu.dimension_semantics<core_parallel>, #tpu.dimension_semantics<subcore_parallel>], iteration_bounds = array<i64: 2, 16>, scalar_prefetch = 0 : i64, scratch_operands = 7 : i64, tpu.core_type = #tpu.core_type<sc_vector_subcore>, window_params = [{transform_indices = #map}, {transform_indices = #map}, {transform_indices = #map1}]} {
    %mul3A = arith.constant 16 : i32
    %mul3A_0 = arith.muli %arg0, %mul3A : i32
    %add3A = arith.addi %mul3A_0, %arg1 : i32
    %broadcast_in_dim3A = arith.constant 0.000000e+00 : f32
    %broadcast_in_dim3A_1 = vector.broadcast %broadcast_in_dim3A : f32 to vector<16xf32>
    %scan3A = arith.constant 0 : i32
    %scan3A_2 = arith.constant 0 : i32
    %scan3A_3 = arith.constant 128 : i32
    %scan3A_4 = arith.addi %scan3A_2, %scan3A_3 : i32
    %scan3A_5 = arith.constant 1 : i32
    scf.for %scan3A_378 = %scan3A_2 to %scan3A_4 step %scan3A_5  : i32 {
      %swap3A_379 = arith.constant 0 : i32
      %swap3A_380 = arith.index_cast %swap3A_379 : i32 to index
      %swap3A_381 = arith.index_cast %scan3A_378 : i32 to index
      %swap3A_382 = arith.constant 0 : index
      %swap3A_383 = tpu.vector_load %arg8[%swap3A_380, %swap3A_381, %swap3A_382] {strides = array<i32>} : memref<2x128x128xf32, #tpu.memory_space<vmem>>, vector<16xf32>,
      tpu.vector_store %arg8[%swap3A_380, %swap3A_381, %swap3A_382], %broadcast_in_dim3A_1 {strides = array<i32>} : memref<2x128x128xf32, #tpu.memory_space<vmem>>, vector<16xf32>,
      %swap3A_384 = arith.constant 0 : i32
      %swap3A_385 = arith.index_cast %swap3A_384 : i32 to index
      %swap3A_386 = arith.index_cast %scan3A_378 : i32 to index
      %swap3A_387 = arith.constant 16 : index
      %swap3A_388 = tpu.vector_load %arg8[%swap3A_385, %swap3A_386, %swap3A_387] {strides = array<i32>} : memref<2x128x128xf32, #tpu.memory_space<vmem>>, vector<16xf32>,
      tpu.vector_store %arg8[%swap3A_385, %swap3A_386, %swap3A_387], %broadcast_in_dim3A_1 {strides = array<i32>} : memref<2x128x128xf32, #tpu.memory_space<vmem>>, vector<16xf32>,
      %swap3A_389 = arith.constant 0 : i32
      %swap3A_390 = arith.index_cast %swap3A_389 : i32 to index
      %swap3A_391 = arith.index_cast %scan3A_378 : i32 to index
      %swap3A_392 = arith.constant 32 : index
      %swap3A_393 = tpu.vector_load %arg8[%swap3A_390, %swap3A_391, %swap3A_392] {strides = array<i32>} : memref<2x128x128xf32, #tpu.memory_space<vmem>>, vector<16xf32>,
      tpu.vector_store %arg8[%swap3A_390, %swap3A_391, %swap3A_392], %broadcast_in_dim3A_1 {strides = array<i32>} : memref<2x128x128xf32, #tpu.memory_space<vmem>>, vector<16xf32>,
      %swap3A_394 = arith.constant 0 : i32
      %swap3A_395 = arith.index_cast %swap3A_394 : i32 to index
      %swap3A_396 = arith.index_cast %scan3A_378 : i32 to index
      %swap3A_397 = arith.constant 48 : index
      %swap3A_398 = tpu.vector_load %arg8[%swap3A_395, %swap3A_396, %swap3A_397] {strides = array<i32>} : memref<2x128x128xf32, #tpu.memory_space<vmem>>, vector<16xf32>,
      tpu.vector_store %arg8[%swap3A_395, %swap3A_396, %swap3A_397], %broadcast_in_dim3A_1 {strides = array<i32>} : memref<2x128x128xf32, #tpu.memory_space<vmem>>, vector<16xf32>,
      %swap3A_399 = arith.constant 0 : i32
      %swap3A_400 = arith.index_cast %swap3A_399 : i32 to index
      %swap3A_401 = arith.index_cast %scan3A_378 : i32 to index
      %swap3A_402 = arith.constant 64 : index
      %swap3A_403 = tpu.vector_load %arg8[%swap3A_400, %swap3A_401, %swap3A_402] {strides = array<i32>} : memref<2x128x128xf32, #tpu.memory_space<vmem>>, vector<16xf32>,
      tpu.vector_store %arg8[%swap3A_400, %swap3A_401, %swap3A_402], %broadcast_in_dim3A_1 {strides = array<i32>} : memref<2x128x128xf32, #tpu.memory_space<vmem>>, vector<16xf32>,
      %swap3A_404 = arith.constant 0 : i32
      %swap3A_405 = arith.index_cast %swap3A_404 : i32 to index
      %swap3A_406 = arith.index_cast %scan3A_378 : i32 to index
      %swap3A_407 = arith.constant 80 : index
      %swap3A_408 = tpu.vector_load %arg8[%swap3A_405, %swap3A_406, %swap3A_407] {strides = array<i32>} : memref<2x128x128xf32, #tpu.memory_space<vmem>>, vector<16xf32>,
      tpu.vector_store %arg8[%swap3A_405, %swap3A_406, %swap3A_407], %broadcast_in_dim3A_1 {strides = array<i32>} : memref<2x128x128xf32, #tpu.memory_space<vmem>>, vector<16xf32>,
      %swap3A_409 = arith.constant 0 : i32
      %swap3A_410 = arith.index_cast %swap3A_409 : i32 to index
      %swap3A_411 = arith.index_cast %scan3A_378 : i32 to index
      %swap3A_412 = arith.constant 96 : index
      %swap3A_413 = tpu.vector_load %arg8[%swap3A_410, %swap3A_411, %swap3A_412] {strides = array<i32>} : memref<2x128x128xf32, #tpu.memory_space<vmem>>, vector<16xf32>,
      tpu.vector_store %arg8[%swap3A_410, %swap3A_411, %swap3A_412], %broadcast_in_dim3A_1 {strides = array<i32>} : memref<2x128x128xf32, #tpu.memory_space<vmem>>, vector<16xf32>,
      %swap3A_414 = arith.constant 0 : i32
      %swap3A_415 = arith.index_cast %swap3A_414 : i32 to index
      %swap3A_416 = arith.index_cast %scan3A_378 : i32 to index
      %swap3A_417 = arith.constant 112 : index
      %swap3A_418 = tpu.vector_load %arg8[%swap3A_415, %swap3A_416, %swap3A_417] {strides = array<i32>} : memref<2x128x128xf32, #tpu.memory_space<vmem>>, vector<16xf32>,
      tpu.vector_store %arg8[%swap3A_415, %swap3A_416, %swap3A_417], %broadcast_in_dim3A_1 {strides = array<i32>} : memref<2x128x128xf32, #tpu.memory_space<vmem>>, vector<16xf32>,
    }
    %scan3A_6 = arith.constant 128 : i32
    %mul3A_7 = arith.constant 640 : i32
    %mul3A_8 = arith.muli %arg1, %mul3A_7 : i32
    %add3A_9 = arith.constant 0 : i32
    %add3A_10 = arith.addi %mul3A_8, %add3A_9 : i32
    %run_scoped3A = arith.constant 0 : i32
    "tpu.region"() ({
      %run_scoped3A_378 = tpu.sem_alloc : memref<!tpu.dma_semaphore, #tpu.memory_space<semaphore_mem>>
      %dma_start3A_379 = arith.constant 0 : i32
      %dma_start3A_380 = arith.constant 0 : i32
      %dma_start3A_381 = tpu.memref_slice %arg8[%run_scoped3A, %dma_start3A_379, %dma_start3A_380] : memref<2x128x128xf32, #tpu.memory_space<vmem>> -> memref<1x128x128xf32, #tpu.memory_space<vmem>>
      %dma_start3A_382 = tpu.memref_squeeze %dma_start3A_381 : memref<1x128x128xf32, #tpu.memory_space<vmem>> -> memref<128x128xf32, #tpu.memory_space<vmem>>
      %dma_start3A_383 = arith.constant 0 : i32
      %dma_start3A_384 = tpu.memref_slice %arg9[%add3A_10, %dma_start3A_383] : memref<10240x128xf32, #tpu.memory_space<vmem_shared>> -> memref<128x128xf32, #tpu.memory_space<vmem_shared>>
      %dma_start3A_385 = arith.constant 0 : i32
      %dma_start3A_386 = tpu.memref_slice %arg9[%add3A_10, %dma_start3A_385] : memref<10240x128xf32, #tpu.memory_space<vmem_shared>> -> memref<128x128xf32, #tpu.memory_space<vmem_shared>>
      %dma_start3A_387 = arith.constant 0 : i32
      %dma_start3A_388 = arith.constant 0 : i32
      %dma_start3A_389 = tpu.memref_slice %arg8[%run_scoped3A, %dma_start3A_387, %dma_start3A_388] : memref<2x128x128xf32, #tpu.memory_space<vmem>> -> memref<1x128x128xf32, #tpu.memory_space<vmem>>
      %dma_start3A_390 = tpu.memref_squeeze %dma_start3A_389 : memref<1x128x128xf32, #tpu.memory_space<vmem>> -> memref<128x128xf32, #tpu.memory_space<vmem>>
      tpu.enqueue_dma source(%dma_start3A_390 : memref<128x128xf32, #tpu.memory_space<vmem>>) target(%dma_start3A_386 : memref<128x128xf32, #tpu.memory_space<vmem_shared>>) target_semaphore(%run_scoped3A_378 : memref<!tpu.dma_semaphore, #tpu.memory_space<semaphore_mem>>)
      %dma_wait3A_391 = arith.constant 0 : i32
      %dma_wait3A_392 = arith.constant 0 : i32
      %dma_wait3A_393 = tpu.memref_slice %arg8[%run_scoped3A, %dma_wait3A_391, %dma_wait3A_392] : memref<2x128x128xf32, #tpu.memory_space<vmem>> -> memref<1x128x128xf32, #tpu.memory_space<vmem>>
      %dma_wait3A_394 = tpu.memref_squeeze %dma_wait3A_393 : memref<1x128x128xf32, #tpu.memory_space<vmem>> -> memref<128x128xf32, #tpu.memory_space<vmem>>
      %dma_wait3A_395 = arith.constant 0 : i32
      %dma_wait3A_396 = tpu.memref_slice %arg9[%add3A_10, %dma_wait3A_395] : memref<10240x128xf32, #tpu.memory_space<vmem_shared>> -> memref<128x128xf32, #tpu.memory_space<vmem_shared>>
      %dma_wait3A_397 = arith.constant 0 : i32
      %dma_wait3A_398 = tpu.memref_slice %arg9[%add3A_10, %dma_wait3A_397] : memref<10240x128xf32, #tpu.memory_space<vmem_shared>> -> memref<128x128xf32, #tpu.memory_space<vmem_shared>>
      %dma_wait3A_399 = arith.constant 0 : i32
      %dma_wait3A_400 = arith.constant 0 : i32
      %dma_wait3A_401 = tpu.memref_slice %arg8[%run_scoped3A, %dma_wait3A_399, %dma_wait3A_400] : memref<2x128x128xf32, #tpu.memory_space<vmem>> -> memref<1x128x128xf32, #tpu.memory_space<vmem>>
      %dma_wait3A_402 = tpu.memref_squeeze %dma_wait3A_401 : memref<1x128x128xf32, #tpu.memory_space<vmem>> -> memref<128x128xf32, #tpu.memory_space<vmem>>
      tpu.wait_dma2 semaphore(%run_scoped3A_378 : memref<!tpu.dma_semaphore, #tpu.memory_space<semaphore_mem>>) src(%dma_wait3A_402 : memref<128x128xf32, #tpu.memory_space<vmem>>) dst(%dma_wait3A_398 : memref<128x128xf32, #tpu.memory_space<vmem_shared>>)
      tpu.yield
    }) : () -> ()
    %mul3A_11 = arith.constant 640 : i32
    %mul3A_12 = arith.muli %arg1, %mul3A_11 : i32
    %add3A_13 = arith.constant 128 : i32
    %add3A_14 = arith.addi %mul3A_12, %add3A_13 : i32
    %run_scoped3A_15 = arith.constant 0 : i32
    "tpu.region"() ({
      %run_scoped3A_378 = tpu.sem_alloc : memref<!tpu.dma_semaphore, #tpu.memory_space<semaphore_mem>>
      %dma_start3A_379 = arith.constant 0 : i32
      %dma_start3A_380 = arith.constant 0 : i32
      %dma_start3A_381 = tpu.memref_slice %arg8[%run_scoped3A_15, %dma_start3A_379, %dma_start3A_380] : memref<2x128x128xf32, #tpu.memory_space<vmem>> -> memref<1x128x128xf32, #tpu.memory_space<vmem>>
      %dma_start3A_382 = tpu.memref_squeeze %dma_start3A_381 : memref<1x128x128xf32, #tpu.memory_space<vmem>> -> memref<128x128xf32, #tpu.memory_space<vmem>>
      %dma_start3A_383 = arith.constant 0 : i32
      %dma_start3A_384 = tpu.memref_slice %arg9[%add3A_14, %dma_start3A_383] : memref<10240x128xf32, #tpu.memory_space<vmem_shared>> -> memref<128x128xf32, #tpu.memory_space<vmem_shared>>
      %dma_start3A_385 = arith.constant 0 : i32
      %dma_start3A_386 = tpu.memref_slice %arg9[%add3A_14, %dma_start3A_385] : memref<10240x128xf32, #tpu.memory_space<vmem_shared>> -> memref<128x128xf32, #tpu.memory_space<vmem_shared>>
      %dma_start3A_387 = arith.constant 0 : i32
      %dma_start3A_388 = arith.constant 0 : i32
      %dma_start3A_389 = tpu.memref_slice %arg8[%run_scoped3A_15, %dma_start3A_387, %dma_start3A_388] : memref<2x128x128xf32, #tpu.memory_space<vmem>> -> memref<1x128x128xf32, #tpu.memory_space<vmem>>
      %dma_start3A_390 = tpu.memref_squeeze %dma_start3A_389 : memref<1x128x128xf32, #tpu.memory_space<vmem>> -> memref<128x128xf32, #tpu.memory_space<vmem>>
      tpu.enqueue_dma source(%dma_start3A_390 : memref<128x128xf32, #tpu.memory_space<vmem>>) target(%dma_start3A_386 : memref<128x128xf32, #tpu.memory_space<vmem_shared>>) target_semaphore(%run_scoped3A_378 : memref<!tpu.dma_semaphore, #tpu.memory_space<semaphore_mem>>)
      %dma_wait3A_391 = arith.constant 0 : i32
      %dma_wait3A_392 = arith.constant 0 : i32
      %dma_wait3A_393 = tpu.memref_slice %arg8[%run_scoped3A_15, %dma_wait3A_391, %dma_wait3A_392] : memref<2x128x128xf32, #tpu.memory_space<vmem>> -> memref<1x128x128xf32, #tpu.memory_space<vmem>>
      %dma_wait3A_394 = tpu.memref_squeeze %dma_wait3A_393 : memref<1x128x128xf32, #tpu.memory_space<vmem>> -> memref<128x128xf32, #tpu.memory_space<vmem>>
      %dma_wait3A_395 = arith.constant 0 : i32
      %dma_wait3A_396 = tpu.memref_slice %arg9[%add3A_14, %dma_wait3A_395] : memref<10240x128xf32, #tpu.memory_space<vmem_shared>> -> memref<128x128xf32, #tpu.memory_space<vmem_shared>>
      %dma_wait3A_397 = arith.constant 0 : i32
      %dma_wait3A_398 = tpu.memref_slice %arg9[%add3A_14, %dma_wait3A_397] : memref<10240x128xf32, #tpu.memory_space<vmem_shared>> -> memref<128x128xf32, #tpu.memory_space<vmem_shared>>
      %dma_wait3A_399 = arith.constant 0 : i32
      %dma_wait3A_400 = arith.constant 0 : i32
      %dma_wait3A_401 = tpu.memref_slice %arg8[%run_scoped3A_15, %dma_wait3A_399, %dma_wait3A_400] : memref<2x128x128xf32, #tpu.memory_space<vmem>> -> memref<1x128x128xf32, #tpu.memory_space<vmem>>
      %dma_wait3A_402 = tpu.memref_squeeze %dma_wait3A_401 : memref<1x128x128xf32, #tpu.memory_space<vmem>> -> memref<128x128xf32, #tpu.memory_space<vmem>>
      tpu.wait_dma2 semaphore(%run_scoped3A_378 : memref<!tpu.dma_semaphore, #tpu.memory_space<semaphore_mem>>) src(%dma_wait3A_402 : memref<128x128xf32, #tpu.memory_space<vmem>>) dst(%dma_wait3A_398 : memref<128x128xf32, #tpu.memory_space<vmem_shared>>)
      tpu.yield
    }) : () -> ()
    %mul3A_16 = arith.constant 640 : i32
    %mul3A_17 = arith.muli %arg1, %mul3A_16 : i32
    %add3A_18 = arith.constant 256 : i32
    %add3A_19 = arith.addi %mul3A_17, %add3A_18 : i32
    %run_scoped3A_20 = arith.constant 0 : i32
    "tpu.region"() ({
      %run_scoped3A_378 = tpu.sem_alloc : memref<!tpu.dma_semaphore, #tpu.memory_space<semaphore_mem>>
      %dma_start3A_379 = arith.constant 0 : i32
      %dma_start3A_380 = arith.constant 0 : i32
      %dma_start3A_381 = tpu.memref_slice %arg8[%run_scoped3A_20, %dma_start3A_379, %dma_start3A_380] : memref<2x128x128xf32, #tpu.memory_space<vmem>> -> memref<1x128x128xf32, #tpu.memory_space<vmem>>
      %dma_start3A_382 = tpu.memref_squeeze %dma_start3A_381 : memref<1x128x128xf32, #tpu.memory_space<vmem>> -> memref<128x128xf32, #tpu.memory_space<vmem>>
      %dma_start3A_383 = arith.constant 0 : i32
      %dma_start3A_384 = tpu.memref_slice %arg9[%add3A_19, %dma_start3A_383] : memref<10240x128xf32, #tpu.memory_space<vmem_shared>> -> memref<128x128xf32, #tpu.memory_space<vmem_shared>>
      %dma_start3A_385 = arith.constant 0 : i32
      %dma_start3A_386 = tpu.memref_slice %arg9[%add3A_19, %dma_start3A_385] : memref<10240x128xf32, #tpu.memory_space<vmem_shared>> -> memref<128x128xf32, #tpu.memory_space<vmem_shared>>
      %dma_start3A_387 = arith.constant 0 : i32
      %dma_start3A_388 = arith.constant 0 : i32
      %dma_start3A_389 = tpu.memref_slice %arg8[%run_scoped3A_20, %dma_start3A_387, %dma_start3A_388] : memref<2x128x128xf32, #tpu.memory_space<vmem>> -> memref<1x128x128xf32, #tpu.memory_space<vmem>>
      %dma_start3A_390 = tpu.memref_squeeze %dma_start3A_389 : memref<1x128x128xf32, #tpu.memory_space<vmem>> -> memref<128x128xf32, #tpu.memory_space<vmem>>
      tpu.enqueue_dma source(%dma_start3A_390 : memref<128x128xf32, #tpu.memory_space<vmem>>) target(%dma_start3A_386 : memref<128x128xf32, #tpu.memory_space<vmem_shared>>) target_semaphore(%run_scoped3A_378 : memref<!tpu.dma_semaphore, #tpu.memory_space<semaphore_mem>>)
      %dma_wait3A_391 = arith.constant 0 : i32
      %dma_wait3A_392 = arith.constant 0 : i32
      %dma_wait3A_393 = tpu.memref_slice %arg8[%run_scoped3A_20, %dma_wait3A_391, %dma_wait3A_392] : memref<2x128x128xf32, #tpu.memory_space<vmem>> -> memref<1x128x128xf32, #tpu.memory_space<vmem>>
      %dma_wait3A_394 = tpu.memref_squeeze %dma_wait3A_393 : memref<1x128x128xf32, #tpu.memory_space<vmem>> -> memref<128x128xf32, #tpu.memory_space<vmem>>
      %dma_wait3A_395 = arith.constant 0 : i32
      %dma_wait3A_396 = tpu.memref_slice %arg9[%add3A_19, %dma_wait3A_395] : memref<10240x128xf32, #tpu.memory_space<vmem_shared>> -> memref<128x128xf32, #tpu.memory_space<vmem_shared>>
      %dma_wait3A_397 = arith.constant 0 : i32
      %dma_wait3A_398 = tpu.memref_slice %arg9[%add3A_19, %dma_wait3A_397] : memref<10240x128xf32, #tpu.memory_space<vmem_shared>> -> memref<128x128xf32, #tpu.memory_space<vmem_shared>>
      %dma_wait3A_399 = arith.constant 0 : i32
      %dma_wait3A_400 = arith.constant 0 : i32
      %dma_wait3A_401 = tpu.memref_slice %arg8[%run_scoped3A_20, %dma_wait3A_399, %dma_wait3A_400] : memref<2x128x128xf32, #tpu.memory_space<vmem>> -> memref<1x128x128xf32, #tpu.memory_space<vmem>>
      %dma_wait3A_402 = tpu.memref_squeeze %dma_wait3A_401 : memref<1x128x128xf32, #tpu.memory_space<vmem>> -> memref<128x128xf32, #tpu.memory_space<vmem>>
      tpu.wait_dma2 semaphore(%run_scoped3A_378 : memref<!tpu.dma_semaphore, #tpu.memory_space<semaphore_mem>>) src(%dma_wait3A_402 : memref<128x128xf32, #tpu.memory_space<vmem>>) dst(%dma_wait3A_398 : memref<128x128xf32, #tpu.memory_space<vmem_shared>>)
      tpu.yield
    }) : () -> ()
    %mul3A_21 = arith.constant 640 : i32
    %mul3A_22 = arith.muli %arg1, %mul3A_21 : i32
    %add3A_23 = arith.constant 384 : i32
    %add3A_24 = arith.addi %mul3A_22, %add3A_23 : i32
    %run_scoped3A_25 = arith.constant 0 : i32
    "tpu.region"() ({
      %run_scoped3A_378 = tpu.sem_alloc : memref<!tpu.dma_semaphore, #tpu.memory_space<semaphore_mem>>
      %dma_start3A_379 = arith.constant 0 : i32
      %dma_start3A_380 = arith.constant 0 : i32
      %dma_start3A_381 = tpu.memref_slice %arg8[%run_scoped3A_25, %dma_start3A_379, %dma_start3A_380] : memref<2x128x128xf32, #tpu.memory_space<vmem>> -> memref<1x128x128xf32, #tpu.memory_space<vmem>>
      %dma_start3A_382 = tpu.memref_squeeze %dma_start3A_381 : memref<1x128x128xf32, #tpu.memory_space<vmem>> -> memref<128x128xf32, #tpu.memory_space<vmem>>
      %dma_start3A_383 = arith.constant 0 : i32
      %dma_start3A_384 = tpu.memref_slice %arg9[%add3A_24, %dma_start3A_383] : memref<10240x128xf32, #tpu.memory_space<vmem_shared>> -> memref<128x128xf32, #tpu.memory_space<vmem_shared>>
      %dma_start3A_385 = arith.constant 0 : i32
      %dma_start3A_386 = tpu.memref_slice %arg9[%add3A_24, %dma_start3A_385] : memref<10240x128xf32, #tpu.memory_space<vmem_shared>> -> memref<128x128xf32, #tpu.memory_space<vmem_shared>>
      %dma_start3A_387 = arith.constant 0 : i32
      %dma_start3A_388 = arith.constant 0 : i32
      %dma_start3A_389 = tpu.memref_slice %arg8[%run_scoped3A_25, %dma_start3A_387, %dma_start3A_388] : memref<2x128x128xf32, #tpu.memory_space<vmem>> -> memref<1x128x128xf32, #tpu.memory_space<vmem>>
      %dma_start3A_390 = tpu.memref_squeeze %dma_start3A_389 : memref<1x128x128xf32, #tpu.memory_space<vmem>> -> memref<128x128xf32, #tpu.memory_space<vmem>>
      tpu.enqueue_dma source(%dma_start3A_390 : memref<128x128xf32, #tpu.memory_space<vmem>>) target(%dma_start3A_386 : memref<128x128xf32, #tpu.memory_space<vmem_shared>>) target_semaphore(%run_scoped3A_378 : memref<!tpu.dma_semaphore, #tpu.memory_space<semaphore_mem>>)
      %dma_wait3A_391 = arith.constant 0 : i32
      %dma_wait3A_392 = arith.constant 0 : i32
      %dma_wait3A_393 = tpu.memref_slice %arg8[%run_scoped3A_25, %dma_wait3A_391, %dma_wait3A_392] : memref<2x128x128xf32, #tpu.memory_space<vmem>> -> memref<1x128x128xf32, #tpu.memory_space<vmem>>
      %dma_wait3A_394 = tpu.memref_squeeze %dma_wait3A_393 : memref<1x128x128xf32, #tpu.memory_space<vmem>> -> memref<128x128xf32, #tpu.memory_space<vmem>>
      %dma_wait3A_395 = arith.constant 0 : i32
      %dma_wait3A_396 = tpu.memref_slice %arg9[%add3A_24, %dma_wait3A_395] : memref<10240x128xf32, #tpu.memory_space<vmem_shared>> -> memref<128x128xf32, #tpu.memory_space<vmem_shared>>
      %dma_wait3A_397 = arith.constant 0 : i32
      %dma_wait3A_398 = tpu.memref_slice %arg9[%add3A_24, %dma_wait3A_397] : memref<10240x128xf32, #tpu.memory_space<vmem_shared>> -> memref<128x128xf32, #tpu.memory_space<vmem_shared>>
      %dma_wait3A_399 = arith.constant 0 : i32
      %dma_wait3A_400 = arith.constant 0 : i32
      %dma_wait3A_401 = tpu.memref_slice %arg8[%run_scoped3A_25, %dma_wait3A_399, %dma_wait3A_400] : memref<2x128x128xf32, #tpu.memory_space<vmem>> -> memref<1x128x128xf32, #tpu.memory_space<vmem>>
      %dma_wait3A_402 = tpu.memref_squeeze %dma_wait3A_401 : memref<1x128x128xf32, #tpu.memory_space<vmem>> -> memref<128x128xf32, #tpu.memory_space<vmem>>
      tpu.wait_dma2 semaphore(%run_scoped3A_378 : memref<!tpu.dma_semaphore, #tpu.memory_space<semaphore_mem>>) src(%dma_wait3A_402 : memref<128x128xf32, #tpu.memory_space<vmem>>) dst(%dma_wait3A_398 : memref<128x128xf32, #tpu.memory_space<vmem_shared>>)
      tpu.yield
    }) : () -> ()
    %mul3A_26 = arith.constant 640 : i32
    %mul3A_27 = arith.muli %arg1, %mul3A_26 : i32
    %add3A_28 = arith.constant 512 : i32
    %add3A_29 = arith.addi %mul3A_27, %add3A_28 : i32
    %run_scoped3A_30 = arith.constant 0 : i32
    "tpu.region"() ({
      %run_scoped3A_378 = tpu.sem_alloc : memref<!tpu.dma_semaphore, #tpu.memory_space<semaphore_mem>>
      %dma_start3A_379 = arith.constant 0 : i32
      %dma_start3A_380 = arith.constant 0 : i32
      %dma_start3A_381 = tpu.memref_slice %arg8[%run_scoped3A_30, %dma_start3A_379, %dma_start3A_380] : memref<2x128x128xf32, #tpu.memory_space<vmem>> -> memref<1x128x128xf32, #tpu.memory_space<vmem>>
      %dma_start3A_382 = tpu.memref_squeeze %dma_start3A_381 : memref<1x128x128xf32, #tpu.memory_space<vmem>> -> memref<128x128xf32, #tpu.memory_space<vmem>>
      %dma_start3A_383 = arith.constant 0 : i32
      %dma_start3A_384 = tpu.memref_slice %arg9[%add3A_29, %dma_start3A_383] : memref<10240x128xf32, #tpu.memory_space<vmem_shared>> -> memref<128x128xf32, #tpu.memory_space<vmem_shared>>
      %dma_start3A_385 = arith.constant 0 : i32
      %dma_start3A_386 = tpu.memref_slice %arg9[%add3A_29, %dma_start3A_385] : memref<10240x128xf32, #tpu.memory_space<vmem_shared>> -> memref<128x128xf32, #tpu.memory_space<vmem_shared>>
      %dma_start3A_387 = arith.constant 0 : i32
      %dma_start3A_388 = arith.constant 0 : i32
      %dma_start3A_389 = tpu.memref_slice %arg8[%run_scoped3A_30, %dma_start3A_387, %dma_start3A_388] : memref<2x128x128xf32, #tpu.memory_space<vmem>> -> memref<1x128x128xf32, #tpu.memory_space<vmem>>
      %dma_start3A_390 = tpu.memref_squeeze %dma_start3A_389 : memref<1x128x128xf32, #tpu.memory_space<vmem>> -> memref<128x128xf32, #tpu.memory_space<vmem>>
      tpu.enqueue_dma source(%dma_start3A_390 : memref<128x128xf32, #tpu.memory_space<vmem>>) target(%dma_start3A_386 : memref<128x128xf32, #tpu.memory_space<vmem_shared>>) target_semaphore(%run_scoped3A_378 : memref<!tpu.dma_semaphore, #tpu.memory_space<semaphore_mem>>)
      %dma_wait3A_391 = arith.constant 0 : i32
      %dma_wait3A_392 = arith.constant 0 : i32
      %dma_wait3A_393 = tpu.memref_slice %arg8[%run_scoped3A_30, %dma_wait3A_391, %dma_wait3A_392] : memref<2x128x128xf32, #tpu.memory_space<vmem>> -> memref<1x128x128xf32, #tpu.memory_space<vmem>>
      %dma_wait3A_394 = tpu.memref_squeeze %dma_wait3A_393 : memref<1x128x128xf32, #tpu.memory_space<vmem>> -> memref<128x128xf32, #tpu.memory_space<vmem>>
      %dma_wait3A_395 = arith.constant 0 : i32
      %dma_wait3A_396 = tpu.memref_slice %arg9[%add3A_29, %dma_wait3A_395] : memref<10240x128xf32, #tpu.memory_space<vmem_shared>> -> memref<128x128xf32, #tpu.memory_space<vmem_shared>>
      %dma_wait3A_397 = arith.constant 0 : i32
      %dma_wait3A_398 = tpu.memref_slice %arg9[%add3A_29, %dma_wait3A_397] : memref<10240x128xf32, #tpu.memory_space<vmem_shared>> -> memref<128x128xf32, #tpu.memory_space<vmem_shared>>
      %dma_wait3A_399 = arith.constant 0 : i32
      %dma_wait3A_400 = arith.constant 0 : i32
      %dma_wait3A_401 = tpu.memref_slice %arg8[%run_scoped3A_30, %dma_wait3A_399, %dma_wait3A_400] : memref<2x128x128xf32, #tpu.memory_space<vmem>> -> memref<1x128x128xf32, #tpu.memory_space<vmem>>
      %dma_wait3A_402 = tpu.memref_squeeze %dma_wait3A_401 : memref<1x128x128xf32, #tpu.memory_space<vmem>> -> memref<128x128xf32, #tpu.memory_space<vmem>>
      tpu.wait_dma2 semaphore(%run_scoped3A_378 : memref<!tpu.dma_semaphore, #tpu.memory_space<semaphore_mem>>) src(%dma_wait3A_402 : memref<128x128xf32, #tpu.memory_space<vmem>>) dst(%dma_wait3A_398 : memref<128x128xf32, #tpu.memory_space<vmem_shared>>)
      tpu.yield
    }) : () -> ()
    %mul3A_31 = arith.constant 80 : i32
    %mul3A_32 = arith.muli %add3A, %mul3A_31 : i32
    "tpu.region"() ({
      %run_scoped3A_378 = tpu.sem_alloc : memref<!tpu.dma_semaphore, #tpu.memory_space<semaphore_mem>>
      %dma_start3A_379 = arith.constant 0 : i32
      %dma_start3A_380 = tpu.memref_slice %arg3[%mul3A_32, %dma_start3A_379] : memref<2560x128xi32, #tpu.memory_space<hbm>> -> memref<80x128xi32, #tpu.memory_space<hbm>>
      %dma_start3A_381 = arith.constant 0 : i32
      %dma_start3A_382 = tpu.memref_slice %arg3[%mul3A_32, %dma_start3A_381] : memref<2560x128xi32, #tpu.memory_space<hbm>> -> memref<80x128xi32, #tpu.memory_space<hbm>>
      tpu.enqueue_dma source(%dma_start3A_382 : memref<80x128xi32, #tpu.memory_space<hbm>>) target(%arg5 : memref<80x128xi32, #tpu.memory_space<vmem>>) target_semaphore(%run_scoped3A_378 : memref<!tpu.dma_semaphore, #tpu.memory_space<semaphore_mem>>)
      %dma_wait3A_383 = arith.constant 0 : i32
      %dma_wait3A_384 = tpu.memref_slice %arg3[%mul3A_32, %dma_wait3A_383] : memref<2560x128xi32, #tpu.memory_space<hbm>> -> memref<80x128xi32, #tpu.memory_space<hbm>>
      %dma_wait3A_385 = arith.constant 0 : i32
      %dma_wait3A_386 = tpu.memref_slice %arg3[%mul3A_32, %dma_wait3A_385] : memref<2560x128xi32, #tpu.memory_space<hbm>> -> memref<80x128xi32, #tpu.memory_space<hbm>>
      tpu.wait_dma2 semaphore(%run_scoped3A_378 : memref<!tpu.dma_semaphore, #tpu.memory_space<semaphore_mem>>) src(%dma_wait3A_386 : memref<80x128xi32, #tpu.memory_space<hbm>>) dst(%arg5 : memref<80x128xi32, #tpu.memory_space<vmem>>)
      tpu.yield
    }) : () -> ()
    %barrier3A = arith.constant 0 : index
    tpu.barrier barrier_id(%barrier3A)
    %get3A = arith.constant 0 : i32
    %get3A_33 = arith.index_cast %get3A : i32 to index
    %get3A_34 = arith.constant 0 : index
    %get3A_35 = tpu.vector_load %arg5[%get3A_33, %get3A_34] {strides = array<i32>} : memref<80x128xi32, #tpu.memory_space<vmem>>, vector<16xi32>,
    %and3A = arith.constant 65535 : i32
    %and3A_36 = vector.broadcast %and3A : i32 to vector<16xi32>
    %and3A_37 = arith.andi %get3A_35, %and3A_36 : vector<16xi32>
    %swap3A = arith.constant 0 : i32
    %swap3A_38 = arith.index_cast %swap3A : i32 to index
    %swap3A_39 = arith.constant 0 : index
    %swap3A_40 = tpu.vector_load %arg6[%swap3A_38, %swap3A_39] {strides = array<i32>} : memref<2x128xi32, #tpu.memory_space<vmem>>, vector<16xi32>,
    tpu.vector_store %arg6[%swap3A_38, %swap3A_39], %and3A_37 {strides = array<i32>} : memref<2x128xi32, #tpu.memory_space<vmem>>, vector<16xi32>,
    %shift_right_logical3A = arith.constant 16 : i32
    %shift_right_logical3A_41 = vector.broadcast %shift_right_logical3A : i32 to vector<16xi32>
    %shift_right_logical3A_42 = arith.shrui %get3A_35, %shift_right_logical3A_41 : vector<16xi32>
    %swap3A_43 = arith.constant 0 : i32
    %swap3A_44 = arith.index_cast %swap3A_43 : i32 to index
    %swap3A_45 = arith.constant 0 : index
    %swap3A_46 = tpu.vector_load %arg7[%swap3A_44, %swap3A_45] {strides = array<i32>} : memref<2x128xi32, #tpu.memory_space<vmem>>, vector<16xi32>,
    tpu.vector_store %arg7[%swap3A_44, %swap3A_45], %shift_right_logical3A_42 {strides = array<i32>} : memref<2x128xi32, #tpu.memory_space<vmem>>, vector<16xi32>,
    %get3A_47 = arith.constant 0 : i32
    %get3A_48 = arith.index_cast %get3A_47 : i32 to index
    %get3A_49 = arith.constant 16 : index
    %get3A_50 = tpu.vector_load %arg5[%get3A_48, %get3A_49] {strides = array<i32>} : memref<80x128xi32, #tpu.memory_space<vmem>>, vector<16xi32>,
    %and3A_51 = arith.constant 65535 : i32
    %and3A_52 = vector.broadcast %and3A_51 : i32 to vector<16xi32>
    %and3A_53 = arith.andi %get3A_50, %and3A_52 : vector<16xi32>
    %swap3A_54 = arith.constant 0 : i32
    %swap3A_55 = arith.index_cast %swap3A_54 : i32 to index
    %swap3A_56 = arith.constant 16 : index
    %swap3A_57 = tpu.vector_load %arg6[%swap3A_55, %swap3A_56] {strides = array<i32>} : memref<2x128xi32, #tpu.memory_space<vmem>>, vector<16xi32>,
    tpu.vector_store %arg6[%swap3A_55, %swap3A_56], %and3A_53 {strides = array<i32>} : memref<2x128xi32, #tpu.memory_space<vmem>>, vector<16xi32>,
    %shift_right_logical3A_58 = arith.constant 16 : i32
    %shift_right_logical3A_59 = vector.broadcast %shift_right_logical3A_58 : i32 to vector<16xi32>
    %shift_right_logical3A_60 = arith.shrui %get3A_50, %shift_right_logical3A_59 : vector<16xi32>
    %swap3A_61 = arith.constant 0 : i32
    %swap3A_62 = arith.index_cast %swap3A_61 : i32 to index
    %swap3A_63 = arith.constant 16 : index
    %swap3A_64 = tpu.vector_load %arg7[%swap3A_62, %swap3A_63] {strides = array<i32>} : memref<2x128xi32, #tpu.memory_space<vmem>>, vector<16xi32>,
    tpu.vector_store %arg7[%swap3A_62, %swap3A_63], %shift_right_logical3A_60 {strides = array<i32>} : memref<2x128xi32, #tpu.memory_space<vmem>>, vector<16xi32>,
    %get3A_65 = arith.constant 0 : i32
    %get3A_66 = arith.index_cast %get3A_65 : i32 to index
    %get3A_67 = arith.constant 32 : index
    %get3A_68 = tpu.vector_load %arg5[%get3A_66, %get3A_67] {strides = array<i32>} : memref<80x128xi32, #tpu.memory_space<vmem>>, vector<16xi32>,
    %and3A_69 = arith.constant 65535 : i32
    %and3A_70 = vector.broadcast %and3A_69 : i32 to vector<16xi32>
    %and3A_71 = arith.andi %get3A_68, %and3A_70 : vector<16xi32>
    %swap3A_72 = arith.constant 0 : i32
    %swap3A_73 = arith.index_cast %swap3A_72 : i32 to index
    %swap3A_74 = arith.constant 32 : index
    %swap3A_75 = tpu.vector_load %arg6[%swap3A_73, %swap3A_74] {strides = array<i32>} : memref<2x128xi32, #tpu.memory_space<vmem>>, vector<16xi32>,
    tpu.vector_store %arg6[%swap3A_73, %swap3A_74], %and3A_71 {strides = array<i32>} : memref<2x128xi32, #tpu.memory_space<vmem>>, vector<16xi32>,
    %shift_right_logical3A_76 = arith.constant 16 : i32
    %shift_right_logical3A_77 = vector.broadcast %shift_right_logical3A_76 : i32 to vector<16xi32>
    %shift_right_logical3A_78 = arith.shrui %get3A_68, %shift_right_logical3A_77 : vector<16xi32>
    %swap3A_79 = arith.constant 0 : i32
    %swap3A_80 = arith.index_cast %swap3A_79 : i32 to index
    %swap3A_81 = arith.constant 32 : index
    %swap3A_82 = tpu.vector_load %arg7[%swap3A_80, %swap3A_81] {strides = array<i32>} : memref<2x128xi32, #tpu.memory_space<vmem>>, vector<16xi32>,
    tpu.vector_store %arg7[%swap3A_80, %swap3A_81], %shift_right_logical3A_78 {strides = array<i32>} : memref<2x128xi32, #tpu.memory_space<vmem>>, vector<16xi32>,
    %get3A_83 = arith.constant 0 : i32
    %get3A_84 = arith.index_cast %get3A_83 : i32 to index
    %get3A_85 = arith.constant 48 : index
    %get3A_86 = tpu.vector_load %arg5[%get3A_84, %get3A_85] {strides = array<i32>} : memref<80x128xi32, #tpu.memory_space<vmem>>, vector<16xi32>,
    %and3A_87 = arith.constant 65535 : i32
    %and3A_88 = vector.broadcast %and3A_87 : i32 to vector<16xi32>
    %and3A_89 = arith.andi %get3A_86, %and3A_88 : vector<16xi32>
    %swap3A_90 = arith.constant 0 : i32
    %swap3A_91 = arith.index_cast %swap3A_90 : i32 to index
    %swap3A_92 = arith.constant 48 : index
    %swap3A_93 = tpu.vector_load %arg6[%swap3A_91, %swap3A_92] {strides = array<i32>} : memref<2x128xi32, #tpu.memory_space<vmem>>, vector<16xi32>,
    tpu.vector_store %arg6[%swap3A_91, %swap3A_92], %and3A_89 {strides = array<i32>} : memref<2x128xi32, #tpu.memory_space<vmem>>, vector<16xi32>,
    %shift_right_logical3A_94 = arith.constant 16 : i32
    %shift_right_logical3A_95 = vector.broadcast %shift_right_logical3A_94 : i32 to vector<16xi32>
    %shift_right_logical3A_96 = arith.shrui %get3A_86, %shift_right_logical3A_95 : vector<16xi32>
    %swap3A_97 = arith.constant 0 : i32
    %swap3A_98 = arith.index_cast %swap3A_97 : i32 to index
    %swap3A_99 = arith.constant 48 : index
    %swap3A_100 = tpu.vector_load %arg7[%swap3A_98, %swap3A_99] {strides = array<i32>} : memref<2x128xi32, #tpu.memory_space<vmem>>, vector<16xi32>,
    tpu.vector_store %arg7[%swap3A_98, %swap3A_99], %shift_right_logical3A_96 {strides = array<i32>} : memref<2x128xi32, #tpu.memory_space<vmem>>, vector<16xi32>,
    %get3A_101 = arith.constant 0 : i32
    %get3A_102 = arith.index_cast %get3A_101 : i32 to index
    %get3A_103 = arith.constant 64 : index
    %get3A_104 = tpu.vector_load %arg5[%get3A_102, %get3A_103] {strides = array<i32>} : memref<80x128xi32, #tpu.memory_space<vmem>>, vector<16xi32>,
    %and3A_105 = arith.constant 65535 : i32
    %and3A_106 = vector.broadcast %and3A_105 : i32 to vector<16xi32>
    %and3A_107 = arith.andi %get3A_104, %and3A_106 : vector<16xi32>
    %swap3A_108 = arith.constant 0 : i32
    %swap3A_109 = arith.index_cast %swap3A_108 : i32 to index
    %swap3A_110 = arith.constant 64 : index
    %swap3A_111 = tpu.vector_load %arg6[%swap3A_109, %swap3A_110] {strides = array<i32>} : memref<2x128xi32, #tpu.memory_space<vmem>>, vector<16xi32>,
    tpu.vector_store %arg6[%swap3A_109, %swap3A_110], %and3A_107 {strides = array<i32>} : memref<2x128xi32, #tpu.memory_space<vmem>>, vector<16xi32>,
    %shift_right_logical3A_112 = arith.constant 16 : i32
    %shift_right_logical3A_113 = vector.broadcast %shift_right_logical3A_112 : i32 to vector<16xi32>
    %shift_right_logical3A_114 = arith.shrui %get3A_104, %shift_right_logical3A_113 : vector<16xi32>
    %swap3A_115 = arith.constant 0 : i32
    %swap3A_116 = arith.index_cast %swap3A_115 : i32 to index
    %swap3A_117 = arith.constant 64 : index
    %swap3A_118 = tpu.vector_load %arg7[%swap3A_116, %swap3A_117] {strides = array<i32>} : memref<2x128xi32, #tpu.memory_space<vmem>>, vector<16xi32>,
    tpu.vector_store %arg7[%swap3A_116, %swap3A_117], %shift_right_logical3A_114 {strides = array<i32>} : memref<2x128xi32, #tpu.memory_space<vmem>>, vector<16xi32>,
    %get3A_119 = arith.constant 0 : i32
    %get3A_120 = arith.index_cast %get3A_119 : i32 to index
    %get3A_121 = arith.constant 80 : index
    %get3A_122 = tpu.vector_load %arg5[%get3A_120, %get3A_121] {strides = array<i32>} : memref<80x128xi32, #tpu.memory_space<vmem>>, vector<16xi32>,
    %and3A_123 = arith.constant 65535 : i32
    %and3A_124 = vector.broadcast %and3A_123 : i32 to vector<16xi32>
    %and3A_125 = arith.andi %get3A_122, %and3A_124 : vector<16xi32>
    %swap3A_126 = arith.constant 0 : i32
    %swap3A_127 = arith.index_cast %swap3A_126 : i32 to index
    %swap3A_128 = arith.constant 80 : index
    %swap3A_129 = tpu.vector_load %arg6[%swap3A_127, %swap3A_128] {strides = array<i32>} : memref<2x128xi32, #tpu.memory_space<vmem>>, vector<16xi32>,
    tpu.vector_store %arg6[%swap3A_127, %swap3A_128], %and3A_125 {strides = array<i32>} : memref<2x128xi32, #tpu.memory_space<vmem>>, vector<16xi32>,
    %shift_right_logical3A_130 = arith.constant 16 : i32
    %shift_right_logical3A_131 = vector.broadcast %shift_right_logical3A_130 : i32 to vector<16xi32>
    %shift_right_logical3A_132 = arith.shrui %get3A_122, %shift_right_logical3A_131 : vector<16xi32>
    %swap3A_133 = arith.constant 0 : i32
    %swap3A_134 = arith.index_cast %swap3A_133 : i32 to index
    %swap3A_135 = arith.constant 80 : index
    %swap3A_136 = tpu.vector_load %arg7[%swap3A_134, %swap3A_135] {strides = array<i32>} : memref<2x128xi32, #tpu.memory_space<vmem>>, vector<16xi32>,
    tpu.vector_store %arg7[%swap3A_134, %swap3A_135], %shift_right_logical3A_132 {strides = array<i32>} : memref<2x128xi32, #tpu.memory_space<vmem>>, vector<16xi32>,
    %get3A_137 = arith.constant 0 : i32
    %get3A_138 = arith.index_cast %get3A_137 : i32 to index
    %get3A_139 = arith.constant 96 : index
    %get3A_140 = tpu.vector_load %arg5[%get3A_138, %get3A_139] {strides = array<i32>} : memref<80x128xi32, #tpu.memory_space<vmem>>, vector<16xi32>,
    %and3A_141 = arith.constant 65535 : i32
    %and3A_142 = vector.broadcast %and3A_141 : i32 to vector<16xi32>
    %and3A_143 = arith.andi %get3A_140, %and3A_142 : vector<16xi32>
    %swap3A_144 = arith.constant 0 : i32
    %swap3A_145 = arith.index_cast %swap3A_144 : i32 to index
    %swap3A_146 = arith.constant 96 : index
    %swap3A_147 = tpu.vector_load %arg6[%swap3A_145, %swap3A_146] {strides = array<i32>} : memref<2x128xi32, #tpu.memory_space<vmem>>, vector<16xi32>,
    tpu.vector_store %arg6[%swap3A_145, %swap3A_146], %and3A_143 {strides = array<i32>} : memref<2x128xi32, #tpu.memory_space<vmem>>, vector<16xi32>,
    %shift_right_logical3A_148 = arith.constant 16 : i32
    %shift_right_logical3A_149 = vector.broadcast %shift_right_logical3A_148 : i32 to vector<16xi32>
    %shift_right_logical3A_150 = arith.shrui %get3A_140, %shift_right_logical3A_149 : vector<16xi32>
    %swap3A_151 = arith.constant 0 : i32
    %swap3A_152 = arith.index_cast %swap3A_151 : i32 to index
    %swap3A_153 = arith.constant 96 : index
    %swap3A_154 = tpu.vector_load %arg7[%swap3A_152, %swap3A_153] {strides = array<i32>} : memref<2x128xi32, #tpu.memory_space<vmem>>, vector<16xi32>,
    tpu.vector_store %arg7[%swap3A_152, %swap3A_153], %shift_right_logical3A_150 {strides = array<i32>} : memref<2x128xi32, #tpu.memory_space<vmem>>, vector<16xi32>,
    %get3A_155 = arith.constant 0 : i32
    %get3A_156 = arith.index_cast %get3A_155 : i32 to index
    %get3A_157 = arith.constant 112 : index
    %get3A_158 = tpu.vector_load %arg5[%get3A_156, %get3A_157] {strides = array<i32>} : memref<80x128xi32, #tpu.memory_space<vmem>>, vector<16xi32>,
    %and3A_159 = arith.constant 65535 : i32
    %and3A_160 = vector.broadcast %and3A_159 : i32 to vector<16xi32>
    %and3A_161 = arith.andi %get3A_158, %and3A_160 : vector<16xi32>
    %swap3A_162 = arith.constant 0 : i32
    %swap3A_163 = arith.index_cast %swap3A_162 : i32 to index
    %swap3A_164 = arith.constant 112 : index
    %swap3A_165 = tpu.vector_load %arg6[%swap3A_163, %swap3A_164] {strides = array<i32>} : memref<2x128xi32, #tpu.memory_space<vmem>>, vector<16xi32>,
    tpu.vector_store %arg6[%swap3A_163, %swap3A_164], %and3A_161 {strides = array<i32>} : memref<2x128xi32, #tpu.memory_space<vmem>>, vector<16xi32>,
    %shift_right_logical3A_166 = arith.constant 16 : i32
    %shift_right_logical3A_167 = vector.broadcast %shift_right_logical3A_166 : i32 to vector<16xi32>
    %shift_right_logical3A_168 = arith.shrui %get3A_158, %shift_right_logical3A_167 : vector<16xi32>
    %swap3A_169 = arith.constant 0 : i32
    %swap3A_170 = arith.index_cast %swap3A_169 : i32 to index
    %swap3A_171 = arith.constant 112 : index
    %swap3A_172 = tpu.vector_load %arg7[%swap3A_170, %swap3A_171] {strides = array<i32>} : memref<2x128xi32, #tpu.memory_space<vmem>>, vector<16xi32>,
    tpu.vector_store %arg7[%swap3A_170, %swap3A_171], %shift_right_logical3A_168 {strides = array<i32>} : memref<2x128xi32, #tpu.memory_space<vmem>>, vector<16xi32>,
    %dma_start3A = arith.constant 0 : i32
    %dma_start3A_173 = arith.constant 0 : i32
    %dma_start3A_174 = arith.constant 0 : i32
    %dma_start3A_175 = arith.constant 0 : i32
    %dma_start3A_176 = tpu.memref_slice %arg8[%dma_start3A_173, %dma_start3A_174, %dma_start3A_175] : memref<2x128x128xf32, #tpu.memory_space<vmem>> -> memref<1x128x128xf32, #tpu.memory_space<vmem>>
    %dma_start3A_177 = tpu.memref_squeeze %dma_start3A_176 : memref<1x128x128xf32, #tpu.memory_space<vmem>> -> memref<128x128xf32, #tpu.memory_space<vmem>>
    %dma_start3A_178 = arith.constant 0 : i32
    %dma_start3A_179 = tpu.memref_slice %arg6[%dma_start3A, %dma_start3A_178] : memref<2x128xi32, #tpu.memory_space<vmem>> -> memref<1x128xi32, #tpu.memory_space<vmem>>
    %dma_start3A_180 = tpu.memref_squeeze %dma_start3A_179 : memref<1x128xi32, #tpu.memory_space<vmem>> -> memref<128xi32, #tpu.memory_space<vmem>>
    %dma_start3A_181 = arith.constant 0 : i32
    %dma_start3A_182 = arith.constant 0 : i32
    %dma_start3A_183 = tpu.memref_slice %arg2[%dma_start3A_181, %dma_start3A_182] : memref<10240x128xf32, #tpu.memory_space<hbm>> -> memref<10240x128xf32, #tpu.memory_space<hbm>>
    tpu.enqueue_indirect_dma source(%dma_start3A_183 : memref<10240x128xf32, #tpu.memory_space<hbm>>) target(%dma_start3A_177 : memref<128x128xf32, #tpu.memory_space<vmem>>) offsets(%dma_start3A_180 : memref<128xi32, #tpu.memory_space<vmem>>) semaphore(%arg10 : memref<!tpu.dma_semaphore, #tpu.memory_space<semaphore_mem>>)
    %get3A_184 = arith.constant 1 : i32
    %get3A_185 = arith.index_cast %get3A_184 : i32 to index
    %get3A_186 = arith.constant 0 : index
    %get3A_187 = tpu.vector_load %arg5[%get3A_185, %get3A_186] {strides = array<i32>} : memref<80x128xi32, #tpu.memory_space<vmem>>, vector<16xi32>,
    %and3A_188 = arith.constant 65535 : i32
    %and3A_189 = vector.broadcast %and3A_188 : i32 to vector<16xi32>
    %and3A_190 = arith.andi %get3A_187, %and3A_189 : vector<16xi32>
    %swap3A_191 = arith.constant 1 : i32
    %swap3A_192 = arith.index_cast %swap3A_191 : i32 to index
    %swap3A_193 = arith.constant 0 : index
    %swap3A_194 = tpu.vector_load %arg6[%swap3A_192, %swap3A_193] {strides = array<i32>} : memref<2x128xi32, #tpu.memory_space<vmem>>, vector<16xi32>,
    tpu.vector_store %arg6[%swap3A_192, %swap3A_193], %and3A_190 {strides = array<i32>} : memref<2x128xi32, #tpu.memory_space<vmem>>, vector<16xi32>,
    %shift_right_logical3A_195 = arith.constant 16 : i32
    %shift_right_logical3A_196 = vector.broadcast %shift_right_logical3A_195 : i32 to vector<16xi32>
    %shift_right_logical3A_197 = arith.shrui %get3A_187, %shift_right_logical3A_196 : vector<16xi32>
    %swap3A_198 = arith.constant 1 : i32
    %swap3A_199 = arith.index_cast %swap3A_198 : i32 to index
    %swap3A_200 = arith.constant 0 : index
    %swap3A_201 = tpu.vector_load %arg7[%swap3A_199, %swap3A_200] {strides = array<i32>} : memref<2x128xi32, #tpu.memory_space<vmem>>, vector<16xi32>,
    tpu.vector_store %arg7[%swap3A_199, %swap3A_200], %shift_right_logical3A_197 {strides = array<i32>} : memref<2x128xi32, #tpu.memory_space<vmem>>, vector<16xi32>,
    %get3A_202 = arith.constant 1 : i32
    %get3A_203 = arith.index_cast %get3A_202 : i32 to index
    %get3A_204 = arith.constant 16 : index
    %get3A_205 = tpu.vector_load %arg5[%get3A_203, %get3A_204] {strides = array<i32>} : memref<80x128xi32, #tpu.memory_space<vmem>>, vector<16xi32>,
    %and3A_206 = arith.constant 65535 : i32
    %and3A_207 = vector.broadcast %and3A_206 : i32 to vector<16xi32>
    %and3A_208 = arith.andi %get3A_205, %and3A_207 : vector<16xi32>
    %swap3A_209 = arith.constant 1 : i32
    %swap3A_210 = arith.index_cast %swap3A_209 : i32 to index
    %swap3A_211 = arith.constant 16 : index
    %swap3A_212 = tpu.vector_load %arg6[%swap3A_210, %swap3A_211] {strides = array<i32>} : memref<2x128xi32, #tpu.memory_space<vmem>>, vector<16xi32>,
    tpu.vector_store %arg6[%swap3A_210, %swap3A_211], %and3A_208 {strides = array<i32>} : memref<2x128xi32, #tpu.memory_space<vmem>>, vector<16xi32>,
    %shift_right_logical3A_213 = arith.constant 16 : i32
    %shift_right_logical3A_214 = vector.broadcast %shift_right_logical3A_213 : i32 to vector<16xi32>
    %shift_right_logical3A_215 = arith.shrui %get3A_205, %shift_right_logical3A_214 : vector<16xi32>
    %swap3A_216 = arith.constant 1 : i32
    %swap3A_217 = arith.index_cast %swap3A_216 : i32 to index
    %swap3A_218 = arith.constant 16 : index
    %swap3A_219 = tpu.vector_load %arg7[%swap3A_217, %swap3A_218] {strides = array<i32>} : memref<2x128xi32, #tpu.memory_space<vmem>>, vector<16xi32>,
    tpu.vector_store %arg7[%swap3A_217, %swap3A_218], %shift_right_logical3A_215 {strides = array<i32>} : memref<2x128xi32, #tpu.memory_space<vmem>>, vector<16xi32>,
    %get3A_220 = arith.constant 1 : i32
    %get3A_221 = arith.index_cast %get3A_220 : i32 to index
    %get3A_222 = arith.constant 32 : index
    %get3A_223 = tpu.vector_load %arg5[%get3A_221, %get3A_222] {strides = array<i32>} : memref<80x128xi32, #tpu.memory_space<vmem>>, vector<16xi32>,
    %and3A_224 = arith.constant 65535 : i32
    %and3A_225 = vector.broadcast %and3A_224 : i32 to vector<16xi32>
    %and3A_226 = arith.andi %get3A_223, %and3A_225 : vector<16xi32>
    %swap3A_227 = arith.constant 1 : i32
    %swap3A_228 = arith.index_cast %swap3A_227 : i32 to index
    %swap3A_229 = arith.constant 32 : index
    %swap3A_230 = tpu.vector_load %arg6[%swap3A_228, %swap3A_229] {strides = array<i32>} : memref<2x128xi32, #tpu.memory_space<vmem>>, vector<16xi32>,
    tpu.vector_store %arg6[%swap3A_228, %swap3A_229], %and3A_226 {strides = array<i32>} : memref<2x128xi32, #tpu.memory_space<vmem>>, vector<16xi32>,
    %shift_right_logical3A_231 = arith.constant 16 : i32
    %shift_right_logical3A_232 = vector.broadcast %shift_right_logical3A_231 : i32 to vector<16xi32>
    %shift_right_logical3A_233 = arith.shrui %get3A_223, %shift_right_logical3A_232 : vector<16xi32>
    %swap3A_234 = arith.constant 1 : i32
    %swap3A_235 = arith.index_cast %swap3A_234 : i32 to index
    %swap3A_236 = arith.constant 32 : index
    %swap3A_237 = tpu.vector_load %arg7[%swap3A_235, %swap3A_236] {strides = array<i32>} : memref<2x128xi32, #tpu.memory_space<vmem>>, vector<16xi32>,
    tpu.vector_store %arg7[%swap3A_235, %swap3A_236], %shift_right_logical3A_233 {strides = array<i32>} : memref<2x128xi32, #tpu.memory_space<vmem>>, vector<16xi32>,
    %get3A_238 = arith.constant 1 : i32
    %get3A_239 = arith.index_cast %get3A_238 : i32 to index
    %get3A_240 = arith.constant 48 : index
    %get3A_241 = tpu.vector_load %arg5[%get3A_239, %get3A_240] {strides = array<i32>} : memref<80x128xi32, #tpu.memory_space<vmem>>, vector<16xi32>,
    %and3A_242 = arith.constant 65535 : i32
    %and3A_243 = vector.broadcast %and3A_242 : i32 to vector<16xi32>
    %and3A_244 = arith.andi %get3A_241, %and3A_243 : vector<16xi32>
    %swap3A_245 = arith.constant 1 : i32
    %swap3A_246 = arith.index_cast %swap3A_245 : i32 to index
    %swap3A_247 = arith.constant 48 : index
    %swap3A_248 = tpu.vector_load %arg6[%swap3A_246, %swap3A_247] {strides = array<i32>} : memref<2x128xi32, #tpu.memory_space<vmem>>, vector<16xi32>,
    tpu.vector_store %arg6[%swap3A_246, %swap3A_247], %and3A_244 {strides = array<i32>} : memref<2x128xi32, #tpu.memory_space<vmem>>, vector<16xi32>,
    %shift_right_logical3A_249 = arith.constant 16 : i32
    %shift_right_logical3A_250 = vector.broadcast %shift_right_logical3A_249 : i32 to vector<16xi32>
    %shift_right_logical3A_251 = arith.shrui %get3A_241, %shift_right_logical3A_250 : vector<16xi32>
    %swap3A_252 = arith.constant 1 : i32
    %swap3A_253 = arith.index_cast %swap3A_252 : i32 to index
    %swap3A_254 = arith.constant 48 : index
    %swap3A_255 = tpu.vector_load %arg7[%swap3A_253, %swap3A_254] {strides = array<i32>} : memref<2x128xi32, #tpu.memory_space<vmem>>, vector<16xi32>,
    tpu.vector_store %arg7[%swap3A_253, %swap3A_254], %shift_right_logical3A_251 {strides = array<i32>} : memref<2x128xi32, #tpu.memory_space<vmem>>, vector<16xi32>,
    %get3A_256 = arith.constant 1 : i32
    %get3A_257 = arith.index_cast %get3A_256 : i32 to index
    %get3A_258 = arith.constant 64 : index
    %get3A_259 = tpu.vector_load %arg5[%get3A_257, %get3A_258] {strides = array<i32>} : memref<80x128xi32, #tpu.memory_space<vmem>>, vector<16xi32>,
    %and3A_260 = arith.constant 65535 : i32
    %and3A_261 = vector.broadcast %and3A_260 : i32 to vector<16xi32>
    %and3A_262 = arith.andi %get3A_259, %and3A_261 : vector<16xi32>
    %swap3A_263 = arith.constant 1 : i32
    %swap3A_264 = arith.index_cast %swap3A_263 : i32 to index
    %swap3A_265 = arith.constant 64 : index
    %swap3A_266 = tpu.vector_load %arg6[%swap3A_264, %swap3A_265] {strides = array<i32>} : memref<2x128xi32, #tpu.memory_space<vmem>>, vector<16xi32>,
    tpu.vector_store %arg6[%swap3A_264, %swap3A_265], %and3A_262 {strides = array<i32>} : memref<2x128xi32, #tpu.memory_space<vmem>>, vector<16xi32>,
    %shift_right_logical3A_267 = arith.constant 16 : i32
    %shift_right_logical3A_268 = vector.broadcast %shift_right_logical3A_267 : i32 to vector<16xi32>
    %shift_right_logical3A_269 = arith.shrui %get3A_259, %shift_right_logical3A_268 : vector<16xi32>
    %swap3A_270 = arith.constant 1 : i32
    %swap3A_271 = arith.index_cast %swap3A_270 : i32 to index
    %swap3A_272 = arith.constant 64 : index
    %swap3A_273 = tpu.vector_load %arg7[%swap3A_271, %swap3A_272] {strides = array<i32>} : memref<2x128xi32, #tpu.memory_space<vmem>>, vector<16xi32>,
    tpu.vector_store %arg7[%swap3A_271, %swap3A_272], %shift_right_logical3A_269 {strides = array<i32>} : memref<2x128xi32, #tpu.memory_space<vmem>>, vector<16xi32>,
    %get3A_274 = arith.constant 1 : i32
    %get3A_275 = arith.index_cast %get3A_274 : i32 to index
    %get3A_276 = arith.constant 80 : index
    %get3A_277 = tpu.vector_load %arg5[%get3A_275, %get3A_276] {strides = array<i32>} : memref<80x128xi32, #tpu.memory_space<vmem>>, vector<16xi32>,
    %and3A_278 = arith.constant 65535 : i32
    %and3A_279 = vector.broadcast %and3A_278 : i32 to vector<16xi32>
    %and3A_280 = arith.andi %get3A_277, %and3A_279 : vector<16xi32>
    %swap3A_281 = arith.constant 1 : i32
    %swap3A_282 = arith.index_cast %swap3A_281 : i32 to index
    %swap3A_283 = arith.constant 80 : index
    %swap3A_284 = tpu.vector_load %arg6[%swap3A_282, %swap3A_283] {strides = array<i32>} : memref<2x128xi32, #tpu.memory_space<vmem>>, vector<16xi32>,
    tpu.vector_store %arg6[%swap3A_282, %swap3A_283], %and3A_280 {strides = array<i32>} : memref<2x128xi32, #tpu.memory_space<vmem>>, vector<16xi32>,
    %shift_right_logical3A_285 = arith.constant 16 : i32
    %shift_right_logical3A_286 = vector.broadcast %shift_right_logical3A_285 : i32 to vector<16xi32>
    %shift_right_logical3A_287 = arith.shrui %get3A_277, %shift_right_logical3A_286 : vector<16xi32>
    %swap3A_288 = arith.constant 1 : i32
    %swap3A_289 = arith.index_cast %swap3A_288 : i32 to index
    %swap3A_290 = arith.constant 80 : index
    %swap3A_291 = tpu.vector_load %arg7[%swap3A_289, %swap3A_290] {strides = array<i32>} : memref<2x128xi32, #tpu.memory_space<vmem>>, vector<16xi32>,
    tpu.vector_store %arg7[%swap3A_289, %swap3A_290], %shift_right_logical3A_287 {strides = array<i32>} : memref<2x128xi32, #tpu.memory_space<vmem>>, vector<16xi32>,
    %get3A_292 = arith.constant 1 : i32
    %get3A_293 = arith.index_cast %get3A_292 : i32 to index
    %get3A_294 = arith.constant 96 : index
    %get3A_295 = tpu.vector_load %arg5[%get3A_293, %get3A_294] {strides = array<i32>} : memref<80x128xi32, #tpu.memory_space<vmem>>, vector<16xi32>,
    %and3A_296 = arith.constant 65535 : i32
    %and3A_297 = vector.broadcast %and3A_296 : i32 to vector<16xi32>
    %and3A_298 = arith.andi %get3A_295, %and3A_297 : vector<16xi32>
    %swap3A_299 = arith.constant 1 : i32
    %swap3A_300 = arith.index_cast %swap3A_299 : i32 to index
    %swap3A_301 = arith.constant 96 : index
    %swap3A_302 = tpu.vector_load %arg6[%swap3A_300, %swap3A_301] {strides = array<i32>} : memref<2x128xi32, #tpu.memory_space<vmem>>, vector<16xi32>,
    tpu.vector_store %arg6[%swap3A_300, %swap3A_301], %and3A_298 {strides = array<i32>} : memref<2x128xi32, #tpu.memory_space<vmem>>, vector<16xi32>,
    %shift_right_logical3A_303 = arith.constant 16 : i32
    %shift_right_logical3A_304 = vector.broadcast %shift_right_logical3A_303 : i32 to vector<16xi32>
    %shift_right_logical3A_305 = arith.shrui %get3A_295, %shift_right_logical3A_304 : vector<16xi32>
    %swap3A_306 = arith.constant 1 : i32
    %swap3A_307 = arith.index_cast %swap3A_306 : i32 to index
    %swap3A_308 = arith.constant 96 : index
    %swap3A_309 = tpu.vector_load %arg7[%swap3A_307, %swap3A_308] {strides = array<i32>} : memref<2x128xi32, #tpu.memory_space<vmem>>, vector<16xi32>,
    tpu.vector_store %arg7[%swap3A_307, %swap3A_308], %shift_right_logical3A_305 {strides = array<i32>} : memref<2x128xi32, #tpu.memory_space<vmem>>, vector<16xi32>,
    %get3A_310 = arith.constant 1 : i32
    %get3A_311 = arith.index_cast %get3A_310 : i32 to index
    %get3A_312 = arith.constant 112 : index
    %get3A_313 = tpu.vector_load %arg5[%get3A_311, %get3A_312] {strides = array<i32>} : memref<80x128xi32, #tpu.memory_space<vmem>>, vector<16xi32>,
    %and3A_314 = arith.constant 65535 : i32
    %and3A_315 = vector.broadcast %and3A_314 : i32 to vector<16xi32>
    %and3A_316 = arith.andi %get3A_313, %and3A_315 : vector<16xi32>
    %swap3A_317 = arith.constant 1 : i32
    %swap3A_318 = arith.index_cast %swap3A_317 : i32 to index
    %swap3A_319 = arith.constant 112 : index
    %swap3A_320 = tpu.vector_load %arg6[%swap3A_318, %swap3A_319] {strides = array<i32>} : memref<2x128xi32, #tpu.memory_space<vmem>>, vector<16xi32>,
    tpu.vector_store %arg6[%swap3A_318, %swap3A_319], %and3A_316 {strides = array<i32>} : memref<2x128xi32, #tpu.memory_space<vmem>>, vector<16xi32>,
    %shift_right_logical3A_321 = arith.constant 16 : i32
    %shift_right_logical3A_322 = vector.broadcast %shift_right_logical3A_321 : i32 to vector<16xi32>
    %shift_right_logical3A_323 = arith.shrui %get3A_313, %shift_right_logical3A_322 : vector<16xi32>
    %swap3A_324 = arith.constant 1 : i32
    %swap3A_325 = arith.index_cast %swap3A_324 : i32 to index
    %swap3A_326 = arith.constant 112 : index
    %swap3A_327 = tpu.vector_load %arg7[%swap3A_325, %swap3A_326] {strides = array<i32>} : memref<2x128xi32, #tpu.memory_space<vmem>>, vector<16xi32>,
    tpu.vector_store %arg7[%swap3A_325, %swap3A_326], %shift_right_logical3A_323 {strides = array<i32>} : memref<2x128xi32, #tpu.memory_space<vmem>>, vector<16xi32>,
    %dma_start3A_328 = arith.constant 1 : i32
    %dma_start3A_329 = arith.constant 1 : i32
    %dma_start3A_330 = arith.constant 0 : i32
    %dma_start3A_331 = arith.constant 0 : i32
    %dma_start3A_332 = tpu.memref_slice %arg8[%dma_start3A_329, %dma_start3A_330, %dma_start3A_331] : memref<2x128x128xf32, #tpu.memory_space<vmem>> -> memref<1x128x128xf32, #tpu.memory_space<vmem>>
    %dma_start3A_333 = tpu.memref_squeeze %dma_start3A_332 : memref<1x128x128xf32, #tpu.memory_space<vmem>> -> memref<128x128xf32, #tpu.memory_space<vmem>>
    %dma_start3A_334 = arith.constant 0 : i32
    %dma_start3A_335 = tpu.memref_slice %arg6[%dma_start3A_328, %dma_start3A_334] : memref<2x128xi32, #tpu.memory_space<vmem>> -> memref<1x128xi32, #tpu.memory_space<vmem>>
    %dma_start3A_336 = tpu.memref_squeeze %dma_start3A_335 : memref<1x128xi32, #tpu.memory_space<vmem>> -> memref<128xi32, #tpu.memory_space<vmem>>
    %dma_start3A_337 = arith.constant 0 : i32
    %dma_start3A_338 = arith.constant 0 : i32
    %dma_start3A_339 = tpu.memref_slice %arg2[%dma_start3A_337, %dma_start3A_338] : memref<10240x128xf32, #tpu.memory_space<hbm>> -> memref<10240x128xf32, #tpu.memory_space<hbm>>
    tpu.enqueue_indirect_dma source(%dma_start3A_339 : memref<10240x128xf32, #tpu.memory_space<hbm>>) target(%dma_start3A_333 : memref<128x128xf32, #tpu.memory_space<vmem>>) offsets(%dma_start3A_336 : memref<128xi32, #tpu.memory_space<vmem>>) semaphore(%arg11 : memref<!tpu.dma_semaphore, #tpu.memory_space<semaphore_mem>>)
    %scan3A_340 = arith.constant 0 : i32
    %scan3A_341 = arith.constant 0 : i32
    %scan3A_342 = arith.constant 39 : i32
    %scan3A_343 = arith.addi %scan3A_341, %scan3A_342 : i32
    %scan3A_344 = arith.constant 1 : i32
    scf.for %scan3A_378 = %scan3A_341 to %scan3A_343 step %scan3A_344  : i32 {
      %mul3A_379 = arith.constant 2 : i32
      %mul3A_380 = arith.muli %scan3A_378, %mul3A_379 : i32
      %add3A_381 = arith.constant 0 : i32
      %add3A_382 = arith.addi %mul3A_380, %add3A_381 : i32
      %dma_wait3A_383 = arith.constant 0 : i32
      %dma_wait3A_384 = arith.constant 0 : i32
      %dma_wait3A_385 = arith.constant 0 : i32
      %dma_wait3A_386 = arith.constant 0 : i32
      %dma_wait3A_387 = tpu.memref_slice %arg8[%dma_wait3A_384, %dma_wait3A_385, %dma_wait3A_386] : memref<2x128x128xf32, #tpu.memory_space<vmem>> -> memref<1x128x128xf32, #tpu.memory_space<vmem>>
      %dma_wait3A_388 = tpu.memref_squeeze %dma_wait3A_387 : memref<1x128x128xf32, #tpu.memory_space<vmem>> -> memref<128x128xf32, #tpu.memory_space<vmem>>
      %dma_wait3A_389 = arith.constant 0 : i32
      %dma_wait3A_390 = tpu.memref_slice %arg6[%dma_wait3A_383, %dma_wait3A_389] : memref<2x128xi32, #tpu.memory_space<vmem>> -> memref<1x128xi32, #tpu.memory_space<vmem>>
      %dma_wait3A_391 = tpu.memref_squeeze %dma_wait3A_390 : memref<1x128xi32, #tpu.memory_space<vmem>> -> memref<128xi32, #tpu.memory_space<vmem>>
      %dma_wait3A_392 = arith.constant 0 : i32
      %dma_wait3A_393 = arith.constant 0 : i32
      %dma_wait3A_394 = tpu.memref_slice %arg2[%dma_wait3A_392, %dma_wait3A_393] : memref<10240x128xf32, #tpu.memory_space<hbm>> -> memref<10240x128xf32, #tpu.memory_space<hbm>>
      tpu.wait_indirect_dma semaphore(%arg10 : memref<!tpu.dma_semaphore, #tpu.memory_space<semaphore_mem>>) src(%dma_wait3A_394 : memref<10240x128xf32, #tpu.memory_space<hbm>>) dst(%dma_wait3A_388 : memref<128x128xf32, #tpu.memory_space<vmem>>)
      %run_scoped3A_395 = arith.constant 0 : i32
      %run_scoped3A_396 = arith.constant 0 : i32
      "tpu.region"() ({
        %run_scoped3A_715 = tpu.sem_alloc : memref<!tpu.dma_semaphore, #tpu.memory_space<semaphore_mem>>
        %dma_start3A_716 = arith.constant 0 : i32
        %dma_start3A_717 = arith.constant 0 : i32
        %dma_start3A_718 = tpu.memref_slice %arg8[%run_scoped3A_395, %dma_start3A_716, %dma_start3A_717] : memref<2x128x128xf32, #tpu.memory_space<vmem>> -> memref<1x128x128xf32, #tpu.memory_space<vmem>>
        %dma_start3A_719 = tpu.memref_squeeze %dma_start3A_718 : memref<1x128x128xf32, #tpu.memory_space<vmem>> -> memref<128x128xf32, #tpu.memory_space<vmem>>
        %dma_start3A_720 = arith.constant 0 : i32
        %dma_start3A_721 = tpu.memref_slice %arg7[%run_scoped3A_396, %dma_start3A_720] : memref<2x128xi32, #tpu.memory_space<vmem>> -> memref<1x128xi32, #tpu.memory_space<vmem>>
        %dma_start3A_722 = tpu.memref_squeeze %dma_start3A_721 : memref<1x128xi32, #tpu.memory_space<vmem>> -> memref<128xi32, #tpu.memory_space<vmem>>
        %dma_start3A_723 = arith.constant 0 : i32
        %dma_start3A_724 = arith.constant 0 : i32
        %dma_start3A_725 = tpu.memref_slice %arg9[%dma_start3A_723, %dma_start3A_724] : memref<10240x128xf32, #tpu.memory_space<vmem_shared>> -> memref<10240x128xf32, #tpu.memory_space<vmem_shared>>
        tpu.enqueue_indirect_dma source(%dma_start3A_719 : memref<128x128xf32, #tpu.memory_space<vmem>>) target(%dma_start3A_725 : memref<10240x128xf32, #tpu.memory_space<vmem_shared>>) offsets(%dma_start3A_722 : memref<128xi32, #tpu.memory_space<vmem>>) semaphore(%run_scoped3A_715 : memref<!tpu.dma_semaphore, #tpu.memory_space<semaphore_mem>>) {add = true}
        %dma_wait3A_726 = arith.constant 0 : i32
        %dma_wait3A_727 = arith.constant 0 : i32
        %dma_wait3A_728 = tpu.memref_slice %arg8[%run_scoped3A_395, %dma_wait3A_726, %dma_wait3A_727] : memref<2x128x128xf32, #tpu.memory_space<vmem>> -> memref<1x128x128xf32, #tpu.memory_space<vmem>>
        %dma_wait3A_729 = tpu.memref_squeeze %dma_wait3A_728 : memref<1x128x128xf32, #tpu.memory_space<vmem>> -> memref<128x128xf32, #tpu.memory_space<vmem>>
        %dma_wait3A_730 = arith.constant 0 : i32
        %dma_wait3A_731 = tpu.memref_slice %arg7[%run_scoped3A_396, %dma_wait3A_730] : memref<2x128xi32, #tpu.memory_space<vmem>> -> memref<1x128xi32, #tpu.memory_space<vmem>>
        %dma_wait3A_732 = tpu.memref_squeeze %dma_wait3A_731 : memref<1x128xi32, #tpu.memory_space<vmem>> -> memref<128xi32, #tpu.memory_space<vmem>>
        %dma_wait3A_733 = arith.constant 0 : i32
        %dma_wait3A_734 = arith.constant 0 : i32
        %dma_wait3A_735 = tpu.memref_slice %arg9[%dma_wait3A_733, %dma_wait3A_734] : memref<10240x128xf32, #tpu.memory_space<vmem_shared>> -> memref<10240x128xf32, #tpu.memory_space<vmem_shared>>
        tpu.wait_indirect_dma semaphore(%run_scoped3A_715 : memref<!tpu.dma_semaphore, #tpu.memory_space<semaphore_mem>>) src(%dma_wait3A_729 : memref<128x128xf32, #tpu.memory_space<vmem>>) dst(%dma_wait3A_735 : memref<10240x128xf32, #tpu.memory_space<vmem_shared>>)
        tpu.yield
      }) : () -> ()
      %add3A_397 = arith.constant 2 : i32
      %add3A_398 = arith.addi %add3A_382, %add3A_397 : i32
      %get3A_399 = arith.index_cast %add3A_398 : i32 to index
      %get3A_400 = arith.constant 0 : index
      %get3A_401 = tpu.vector_load %arg5[%get3A_399, %get3A_400] {strides = array<i32>} : memref<80x128xi32, #tpu.memory_space<vmem>>, vector<16xi32>,
      %and3A_402 = arith.constant 65535 : i32
      %and3A_403 = vector.broadcast %and3A_402 : i32 to vector<16xi32>
      %and3A_404 = arith.andi %get3A_401, %and3A_403 : vector<16xi32>
      %swap3A_405 = arith.constant 0 : i32
      %swap3A_406 = arith.index_cast %swap3A_405 : i32 to index
      %swap3A_407 = arith.constant 0 : index
      %swap3A_408 = tpu.vector_load %arg6[%swap3A_406, %swap3A_407] {strides = array<i32>} : memref<2x128xi32, #tpu.memory_space<vmem>>, vector<16xi32>,
      tpu.vector_store %arg6[%swap3A_406, %swap3A_407], %and3A_404 {strides = array<i32>} : memref<2x128xi32, #tpu.memory_space<vmem>>, vector<16xi32>,
      %shift_right_logical3A_409 = arith.constant 16 : i32
      %shift_right_logical3A_410 = vector.broadcast %shift_right_logical3A_409 : i32 to vector<16xi32>
      %shift_right_logical3A_411 = arith.shrui %get3A_401, %shift_right_logical3A_410 : vector<16xi32>
      %swap3A_412 = arith.constant 0 : i32
      %swap3A_413 = arith.index_cast %swap3A_412 : i32 to index
      %swap3A_414 = arith.constant 0 : index
      %swap3A_415 = tpu.vector_load %arg7[%swap3A_413, %swap3A_414] {strides = array<i32>} : memref<2x128xi32, #tpu.memory_space<vmem>>, vector<16xi32>,
      tpu.vector_store %arg7[%swap3A_413, %swap3A_414], %shift_right_logical3A_411 {strides = array<i32>} : memref<2x128xi32, #tpu.memory_space<vmem>>, vector<16xi32>,
      %get3A_416 = arith.index_cast %add3A_398 : i32 to index
      %get3A_417 = arith.constant 16 : index
      %get3A_418 = tpu.vector_load %arg5[%get3A_416, %get3A_417] {strides = array<i32>} : memref<80x128xi32, #tpu.memory_space<vmem>>, vector<16xi32>,
      %and3A_419 = arith.constant 65535 : i32
      %and3A_420 = vector.broadcast %and3A_419 : i32 to vector<16xi32>
      %and3A_421 = arith.andi %get3A_418, %and3A_420 : vector<16xi32>
      %swap3A_422 = arith.constant 0 : i32
      %swap3A_423 = arith.index_cast %swap3A_422 : i32 to index
      %swap3A_424 = arith.constant 16 : index
      %swap3A_425 = tpu.vector_load %arg6[%swap3A_423, %swap3A_424] {strides = array<i32>} : memref<2x128xi32, #tpu.memory_space<vmem>>, vector<16xi32>,
      tpu.vector_store %arg6[%swap3A_423, %swap3A_424], %and3A_421 {strides = array<i32>} : memref<2x128xi32, #tpu.memory_space<vmem>>, vector<16xi32>,
      %shift_right_logical3A_426 = arith.constant 16 : i32
      %shift_right_logical3A_427 = vector.broadcast %shift_right_logical3A_426 : i32 to vector<16xi32>
      %shift_right_logical3A_428 = arith.shrui %get3A_418, %shift_right_logical3A_427 : vector<16xi32>
      %swap3A_429 = arith.constant 0 : i32
      %swap3A_430 = arith.index_cast %swap3A_429 : i32 to index
      %swap3A_431 = arith.constant 16 : index
      %swap3A_432 = tpu.vector_load %arg7[%swap3A_430, %swap3A_431] {strides = array<i32>} : memref<2x128xi32, #tpu.memory_space<vmem>>, vector<16xi32>,
      tpu.vector_store %arg7[%swap3A_430, %swap3A_431], %shift_right_logical3A_428 {strides = array<i32>} : memref<2x128xi32, #tpu.memory_space<vmem>>, vector<16xi32>,
      %get3A_433 = arith.index_cast %add3A_398 : i32 to index
      %get3A_434 = arith.constant 32 : index
      %get3A_435 = tpu.vector_load %arg5[%get3A_433, %get3A_434] {strides = array<i32>} : memref<80x128xi32, #tpu.memory_space<vmem>>, vector<16xi32>,
      %and3A_436 = arith.constant 65535 : i32
      %and3A_437 = vector.broadcast %and3A_436 : i32 to vector<16xi32>
      %and3A_438 = arith.andi %get3A_435, %and3A_437 : vector<16xi32>
      %swap3A_439 = arith.constant 0 : i32
      %swap3A_440 = arith.index_cast %swap3A_439 : i32 to index
      %swap3A_441 = arith.constant 32 : index
      %swap3A_442 = tpu.vector_load %arg6[%swap3A_440, %swap3A_441] {strides = array<i32>} : memref<2x128xi32, #tpu.memory_space<vmem>>, vector<16xi32>,
      tpu.vector_store %arg6[%swap3A_440, %swap3A_441], %and3A_438 {strides = array<i32>} : memref<2x128xi32, #tpu.memory_space<vmem>>, vector<16xi32>,
      %shift_right_logical3A_443 = arith.constant 16 : i32
      %shift_right_logical3A_444 = vector.broadcast %shift_right_logical3A_443 : i32 to vector<16xi32>
      %shift_right_logical3A_445 = arith.shrui %get3A_435, %shift_right_logical3A_444 : vector<16xi32>
      %swap3A_446 = arith.constant 0 : i32
      %swap3A_447 = arith.index_cast %swap3A_446 : i32 to index
      %swap3A_448 = arith.constant 32 : index
      %swap3A_449 = tpu.vector_load %arg7[%swap3A_447, %swap3A_448] {strides = array<i32>} : memref<2x128xi32, #tpu.memory_space<vmem>>, vector<16xi32>,
      tpu.vector_store %arg7[%swap3A_447, %swap3A_448], %shift_right_logical3A_445 {strides = array<i32>} : memref<2x128xi32, #tpu.memory_space<vmem>>, vector<16xi32>,
      %get3A_450 = arith.index_cast %add3A_398 : i32 to index
      %get3A_451 = arith.constant 48 : index
      %get3A_452 = tpu.vector_load %arg5[%get3A_450, %get3A_451] {strides = array<i32>} : memref<80x128xi32, #tpu.memory_space<vmem>>, vector<16xi32>,
      %and3A_453 = arith.constant 65535 : i32
      %and3A_454 = vector.broadcast %and3A_453 : i32 to vector<16xi32>
      %and3A_455 = arith.andi %get3A_452, %and3A_454 : vector<16xi32>
      %swap3A_456 = arith.constant 0 : i32
      %swap3A_457 = arith.index_cast %swap3A_456 : i32 to index
      %swap3A_458 = arith.constant 48 : index
      %swap3A_459 = tpu.vector_load %arg6[%swap3A_457, %swap3A_458] {strides = array<i32>} : memref<2x128xi32, #tpu.memory_space<vmem>>, vector<16xi32>,
      tpu.vector_store %arg6[%swap3A_457, %swap3A_458], %and3A_455 {strides = array<i32>} : memref<2x128xi32, #tpu.memory_space<vmem>>, vector<16xi32>,
      %shift_right_logical3A_460 = arith.constant 16 : i32
      %shift_right_logical3A_461 = vector.broadcast %shift_right_logical3A_460 : i32 to vector<16xi32>
      %shift_right_logical3A_462 = arith.shrui %get3A_452, %shift_right_logical3A_461 : vector<16xi32>
      %swap3A_463 = arith.constant 0 : i32
      %swap3A_464 = arith.index_cast %swap3A_463 : i32 to index
      %swap3A_465 = arith.constant 48 : index
      %swap3A_466 = tpu.vector_load %arg7[%swap3A_464, %swap3A_465] {strides = array<i32>} : memref<2x128xi32, #tpu.memory_space<vmem>>, vector<16xi32>,
      tpu.vector_store %arg7[%swap3A_464, %swap3A_465], %shift_right_logical3A_462 {strides = array<i32>} : memref<2x128xi32, #tpu.memory_space<vmem>>, vector<16xi32>,
      %get3A_467 = arith.index_cast %add3A_398 : i32 to index
      %get3A_468 = arith.constant 64 : index
      %get3A_469 = tpu.vector_load %arg5[%get3A_467, %get3A_468] {strides = array<i32>} : memref<80x128xi32, #tpu.memory_space<vmem>>, vector<16xi32>,
      %and3A_470 = arith.constant 65535 : i32
      %and3A_471 = vector.broadcast %and3A_470 : i32 to vector<16xi32>
      %and3A_472 = arith.andi %get3A_469, %and3A_471 : vector<16xi32>
      %swap3A_473 = arith.constant 0 : i32
      %swap3A_474 = arith.index_cast %swap3A_473 : i32 to index
      %swap3A_475 = arith.constant 64 : index
      %swap3A_476 = tpu.vector_load %arg6[%swap3A_474, %swap3A_475] {strides = array<i32>} : memref<2x128xi32, #tpu.memory_space<vmem>>, vector<16xi32>,
      tpu.vector_store %arg6[%swap3A_474, %swap3A_475], %and3A_472 {strides = array<i32>} : memref<2x128xi32, #tpu.memory_space<vmem>>, vector<16xi32>,
      %shift_right_logical3A_477 = arith.constant 16 : i32
      %shift_right_logical3A_478 = vector.broadcast %shift_right_logical3A_477 : i32 to vector<16xi32>
      %shift_right_logical3A_479 = arith.shrui %get3A_469, %shift_right_logical3A_478 : vector<16xi32>
      %swap3A_480 = arith.constant 0 : i32
      %swap3A_481 = arith.index_cast %swap3A_480 : i32 to index
      %swap3A_482 = arith.constant 64 : index
      %swap3A_483 = tpu.vector_load %arg7[%swap3A_481, %swap3A_482] {strides = array<i32>} : memref<2x128xi32, #tpu.memory_space<vmem>>, vector<16xi32>,
      tpu.vector_store %arg7[%swap3A_481, %swap3A_482], %shift_right_logical3A_479 {strides = array<i32>} : memref<2x128xi32, #tpu.memory_space<vmem>>, vector<16xi32>,
      %get3A_484 = arith.index_cast %add3A_398 : i32 to index
      %get3A_485 = arith.constant 80 : index
      %get3A_486 = tpu.vector_load %arg5[%get3A_484, %get3A_485] {strides = array<i32>} : memref<80x128xi32, #tpu.memory_space<vmem>>, vector<16xi32>,
      %and3A_487 = arith.constant 65535 : i32
      %and3A_488 = vector.broadcast %and3A_487 : i32 to vector<16xi32>
      %and3A_489 = arith.andi %get3A_486, %and3A_488 : vector<16xi32>
      %swap3A_490 = arith.constant 0 : i32
      %swap3A_491 = arith.index_cast %swap3A_490 : i32 to index
      %swap3A_492 = arith.constant 80 : index
      %swap3A_493 = tpu.vector_load %arg6[%swap3A_491, %swap3A_492] {strides = array<i32>} : memref<2x128xi32, #tpu.memory_space<vmem>>, vector<16xi32>,
      tpu.vector_store %arg6[%swap3A_491, %swap3A_492], %and3A_489 {strides = array<i32>} : memref<2x128xi32, #tpu.memory_space<vmem>>, vector<16xi32>,
      %shift_right_logical3A_494 = arith.constant 16 : i32
      %shift_right_logical3A_495 = vector.broadcast %shift_right_logical3A_494 : i32 to vector<16xi32>
      %shift_right_logical3A_496 = arith.shrui %get3A_486, %shift_right_logical3A_495 : vector<16xi32>
      %swap3A_497 = arith.constant 0 : i32
      %swap3A_498 = arith.index_cast %swap3A_497 : i32 to index
      %swap3A_499 = arith.constant 80 : index
      %swap3A_500 = tpu.vector_load %arg7[%swap3A_498, %swap3A_499] {strides = array<i32>} : memref<2x128xi32, #tpu.memory_space<vmem>>, vector<16xi32>,
      tpu.vector_store %arg7[%swap3A_498, %swap3A_499], %shift_right_logical3A_496 {strides = array<i32>} : memref<2x128xi32, #tpu.memory_space<vmem>>, vector<16xi32>,
      %get3A_501 = arith.index_cast %add3A_398 : i32 to index
      %get3A_502 = arith.constant 96 : index
      %get3A_503 = tpu.vector_load %arg5[%get3A_501, %get3A_502] {strides = array<i32>} : memref<80x128xi32, #tpu.memory_space<vmem>>, vector<16xi32>,
      %and3A_504 = arith.constant 65535 : i32
      %and3A_505 = vector.broadcast %and3A_504 : i32 to vector<16xi32>
      %and3A_506 = arith.andi %get3A_503, %and3A_505 : vector<16xi32>
      %swap3A_507 = arith.constant 0 : i32
      %swap3A_508 = arith.index_cast %swap3A_507 : i32 to index
      %swap3A_509 = arith.constant 96 : index
      %swap3A_510 = tpu.vector_load %arg6[%swap3A_508, %swap3A_509] {strides = array<i32>} : memref<2x128xi32, #tpu.memory_space<vmem>>, vector<16xi32>,
      tpu.vector_store %arg6[%swap3A_508, %swap3A_509], %and3A_506 {strides = array<i32>} : memref<2x128xi32, #tpu.memory_space<vmem>>, vector<16xi32>,
      %shift_right_logical3A_511 = arith.constant 16 : i32
      %shift_right_logical3A_512 = vector.broadcast %shift_right_logical3A_511 : i32 to vector<16xi32>
      %shift_right_logical3A_513 = arith.shrui %get3A_503, %shift_right_logical3A_512 : vector<16xi32>
      %swap3A_514 = arith.constant 0 : i32
      %swap3A_515 = arith.index_cast %swap3A_514 : i32 to index
      %swap3A_516 = arith.constant 96 : index
      %swap3A_517 = tpu.vector_load %arg7[%swap3A_515, %swap3A_516] {strides = array<i32>} : memref<2x128xi32, #tpu.memory_space<vmem>>, vector<16xi32>,
      tpu.vector_store %arg7[%swap3A_515, %swap3A_516], %shift_right_logical3A_513 {strides = array<i32>} : memref<2x128xi32, #tpu.memory_space<vmem>>, vector<16xi32>,
      %get3A_518 = arith.index_cast %add3A_398 : i32 to index
      %get3A_519 = arith.constant 112 : index
      %get3A_520 = tpu.vector_load %arg5[%get3A_518, %get3A_519] {strides = array<i32>} : memref<80x128xi32, #tpu.memory_space<vmem>>, vector<16xi32>,
      %and3A_521 = arith.constant 65535 : i32
      %and3A_522 = vector.broadcast %and3A_521 : i32 to vector<16xi32>
      %and3A_523 = arith.andi %get3A_520, %and3A_522 : vector<16xi32>
      %swap3A_524 = arith.constant 0 : i32
      %swap3A_525 = arith.index_cast %swap3A_524 : i32 to index
      %swap3A_526 = arith.constant 112 : index
      %swap3A_527 = tpu.vector_load %arg6[%swap3A_525, %swap3A_526] {strides = array<i32>} : memref<2x128xi32, #tpu.memory_space<vmem>>, vector<16xi32>,
      tpu.vector_store %arg6[%swap3A_525, %swap3A_526], %and3A_523 {strides = array<i32>} : memref<2x128xi32, #tpu.memory_space<vmem>>, vector<16xi32>,
      %shift_right_logical3A_528 = arith.constant 16 : i32
      %shift_right_logical3A_529 = vector.broadcast %shift_right_logical3A_528 : i32 to vector<16xi32>
      %shift_right_logical3A_530 = arith.shrui %get3A_520, %shift_right_logical3A_529 : vector<16xi32>
      %swap3A_531 = arith.constant 0 : i32
      %swap3A_532 = arith.index_cast %swap3A_531 : i32 to index
      %swap3A_533 = arith.constant 112 : index
      %swap3A_534 = tpu.vector_load %arg7[%swap3A_532, %swap3A_533] {strides = array<i32>} : memref<2x128xi32, #tpu.memory_space<vmem>>, vector<16xi32>,
      tpu.vector_store %arg7[%swap3A_532, %swap3A_533], %shift_right_logical3A_530 {strides = array<i32>} : memref<2x128xi32, #tpu.memory_space<vmem>>, vector<16xi32>,
      %dma_start3A_535 = arith.constant 0 : i32
      %dma_start3A_536 = arith.constant 0 : i32
      %dma_start3A_537 = arith.constant 0 : i32
      %dma_start3A_538 = arith.constant 0 : i32
      %dma_start3A_539 = tpu.memref_slice %arg8[%dma_start3A_536, %dma_start3A_537, %dma_start3A_538] : memref<2x128x128xf32, #tpu.memory_space<vmem>> -> memref<1x128x128xf32, #tpu.memory_space<vmem>>
      %dma_start3A_540 = tpu.memref_squeeze %dma_start3A_539 : memref<1x128x128xf32, #tpu.memory_space<vmem>> -> memref<128x128xf32, #tpu.memory_space<vmem>>
      %dma_start3A_541 = arith.constant 0 : i32
      %dma_start3A_542 = tpu.memref_slice %arg6[%dma_start3A_535, %dma_start3A_541] : memref<2x128xi32, #tpu.memory_space<vmem>> -> memref<1x128xi32, #tpu.memory_space<vmem>>
      %dma_start3A_543 = tpu.memref_squeeze %dma_start3A_542 : memref<1x128xi32, #tpu.memory_space<vmem>> -> memref<128xi32, #tpu.memory_space<vmem>>
      %dma_start3A_544 = arith.constant 0 : i32
      %dma_start3A_545 = arith.constant 0 : i32
      %dma_start3A_546 = tpu.memref_slice %arg2[%dma_start3A_544, %dma_start3A_545] : memref<10240x128xf32, #tpu.memory_space<hbm>> -> memref<10240x128xf32, #tpu.memory_space<hbm>>
      tpu.enqueue_indirect_dma source(%dma_start3A_546 : memref<10240x128xf32, #tpu.memory_space<hbm>>) target(%dma_start3A_540 : memref<128x128xf32, #tpu.memory_space<vmem>>) offsets(%dma_start3A_543 : memref<128xi32, #tpu.memory_space<vmem>>) semaphore(%arg10 : memref<!tpu.dma_semaphore, #tpu.memory_space<semaphore_mem>>)
      %mul3A_547 = arith.constant 2 : i32
      %mul3A_548 = arith.muli %scan3A_378, %mul3A_547 : i32
      %add3A_549 = arith.constant 1 : i32
      %add3A_550 = arith.addi %mul3A_548, %add3A_549 : i32
      %dma_wait3A_551 = arith.constant 1 : i32
      %dma_wait3A_552 = arith.constant 1 : i32
      %dma_wait3A_553 = arith.constant 0 : i32
      %dma_wait3A_554 = arith.constant 0 : i32
      %dma_wait3A_555 = tpu.memref_slice %arg8[%dma_wait3A_552, %dma_wait3A_553, %dma_wait3A_554] : memref<2x128x128xf32, #tpu.memory_space<vmem>> -> memref<1x128x128xf32, #tpu.memory_space<vmem>>
      %dma_wait3A_556 = tpu.memref_squeeze %dma_wait3A_555 : memref<1x128x128xf32, #tpu.memory_space<vmem>> -> memref<128x128xf32, #tpu.memory_space<vmem>>
      %dma_wait3A_557 = arith.constant 0 : i32
      %dma_wait3A_558 = tpu.memref_slice %arg6[%dma_wait3A_551, %dma_wait3A_557] : memref<2x128xi32, #tpu.memory_space<vmem>> -> memref<1x128xi32, #tpu.memory_space<vmem>>
      %dma_wait3A_559 = tpu.memref_squeeze %dma_wait3A_558 : memref<1x128xi32, #tpu.memory_space<vmem>> -> memref<128xi32, #tpu.memory_space<vmem>>
      %dma_wait3A_560 = arith.constant 0 : i32
      %dma_wait3A_561 = arith.constant 0 : i32
      %dma_wait3A_562 = tpu.memref_slice %arg2[%dma_wait3A_560, %dma_wait3A_561] : memref<10240x128xf32, #tpu.memory_space<hbm>> -> memref<10240x128xf32, #tpu.memory_space<hbm>>
      tpu.wait_indirect_dma semaphore(%arg11 : memref<!tpu.dma_semaphore, #tpu.memory_space<semaphore_mem>>) src(%dma_wait3A_562 : memref<10240x128xf32, #tpu.memory_space<hbm>>) dst(%dma_wait3A_556 : memref<128x128xf32, #tpu.memory_space<vmem>>)
      %run_scoped3A_563 = arith.constant 1 : i32
      %run_scoped3A_564 = arith.constant 1 : i32
      "tpu.region"() ({
        %run_scoped3A_715 = tpu.sem_alloc : memref<!tpu.dma_semaphore, #tpu.memory_space<semaphore_mem>>
        %dma_start3A_716 = arith.constant 0 : i32
        %dma_start3A_717 = arith.constant 0 : i32
        %dma_start3A_718 = tpu.memref_slice %arg8[%run_scoped3A_563, %dma_start3A_716, %dma_start3A_717] : memref<2x128x128xf32, #tpu.memory_space<vmem>> -> memref<1x128x128xf32, #tpu.memory_space<vmem>>
        %dma_start3A_719 = tpu.memref_squeeze %dma_start3A_718 : memref<1x128x128xf32, #tpu.memory_space<vmem>> -> memref<128x128xf32, #tpu.memory_space<vmem>>
        %dma_start3A_720 = arith.constant 0 : i32
        %dma_start3A_721 = tpu.memref_slice %arg7[%run_scoped3A_564, %dma_start3A_720] : memref<2x128xi32, #tpu.memory_space<vmem>> -> memref<1x128xi32, #tpu.memory_space<vmem>>
        %dma_start3A_722 = tpu.memref_squeeze %dma_start3A_721 : memref<1x128xi32, #tpu.memory_space<vmem>> -> memref<128xi32, #tpu.memory_space<vmem>>
        %dma_start3A_723 = arith.constant 0 : i32
        %dma_start3A_724 = arith.constant 0 : i32
        %dma_start3A_725 = tpu.memref_slice %arg9[%dma_start3A_723, %dma_start3A_724] : memref<10240x128xf32, #tpu.memory_space<vmem_shared>> -> memref<10240x128xf32, #tpu.memory_space<vmem_shared>>
        tpu.enqueue_indirect_dma source(%dma_start3A_719 : memref<128x128xf32, #tpu.memory_space<vmem>>) target(%dma_start3A_725 : memref<10240x128xf32, #tpu.memory_space<vmem_shared>>) offsets(%dma_start3A_722 : memref<128xi32, #tpu.memory_space<vmem>>) semaphore(%run_scoped3A_715 : memref<!tpu.dma_semaphore, #tpu.memory_space<semaphore_mem>>) {add = true}
        %dma_wait3A_726 = arith.constant 0 : i32
        %dma_wait3A_727 = arith.constant 0 : i32
        %dma_wait3A_728 = tpu.memref_slice %arg8[%run_scoped3A_563, %dma_wait3A_726, %dma_wait3A_727] : memref<2x128x128xf32, #tpu.memory_space<vmem>> -> memref<1x128x128xf32, #tpu.memory_space<vmem>>
        %dma_wait3A_729 = tpu.memref_squeeze %dma_wait3A_728 : memref<1x128x128xf32, #tpu.memory_space<vmem>> -> memref<128x128xf32, #tpu.memory_space<vmem>>
        %dma_wait3A_730 = arith.constant 0 : i32
        %dma_wait3A_731 = tpu.memref_slice %arg7[%run_scoped3A_564, %dma_wait3A_730] : memref<2x128xi32, #tpu.memory_space<vmem>> -> memref<1x128xi32, #tpu.memory_space<vmem>>
        %dma_wait3A_732 = tpu.memref_squeeze %dma_wait3A_731 : memref<1x128xi32, #tpu.memory_space<vmem>> -> memref<128xi32, #tpu.memory_space<vmem>>
        %dma_wait3A_733 = arith.constant 0 : i32
        %dma_wait3A_734 = arith.constant 0 : i32
        %dma_wait3A_735 = tpu.memref_slice %arg9[%dma_wait3A_733, %dma_wait3A_734] : memref<10240x128xf32, #tpu.memory_space<vmem_shared>> -> memref<10240x128xf32, #tpu.memory_space<vmem_shared>>
        tpu.wait_indirect_dma semaphore(%run_scoped3A_715 : memref<!tpu.dma_semaphore, #tpu.memory_space<semaphore_mem>>) src(%dma_wait3A_729 : memref<128x128xf32, #tpu.memory_space<vmem>>) dst(%dma_wait3A_735 : memref<10240x128xf32, #tpu.memory_space<vmem_shared>>)
        tpu.yield
      }) : () -> ()
      %add3A_565 = arith.constant 2 : i32
      %add3A_566 = arith.addi %add3A_550, %add3A_565 : i32
      %get3A_567 = arith.index_cast %add3A_566 : i32 to index
      %get3A_568 = arith.constant 0 : index
      %get3A_569 = tpu.vector_load %arg5[%get3A_567, %get3A_568] {strides = array<i32>} : memref<80x128xi32, #tpu.memory_space<vmem>>, vector<16xi32>,
      %and3A_570 = arith.constant 65535 : i32
      %and3A_571 = vector.broadcast %and3A_570 : i32 to vector<16xi32>
      %and3A_572 = arith.andi %get3A_569, %and3A_571 : vector<16xi32>
      %swap3A_573 = arith.constant 1 : i32
      %swap3A_574 = arith.index_cast %swap3A_573 : i32 to index
      %swap3A_575 = arith.constant 0 : index
      %swap3A_576 = tpu.vector_load %arg6[%swap3A_574, %swap3A_575] {strides = array<i32>} : memref<2x128xi32, #tpu.memory_space<vmem>>, vector<16xi32>,
      tpu.vector_store %arg6[%swap3A_574, %swap3A_575], %and3A_572 {strides = array<i32>} : memref<2x128xi32, #tpu.memory_space<vmem>>, vector<16xi32>,
      %shift_right_logical3A_577 = arith.constant 16 : i32
      %shift_right_logical3A_578 = vector.broadcast %shift_right_logical3A_577 : i32 to vector<16xi32>
      %shift_right_logical3A_579 = arith.shrui %get3A_569, %shift_right_logical3A_578 : vector<16xi32>
      %swap3A_580 = arith.constant 1 : i32
      %swap3A_581 = arith.index_cast %swap3A_580 : i32 to index
      %swap3A_582 = arith.constant 0 : index
      %swap3A_583 = tpu.vector_load %arg7[%swap3A_581, %swap3A_582] {strides = array<i32>} : memref<2x128xi32, #tpu.memory_space<vmem>>, vector<16xi32>,
      tpu.vector_store %arg7[%swap3A_581, %swap3A_582], %shift_right_logical3A_579 {strides = array<i32>} : memref<2x128xi32, #tpu.memory_space<vmem>>, vector<16xi32>,
      %get3A_584 = arith.index_cast %add3A_566 : i32 to index
      %get3A_585 = arith.constant 16 : index
      %get3A_586 = tpu.vector_load %arg5[%get3A_584, %get3A_585] {strides = array<i32>} : memref<80x128xi32, #tpu.memory_space<vmem>>, vector<16xi32>,
      %and3A_587 = arith.constant 65535 : i32
      %and3A_588 = vector.broadcast %and3A_587 : i32 to vector<16xi32>
      %and3A_589 = arith.andi %get3A_586, %and3A_588 : vector<16xi32>
      %swap3A_590 = arith.constant 1 : i32
      %swap3A_591 = arith.index_cast %swap3A_590 : i32 to index
      %swap3A_592 = arith.constant 16 : index
      %swap3A_593 = tpu.vector_load %arg6[%swap3A_591, %swap3A_592] {strides = array<i32>} : memref<2x128xi32, #tpu.memory_space<vmem>>, vector<16xi32>,
      tpu.vector_store %arg6[%swap3A_591, %swap3A_592], %and3A_589 {strides = array<i32>} : memref<2x128xi32, #tpu.memory_space<vmem>>, vector<16xi32>,
      %shift_right_logical3A_594 = arith.constant 16 : i32
      %shift_right_logical3A_595 = vector.broadcast %shift_right_logical3A_594 : i32 to vector<16xi32>
      %shift_right_logical3A_596 = arith.shrui %get3A_586, %shift_right_logical3A_595 : vector<16xi32>
      %swap3A_597 = arith.constant 1 : i32
      %swap3A_598 = arith.index_cast %swap3A_597 : i32 to index
      %swap3A_599 = arith.constant 16 : index
      %swap3A_600 = tpu.vector_load %arg7[%swap3A_598, %swap3A_599] {strides = array<i32>} : memref<2x128xi32, #tpu.memory_space<vmem>>, vector<16xi32>,
      tpu.vector_store %arg7[%swap3A_598, %swap3A_599], %shift_right_logical3A_596 {strides = array<i32>} : memref<2x128xi32, #tpu.memory_space<vmem>>, vector<16xi32>,
      %get3A_601 = arith.index_cast %add3A_566 : i32 to index
      %get3A_602 = arith.constant 32 : index
      %get3A_603 = tpu.vector_load %arg5[%get3A_601, %get3A_602] {strides = array<i32>} : memref<80x128xi32, #tpu.memory_space<vmem>>, vector<16xi32>,
      %and3A_604 = arith.constant 65535 : i32
      %and3A_605 = vector.broadcast %and3A_604 : i32 to vector<16xi32>
      %and3A_606 = arith.andi %get3A_603, %and3A_605 : vector<16xi32>
      %swap3A_607 = arith.constant 1 : i32
      %swap3A_608 = arith.index_cast %swap3A_607 : i32 to index
      %swap3A_609 = arith.constant 32 : index
      %swap3A_610 = tpu.vector_load %arg6[%swap3A_608, %swap3A_609] {strides = array<i32>} : memref<2x128xi32, #tpu.memory_space<vmem>>, vector<16xi32>,
      tpu.vector_store %arg6[%swap3A_608, %swap3A_609], %and3A_606 {strides = array<i32>} : memref<2x128xi32, #tpu.memory_space<vmem>>, vector<16xi32>,
      %shift_right_logical3A_611 = arith.constant 16 : i32
      %shift_right_logical3A_612 = vector.broadcast %shift_right_logical3A_611 : i32 to vector<16xi32>
      %shift_right_logical3A_613 = arith.shrui %get3A_603, %shift_right_logical3A_612 : vector<16xi32>
      %swap3A_614 = arith.constant 1 : i32
      %swap3A_615 = arith.index_cast %swap3A_614 : i32 to index
      %swap3A_616 = arith.constant 32 : index
      %swap3A_617 = tpu.vector_load %arg7[%swap3A_615, %swap3A_616] {strides = array<i32>} : memref<2x128xi32, #tpu.memory_space<vmem>>, vector<16xi32>,
      tpu.vector_store %arg7[%swap3A_615, %swap3A_616], %shift_right_logical3A_613 {strides = array<i32>} : memref<2x128xi32, #tpu.memory_space<vmem>>, vector<16xi32>,
      %get3A_618 = arith.index_cast %add3A_566 : i32 to index
      %get3A_619 = arith.constant 48 : index
      %get3A_620 = tpu.vector_load %arg5[%get3A_618, %get3A_619] {strides = array<i32>} : memref<80x128xi32, #tpu.memory_space<vmem>>, vector<16xi32>,
      %and3A_621 = arith.constant 65535 : i32
      %and3A_622 = vector.broadcast %and3A_621 : i32 to vector<16xi32>
      %and3A_623 = arith.andi %get3A_620, %and3A_622 : vector<16xi32>
      %swap3A_624 = arith.constant 1 : i32
      %swap3A_625 = arith.index_cast %swap3A_624 : i32 to index
      %swap3A_626 = arith.constant 48 : index
      %swap3A_627 = tpu.vector_load %arg6[%swap3A_625, %swap3A_626] {strides = array<i32>} : memref<2x128xi32, #tpu.memory_space<vmem>>, vector<16xi32>,
      tpu.vector_store %arg6[%swap3A_625, %swap3A_626], %and3A_623 {strides = array<i32>} : memref<2x128xi32, #tpu.memory_space<vmem>>, vector<16xi32>,
      %shift_right_logical3A_628 = arith.constant 16 : i32
      %shift_right_logical3A_629 = vector.broadcast %shift_right_logical3A_628 : i32 to vector<16xi32>
      %shift_right_logical3A_630 = arith.shrui %get3A_620, %shift_right_logical3A_629 : vector<16xi32>
      %swap3A_631 = arith.constant 1 : i32
      %swap3A_632 = arith.index_cast %swap3A_631 : i32 to index
      %swap3A_633 = arith.constant 48 : index
      %swap3A_634 = tpu.vector_load %arg7[%swap3A_632, %swap3A_633] {strides = array<i32>} : memref<2x128xi32, #tpu.memory_space<vmem>>, vector<16xi32>,
      tpu.vector_store %arg7[%swap3A_632, %swap3A_633], %shift_right_logical3A_630 {strides = array<i32>} : memref<2x128xi32, #tpu.memory_space<vmem>>, vector<16xi32>,
      %get3A_635 = arith.index_cast %add3A_566 : i32 to index
      %get3A_636 = arith.constant 64 : index
      %get3A_637 = tpu.vector_load %arg5[%get3A_635, %get3A_636] {strides = array<i32>} : memref<80x128xi32, #tpu.memory_space<vmem>>, vector<16xi32>,
      %and3A_638 = arith.constant 65535 : i32
      %and3A_639 = vector.broadcast %and3A_638 : i32 to vector<16xi32>
      %and3A_640 = arith.andi %get3A_637, %and3A_639 : vector<16xi32>
      %swap3A_641 = arith.constant 1 : i32
      %swap3A_642 = arith.index_cast %swap3A_641 : i32 to index
      %swap3A_643 = arith.constant 64 : index
      %swap3A_644 = tpu.vector_load %arg6[%swap3A_642, %swap3A_643] {strides = array<i32>} : memref<2x128xi32, #tpu.memory_space<vmem>>, vector<16xi32>,
      tpu.vector_store %arg6[%swap3A_642, %swap3A_643], %and3A_640 {strides = array<i32>} : memref<2x128xi32, #tpu.memory_space<vmem>>, vector<16xi32>,
      %shift_right_logical3A_645 = arith.constant 16 : i32
      %shift_right_logical3A_646 = vector.broadcast %shift_right_logical3A_645 : i32 to vector<16xi32>
      %shift_right_logical3A_647 = arith.shrui %get3A_637, %shift_right_logical3A_646 : vector<16xi32>
      %swap3A_648 = arith.constant 1 : i32
      %swap3A_649 = arith.index_cast %swap3A_648 : i32 to index
      %swap3A_650 = arith.constant 64 : index
      %swap3A_651 = tpu.vector_load %arg7[%swap3A_649, %swap3A_650] {strides = array<i32>} : memref<2x128xi32, #tpu.memory_space<vmem>>, vector<16xi32>,
      tpu.vector_store %arg7[%swap3A_649, %swap3A_650], %shift_right_logical3A_647 {strides = array<i32>} : memref<2x128xi32, #tpu.memory_space<vmem>>, vector<16xi32>,
      %get3A_652 = arith.index_cast %add3A_566 : i32 to index
      %get3A_653 = arith.constant 80 : index
      %get3A_654 = tpu.vector_load %arg5[%get3A_652, %get3A_653] {strides = array<i32>} : memref<80x128xi32, #tpu.memory_space<vmem>>, vector<16xi32>,
      %and3A_655 = arith.constant 65535 : i32
      %and3A_656 = vector.broadcast %and3A_655 : i32 to vector<16xi32>
      %and3A_657 = arith.andi %get3A_654, %and3A_656 : vector<16xi32>
      %swap3A_658 = arith.constant 1 : i32
      %swap3A_659 = arith.index_cast %swap3A_658 : i32 to index
      %swap3A_660 = arith.constant 80 : index
      %swap3A_661 = tpu.vector_load %arg6[%swap3A_659, %swap3A_660] {strides = array<i32>} : memref<2x128xi32, #tpu.memory_space<vmem>>, vector<16xi32>,
      tpu.vector_store %arg6[%swap3A_659, %swap3A_660], %and3A_657 {strides = array<i32>} : memref<2x128xi32, #tpu.memory_space<vmem>>, vector<16xi32>,
      %shift_right_logical3A_662 = arith.constant 16 : i32
      %shift_right_logical3A_663 = vector.broadcast %shift_right_logical3A_662 : i32 to vector<16xi32>
      %shift_right_logical3A_664 = arith.shrui %get3A_654, %shift_right_logical3A_663 : vector<16xi32>
      %swap3A_665 = arith.constant 1 : i32
      %swap3A_666 = arith.index_cast %swap3A_665 : i32 to index
      %swap3A_667 = arith.constant 80 : index
      %swap3A_668 = tpu.vector_load %arg7[%swap3A_666, %swap3A_667] {strides = array<i32>} : memref<2x128xi32, #tpu.memory_space<vmem>>, vector<16xi32>,
      tpu.vector_store %arg7[%swap3A_666, %swap3A_667], %shift_right_logical3A_664 {strides = array<i32>} : memref<2x128xi32, #tpu.memory_space<vmem>>, vector<16xi32>,
      %get3A_669 = arith.index_cast %add3A_566 : i32 to index
      %get3A_670 = arith.constant 96 : index
      %get3A_671 = tpu.vector_load %arg5[%get3A_669, %get3A_670] {strides = array<i32>} : memref<80x128xi32, #tpu.memory_space<vmem>>, vector<16xi32>,
      %and3A_672 = arith.constant 65535 : i32
      %and3A_673 = vector.broadcast %and3A_672 : i32 to vector<16xi32>
      %and3A_674 = arith.andi %get3A_671, %and3A_673 : vector<16xi32>
      %swap3A_675 = arith.constant 1 : i32
      %swap3A_676 = arith.index_cast %swap3A_675 : i32 to index
      %swap3A_677 = arith.constant 96 : index
      %swap3A_678 = tpu.vector_load %arg6[%swap3A_676, %swap3A_677] {strides = array<i32>} : memref<2x128xi32, #tpu.memory_space<vmem>>, vector<16xi32>,
      tpu.vector_store %arg6[%swap3A_676, %swap3A_677], %and3A_674 {strides = array<i32>} : memref<2x128xi32, #tpu.memory_space<vmem>>, vector<16xi32>,
      %shift_right_logical3A_679 = arith.constant 16 : i32
      %shift_right_logical3A_680 = vector.broadcast %shift_right_logical3A_679 : i32 to vector<16xi32>
      %shift_right_logical3A_681 = arith.shrui %get3A_671, %shift_right_logical3A_680 : vector<16xi32>
      %swap3A_682 = arith.constant 1 : i32
      %swap3A_683 = arith.index_cast %swap3A_682 : i32 to index
      %swap3A_684 = arith.constant 96 : index
      %swap3A_685 = tpu.vector_load %arg7[%swap3A_683, %swap3A_684] {strides = array<i32>} : memref<2x128xi32, #tpu.memory_space<vmem>>, vector<16xi32>,
      tpu.vector_store %arg7[%swap3A_683, %swap3A_684], %shift_right_logical3A_681 {strides = array<i32>} : memref<2x128xi32, #tpu.memory_space<vmem>>, vector<16xi32>,
      %get3A_686 = arith.index_cast %add3A_566 : i32 to index
      %get3A_687 = arith.constant 112 : index
      %get3A_688 = tpu.vector_load %arg5[%get3A_686, %get3A_687] {strides = array<i32>} : memref<80x128xi32, #tpu.memory_space<vmem>>, vector<16xi32>,
      %and3A_689 = arith.constant 65535 : i32
      %and3A_690 = vector.broadcast %and3A_689 : i32 to vector<16xi32>
      %and3A_691 = arith.andi %get3A_688, %and3A_690 : vector<16xi32>
      %swap3A_692 = arith.constant 1 : i32
      %swap3A_693 = arith.index_cast %swap3A_692 : i32 to index
      %swap3A_694 = arith.constant 112 : index
      %swap3A_695 = tpu.vector_load %arg6[%swap3A_693, %swap3A_694] {strides = array<i32>} : memref<2x128xi32, #tpu.memory_space<vmem>>, vector<16xi32>,
      tpu.vector_store %arg6[%swap3A_693, %swap3A_694], %and3A_691 {strides = array<i32>} : memref<2x128xi32, #tpu.memory_space<vmem>>, vector<16xi32>,
      %shift_right_logical3A_696 = arith.constant 16 : i32
      %shift_right_logical3A_697 = vector.broadcast %shift_right_logical3A_696 : i32 to vector<16xi32>
      %shift_right_logical3A_698 = arith.shrui %get3A_688, %shift_right_logical3A_697 : vector<16xi32>
      %swap3A_699 = arith.constant 1 : i32
      %swap3A_700 = arith.index_cast %swap3A_699 : i32 to index
      %swap3A_701 = arith.constant 112 : index
      %swap3A_702 = tpu.vector_load %arg7[%swap3A_700, %swap3A_701] {strides = array<i32>} : memref<2x128xi32, #tpu.memory_space<vmem>>, vector<16xi32>,
      tpu.vector_store %arg7[%swap3A_700, %swap3A_701], %shift_right_logical3A_698 {strides = array<i32>} : memref<2x128xi32, #tpu.memory_space<vmem>>, vector<16xi32>,
      %dma_start3A_703 = arith.constant 1 : i32
      %dma_start3A_704 = arith.constant 1 : i32
      %dma_start3A_705 = arith.constant 0 : i32
      %dma_start3A_706 = arith.constant 0 : i32
      %dma_start3A_707 = tpu.memref_slice %arg8[%dma_start3A_704, %dma_start3A_705, %dma_start3A_706] : memref<2x128x128xf32, #tpu.memory_space<vmem>> -> memref<1x128x128xf32, #tpu.memory_space<vmem>>
      %dma_start3A_708 = tpu.memref_squeeze %dma_start3A_707 : memref<1x128x128xf32, #tpu.memory_space<vmem>> -> memref<128x128xf32, #tpu.memory_space<vmem>>
      %dma_start3A_709 = arith.constant 0 : i32
      %dma_start3A_710 = tpu.memref_slice %arg6[%dma_start3A_703, %dma_start3A_709] : memref<2x128xi32, #tpu.memory_space<vmem>> -> memref<1x128xi32, #tpu.memory_space<vmem>>
      %dma_start3A_711 = tpu.memref_squeeze %dma_start3A_710 : memref<1x128xi32, #tpu.memory_space<vmem>> -> memref<128xi32, #tpu.memory_space<vmem>>
      %dma_start3A_712 = arith.constant 0 : i32
      %dma_start3A_713 = arith.constant 0 : i32
      %dma_start3A_714 = tpu.memref_slice %arg2[%dma_start3A_712, %dma_start3A_713] : memref<10240x128xf32, #tpu.memory_space<hbm>> -> memref<10240x128xf32, #tpu.memory_space<hbm>>
      tpu.enqueue_indirect_dma source(%dma_start3A_714 : memref<10240x128xf32, #tpu.memory_space<hbm>>) target(%dma_start3A_708 : memref<128x128xf32, #tpu.memory_space<vmem>>) offsets(%dma_start3A_711 : memref<128xi32, #tpu.memory_space<vmem>>) semaphore(%arg11 : memref<!tpu.dma_semaphore, #tpu.memory_space<semaphore_mem>>)
    }
    %scan3A_345 = arith.constant 39 : i32
    %dma_wait3A = arith.constant 0 : i32
    %dma_wait3A_346 = arith.constant 0 : i32
    %dma_wait3A_347 = arith.constant 0 : i32
    %dma_wait3A_348 = arith.constant 0 : i32
    %dma_wait3A_349 = tpu.memref_slice %arg8[%dma_wait3A_346, %dma_wait3A_347, %dma_wait3A_348] : memref<2x128x128xf32, #tpu.memory_space<vmem>> -> memref<1x128x128xf32, #tpu.memory_space<vmem>>
    %dma_wait3A_350 = tpu.memref_squeeze %dma_wait3A_349 : memref<1x128x128xf32, #tpu.memory_space<vmem>> -> memref<128x128xf32, #tpu.memory_space<vmem>>
    %dma_wait3A_351 = arith.constant 0 : i32
    %dma_wait3A_352 = tpu.memref_slice %arg6[%dma_wait3A, %dma_wait3A_351] : memref<2x128xi32, #tpu.memory_space<vmem>> -> memref<1x128xi32, #tpu.memory_space<vmem>>
    %dma_wait3A_353 = tpu.memref_squeeze %dma_wait3A_352 : memref<1x128xi32, #tpu.memory_space<vmem>> -> memref<128xi32, #tpu.memory_space<vmem>>
    %dma_wait3A_354 = arith.constant 0 : i32
    %dma_wait3A_355 = arith.constant 0 : i32
    %dma_wait3A_356 = tpu.memref_slice %arg2[%dma_wait3A_354, %dma_wait3A_355] : memref<10240x128xf32, #tpu.memory_space<hbm>> -> memref<10240x128xf32, #tpu.memory_space<hbm>>
    tpu.wait_indirect_dma semaphore(%arg10 : memref<!tpu.dma_semaphore, #tpu.memory_space<semaphore_mem>>) src(%dma_wait3A_356 : memref<10240x128xf32, #tpu.memory_space<hbm>>) dst(%dma_wait3A_350 : memref<128x128xf32, #tpu.memory_space<vmem>>)
    %run_scoped3A_357 = arith.constant 0 : i32
    %run_scoped3A_358 = arith.constant 0 : i32
    "tpu.region"() ({
      %run_scoped3A_378 = tpu.sem_alloc : memref<!tpu.dma_semaphore, #tpu.memory_space<semaphore_mem>>
      %dma_start3A_379 = arith.constant 0 : i32
      %dma_start3A_380 = arith.constant 0 : i32
      %dma_start3A_381 = tpu.memref_slice %arg8[%run_scoped3A_357, %dma_start3A_379, %dma_start3A_380] : memref<2x128x128xf32, #tpu.memory_space<vmem>> -> memref<1x128x128xf32, #tpu.memory_space<vmem>>
      %dma_start3A_382 = tpu.memref_squeeze %dma_start3A_381 : memref<1x128x128xf32, #tpu.memory_space<vmem>> -> memref<128x128xf32, #tpu.memory_space<vmem>>
      %dma_start3A_383 = arith.constant 0 : i32
      %dma_start3A_384 = tpu.memref_slice %arg7[%run_scoped3A_358, %dma_start3A_383] : memref<2x128xi32, #tpu.memory_space<vmem>> -> memref<1x128xi32, #tpu.memory_space<vmem>>
      %dma_start3A_385 = tpu.memref_squeeze %dma_start3A_384 : memref<1x128xi32, #tpu.memory_space<vmem>> -> memref<128xi32, #tpu.memory_space<vmem>>
      %dma_start3A_386 = arith.constant 0 : i32
      %dma_start3A_387 = arith.constant 0 : i32
      %dma_start3A_388 = tpu.memref_slice %arg9[%dma_start3A_386, %dma_start3A_387] : memref<10240x128xf32, #tpu.memory_space<vmem_shared>> -> memref<10240x128xf32, #tpu.memory_space<vmem_shared>>
      tpu.enqueue_indirect_dma source(%dma_start3A_382 : memref<128x128xf32, #tpu.memory_space<vmem>>) target(%dma_start3A_388 : memref<10240x128xf32, #tpu.memory_space<vmem_shared>>) offsets(%dma_start3A_385 : memref<128xi32, #tpu.memory_space<vmem>>) semaphore(%run_scoped3A_378 : memref<!tpu.dma_semaphore, #tpu.memory_space<semaphore_mem>>) {add = true}
      %dma_wait3A_389 = arith.constant 0 : i32
      %dma_wait3A_390 = arith.constant 0 : i32
      %dma_wait3A_391 = tpu.memref_slice %arg8[%run_scoped3A_357, %dma_wait3A_389, %dma_wait3A_390] : memref<2x128x128xf32, #tpu.memory_space<vmem>> -> memref<1x128x128xf32, #tpu.memory_space<vmem>>
      %dma_wait3A_392 = tpu.memref_squeeze %dma_wait3A_391 : memref<1x128x128xf32, #tpu.memory_space<vmem>> -> memref<128x128xf32, #tpu.memory_space<vmem>>
      %dma_wait3A_393 = arith.constant 0 : i32
      %dma_wait3A_394 = tpu.memref_slice %arg7[%run_scoped3A_358, %dma_wait3A_393] : memref<2x128xi32, #tpu.memory_space<vmem>> -> memref<1x128xi32, #tpu.memory_space<vmem>>
      %dma_wait3A_395 = tpu.memref_squeeze %dma_wait3A_394 : memref<1x128xi32, #tpu.memory_space<vmem>> -> memref<128xi32, #tpu.memory_space<vmem>>
      %dma_wait3A_396 = arith.constant 0 : i32
      %dma_wait3A_397 = arith.constant 0 : i32
      %dma_wait3A_398 = tpu.memref_slice %arg9[%dma_wait3A_396, %dma_wait3A_397] : memref<10240x128xf32, #tpu.memory_space<vmem_shared>> -> memref<10240x128xf32, #tpu.memory_space<vmem_shared>>
      tpu.wait_indirect_dma semaphore(%run_scoped3A_378 : memref<!tpu.dma_semaphore, #tpu.memory_space<semaphore_mem>>) src(%dma_wait3A_392 : memref<128x128xf32, #tpu.memory_space<vmem>>) dst(%dma_wait3A_398 : memref<10240x128xf32, #tpu.memory_space<vmem_shared>>)
      tpu.yield
    }) : () -> ()
    %dma_wait3A_359 = arith.constant 1 : i32
    %dma_wait3A_360 = arith.constant 1 : i32
    %dma_wait3A_361 = arith.constant 0 : i32
    %dma_wait3A_362 = arith.constant 0 : i32
    %dma_wait3A_363 = tpu.memref_slice %arg8[%dma_wait3A_360, %dma_wait3A_361, %dma_wait3A_362] : memref<2x128x128xf32, #tpu.memory_space<vmem>> -> memref<1x128x128xf32, #tpu.memory_space<vmem>>
    %dma_wait3A_364 = tpu.memref_squeeze %dma_wait3A_363 : memref<1x128x128xf32, #tpu.memory_space<vmem>> -> memref<128x128xf32, #tpu.memory_space<vmem>>
    %dma_wait3A_365 = arith.constant 0 : i32
    %dma_wait3A_366 = tpu.memref_slice %arg6[%dma_wait3A_359, %dma_wait3A_365] : memref<2x128xi32, #tpu.memory_space<vmem>> -> memref<1x128xi32, #tpu.memory_space<vmem>>
    %dma_wait3A_367 = tpu.memref_squeeze %dma_wait3A_366 : memref<1x128xi32, #tpu.memory_space<vmem>> -> memref<128xi32, #tpu.memory_space<vmem>>
    %dma_wait3A_368 = arith.constant 0 : i32
    %dma_wait3A_369 = arith.constant 0 : i32
    %dma_wait3A_370 = tpu.memref_slice %arg2[%dma_wait3A_368, %dma_wait3A_369] : memref<10240x128xf32, #tpu.memory_space<hbm>> -> memref<10240x128xf32, #tpu.memory_space<hbm>>
    tpu.wait_indirect_dma semaphore(%arg11 : memref<!tpu.dma_semaphore, #tpu.memory_space<semaphore_mem>>) src(%dma_wait3A_370 : memref<10240x128xf32, #tpu.memory_space<hbm>>) dst(%dma_wait3A_364 : memref<128x128xf32, #tpu.memory_space<vmem>>)
    %run_scoped3A_371 = arith.constant 1 : i32
    %run_scoped3A_372 = arith.constant 1 : i32
    "tpu.region"() ({
      %run_scoped3A_378 = tpu.sem_alloc : memref<!tpu.dma_semaphore, #tpu.memory_space<semaphore_mem>>
      %dma_start3A_379 = arith.constant 0 : i32
      %dma_start3A_380 = arith.constant 0 : i32
      %dma_start3A_381 = tpu.memref_slice %arg8[%run_scoped3A_371, %dma_start3A_379, %dma_start3A_380] : memref<2x128x128xf32, #tpu.memory_space<vmem>> -> memref<1x128x128xf32, #tpu.memory_space<vmem>>
      %dma_start3A_382 = tpu.memref_squeeze %dma_start3A_381 : memref<1x128x128xf32, #tpu.memory_space<vmem>> -> memref<128x128xf32, #tpu.memory_space<vmem>>
      %dma_start3A_383 = arith.constant 0 : i32
      %dma_start3A_384 = tpu.memref_slice %arg7[%run_scoped3A_372, %dma_start3A_383] : memref<2x128xi32, #tpu.memory_space<vmem>> -> memref<1x128xi32, #tpu.memory_space<vmem>>
      %dma_start3A_385 = tpu.memref_squeeze %dma_start3A_384 : memref<1x128xi32, #tpu.memory_space<vmem>> -> memref<128xi32, #tpu.memory_space<vmem>>
      %dma_start3A_386 = arith.constant 0 : i32
      %dma_start3A_387 = arith.constant 0 : i32
      %dma_start3A_388 = tpu.memref_slice %arg9[%dma_start3A_386, %dma_start3A_387] : memref<10240x128xf32, #tpu.memory_space<vmem_shared>> -> memref<10240x128xf32, #tpu.memory_space<vmem_shared>>
      tpu.enqueue_indirect_dma source(%dma_start3A_382 : memref<128x128xf32, #tpu.memory_space<vmem>>) target(%dma_start3A_388 : memref<10240x128xf32, #tpu.memory_space<vmem_shared>>) offsets(%dma_start3A_385 : memref<128xi32, #tpu.memory_space<vmem>>) semaphore(%run_scoped3A_378 : memref<!tpu.dma_semaphore, #tpu.memory_space<semaphore_mem>>) {add = true}
      %dma_wait3A_389 = arith.constant 0 : i32
      %dma_wait3A_390 = arith.constant 0 : i32
      %dma_wait3A_391 = tpu.memref_slice %arg8[%run_scoped3A_371, %dma_wait3A_389, %dma_wait3A_390] : memref<2x128x128xf32, #tpu.memory_space<vmem>> -> memref<1x128x128xf32, #tpu.memory_space<vmem>>
      %dma_wait3A_392 = tpu.memref_squeeze %dma_wait3A_391 : memref<1x128x128xf32, #tpu.memory_space<vmem>> -> memref<128x128xf32, #tpu.memory_space<vmem>>
      %dma_wait3A_393 = arith.constant 0 : i32
      %dma_wait3A_394 = tpu.memref_slice %arg7[%run_scoped3A_372, %dma_wait3A_393] : memref<2x128xi32, #tpu.memory_space<vmem>> -> memref<1x128xi32, #tpu.memory_space<vmem>>
      %dma_wait3A_395 = tpu.memref_squeeze %dma_wait3A_394 : memref<1x128xi32, #tpu.memory_space<vmem>> -> memref<128xi32, #tpu.memory_space<vmem>>
      %dma_wait3A_396 = arith.constant 0 : i32
      %dma_wait3A_397 = arith.constant 0 : i32
      %dma_wait3A_398 = tpu.memref_slice %arg9[%dma_wait3A_396, %dma_wait3A_397] : memref<10240x128xf32, #tpu.memory_space<vmem_shared>> -> memref<10240x128xf32, #tpu.memory_space<vmem_shared>>
      tpu.wait_indirect_dma semaphore(%run_scoped3A_378 : memref<!tpu.dma_semaphore, #tpu.memory_space<semaphore_mem>>) src(%dma_wait3A_392 : memref<128x128xf32, #tpu.memory_space<vmem>>) dst(%dma_wait3A_398 : memref<10240x128xf32, #tpu.memory_space<vmem_shared>>)
      tpu.yield
    }) : () -> ()
    %barrier3A_373 = arith.constant 0 : index
    tpu.barrier barrier_id(%barrier3A_373)
    %mul3A_374 = arith.constant 640 : i32
    %mul3A_375 = arith.muli %arg1, %mul3A_374 : i32
    %mul3A_376 = arith.constant 640 : i32
    %mul3A_377 = arith.muli %arg1, %mul3A_376 : i32
    "tpu.region"() ({
      %run_scoped3A_378 = tpu.sem_alloc : memref<!tpu.dma_semaphore, #tpu.memory_space<semaphore_mem>>
      %dma_start3A_379 = arith.constant 0 : i32
      %dma_start3A_380 = tpu.memref_slice %arg4[%arg0, %mul3A_377, %dma_start3A_379] : memref<2x10240x128xf32, #tpu.memory_space<hbm>> -> memref<1x640x128xf32, #tpu.memory_space<hbm>>
      %dma_start3A_381 = tpu.memref_squeeze %dma_start3A_380 : memref<1x640x128xf32, #tpu.memory_space<hbm>> -> memref<640x128xf32, #tpu.memory_space<hbm>>
      %dma_start3A_382 = arith.constant 0 : i32
      %dma_start3A_383 = tpu.memref_slice %arg9[%mul3A_375, %dma_start3A_382] : memref<10240x128xf32, #tpu.memory_space<vmem_shared>> -> memref<640x128xf32, #tpu.memory_space<vmem_shared>>
      tpu.enqueue_dma source(%dma_start3A_383 : memref<640x128xf32, #tpu.memory_space<vmem_shared>>) target(%dma_start3A_381 : memref<640x128xf32, #tpu.memory_space<hbm>>) target_semaphore(%run_scoped3A_378 : memref<!tpu.dma_semaphore, #tpu.memory_space<semaphore_mem>>)
      %dma_wait3A_384 = arith.constant 0 : i32
      %dma_wait3A_385 = tpu.memref_slice %arg4[%arg0, %mul3A_377, %dma_wait3A_384] : memref<2x10240x128xf32, #tpu.memory_space<hbm>> -> memref<1x640x128xf32, #tpu.memory_space<hbm>>
      %dma_wait3A_386 = tpu.memref_squeeze %dma_wait3A_385 : memref<1x640x128xf32, #tpu.memory_space<hbm>> -> memref<640x128xf32, #tpu.memory_space<hbm>>
      %dma_wait3A_387 = arith.constant 0 : i32
      %dma_wait3A_388 = tpu.memref_slice %arg9[%mul3A_375, %dma_wait3A_387] : memref<10240x128xf32, #tpu.memory_space<vmem_shared>> -> memref<640x128xf32, #tpu.memory_space<vmem_shared>>
      tpu.wait_dma2 semaphore(%run_scoped3A_378 : memref<!tpu.dma_semaphore, #tpu.memory_space<semaphore_mem>>) src(%dma_wait3A_388 : memref<640x128xf32, #tpu.memory_space<vmem_shared>>) dst(%dma_wait3A_386 : memref<640x128xf32, #tpu.memory_space<hbm>>)
      tpu.yield
    }) : () -> ()
    return
  }
}

#map = affine_map<(d0, d1) -> (0, 0)>
module attributes {stable_mosaic.version = 14 : i64} {
  func.func @_sc_cnt_body(%arg0: i32, %arg1: i32, %arg2: memref<2560x128xi32, #tpu.memory_space<hbm>>, %arg3: memref<32x10240xf32, #tpu.memory_space<hbm>>, %arg4: memref<80x128xi32, #tpu.memory_space<vmem>>, %arg5: memref<10240xf32, #tpu.memory_space<vmem>>) attributes {dimension_semantics = [#tpu.dimension_semantics<core_parallel>, #tpu.dimension_semantics<subcore_parallel>], iteration_bounds = array<i64: 2, 16>, scalar_prefetch = 0 : i64, scratch_operands = 2 : i64, tpu.core_type = #tpu.core_type<sc_vector_subcore>, window_params = [{transform_indices = #map}, {transform_indices = #map}]} {
    %mul3A = arith.constant 16 : i32
    %mul3A_0 = arith.muli %arg0, %mul3A : i32
    %add3A = arith.addi %mul3A_0, %arg1 : i32
    %broadcast_in_dim3A = arith.constant 0.000000e+00 : f32
    %broadcast_in_dim3A_1 = vector.broadcast %broadcast_in_dim3A : f32 to vector<16xf32>
    %broadcast_in_dim3A_2 = arith.constant 1.000000e+00 : f32
    %broadcast_in_dim3A_3 = vector.broadcast %broadcast_in_dim3A_2 : f32 to vector<16xf32>
    %scan3A = arith.constant 0 : i32
    %scan3A_4 = arith.constant 0 : i32
    %scan3A_5 = arith.constant 640 : i32
    %scan3A_6 = arith.addi %scan3A_4, %scan3A_5 : i32
    %scan3A_7 = arith.constant 1 : i32
    scf.for %scan3A_17 = %scan3A_4 to %scan3A_6 step %scan3A_7  : i32 {
      %mul3A_18 = arith.constant 16 : i32
      %mul3A_19 = arith.muli %scan3A_17, %mul3A_18 : i32
      %swap3A = arith.index_cast %mul3A_19 : i32 to index
      %swap3A_20 = tpu.vector_load %arg5[%swap3A] {strides = array<i32>} : memref<10240xf32, #tpu.memory_space<vmem>>, vector<16xf32>,
      tpu.vector_store %arg5[%swap3A], %broadcast_in_dim3A_1 {strides = array<i32>} : memref<10240xf32, #tpu.memory_space<vmem>>, vector<16xf32>,
    }
    %scan3A_8 = arith.constant 640 : i32
    %mul3A_9 = arith.constant 80 : i32
    %mul3A_10 = arith.muli %add3A, %mul3A_9 : i32
    "tpu.region"() ({
      %run_scoped3A = tpu.sem_alloc : memref<!tpu.dma_semaphore, #tpu.memory_space<semaphore_mem>>
      %dma_start3A = arith.constant 0 : i32
      %dma_start3A_17 = tpu.memref_slice %arg2[%mul3A_10, %dma_start3A] : memref<2560x128xi32, #tpu.memory_space<hbm>> -> memref<80x128xi32, #tpu.memory_space<hbm>>
      %dma_start3A_18 = arith.constant 0 : i32
      %dma_start3A_19 = tpu.memref_slice %arg2[%mul3A_10, %dma_start3A_18] : memref<2560x128xi32, #tpu.memory_space<hbm>> -> memref<80x128xi32, #tpu.memory_space<hbm>>
      tpu.enqueue_dma source(%dma_start3A_19 : memref<80x128xi32, #tpu.memory_space<hbm>>) target(%arg4 : memref<80x128xi32, #tpu.memory_space<vmem>>) target_semaphore(%run_scoped3A : memref<!tpu.dma_semaphore, #tpu.memory_space<semaphore_mem>>)
      %dma_wait3A = arith.constant 0 : i32
      %dma_wait3A_20 = tpu.memref_slice %arg2[%mul3A_10, %dma_wait3A] : memref<2560x128xi32, #tpu.memory_space<hbm>> -> memref<80x128xi32, #tpu.memory_space<hbm>>
      %dma_wait3A_21 = arith.constant 0 : i32
      %dma_wait3A_22 = tpu.memref_slice %arg2[%mul3A_10, %dma_wait3A_21] : memref<2560x128xi32, #tpu.memory_space<hbm>> -> memref<80x128xi32, #tpu.memory_space<hbm>>
      tpu.wait_dma2 semaphore(%run_scoped3A : memref<!tpu.dma_semaphore, #tpu.memory_space<semaphore_mem>>) src(%dma_wait3A_22 : memref<80x128xi32, #tpu.memory_space<hbm>>) dst(%arg4 : memref<80x128xi32, #tpu.memory_space<vmem>>)
      tpu.yield
    }) : () -> ()
    %scan3A_11 = arith.constant 0 : i32
    %scan3A_12 = arith.constant 0 : i32
    %scan3A_13 = arith.constant 80 : i32
    %scan3A_14 = arith.addi %scan3A_12, %scan3A_13 : i32
    %scan3A_15 = arith.constant 1 : i32
    scf.for %scan3A_17 = %scan3A_12 to %scan3A_14 step %scan3A_15  : i32 {
      %get3A = arith.index_cast %scan3A_17 : i32 to index
      %get3A_18 = arith.constant 0 : index
      %get3A_19 = tpu.vector_load %arg4[%get3A, %get3A_18] {strides = array<i32>} : memref<80x128xi32, #tpu.memory_space<vmem>>, vector<16xi32>,
      %shift_right_logical3A = arith.constant 16 : i32
      %shift_right_logical3A_20 = vector.broadcast %shift_right_logical3A : i32 to vector<16xi32>
      %shift_right_logical3A_21 = arith.shrui %get3A_19, %shift_right_logical3A_20 : vector<16xi32>
      tpu.vector_store_idx %arg5[%shift_right_logical3A_21], %broadcast_in_dim3A_3 {add = true} : memref<10240xf32, #tpu.memory_space<vmem>>[vector<16xi32>], vector<16xf32>,
      %get3A_22 = arith.index_cast %scan3A_17 : i32 to index
      %get3A_23 = arith.constant 16 : index
      %get3A_24 = tpu.vector_load %arg4[%get3A_22, %get3A_23] {strides = array<i32>} : memref<80x128xi32, #tpu.memory_space<vmem>>, vector<16xi32>,
      %shift_right_logical3A_25 = arith.constant 16 : i32
      %shift_right_logical3A_26 = vector.broadcast %shift_right_logical3A_25 : i32 to vector<16xi32>
      %shift_right_logical3A_27 = arith.shrui %get3A_24, %shift_right_logical3A_26 : vector<16xi32>
      tpu.vector_store_idx %arg5[%shift_right_logical3A_27], %broadcast_in_dim3A_3 {add = true} : memref<10240xf32, #tpu.memory_space<vmem>>[vector<16xi32>], vector<16xf32>,
      %get3A_28 = arith.index_cast %scan3A_17 : i32 to index
      %get3A_29 = arith.constant 32 : index
      %get3A_30 = tpu.vector_load %arg4[%get3A_28, %get3A_29] {strides = array<i32>} : memref<80x128xi32, #tpu.memory_space<vmem>>, vector<16xi32>,
      %shift_right_logical3A_31 = arith.constant 16 : i32
      %shift_right_logical3A_32 = vector.broadcast %shift_right_logical3A_31 : i32 to vector<16xi32>
      %shift_right_logical3A_33 = arith.shrui %get3A_30, %shift_right_logical3A_32 : vector<16xi32>
      tpu.vector_store_idx %arg5[%shift_right_logical3A_33], %broadcast_in_dim3A_3 {add = true} : memref<10240xf32, #tpu.memory_space<vmem>>[vector<16xi32>], vector<16xf32>,
      %get3A_34 = arith.index_cast %scan3A_17 : i32 to index
      %get3A_35 = arith.constant 48 : index
      %get3A_36 = tpu.vector_load %arg4[%get3A_34, %get3A_35] {strides = array<i32>} : memref<80x128xi32, #tpu.memory_space<vmem>>, vector<16xi32>,
      %shift_right_logical3A_37 = arith.constant 16 : i32
      %shift_right_logical3A_38 = vector.broadcast %shift_right_logical3A_37 : i32 to vector<16xi32>
      %shift_right_logical3A_39 = arith.shrui %get3A_36, %shift_right_logical3A_38 : vector<16xi32>
      tpu.vector_store_idx %arg5[%shift_right_logical3A_39], %broadcast_in_dim3A_3 {add = true} : memref<10240xf32, #tpu.memory_space<vmem>>[vector<16xi32>], vector<16xf32>,
      %get3A_40 = arith.index_cast %scan3A_17 : i32 to index
      %get3A_41 = arith.constant 64 : index
      %get3A_42 = tpu.vector_load %arg4[%get3A_40, %get3A_41] {strides = array<i32>} : memref<80x128xi32, #tpu.memory_space<vmem>>, vector<16xi32>,
      %shift_right_logical3A_43 = arith.constant 16 : i32
      %shift_right_logical3A_44 = vector.broadcast %shift_right_logical3A_43 : i32 to vector<16xi32>
      %shift_right_logical3A_45 = arith.shrui %get3A_42, %shift_right_logical3A_44 : vector<16xi32>
      tpu.vector_store_idx %arg5[%shift_right_logical3A_45], %broadcast_in_dim3A_3 {add = true} : memref<10240xf32, #tpu.memory_space<vmem>>[vector<16xi32>], vector<16xf32>,
      %get3A_46 = arith.index_cast %scan3A_17 : i32 to index
      %get3A_47 = arith.constant 80 : index
      %get3A_48 = tpu.vector_load %arg4[%get3A_46, %get3A_47] {strides = array<i32>} : memref<80x128xi32, #tpu.memory_space<vmem>>, vector<16xi32>,
      %shift_right_logical3A_49 = arith.constant 16 : i32
      %shift_right_logical3A_50 = vector.broadcast %shift_right_logical3A_49 : i32 to vector<16xi32>
      %shift_right_logical3A_51 = arith.shrui %get3A_48, %shift_right_logical3A_50 : vector<16xi32>
      tpu.vector_store_idx %arg5[%shift_right_logical3A_51], %broadcast_in_dim3A_3 {add = true} : memref<10240xf32, #tpu.memory_space<vmem>>[vector<16xi32>], vector<16xf32>,
      %get3A_52 = arith.index_cast %scan3A_17 : i32 to index
      %get3A_53 = arith.constant 96 : index
      %get3A_54 = tpu.vector_load %arg4[%get3A_52, %get3A_53] {strides = array<i32>} : memref<80x128xi32, #tpu.memory_space<vmem>>, vector<16xi32>,
      %shift_right_logical3A_55 = arith.constant 16 : i32
      %shift_right_logical3A_56 = vector.broadcast %shift_right_logical3A_55 : i32 to vector<16xi32>
      %shift_right_logical3A_57 = arith.shrui %get3A_54, %shift_right_logical3A_56 : vector<16xi32>
      tpu.vector_store_idx %arg5[%shift_right_logical3A_57], %broadcast_in_dim3A_3 {add = true} : memref<10240xf32, #tpu.memory_space<vmem>>[vector<16xi32>], vector<16xf32>,
      %get3A_58 = arith.index_cast %scan3A_17 : i32 to index
      %get3A_59 = arith.constant 112 : index
      %get3A_60 = tpu.vector_load %arg4[%get3A_58, %get3A_59] {strides = array<i32>} : memref<80x128xi32, #tpu.memory_space<vmem>>, vector<16xi32>,
      %shift_right_logical3A_61 = arith.constant 16 : i32
      %shift_right_logical3A_62 = vector.broadcast %shift_right_logical3A_61 : i32 to vector<16xi32>
      %shift_right_logical3A_63 = arith.shrui %get3A_60, %shift_right_logical3A_62 : vector<16xi32>
      tpu.vector_store_idx %arg5[%shift_right_logical3A_63], %broadcast_in_dim3A_3 {add = true} : memref<10240xf32, #tpu.memory_space<vmem>>[vector<16xi32>], vector<16xf32>,
    }
    %scan3A_16 = arith.constant 80 : i32
    "tpu.region"() ({
      %run_scoped3A = tpu.sem_alloc : memref<!tpu.dma_semaphore, #tpu.memory_space<semaphore_mem>>
      %dma_start3A = arith.constant 0 : i32
      %dma_start3A_17 = tpu.memref_slice %arg3[%add3A, %dma_start3A] : memref<32x10240xf32, #tpu.memory_space<hbm>> -> memref<1x10240xf32, #tpu.memory_space<hbm>>
      %dma_start3A_18 = tpu.memref_squeeze %dma_start3A_17 : memref<1x10240xf32, #tpu.memory_space<hbm>> -> memref<10240xf32, #tpu.memory_space<hbm>>
      %dma_start3A_19 = arith.constant 0 : i32
      %dma_start3A_20 = tpu.memref_slice %arg3[%add3A, %dma_start3A_19] : memref<32x10240xf32, #tpu.memory_space<hbm>> -> memref<1x10240xf32, #tpu.memory_space<hbm>>
      %dma_start3A_21 = tpu.memref_squeeze %dma_start3A_20 : memref<1x10240xf32, #tpu.memory_space<hbm>> -> memref<10240xf32, #tpu.memory_space<hbm>>
      tpu.enqueue_dma source(%arg5 : memref<10240xf32, #tpu.memory_space<vmem>>) target(%dma_start3A_21 : memref<10240xf32, #tpu.memory_space<hbm>>) target_semaphore(%run_scoped3A : memref<!tpu.dma_semaphore, #tpu.memory_space<semaphore_mem>>)
      %dma_wait3A = arith.constant 0 : i32
      %dma_wait3A_22 = tpu.memref_slice %arg3[%add3A, %dma_wait3A] : memref<32x10240xf32, #tpu.memory_space<hbm>> -> memref<1x10240xf32, #tpu.memory_space<hbm>>
      %dma_wait3A_23 = tpu.memref_squeeze %dma_wait3A_22 : memref<1x10240xf32, #tpu.memory_space<hbm>> -> memref<10240xf32, #tpu.memory_space<hbm>>
      %dma_wait3A_24 = arith.constant 0 : i32
      %dma_wait3A_25 = tpu.memref_slice %arg3[%add3A, %dma_wait3A_24] : memref<32x10240xf32, #tpu.memory_space<hbm>> -> memref<1x10240xf32, #tpu.memory_space<hbm>>
      %dma_wait3A_26 = tpu.memref_squeeze %dma_wait3A_25 : memref<1x10240xf32, #tpu.memory_space<hbm>> -> memref<10240xf32, #tpu.memory_space<hbm>>
      tpu.wait_dma2 semaphore(%run_scoped3A : memref<!tpu.dma_semaphore, #tpu.memory_space<semaphore_mem>>) src(%arg5 : memref<10240xf32, #tpu.memory_space<vmem>>) dst(%dma_wait3A_26 : memref<10240xf32, #tpu.memory_space<hbm>>)
      tpu.yield
    }) : () -> ()
    return
  }
}

#map = affine_map<(d0, d1) -> (0, 0)>
#map1 = affine_map<(d0, d1) -> (0, 0, 0)>
module attributes {stable_mosaic.version = 14 : i64} {
  func.func @_sc_agg_body(%arg0: i32, %arg1: i32, %arg2: memref<10240x128xf32, #tpu.memory_space<hbm>>, %arg3: memref<2560x128xi32, #tpu.memory_space<hbm>>, %arg4: memref<2x10240x128xf32, #tpu.memory_space<hbm>>, %arg5: memref<80x128xi32, #tpu.memory_space<vmem>>, %arg6: memref<2x128xi32, #tpu.memory_space<vmem>>, %arg7: memref<2x128xi32, #tpu.memory_space<vmem>>, %arg8: memref<2x128x128xf32, #tpu.memory_space<vmem>>, %arg9: memref<10240x128xf32, #tpu.memory_space<vmem_shared>>, %arg10: memref<!tpu.dma_semaphore, #tpu.memory_space<semaphore_mem>>, %arg11: memref<!tpu.dma_semaphore, #tpu.memory_space<semaphore_mem>>) attributes {dimension_semantics = [#tpu.dimension_semantics<core_parallel>, #tpu.dimension_semantics<subcore_parallel>], iteration_bounds = array<i64: 2, 16>, scalar_prefetch = 0 : i64, scratch_operands = 7 : i64, tpu.core_type = #tpu.core_type<sc_vector_subcore>, window_params = [{transform_indices = #map}, {transform_indices = #map}, {transform_indices = #map1}]} {
    %mul3A = arith.constant 16 : i32
    %mul3A_0 = arith.muli %arg0, %mul3A : i32
    %add3A = arith.addi %mul3A_0, %arg1 : i32
    %broadcast_in_dim3A = arith.constant 0.000000e+00 : f32
    %broadcast_in_dim3A_1 = vector.broadcast %broadcast_in_dim3A : f32 to vector<16xf32>
    %scan3A = arith.constant 0 : i32
    %scan3A_2 = arith.constant 0 : i32
    %scan3A_3 = arith.constant 128 : i32
    %scan3A_4 = arith.addi %scan3A_2, %scan3A_3 : i32
    %scan3A_5 = arith.constant 1 : i32
    scf.for %scan3A_378 = %scan3A_2 to %scan3A_4 step %scan3A_5  : i32 {
      %swap3A_379 = arith.constant 0 : i32
      %swap3A_380 = arith.index_cast %swap3A_379 : i32 to index
      %swap3A_381 = arith.index_cast %scan3A_378 : i32 to index
      %swap3A_382 = arith.constant 0 : index
      %swap3A_383 = tpu.vector_load %arg8[%swap3A_380, %swap3A_381, %swap3A_382] {strides = array<i32>} : memref<2x128x128xf32, #tpu.memory_space<vmem>>, vector<16xf32>,
      tpu.vector_store %arg8[%swap3A_380, %swap3A_381, %swap3A_382], %broadcast_in_dim3A_1 {strides = array<i32>} : memref<2x128x128xf32, #tpu.memory_space<vmem>>, vector<16xf32>,
      %swap3A_384 = arith.constant 0 : i32
      %swap3A_385 = arith.index_cast %swap3A_384 : i32 to index
      %swap3A_386 = arith.index_cast %scan3A_378 : i32 to index
      %swap3A_387 = arith.constant 16 : index
      %swap3A_388 = tpu.vector_load %arg8[%swap3A_385, %swap3A_386, %swap3A_387] {strides = array<i32>} : memref<2x128x128xf32, #tpu.memory_space<vmem>>, vector<16xf32>,
      tpu.vector_store %arg8[%swap3A_385, %swap3A_386, %swap3A_387], %broadcast_in_dim3A_1 {strides = array<i32>} : memref<2x128x128xf32, #tpu.memory_space<vmem>>, vector<16xf32>,
      %swap3A_389 = arith.constant 0 : i32
      %swap3A_390 = arith.index_cast %swap3A_389 : i32 to index
      %swap3A_391 = arith.index_cast %scan3A_378 : i32 to index
      %swap3A_392 = arith.constant 32 : index
      %swap3A_393 = tpu.vector_load %arg8[%swap3A_390, %swap3A_391, %swap3A_392] {strides = array<i32>} : memref<2x128x128xf32, #tpu.memory_space<vmem>>, vector<16xf32>,
      tpu.vector_store %arg8[%swap3A_390, %swap3A_391, %swap3A_392], %broadcast_in_dim3A_1 {strides = array<i32>} : memref<2x128x128xf32, #tpu.memory_space<vmem>>, vector<16xf32>,
      %swap3A_394 = arith.constant 0 : i32
      %swap3A_395 = arith.index_cast %swap3A_394 : i32 to index
      %swap3A_396 = arith.index_cast %scan3A_378 : i32 to index
      %swap3A_397 = arith.constant 48 : index
      %swap3A_398 = tpu.vector_load %arg8[%swap3A_395, %swap3A_396, %swap3A_397] {strides = array<i32>} : memref<2x128x128xf32, #tpu.memory_space<vmem>>, vector<16xf32>,
      tpu.vector_store %arg8[%swap3A_395, %swap3A_396, %swap3A_397], %broadcast_in_dim3A_1 {strides = array<i32>} : memref<2x128x128xf32, #tpu.memory_space<vmem>>, vector<16xf32>,
      %swap3A_399 = arith.constant 0 : i32
      %swap3A_400 = arith.index_cast %swap3A_399 : i32 to index
      %swap3A_401 = arith.index_cast %scan3A_378 : i32 to index
      %swap3A_402 = arith.constant 64 : index
      %swap3A_403 = tpu.vector_load %arg8[%swap3A_400, %swap3A_401, %swap3A_402] {strides = array<i32>} : memref<2x128x128xf32, #tpu.memory_space<vmem>>, vector<16xf32>,
      tpu.vector_store %arg8[%swap3A_400, %swap3A_401, %swap3A_402], %broadcast_in_dim3A_1 {strides = array<i32>} : memref<2x128x128xf32, #tpu.memory_space<vmem>>, vector<16xf32>,
      %swap3A_404 = arith.constant 0 : i32
      %swap3A_405 = arith.index_cast %swap3A_404 : i32 to index
      %swap3A_406 = arith.index_cast %scan3A_378 : i32 to index
      %swap3A_407 = arith.constant 80 : index
      %swap3A_408 = tpu.vector_load %arg8[%swap3A_405, %swap3A_406, %swap3A_407] {strides = array<i32>} : memref<2x128x128xf32, #tpu.memory_space<vmem>>, vector<16xf32>,
      tpu.vector_store %arg8[%swap3A_405, %swap3A_406, %swap3A_407], %broadcast_in_dim3A_1 {strides = array<i32>} : memref<2x128x128xf32, #tpu.memory_space<vmem>>, vector<16xf32>,
      %swap3A_409 = arith.constant 0 : i32
      %swap3A_410 = arith.index_cast %swap3A_409 : i32 to index
      %swap3A_411 = arith.index_cast %scan3A_378 : i32 to index
      %swap3A_412 = arith.constant 96 : index
      %swap3A_413 = tpu.vector_load %arg8[%swap3A_410, %swap3A_411, %swap3A_412] {strides = array<i32>} : memref<2x128x128xf32, #tpu.memory_space<vmem>>, vector<16xf32>,
      tpu.vector_store %arg8[%swap3A_410, %swap3A_411, %swap3A_412], %broadcast_in_dim3A_1 {strides = array<i32>} : memref<2x128x128xf32, #tpu.memory_space<vmem>>, vector<16xf32>,
      %swap3A_414 = arith.constant 0 : i32
      %swap3A_415 = arith.index_cast %swap3A_414 : i32 to index
      %swap3A_416 = arith.index_cast %scan3A_378 : i32 to index
      %swap3A_417 = arith.constant 112 : index
      %swap3A_418 = tpu.vector_load %arg8[%swap3A_415, %swap3A_416, %swap3A_417] {strides = array<i32>} : memref<2x128x128xf32, #tpu.memory_space<vmem>>, vector<16xf32>,
      tpu.vector_store %arg8[%swap3A_415, %swap3A_416, %swap3A_417], %broadcast_in_dim3A_1 {strides = array<i32>} : memref<2x128x128xf32, #tpu.memory_space<vmem>>, vector<16xf32>,
    }
    %scan3A_6 = arith.constant 128 : i32
    %mul3A_7 = arith.constant 640 : i32
    %mul3A_8 = arith.muli %arg1, %mul3A_7 : i32
    %add3A_9 = arith.constant 0 : i32
    %add3A_10 = arith.addi %mul3A_8, %add3A_9 : i32
    %run_scoped3A = arith.constant 0 : i32
    "tpu.region"() ({
      %run_scoped3A_378 = tpu.sem_alloc : memref<!tpu.dma_semaphore, #tpu.memory_space<semaphore_mem>>
      %dma_start3A_379 = arith.constant 0 : i32
      %dma_start3A_380 = arith.constant 0 : i32
      %dma_start3A_381 = tpu.memref_slice %arg8[%run_scoped3A, %dma_start3A_379, %dma_start3A_380] : memref<2x128x128xf32, #tpu.memory_space<vmem>> -> memref<1x128x128xf32, #tpu.memory_space<vmem>>
      %dma_start3A_382 = tpu.memref_squeeze %dma_start3A_381 : memref<1x128x128xf32, #tpu.memory_space<vmem>> -> memref<128x128xf32, #tpu.memory_space<vmem>>
      %dma_start3A_383 = arith.constant 0 : i32
      %dma_start3A_384 = tpu.memref_slice %arg9[%add3A_10, %dma_start3A_383] : memref<10240x128xf32, #tpu.memory_space<vmem_shared>> -> memref<128x128xf32, #tpu.memory_space<vmem_shared>>
      %dma_start3A_385 = arith.constant 0 : i32
      %dma_start3A_386 = tpu.memref_slice %arg9[%add3A_10, %dma_start3A_385] : memref<10240x128xf32, #tpu.memory_space<vmem_shared>> -> memref<128x128xf32, #tpu.memory_space<vmem_shared>>
      %dma_start3A_387 = arith.constant 0 : i32
      %dma_start3A_388 = arith.constant 0 : i32
      %dma_start3A_389 = tpu.memref_slice %arg8[%run_scoped3A, %dma_start3A_387, %dma_start3A_388] : memref<2x128x128xf32, #tpu.memory_space<vmem>> -> memref<1x128x128xf32, #tpu.memory_space<vmem>>
      %dma_start3A_390 = tpu.memref_squeeze %dma_start3A_389 : memref<1x128x128xf32, #tpu.memory_space<vmem>> -> memref<128x128xf32, #tpu.memory_space<vmem>>
      tpu.enqueue_dma source(%dma_start3A_390 : memref<128x128xf32, #tpu.memory_space<vmem>>) target(%dma_start3A_386 : memref<128x128xf32, #tpu.memory_space<vmem_shared>>) target_semaphore(%run_scoped3A_378 : memref<!tpu.dma_semaphore, #tpu.memory_space<semaphore_mem>>)
      %dma_wait3A_391 = arith.constant 0 : i32
      %dma_wait3A_392 = arith.constant 0 : i32
      %dma_wait3A_393 = tpu.memref_slice %arg8[%run_scoped3A, %dma_wait3A_391, %dma_wait3A_392] : memref<2x128x128xf32, #tpu.memory_space<vmem>> -> memref<1x128x128xf32, #tpu.memory_space<vmem>>
      %dma_wait3A_394 = tpu.memref_squeeze %dma_wait3A_393 : memref<1x128x128xf32, #tpu.memory_space<vmem>> -> memref<128x128xf32, #tpu.memory_space<vmem>>
      %dma_wait3A_395 = arith.constant 0 : i32
      %dma_wait3A_396 = tpu.memref_slice %arg9[%add3A_10, %dma_wait3A_395] : memref<10240x128xf32, #tpu.memory_space<vmem_shared>> -> memref<128x128xf32, #tpu.memory_space<vmem_shared>>
      %dma_wait3A_397 = arith.constant 0 : i32
      %dma_wait3A_398 = tpu.memref_slice %arg9[%add3A_10, %dma_wait3A_397] : memref<10240x128xf32, #tpu.memory_space<vmem_shared>> -> memref<128x128xf32, #tpu.memory_space<vmem_shared>>
      %dma_wait3A_399 = arith.constant 0 : i32
      %dma_wait3A_400 = arith.constant 0 : i32
      %dma_wait3A_401 = tpu.memref_slice %arg8[%run_scoped3A, %dma_wait3A_399, %dma_wait3A_400] : memref<2x128x128xf32, #tpu.memory_space<vmem>> -> memref<1x128x128xf32, #tpu.memory_space<vmem>>
      %dma_wait3A_402 = tpu.memref_squeeze %dma_wait3A_401 : memref<1x128x128xf32, #tpu.memory_space<vmem>> -> memref<128x128xf32, #tpu.memory_space<vmem>>
      tpu.wait_dma2 semaphore(%run_scoped3A_378 : memref<!tpu.dma_semaphore, #tpu.memory_space<semaphore_mem>>) src(%dma_wait3A_402 : memref<128x128xf32, #tpu.memory_space<vmem>>) dst(%dma_wait3A_398 : memref<128x128xf32, #tpu.memory_space<vmem_shared>>)
      tpu.yield
    }) : () -> ()
    %mul3A_11 = arith.constant 640 : i32
    %mul3A_12 = arith.muli %arg1, %mul3A_11 : i32
    %add3A_13 = arith.constant 128 : i32
    %add3A_14 = arith.addi %mul3A_12, %add3A_13 : i32
    %run_scoped3A_15 = arith.constant 0 : i32
    "tpu.region"() ({
      %run_scoped3A_378 = tpu.sem_alloc : memref<!tpu.dma_semaphore, #tpu.memory_space<semaphore_mem>>
      %dma_start3A_379 = arith.constant 0 : i32
      %dma_start3A_380 = arith.constant 0 : i32
      %dma_start3A_381 = tpu.memref_slice %arg8[%run_scoped3A_15, %dma_start3A_379, %dma_start3A_380] : memref<2x128x128xf32, #tpu.memory_space<vmem>> -> memref<1x128x128xf32, #tpu.memory_space<vmem>>
      %dma_start3A_382 = tpu.memref_squeeze %dma_start3A_381 : memref<1x128x128xf32, #tpu.memory_space<vmem>> -> memref<128x128xf32, #tpu.memory_space<vmem>>
      %dma_start3A_383 = arith.constant 0 : i32
      %dma_start3A_384 = tpu.memref_slice %arg9[%add3A_14, %dma_start3A_383] : memref<10240x128xf32, #tpu.memory_space<vmem_shared>> -> memref<128x128xf32, #tpu.memory_space<vmem_shared>>
      %dma_start3A_385 = arith.constant 0 : i32
      %dma_start3A_386 = tpu.memref_slice %arg9[%add3A_14, %dma_start3A_385] : memref<10240x128xf32, #tpu.memory_space<vmem_shared>> -> memref<128x128xf32, #tpu.memory_space<vmem_shared>>
      %dma_start3A_387 = arith.constant 0 : i32
      %dma_start3A_388 = arith.constant 0 : i32
      %dma_start3A_389 = tpu.memref_slice %arg8[%run_scoped3A_15, %dma_start3A_387, %dma_start3A_388] : memref<2x128x128xf32, #tpu.memory_space<vmem>> -> memref<1x128x128xf32, #tpu.memory_space<vmem>>
      %dma_start3A_390 = tpu.memref_squeeze %dma_start3A_389 : memref<1x128x128xf32, #tpu.memory_space<vmem>> -> memref<128x128xf32, #tpu.memory_space<vmem>>
      tpu.enqueue_dma source(%dma_start3A_390 : memref<128x128xf32, #tpu.memory_space<vmem>>) target(%dma_start3A_386 : memref<128x128xf32, #tpu.memory_space<vmem_shared>>) target_semaphore(%run_scoped3A_378 : memref<!tpu.dma_semaphore, #tpu.memory_space<semaphore_mem>>)
      %dma_wait3A_391 = arith.constant 0 : i32
      %dma_wait3A_392 = arith.constant 0 : i32
      %dma_wait3A_393 = tpu.memref_slice %arg8[%run_scoped3A_15, %dma_wait3A_391, %dma_wait3A_392] : memref<2x128x128xf32, #tpu.memory_space<vmem>> -> memref<1x128x128xf32, #tpu.memory_space<vmem>>
      %dma_wait3A_394 = tpu.memref_squeeze %dma_wait3A_393 : memref<1x128x128xf32, #tpu.memory_space<vmem>> -> memref<128x128xf32, #tpu.memory_space<vmem>>
      %dma_wait3A_395 = arith.constant 0 : i32
      %dma_wait3A_396 = tpu.memref_slice %arg9[%add3A_14, %dma_wait3A_395] : memref<10240x128xf32, #tpu.memory_space<vmem_shared>> -> memref<128x128xf32, #tpu.memory_space<vmem_shared>>
      %dma_wait3A_397 = arith.constant 0 : i32
      %dma_wait3A_398 = tpu.memref_slice %arg9[%add3A_14, %dma_wait3A_397] : memref<10240x128xf32, #tpu.memory_space<vmem_shared>> -> memref<128x128xf32, #tpu.memory_space<vmem_shared>>
      %dma_wait3A_399 = arith.constant 0 : i32
      %dma_wait3A_400 = arith.constant 0 : i32
      %dma_wait3A_401 = tpu.memref_slice %arg8[%run_scoped3A_15, %dma_wait3A_399, %dma_wait3A_400] : memref<2x128x128xf32, #tpu.memory_space<vmem>> -> memref<1x128x128xf32, #tpu.memory_space<vmem>>
      %dma_wait3A_402 = tpu.memref_squeeze %dma_wait3A_401 : memref<1x128x128xf32, #tpu.memory_space<vmem>> -> memref<128x128xf32, #tpu.memory_space<vmem>>
      tpu.wait_dma2 semaphore(%run_scoped3A_378 : memref<!tpu.dma_semaphore, #tpu.memory_space<semaphore_mem>>) src(%dma_wait3A_402 : memref<128x128xf32, #tpu.memory_space<vmem>>) dst(%dma_wait3A_398 : memref<128x128xf32, #tpu.memory_space<vmem_shared>>)
      tpu.yield
    }) : () -> ()
    %mul3A_16 = arith.constant 640 : i32
    %mul3A_17 = arith.muli %arg1, %mul3A_16 : i32
    %add3A_18 = arith.constant 256 : i32
    %add3A_19 = arith.addi %mul3A_17, %add3A_18 : i32
    %run_scoped3A_20 = arith.constant 0 : i32
    "tpu.region"() ({
      %run_scoped3A_378 = tpu.sem_alloc : memref<!tpu.dma_semaphore, #tpu.memory_space<semaphore_mem>>
      %dma_start3A_379 = arith.constant 0 : i32
      %dma_start3A_380 = arith.constant 0 : i32
      %dma_start3A_381 = tpu.memref_slice %arg8[%run_scoped3A_20, %dma_start3A_379, %dma_start3A_380] : memref<2x128x128xf32, #tpu.memory_space<vmem>> -> memref<1x128x128xf32, #tpu.memory_space<vmem>>
      %dma_start3A_382 = tpu.memref_squeeze %dma_start3A_381 : memref<1x128x128xf32, #tpu.memory_space<vmem>> -> memref<128x128xf32, #tpu.memory_space<vmem>>
      %dma_start3A_383 = arith.constant 0 : i32
      %dma_start3A_384 = tpu.memref_slice %arg9[%add3A_19, %dma_start3A_383] : memref<10240x128xf32, #tpu.memory_space<vmem_shared>> -> memref<128x128xf32, #tpu.memory_space<vmem_shared>>
      %dma_start3A_385 = arith.constant 0 : i32
      %dma_start3A_386 = tpu.memref_slice %arg9[%add3A_19, %dma_start3A_385] : memref<10240x128xf32, #tpu.memory_space<vmem_shared>> -> memref<128x128xf32, #tpu.memory_space<vmem_shared>>
      %dma_start3A_387 = arith.constant 0 : i32
      %dma_start3A_388 = arith.constant 0 : i32
      %dma_start3A_389 = tpu.memref_slice %arg8[%run_scoped3A_20, %dma_start3A_387, %dma_start3A_388] : memref<2x128x128xf32, #tpu.memory_space<vmem>> -> memref<1x128x128xf32, #tpu.memory_space<vmem>>
      %dma_start3A_390 = tpu.memref_squeeze %dma_start3A_389 : memref<1x128x128xf32, #tpu.memory_space<vmem>> -> memref<128x128xf32, #tpu.memory_space<vmem>>
      tpu.enqueue_dma source(%dma_start3A_390 : memref<128x128xf32, #tpu.memory_space<vmem>>) target(%dma_start3A_386 : memref<128x128xf32, #tpu.memory_space<vmem_shared>>) target_semaphore(%run_scoped3A_378 : memref<!tpu.dma_semaphore, #tpu.memory_space<semaphore_mem>>)
      %dma_wait3A_391 = arith.constant 0 : i32
      %dma_wait3A_392 = arith.constant 0 : i32
      %dma_wait3A_393 = tpu.memref_slice %arg8[%run_scoped3A_20, %dma_wait3A_391, %dma_wait3A_392] : memref<2x128x128xf32, #tpu.memory_space<vmem>> -> memref<1x128x128xf32, #tpu.memory_space<vmem>>
      %dma_wait3A_394 = tpu.memref_squeeze %dma_wait3A_393 : memref<1x128x128xf32, #tpu.memory_space<vmem>> -> memref<128x128xf32, #tpu.memory_space<vmem>>
      %dma_wait3A_395 = arith.constant 0 : i32
      %dma_wait3A_396 = tpu.memref_slice %arg9[%add3A_19, %dma_wait3A_395] : memref<10240x128xf32, #tpu.memory_space<vmem_shared>> -> memref<128x128xf32, #tpu.memory_space<vmem_shared>>
      %dma_wait3A_397 = arith.constant 0 : i32
      %dma_wait3A_398 = tpu.memref_slice %arg9[%add3A_19, %dma_wait3A_397] : memref<10240x128xf32, #tpu.memory_space<vmem_shared>> -> memref<128x128xf32, #tpu.memory_space<vmem_shared>>
      %dma_wait3A_399 = arith.constant 0 : i32
      %dma_wait3A_400 = arith.constant 0 : i32
      %dma_wait3A_401 = tpu.memref_slice %arg8[%run_scoped3A_20, %dma_wait3A_399, %dma_wait3A_400] : memref<2x128x128xf32, #tpu.memory_space<vmem>> -> memref<1x128x128xf32, #tpu.memory_space<vmem>>
      %dma_wait3A_402 = tpu.memref_squeeze %dma_wait3A_401 : memref<1x128x128xf32, #tpu.memory_space<vmem>> -> memref<128x128xf32, #tpu.memory_space<vmem>>
      tpu.wait_dma2 semaphore(%run_scoped3A_378 : memref<!tpu.dma_semaphore, #tpu.memory_space<semaphore_mem>>) src(%dma_wait3A_402 : memref<128x128xf32, #tpu.memory_space<vmem>>) dst(%dma_wait3A_398 : memref<128x128xf32, #tpu.memory_space<vmem_shared>>)
      tpu.yield
    }) : () -> ()
    %mul3A_21 = arith.constant 640 : i32
    %mul3A_22 = arith.muli %arg1, %mul3A_21 : i32
    %add3A_23 = arith.constant 384 : i32
    %add3A_24 = arith.addi %mul3A_22, %add3A_23 : i32
    %run_scoped3A_25 = arith.constant 0 : i32
    "tpu.region"() ({
      %run_scoped3A_378 = tpu.sem_alloc : memref<!tpu.dma_semaphore, #tpu.memory_space<semaphore_mem>>
      %dma_start3A_379 = arith.constant 0 : i32
      %dma_start3A_380 = arith.constant 0 : i32
      %dma_start3A_381 = tpu.memref_slice %arg8[%run_scoped3A_25, %dma_start3A_379, %dma_start3A_380] : memref<2x128x128xf32, #tpu.memory_space<vmem>> -> memref<1x128x128xf32, #tpu.memory_space<vmem>>
      %dma_start3A_382 = tpu.memref_squeeze %dma_start3A_381 : memref<1x128x128xf32, #tpu.memory_space<vmem>> -> memref<128x128xf32, #tpu.memory_space<vmem>>
      %dma_start3A_383 = arith.constant 0 : i32
      %dma_start3A_384 = tpu.memref_slice %arg9[%add3A_24, %dma_start3A_383] : memref<10240x128xf32, #tpu.memory_space<vmem_shared>> -> memref<128x128xf32, #tpu.memory_space<vmem_shared>>
      %dma_start3A_385 = arith.constant 0 : i32
      %dma_start3A_386 = tpu.memref_slice %arg9[%add3A_24, %dma_start3A_385] : memref<10240x128xf32, #tpu.memory_space<vmem_shared>> -> memref<128x128xf32, #tpu.memory_space<vmem_shared>>
      %dma_start3A_387 = arith.constant 0 : i32
      %dma_start3A_388 = arith.constant 0 : i32
      %dma_start3A_389 = tpu.memref_slice %arg8[%run_scoped3A_25, %dma_start3A_387, %dma_start3A_388] : memref<2x128x128xf32, #tpu.memory_space<vmem>> -> memref<1x128x128xf32, #tpu.memory_space<vmem>>
      %dma_start3A_390 = tpu.memref_squeeze %dma_start3A_389 : memref<1x128x128xf32, #tpu.memory_space<vmem>> -> memref<128x128xf32, #tpu.memory_space<vmem>>
      tpu.enqueue_dma source(%dma_start3A_390 : memref<128x128xf32, #tpu.memory_space<vmem>>) target(%dma_start3A_386 : memref<128x128xf32, #tpu.memory_space<vmem_shared>>) target_semaphore(%run_scoped3A_378 : memref<!tpu.dma_semaphore, #tpu.memory_space<semaphore_mem>>)
      %dma_wait3A_391 = arith.constant 0 : i32
      %dma_wait3A_392 = arith.constant 0 : i32
      %dma_wait3A_393 = tpu.memref_slice %arg8[%run_scoped3A_25, %dma_wait3A_391, %dma_wait3A_392] : memref<2x128x128xf32, #tpu.memory_space<vmem>> -> memref<1x128x128xf32, #tpu.memory_space<vmem>>
      %dma_wait3A_394 = tpu.memref_squeeze %dma_wait3A_393 : memref<1x128x128xf32, #tpu.memory_space<vmem>> -> memref<128x128xf32, #tpu.memory_space<vmem>>
      %dma_wait3A_395 = arith.constant 0 : i32
      %dma_wait3A_396 = tpu.memref_slice %arg9[%add3A_24, %dma_wait3A_395] : memref<10240x128xf32, #tpu.memory_space<vmem_shared>> -> memref<128x128xf32, #tpu.memory_space<vmem_shared>>
      %dma_wait3A_397 = arith.constant 0 : i32
      %dma_wait3A_398 = tpu.memref_slice %arg9[%add3A_24, %dma_wait3A_397] : memref<10240x128xf32, #tpu.memory_space<vmem_shared>> -> memref<128x128xf32, #tpu.memory_space<vmem_shared>>
      %dma_wait3A_399 = arith.constant 0 : i32
      %dma_wait3A_400 = arith.constant 0 : i32
      %dma_wait3A_401 = tpu.memref_slice %arg8[%run_scoped3A_25, %dma_wait3A_399, %dma_wait3A_400] : memref<2x128x128xf32, #tpu.memory_space<vmem>> -> memref<1x128x128xf32, #tpu.memory_space<vmem>>
      %dma_wait3A_402 = tpu.memref_squeeze %dma_wait3A_401 : memref<1x128x128xf32, #tpu.memory_space<vmem>> -> memref<128x128xf32, #tpu.memory_space<vmem>>
      tpu.wait_dma2 semaphore(%run_scoped3A_378 : memref<!tpu.dma_semaphore, #tpu.memory_space<semaphore_mem>>) src(%dma_wait3A_402 : memref<128x128xf32, #tpu.memory_space<vmem>>) dst(%dma_wait3A_398 : memref<128x128xf32, #tpu.memory_space<vmem_shared>>)
      tpu.yield
    }) : () -> ()
    %mul3A_26 = arith.constant 640 : i32
    %mul3A_27 = arith.muli %arg1, %mul3A_26 : i32
    %add3A_28 = arith.constant 512 : i32
    %add3A_29 = arith.addi %mul3A_27, %add3A_28 : i32
    %run_scoped3A_30 = arith.constant 0 : i32
    "tpu.region"() ({
      %run_scoped3A_378 = tpu.sem_alloc : memref<!tpu.dma_semaphore, #tpu.memory_space<semaphore_mem>>
      %dma_start3A_379 = arith.constant 0 : i32
      %dma_start3A_380 = arith.constant 0 : i32
      %dma_start3A_381 = tpu.memref_slice %arg8[%run_scoped3A_30, %dma_start3A_379, %dma_start3A_380] : memref<2x128x128xf32, #tpu.memory_space<vmem>> -> memref<1x128x128xf32, #tpu.memory_space<vmem>>
      %dma_start3A_382 = tpu.memref_squeeze %dma_start3A_381 : memref<1x128x128xf32, #tpu.memory_space<vmem>> -> memref<128x128xf32, #tpu.memory_space<vmem>>
      %dma_start3A_383 = arith.constant 0 : i32
      %dma_start3A_384 = tpu.memref_slice %arg9[%add3A_29, %dma_start3A_383] : memref<10240x128xf32, #tpu.memory_space<vmem_shared>> -> memref<128x128xf32, #tpu.memory_space<vmem_shared>>
      %dma_start3A_385 = arith.constant 0 : i32
      %dma_start3A_386 = tpu.memref_slice %arg9[%add3A_29, %dma_start3A_385] : memref<10240x128xf32, #tpu.memory_space<vmem_shared>> -> memref<128x128xf32, #tpu.memory_space<vmem_shared>>
      %dma_start3A_387 = arith.constant 0 : i32
      %dma_start3A_388 = arith.constant 0 : i32
      %dma_start3A_389 = tpu.memref_slice %arg8[%run_scoped3A_30, %dma_start3A_387, %dma_start3A_388] : memref<2x128x128xf32, #tpu.memory_space<vmem>> -> memref<1x128x128xf32, #tpu.memory_space<vmem>>
      %dma_start3A_390 = tpu.memref_squeeze %dma_start3A_389 : memref<1x128x128xf32, #tpu.memory_space<vmem>> -> memref<128x128xf32, #tpu.memory_space<vmem>>
      tpu.enqueue_dma source(%dma_start3A_390 : memref<128x128xf32, #tpu.memory_space<vmem>>) target(%dma_start3A_386 : memref<128x128xf32, #tpu.memory_space<vmem_shared>>) target_semaphore(%run_scoped3A_378 : memref<!tpu.dma_semaphore, #tpu.memory_space<semaphore_mem>>)
      %dma_wait3A_391 = arith.constant 0 : i32
      %dma_wait3A_392 = arith.constant 0 : i32
      %dma_wait3A_393 = tpu.memref_slice %arg8[%run_scoped3A_30, %dma_wait3A_391, %dma_wait3A_392] : memref<2x128x128xf32, #tpu.memory_space<vmem>> -> memref<1x128x128xf32, #tpu.memory_space<vmem>>
      %dma_wait3A_394 = tpu.memref_squeeze %dma_wait3A_393 : memref<1x128x128xf32, #tpu.memory_space<vmem>> -> memref<128x128xf32, #tpu.memory_space<vmem>>
      %dma_wait3A_395 = arith.constant 0 : i32
      %dma_wait3A_396 = tpu.memref_slice %arg9[%add3A_29, %dma_wait3A_395] : memref<10240x128xf32, #tpu.memory_space<vmem_shared>> -> memref<128x128xf32, #tpu.memory_space<vmem_shared>>
      %dma_wait3A_397 = arith.constant 0 : i32
      %dma_wait3A_398 = tpu.memref_slice %arg9[%add3A_29, %dma_wait3A_397] : memref<10240x128xf32, #tpu.memory_space<vmem_shared>> -> memref<128x128xf32, #tpu.memory_space<vmem_shared>>
      %dma_wait3A_399 = arith.constant 0 : i32
      %dma_wait3A_400 = arith.constant 0 : i32
      %dma_wait3A_401 = tpu.memref_slice %arg8[%run_scoped3A_30, %dma_wait3A_399, %dma_wait3A_400] : memref<2x128x128xf32, #tpu.memory_space<vmem>> -> memref<1x128x128xf32, #tpu.memory_space<vmem>>
      %dma_wait3A_402 = tpu.memref_squeeze %dma_wait3A_401 : memref<1x128x128xf32, #tpu.memory_space<vmem>> -> memref<128x128xf32, #tpu.memory_space<vmem>>
      tpu.wait_dma2 semaphore(%run_scoped3A_378 : memref<!tpu.dma_semaphore, #tpu.memory_space<semaphore_mem>>) src(%dma_wait3A_402 : memref<128x128xf32, #tpu.memory_space<vmem>>) dst(%dma_wait3A_398 : memref<128x128xf32, #tpu.memory_space<vmem_shared>>)
      tpu.yield
    }) : () -> ()
    %mul3A_31 = arith.constant 80 : i32
    %mul3A_32 = arith.muli %add3A, %mul3A_31 : i32
    "tpu.region"() ({
      %run_scoped3A_378 = tpu.sem_alloc : memref<!tpu.dma_semaphore, #tpu.memory_space<semaphore_mem>>
      %dma_start3A_379 = arith.constant 0 : i32
      %dma_start3A_380 = tpu.memref_slice %arg3[%mul3A_32, %dma_start3A_379] : memref<2560x128xi32, #tpu.memory_space<hbm>> -> memref<80x128xi32, #tpu.memory_space<hbm>>
      %dma_start3A_381 = arith.constant 0 : i32
      %dma_start3A_382 = tpu.memref_slice %arg3[%mul3A_32, %dma_start3A_381] : memref<2560x128xi32, #tpu.memory_space<hbm>> -> memref<80x128xi32, #tpu.memory_space<hbm>>
      tpu.enqueue_dma source(%dma_start3A_382 : memref<80x128xi32, #tpu.memory_space<hbm>>) target(%arg5 : memref<80x128xi32, #tpu.memory_space<vmem>>) target_semaphore(%run_scoped3A_378 : memref<!tpu.dma_semaphore, #tpu.memory_space<semaphore_mem>>)
      %dma_wait3A_383 = arith.constant 0 : i32
      %dma_wait3A_384 = tpu.memref_slice %arg3[%mul3A_32, %dma_wait3A_383] : memref<2560x128xi32, #tpu.memory_space<hbm>> -> memref<80x128xi32, #tpu.memory_space<hbm>>
      %dma_wait3A_385 = arith.constant 0 : i32
      %dma_wait3A_386 = tpu.memref_slice %arg3[%mul3A_32, %dma_wait3A_385] : memref<2560x128xi32, #tpu.memory_space<hbm>> -> memref<80x128xi32, #tpu.memory_space<hbm>>
      tpu.wait_dma2 semaphore(%run_scoped3A_378 : memref<!tpu.dma_semaphore, #tpu.memory_space<semaphore_mem>>) src(%dma_wait3A_386 : memref<80x128xi32, #tpu.memory_space<hbm>>) dst(%arg5 : memref<80x128xi32, #tpu.memory_space<vmem>>)
      tpu.yield
    }) : () -> ()
    %barrier3A = arith.constant 0 : index
    tpu.barrier barrier_id(%barrier3A)
    %get3A = arith.constant 0 : i32
    %get3A_33 = arith.index_cast %get3A : i32 to index
    %get3A_34 = arith.constant 0 : index
    %get3A_35 = tpu.vector_load %arg5[%get3A_33, %get3A_34] {strides = array<i32>} : memref<80x128xi32, #tpu.memory_space<vmem>>, vector<16xi32>,
    %and3A = arith.constant 65535 : i32
    %and3A_36 = vector.broadcast %and3A : i32 to vector<16xi32>
    %and3A_37 = arith.andi %get3A_35, %and3A_36 : vector<16xi32>
    %swap3A = arith.constant 0 : i32
    %swap3A_38 = arith.index_cast %swap3A : i32 to index
    %swap3A_39 = arith.constant 0 : index
    %swap3A_40 = tpu.vector_load %arg6[%swap3A_38, %swap3A_39] {strides = array<i32>} : memref<2x128xi32, #tpu.memory_space<vmem>>, vector<16xi32>,
    tpu.vector_store %arg6[%swap3A_38, %swap3A_39], %and3A_37 {strides = array<i32>} : memref<2x128xi32, #tpu.memory_space<vmem>>, vector<16xi32>,
    %shift_right_logical3A = arith.constant 16 : i32
    %shift_right_logical3A_41 = vector.broadcast %shift_right_logical3A : i32 to vector<16xi32>
    %shift_right_logical3A_42 = arith.shrui %get3A_35, %shift_right_logical3A_41 : vector<16xi32>
    %swap3A_43 = arith.constant 0 : i32
    %swap3A_44 = arith.index_cast %swap3A_43 : i32 to index
    %swap3A_45 = arith.constant 0 : index
    %swap3A_46 = tpu.vector_load %arg7[%swap3A_44, %swap3A_45] {strides = array<i32>} : memref<2x128xi32, #tpu.memory_space<vmem>>, vector<16xi32>,
    tpu.vector_store %arg7[%swap3A_44, %swap3A_45], %shift_right_logical3A_42 {strides = array<i32>} : memref<2x128xi32, #tpu.memory_space<vmem>>, vector<16xi32>,
    %get3A_47 = arith.constant 0 : i32
    %get3A_48 = arith.index_cast %get3A_47 : i32 to index
    %get3A_49 = arith.constant 16 : index
    %get3A_50 = tpu.vector_load %arg5[%get3A_48, %get3A_49] {strides = array<i32>} : memref<80x128xi32, #tpu.memory_space<vmem>>, vector<16xi32>,
    %and3A_51 = arith.constant 65535 : i32
    %and3A_52 = vector.broadcast %and3A_51 : i32 to vector<16xi32>
    %and3A_53 = arith.andi %get3A_50, %and3A_52 : vector<16xi32>
    %swap3A_54 = arith.constant 0 : i32
    %swap3A_55 = arith.index_cast %swap3A_54 : i32 to index
    %swap3A_56 = arith.constant 16 : index
    %swap3A_57 = tpu.vector_load %arg6[%swap3A_55, %swap3A_56] {strides = array<i32>} : memref<2x128xi32, #tpu.memory_space<vmem>>, vector<16xi32>,
    tpu.vector_store %arg6[%swap3A_55, %swap3A_56], %and3A_53 {strides = array<i32>} : memref<2x128xi32, #tpu.memory_space<vmem>>, vector<16xi32>,
    %shift_right_logical3A_58 = arith.constant 16 : i32
    %shift_right_logical3A_59 = vector.broadcast %shift_right_logical3A_58 : i32 to vector<16xi32>
    %shift_right_logical3A_60 = arith.shrui %get3A_50, %shift_right_logical3A_59 : vector<16xi32>
    %swap3A_61 = arith.constant 0 : i32
    %swap3A_62 = arith.index_cast %swap3A_61 : i32 to index
    %swap3A_63 = arith.constant 16 : index
    %swap3A_64 = tpu.vector_load %arg7[%swap3A_62, %swap3A_63] {strides = array<i32>} : memref<2x128xi32, #tpu.memory_space<vmem>>, vector<16xi32>,
    tpu.vector_store %arg7[%swap3A_62, %swap3A_63], %shift_right_logical3A_60 {strides = array<i32>} : memref<2x128xi32, #tpu.memory_space<vmem>>, vector<16xi32>,
    %get3A_65 = arith.constant 0 : i32
    %get3A_66 = arith.index_cast %get3A_65 : i32 to index
    %get3A_67 = arith.constant 32 : index
    %get3A_68 = tpu.vector_load %arg5[%get3A_66, %get3A_67] {strides = array<i32>} : memref<80x128xi32, #tpu.memory_space<vmem>>, vector<16xi32>,
    %and3A_69 = arith.constant 65535 : i32
    %and3A_70 = vector.broadcast %and3A_69 : i32 to vector<16xi32>
    %and3A_71 = arith.andi %get3A_68, %and3A_70 : vector<16xi32>
    %swap3A_72 = arith.constant 0 : i32
    %swap3A_73 = arith.index_cast %swap3A_72 : i32 to index
    %swap3A_74 = arith.constant 32 : index
    %swap3A_75 = tpu.vector_load %arg6[%swap3A_73, %swap3A_74] {strides = array<i32>} : memref<2x128xi32, #tpu.memory_space<vmem>>, vector<16xi32>,
    tpu.vector_store %arg6[%swap3A_73, %swap3A_74], %and3A_71 {strides = array<i32>} : memref<2x128xi32, #tpu.memory_space<vmem>>, vector<16xi32>,
    %shift_right_logical3A_76 = arith.constant 16 : i32
    %shift_right_logical3A_77 = vector.broadcast %shift_right_logical3A_76 : i32 to vector<16xi32>
    %shift_right_logical3A_78 = arith.shrui %get3A_68, %shift_right_logical3A_77 : vector<16xi32>
    %swap3A_79 = arith.constant 0 : i32
    %swap3A_80 = arith.index_cast %swap3A_79 : i32 to index
    %swap3A_81 = arith.constant 32 : index
    %swap3A_82 = tpu.vector_load %arg7[%swap3A_80, %swap3A_81] {strides = array<i32>} : memref<2x128xi32, #tpu.memory_space<vmem>>, vector<16xi32>,
    tpu.vector_store %arg7[%swap3A_80, %swap3A_81], %shift_right_logical3A_78 {strides = array<i32>} : memref<2x128xi32, #tpu.memory_space<vmem>>, vector<16xi32>,
    %get3A_83 = arith.constant 0 : i32
    %get3A_84 = arith.index_cast %get3A_83 : i32 to index
    %get3A_85 = arith.constant 48 : index
    %get3A_86 = tpu.vector_load %arg5[%get3A_84, %get3A_85] {strides = array<i32>} : memref<80x128xi32, #tpu.memory_space<vmem>>, vector<16xi32>,
    %and3A_87 = arith.constant 65535 : i32
    %and3A_88 = vector.broadcast %and3A_87 : i32 to vector<16xi32>
    %and3A_89 = arith.andi %get3A_86, %and3A_88 : vector<16xi32>
    %swap3A_90 = arith.constant 0 : i32
    %swap3A_91 = arith.index_cast %swap3A_90 : i32 to index
    %swap3A_92 = arith.constant 48 : index
    %swap3A_93 = tpu.vector_load %arg6[%swap3A_91, %swap3A_92] {strides = array<i32>} : memref<2x128xi32, #tpu.memory_space<vmem>>, vector<16xi32>,
    tpu.vector_store %arg6[%swap3A_91, %swap3A_92], %and3A_89 {strides = array<i32>} : memref<2x128xi32, #tpu.memory_space<vmem>>, vector<16xi32>,
    %shift_right_logical3A_94 = arith.constant 16 : i32
    %shift_right_logical3A_95 = vector.broadcast %shift_right_logical3A_94 : i32 to vector<16xi32>
    %shift_right_logical3A_96 = arith.shrui %get3A_86, %shift_right_logical3A_95 : vector<16xi32>
    %swap3A_97 = arith.constant 0 : i32
    %swap3A_98 = arith.index_cast %swap3A_97 : i32 to index
    %swap3A_99 = arith.constant 48 : index
    %swap3A_100 = tpu.vector_load %arg7[%swap3A_98, %swap3A_99] {strides = array<i32>} : memref<2x128xi32, #tpu.memory_space<vmem>>, vector<16xi32>,
    tpu.vector_store %arg7[%swap3A_98, %swap3A_99], %shift_right_logical3A_96 {strides = array<i32>} : memref<2x128xi32, #tpu.memory_space<vmem>>, vector<16xi32>,
    %get3A_101 = arith.constant 0 : i32
    %get3A_102 = arith.index_cast %get3A_101 : i32 to index
    %get3A_103 = arith.constant 64 : index
    %get3A_104 = tpu.vector_load %arg5[%get3A_102, %get3A_103] {strides = array<i32>} : memref<80x128xi32, #tpu.memory_space<vmem>>, vector<16xi32>,
    %and3A_105 = arith.constant 65535 : i32
    %and3A_106 = vector.broadcast %and3A_105 : i32 to vector<16xi32>
    %and3A_107 = arith.andi %get3A_104, %and3A_106 : vector<16xi32>
    %swap3A_108 = arith.constant 0 : i32
    %swap3A_109 = arith.index_cast %swap3A_108 : i32 to index
    %swap3A_110 = arith.constant 64 : index
    %swap3A_111 = tpu.vector_load %arg6[%swap3A_109, %swap3A_110] {strides = array<i32>} : memref<2x128xi32, #tpu.memory_space<vmem>>, vector<16xi32>,
    tpu.vector_store %arg6[%swap3A_109, %swap3A_110], %and3A_107 {strides = array<i32>} : memref<2x128xi32, #tpu.memory_space<vmem>>, vector<16xi32>,
    %shift_right_logical3A_112 = arith.constant 16 : i32
    %shift_right_logical3A_113 = vector.broadcast %shift_right_logical3A_112 : i32 to vector<16xi32>
    %shift_right_logical3A_114 = arith.shrui %get3A_104, %shift_right_logical3A_113 : vector<16xi32>
    %swap3A_115 = arith.constant 0 : i32
    %swap3A_116 = arith.index_cast %swap3A_115 : i32 to index
    %swap3A_117 = arith.constant 64 : index
    %swap3A_118 = tpu.vector_load %arg7[%swap3A_116, %swap3A_117] {strides = array<i32>} : memref<2x128xi32, #tpu.memory_space<vmem>>, vector<16xi32>,
    tpu.vector_store %arg7[%swap3A_116, %swap3A_117], %shift_right_logical3A_114 {strides = array<i32>} : memref<2x128xi32, #tpu.memory_space<vmem>>, vector<16xi32>,
    %get3A_119 = arith.constant 0 : i32
    %get3A_120 = arith.index_cast %get3A_119 : i32 to index
    %get3A_121 = arith.constant 80 : index
    %get3A_122 = tpu.vector_load %arg5[%get3A_120, %get3A_121] {strides = array<i32>} : memref<80x128xi32, #tpu.memory_space<vmem>>, vector<16xi32>,
    %and3A_123 = arith.constant 65535 : i32
    %and3A_124 = vector.broadcast %and3A_123 : i32 to vector<16xi32>
    %and3A_125 = arith.andi %get3A_122, %and3A_124 : vector<16xi32>
    %swap3A_126 = arith.constant 0 : i32
    %swap3A_127 = arith.index_cast %swap3A_126 : i32 to index
    %swap3A_128 = arith.constant 80 : index
    %swap3A_129 = tpu.vector_load %arg6[%swap3A_127, %swap3A_128] {strides = array<i32>} : memref<2x128xi32, #tpu.memory_space<vmem>>, vector<16xi32>,
    tpu.vector_store %arg6[%swap3A_127, %swap3A_128], %and3A_125 {strides = array<i32>} : memref<2x128xi32, #tpu.memory_space<vmem>>, vector<16xi32>,
    %shift_right_logical3A_130 = arith.constant 16 : i32
    %shift_right_logical3A_131 = vector.broadcast %shift_right_logical3A_130 : i32 to vector<16xi32>
    %shift_right_logical3A_132 = arith.shrui %get3A_122, %shift_right_logical3A_131 : vector<16xi32>
    %swap3A_133 = arith.constant 0 : i32
    %swap3A_134 = arith.index_cast %swap3A_133 : i32 to index
    %swap3A_135 = arith.constant 80 : index
    %swap3A_136 = tpu.vector_load %arg7[%swap3A_134, %swap3A_135] {strides = array<i32>} : memref<2x128xi32, #tpu.memory_space<vmem>>, vector<16xi32>,
    tpu.vector_store %arg7[%swap3A_134, %swap3A_135], %shift_right_logical3A_132 {strides = array<i32>} : memref<2x128xi32, #tpu.memory_space<vmem>>, vector<16xi32>,
    %get3A_137 = arith.constant 0 : i32
    %get3A_138 = arith.index_cast %get3A_137 : i32 to index
    %get3A_139 = arith.constant 96 : index
    %get3A_140 = tpu.vector_load %arg5[%get3A_138, %get3A_139] {strides = array<i32>} : memref<80x128xi32, #tpu.memory_space<vmem>>, vector<16xi32>,
    %and3A_141 = arith.constant 65535 : i32
    %and3A_142 = vector.broadcast %and3A_141 : i32 to vector<16xi32>
    %and3A_143 = arith.andi %get3A_140, %and3A_142 : vector<16xi32>
    %swap3A_144 = arith.constant 0 : i32
    %swap3A_145 = arith.index_cast %swap3A_144 : i32 to index
    %swap3A_146 = arith.constant 96 : index
    %swap3A_147 = tpu.vector_load %arg6[%swap3A_145, %swap3A_146] {strides = array<i32>} : memref<2x128xi32, #tpu.memory_space<vmem>>, vector<16xi32>,
    tpu.vector_store %arg6[%swap3A_145, %swap3A_146], %and3A_143 {strides = array<i32>} : memref<2x128xi32, #tpu.memory_space<vmem>>, vector<16xi32>,
    %shift_right_logical3A_148 = arith.constant 16 : i32
    %shift_right_logical3A_149 = vector.broadcast %shift_right_logical3A_148 : i32 to vector<16xi32>
    %shift_right_logical3A_150 = arith.shrui %get3A_140, %shift_right_logical3A_149 : vector<16xi32>
    %swap3A_151 = arith.constant 0 : i32
    %swap3A_152 = arith.index_cast %swap3A_151 : i32 to index
    %swap3A_153 = arith.constant 96 : index
    %swap3A_154 = tpu.vector_load %arg7[%swap3A_152, %swap3A_153] {strides = array<i32>} : memref<2x128xi32, #tpu.memory_space<vmem>>, vector<16xi32>,
    tpu.vector_store %arg7[%swap3A_152, %swap3A_153], %shift_right_logical3A_150 {strides = array<i32>} : memref<2x128xi32, #tpu.memory_space<vmem>>, vector<16xi32>,
    %get3A_155 = arith.constant 0 : i32
    %get3A_156 = arith.index_cast %get3A_155 : i32 to index
    %get3A_157 = arith.constant 112 : index
    %get3A_158 = tpu.vector_load %arg5[%get3A_156, %get3A_157] {strides = array<i32>} : memref<80x128xi32, #tpu.memory_space<vmem>>, vector<16xi32>,
    %and3A_159 = arith.constant 65535 : i32
    %and3A_160 = vector.broadcast %and3A_159 : i32 to vector<16xi32>
    %and3A_161 = arith.andi %get3A_158, %and3A_160 : vector<16xi32>
    %swap3A_162 = arith.constant 0 : i32
    %swap3A_163 = arith.index_cast %swap3A_162 : i32 to index
    %swap3A_164 = arith.constant 112 : index
    %swap3A_165 = tpu.vector_load %arg6[%swap3A_163, %swap3A_164] {strides = array<i32>} : memref<2x128xi32, #tpu.memory_space<vmem>>, vector<16xi32>,
    tpu.vector_store %arg6[%swap3A_163, %swap3A_164], %and3A_161 {strides = array<i32>} : memref<2x128xi32, #tpu.memory_space<vmem>>, vector<16xi32>,
    %shift_right_logical3A_166 = arith.constant 16 : i32
    %shift_right_logical3A_167 = vector.broadcast %shift_right_logical3A_166 : i32 to vector<16xi32>
    %shift_right_logical3A_168 = arith.shrui %get3A_158, %shift_right_logical3A_167 : vector<16xi32>
    %swap3A_169 = arith.constant 0 : i32
    %swap3A_170 = arith.index_cast %swap3A_169 : i32 to index
    %swap3A_171 = arith.constant 112 : index
    %swap3A_172 = tpu.vector_load %arg7[%swap3A_170, %swap3A_171] {strides = array<i32>} : memref<2x128xi32, #tpu.memory_space<vmem>>, vector<16xi32>,
    tpu.vector_store %arg7[%swap3A_170, %swap3A_171], %shift_right_logical3A_168 {strides = array<i32>} : memref<2x128xi32, #tpu.memory_space<vmem>>, vector<16xi32>,
    %dma_start3A = arith.constant 0 : i32
    %dma_start3A_173 = arith.constant 0 : i32
    %dma_start3A_174 = arith.constant 0 : i32
    %dma_start3A_175 = arith.constant 0 : i32
    %dma_start3A_176 = tpu.memref_slice %arg8[%dma_start3A_173, %dma_start3A_174, %dma_start3A_175] : memref<2x128x128xf32, #tpu.memory_space<vmem>> -> memref<1x128x128xf32, #tpu.memory_space<vmem>>
    %dma_start3A_177 = tpu.memref_squeeze %dma_start3A_176 : memref<1x128x128xf32, #tpu.memory_space<vmem>> -> memref<128x128xf32, #tpu.memory_space<vmem>>
    %dma_start3A_178 = arith.constant 0 : i32
    %dma_start3A_179 = tpu.memref_slice %arg6[%dma_start3A, %dma_start3A_178] : memref<2x128xi32, #tpu.memory_space<vmem>> -> memref<1x128xi32, #tpu.memory_space<vmem>>
    %dma_start3A_180 = tpu.memref_squeeze %dma_start3A_179 : memref<1x128xi32, #tpu.memory_space<vmem>> -> memref<128xi32, #tpu.memory_space<vmem>>
    %dma_start3A_181 = arith.constant 0 : i32
    %dma_start3A_182 = arith.constant 0 : i32
    %dma_start3A_183 = tpu.memref_slice %arg2[%dma_start3A_181, %dma_start3A_182] : memref<10240x128xf32, #tpu.memory_space<hbm>> -> memref<10240x128xf32, #tpu.memory_space<hbm>>
    tpu.enqueue_indirect_dma source(%dma_start3A_183 : memref<10240x128xf32, #tpu.memory_space<hbm>>) target(%dma_start3A_177 : memref<128x128xf32, #tpu.memory_space<vmem>>) offsets(%dma_start3A_180 : memref<128xi32, #tpu.memory_space<vmem>>) semaphore(%arg10 : memref<!tpu.dma_semaphore, #tpu.memory_space<semaphore_mem>>)
    %get3A_184 = arith.constant 1 : i32
    %get3A_185 = arith.index_cast %get3A_184 : i32 to index
    %get3A_186 = arith.constant 0 : index
    %get3A_187 = tpu.vector_load %arg5[%get3A_185, %get3A_186] {strides = array<i32>} : memref<80x128xi32, #tpu.memory_space<vmem>>, vector<16xi32>,
    %and3A_188 = arith.constant 65535 : i32
    %and3A_189 = vector.broadcast %and3A_188 : i32 to vector<16xi32>
    %and3A_190 = arith.andi %get3A_187, %and3A_189 : vector<16xi32>
    %swap3A_191 = arith.constant 1 : i32
    %swap3A_192 = arith.index_cast %swap3A_191 : i32 to index
    %swap3A_193 = arith.constant 0 : index
    %swap3A_194 = tpu.vector_load %arg6[%swap3A_192, %swap3A_193] {strides = array<i32>} : memref<2x128xi32, #tpu.memory_space<vmem>>, vector<16xi32>,
    tpu.vector_store %arg6[%swap3A_192, %swap3A_193], %and3A_190 {strides = array<i32>} : memref<2x128xi32, #tpu.memory_space<vmem>>, vector<16xi32>,
    %shift_right_logical3A_195 = arith.constant 16 : i32
    %shift_right_logical3A_196 = vector.broadcast %shift_right_logical3A_195 : i32 to vector<16xi32>
    %shift_right_logical3A_197 = arith.shrui %get3A_187, %shift_right_logical3A_196 : vector<16xi32>
    %swap3A_198 = arith.constant 1 : i32
    %swap3A_199 = arith.index_cast %swap3A_198 : i32 to index
    %swap3A_200 = arith.constant 0 : index
    %swap3A_201 = tpu.vector_load %arg7[%swap3A_199, %swap3A_200] {strides = array<i32>} : memref<2x128xi32, #tpu.memory_space<vmem>>, vector<16xi32>,
    tpu.vector_store %arg7[%swap3A_199, %swap3A_200], %shift_right_logical3A_197 {strides = array<i32>} : memref<2x128xi32, #tpu.memory_space<vmem>>, vector<16xi32>,
    %get3A_202 = arith.constant 1 : i32
    %get3A_203 = arith.index_cast %get3A_202 : i32 to index
    %get3A_204 = arith.constant 16 : index
    %get3A_205 = tpu.vector_load %arg5[%get3A_203, %get3A_204] {strides = array<i32>} : memref<80x128xi32, #tpu.memory_space<vmem>>, vector<16xi32>,
    %and3A_206 = arith.constant 65535 : i32
    %and3A_207 = vector.broadcast %and3A_206 : i32 to vector<16xi32>
    %and3A_208 = arith.andi %get3A_205, %and3A_207 : vector<16xi32>
    %swap3A_209 = arith.constant 1 : i32
    %swap3A_210 = arith.index_cast %swap3A_209 : i32 to index
    %swap3A_211 = arith.constant 16 : index
    %swap3A_212 = tpu.vector_load %arg6[%swap3A_210, %swap3A_211] {strides = array<i32>} : memref<2x128xi32, #tpu.memory_space<vmem>>, vector<16xi32>,
    tpu.vector_store %arg6[%swap3A_210, %swap3A_211], %and3A_208 {strides = array<i32>} : memref<2x128xi32, #tpu.memory_space<vmem>>, vector<16xi32>,
    %shift_right_logical3A_213 = arith.constant 16 : i32
    %shift_right_logical3A_214 = vector.broadcast %shift_right_logical3A_213 : i32 to vector<16xi32>
    %shift_right_logical3A_215 = arith.shrui %get3A_205, %shift_right_logical3A_214 : vector<16xi32>
    %swap3A_216 = arith.constant 1 : i32
    %swap3A_217 = arith.index_cast %swap3A_216 : i32 to index
    %swap3A_218 = arith.constant 16 : index
    %swap3A_219 = tpu.vector_load %arg7[%swap3A_217, %swap3A_218] {strides = array<i32>} : memref<2x128xi32, #tpu.memory_space<vmem>>, vector<16xi32>,
    tpu.vector_store %arg7[%swap3A_217, %swap3A_218], %shift_right_logical3A_215 {strides = array<i32>} : memref<2x128xi32, #tpu.memory_space<vmem>>, vector<16xi32>,
    %get3A_220 = arith.constant 1 : i32
    %get3A_221 = arith.index_cast %get3A_220 : i32 to index
    %get3A_222 = arith.constant 32 : index
    %get3A_223 = tpu.vector_load %arg5[%get3A_221, %get3A_222] {strides = array<i32>} : memref<80x128xi32, #tpu.memory_space<vmem>>, vector<16xi32>,
    %and3A_224 = arith.constant 65535 : i32
    %and3A_225 = vector.broadcast %and3A_224 : i32 to vector<16xi32>
    %and3A_226 = arith.andi %get3A_223, %and3A_225 : vector<16xi32>
    %swap3A_227 = arith.constant 1 : i32
    %swap3A_228 = arith.index_cast %swap3A_227 : i32 to index
    %swap3A_229 = arith.constant 32 : index
    %swap3A_230 = tpu.vector_load %arg6[%swap3A_228, %swap3A_229] {strides = array<i32>} : memref<2x128xi32, #tpu.memory_space<vmem>>, vector<16xi32>,
    tpu.vector_store %arg6[%swap3A_228, %swap3A_229], %and3A_226 {strides = array<i32>} : memref<2x128xi32, #tpu.memory_space<vmem>>, vector<16xi32>,
    %shift_right_logical3A_231 = arith.constant 16 : i32
    %shift_right_logical3A_232 = vector.broadcast %shift_right_logical3A_231 : i32 to vector<16xi32>
    %shift_right_logical3A_233 = arith.shrui %get3A_223, %shift_right_logical3A_232 : vector<16xi32>
    %swap3A_234 = arith.constant 1 : i32
    %swap3A_235 = arith.index_cast %swap3A_234 : i32 to index
    %swap3A_236 = arith.constant 32 : index
    %swap3A_237 = tpu.vector_load %arg7[%swap3A_235, %swap3A_236] {strides = array<i32>} : memref<2x128xi32, #tpu.memory_space<vmem>>, vector<16xi32>,
    tpu.vector_store %arg7[%swap3A_235, %swap3A_236], %shift_right_logical3A_233 {strides = array<i32>} : memref<2x128xi32, #tpu.memory_space<vmem>>, vector<16xi32>,
    %get3A_238 = arith.constant 1 : i32
    %get3A_239 = arith.index_cast %get3A_238 : i32 to index
    %get3A_240 = arith.constant 48 : index
    %get3A_241 = tpu.vector_load %arg5[%get3A_239, %get3A_240] {strides = array<i32>} : memref<80x128xi32, #tpu.memory_space<vmem>>, vector<16xi32>,
    %and3A_242 = arith.constant 65535 : i32
    %and3A_243 = vector.broadcast %and3A_242 : i32 to vector<16xi32>
    %and3A_244 = arith.andi %get3A_241, %and3A_243 : vector<16xi32>
    %swap3A_245 = arith.constant 1 : i32
    %swap3A_246 = arith.index_cast %swap3A_245 : i32 to index
    %swap3A_247 = arith.constant 48 : index
    %swap3A_248 = tpu.vector_load %arg6[%swap3A_246, %swap3A_247] {strides = array<i32>} : memref<2x128xi32, #tpu.memory_space<vmem>>, vector<16xi32>,
    tpu.vector_store %arg6[%swap3A_246, %swap3A_247], %and3A_244 {strides = array<i32>} : memref<2x128xi32, #tpu.memory_space<vmem>>, vector<16xi32>,
    %shift_right_logical3A_249 = arith.constant 16 : i32
    %shift_right_logical3A_250 = vector.broadcast %shift_right_logical3A_249 : i32 to vector<16xi32>
    %shift_right_logical3A_251 = arith.shrui %get3A_241, %shift_right_logical3A_250 : vector<16xi32>
    %swap3A_252 = arith.constant 1 : i32
    %swap3A_253 = arith.index_cast %swap3A_252 : i32 to index
    %swap3A_254 = arith.constant 48 : index
    %swap3A_255 = tpu.vector_load %arg7[%swap3A_253, %swap3A_254] {strides = array<i32>} : memref<2x128xi32, #tpu.memory_space<vmem>>, vector<16xi32>,
    tpu.vector_store %arg7[%swap3A_253, %swap3A_254], %shift_right_logical3A_251 {strides = array<i32>} : memref<2x128xi32, #tpu.memory_space<vmem>>, vector<16xi32>,
    %get3A_256 = arith.constant 1 : i32
    %get3A_257 = arith.index_cast %get3A_256 : i32 to index
    %get3A_258 = arith.constant 64 : index
    %get3A_259 = tpu.vector_load %arg5[%get3A_257, %get3A_258] {strides = array<i32>} : memref<80x128xi32, #tpu.memory_space<vmem>>, vector<16xi32>,
    %and3A_260 = arith.constant 65535 : i32
    %and3A_261 = vector.broadcast %and3A_260 : i32 to vector<16xi32>
    %and3A_262 = arith.andi %get3A_259, %and3A_261 : vector<16xi32>
    %swap3A_263 = arith.constant 1 : i32
    %swap3A_264 = arith.index_cast %swap3A_263 : i32 to index
    %swap3A_265 = arith.constant 64 : index
    %swap3A_266 = tpu.vector_load %arg6[%swap3A_264, %swap3A_265] {strides = array<i32>} : memref<2x128xi32, #tpu.memory_space<vmem>>, vector<16xi32>,
    tpu.vector_store %arg6[%swap3A_264, %swap3A_265], %and3A_262 {strides = array<i32>} : memref<2x128xi32, #tpu.memory_space<vmem>>, vector<16xi32>,
    %shift_right_logical3A_267 = arith.constant 16 : i32
    %shift_right_logical3A_268 = vector.broadcast %shift_right_logical3A_267 : i32 to vector<16xi32>
    %shift_right_logical3A_269 = arith.shrui %get3A_259, %shift_right_logical3A_268 : vector<16xi32>
    %swap3A_270 = arith.constant 1 : i32
    %swap3A_271 = arith.index_cast %swap3A_270 : i32 to index
    %swap3A_272 = arith.constant 64 : index
    %swap3A_273 = tpu.vector_load %arg7[%swap3A_271, %swap3A_272] {strides = array<i32>} : memref<2x128xi32, #tpu.memory_space<vmem>>, vector<16xi32>,
    tpu.vector_store %arg7[%swap3A_271, %swap3A_272], %shift_right_logical3A_269 {strides = array<i32>} : memref<2x128xi32, #tpu.memory_space<vmem>>, vector<16xi32>,
    %get3A_274 = arith.constant 1 : i32
    %get3A_275 = arith.index_cast %get3A_274 : i32 to index
    %get3A_276 = arith.constant 80 : index
    %get3A_277 = tpu.vector_load %arg5[%get3A_275, %get3A_276] {strides = array<i32>} : memref<80x128xi32, #tpu.memory_space<vmem>>, vector<16xi32>,
    %and3A_278 = arith.constant 65535 : i32
    %and3A_279 = vector.broadcast %and3A_278 : i32 to vector<16xi32>
    %and3A_280 = arith.andi %get3A_277, %and3A_279 : vector<16xi32>
    %swap3A_281 = arith.constant 1 : i32
    %swap3A_282 = arith.index_cast %swap3A_281 : i32 to index
    %swap3A_283 = arith.constant 80 : index
    %swap3A_284 = tpu.vector_load %arg6[%swap3A_282, %swap3A_283] {strides = array<i32>} : memref<2x128xi32, #tpu.memory_space<vmem>>, vector<16xi32>,
    tpu.vector_store %arg6[%swap3A_282, %swap3A_283], %and3A_280 {strides = array<i32>} : memref<2x128xi32, #tpu.memory_space<vmem>>, vector<16xi32>,
    %shift_right_logical3A_285 = arith.constant 16 : i32
    %shift_right_logical3A_286 = vector.broadcast %shift_right_logical3A_285 : i32 to vector<16xi32>
    %shift_right_logical3A_287 = arith.shrui %get3A_277, %shift_right_logical3A_286 : vector<16xi32>
    %swap3A_288 = arith.constant 1 : i32
    %swap3A_289 = arith.index_cast %swap3A_288 : i32 to index
    %swap3A_290 = arith.constant 80 : index
    %swap3A_291 = tpu.vector_load %arg7[%swap3A_289, %swap3A_290] {strides = array<i32>} : memref<2x128xi32, #tpu.memory_space<vmem>>, vector<16xi32>,
    tpu.vector_store %arg7[%swap3A_289, %swap3A_290], %shift_right_logical3A_287 {strides = array<i32>} : memref<2x128xi32, #tpu.memory_space<vmem>>, vector<16xi32>,
    %get3A_292 = arith.constant 1 : i32
    %get3A_293 = arith.index_cast %get3A_292 : i32 to index
    %get3A_294 = arith.constant 96 : index
    %get3A_295 = tpu.vector_load %arg5[%get3A_293, %get3A_294] {strides = array<i32>} : memref<80x128xi32, #tpu.memory_space<vmem>>, vector<16xi32>,
    %and3A_296 = arith.constant 65535 : i32
    %and3A_297 = vector.broadcast %and3A_296 : i32 to vector<16xi32>
    %and3A_298 = arith.andi %get3A_295, %and3A_297 : vector<16xi32>
    %swap3A_299 = arith.constant 1 : i32
    %swap3A_300 = arith.index_cast %swap3A_299 : i32 to index
    %swap3A_301 = arith.constant 96 : index
    %swap3A_302 = tpu.vector_load %arg6[%swap3A_300, %swap3A_301] {strides = array<i32>} : memref<2x128xi32, #tpu.memory_space<vmem>>, vector<16xi32>,
    tpu.vector_store %arg6[%swap3A_300, %swap3A_301], %and3A_298 {strides = array<i32>} : memref<2x128xi32, #tpu.memory_space<vmem>>, vector<16xi32>,
    %shift_right_logical3A_303 = arith.constant 16 : i32
    %shift_right_logical3A_304 = vector.broadcast %shift_right_logical3A_303 : i32 to vector<16xi32>
    %shift_right_logical3A_305 = arith.shrui %get3A_295, %shift_right_logical3A_304 : vector<16xi32>
    %swap3A_306 = arith.constant 1 : i32
    %swap3A_307 = arith.index_cast %swap3A_306 : i32 to index
    %swap3A_308 = arith.constant 96 : index
    %swap3A_309 = tpu.vector_load %arg7[%swap3A_307, %swap3A_308] {strides = array<i32>} : memref<2x128xi32, #tpu.memory_space<vmem>>, vector<16xi32>,
    tpu.vector_store %arg7[%swap3A_307, %swap3A_308], %shift_right_logical3A_305 {strides = array<i32>} : memref<2x128xi32, #tpu.memory_space<vmem>>, vector<16xi32>,
    %get3A_310 = arith.constant 1 : i32
    %get3A_311 = arith.index_cast %get3A_310 : i32 to index
    %get3A_312 = arith.constant 112 : index
    %get3A_313 = tpu.vector_load %arg5[%get3A_311, %get3A_312] {strides = array<i32>} : memref<80x128xi32, #tpu.memory_space<vmem>>, vector<16xi32>,
    %and3A_314 = arith.constant 65535 : i32
    %and3A_315 = vector.broadcast %and3A_314 : i32 to vector<16xi32>
    %and3A_316 = arith.andi %get3A_313, %and3A_315 : vector<16xi32>
    %swap3A_317 = arith.constant 1 : i32
    %swap3A_318 = arith.index_cast %swap3A_317 : i32 to index
    %swap3A_319 = arith.constant 112 : index
    %swap3A_320 = tpu.vector_load %arg6[%swap3A_318, %swap3A_319] {strides = array<i32>} : memref<2x128xi32, #tpu.memory_space<vmem>>, vector<16xi32>,
    tpu.vector_store %arg6[%swap3A_318, %swap3A_319], %and3A_316 {strides = array<i32>} : memref<2x128xi32, #tpu.memory_space<vmem>>, vector<16xi32>,
    %shift_right_logical3A_321 = arith.constant 16 : i32
    %shift_right_logical3A_322 = vector.broadcast %shift_right_logical3A_321 : i32 to vector<16xi32>
    %shift_right_logical3A_323 = arith.shrui %get3A_313, %shift_right_logical3A_322 : vector<16xi32>
    %swap3A_324 = arith.constant 1 : i32
    %swap3A_325 = arith.index_cast %swap3A_324 : i32 to index
    %swap3A_326 = arith.constant 112 : index
    %swap3A_327 = tpu.vector_load %arg7[%swap3A_325, %swap3A_326] {strides = array<i32>} : memref<2x128xi32, #tpu.memory_space<vmem>>, vector<16xi32>,
    tpu.vector_store %arg7[%swap3A_325, %swap3A_326], %shift_right_logical3A_323 {strides = array<i32>} : memref<2x128xi32, #tpu.memory_space<vmem>>, vector<16xi32>,
    %dma_start3A_328 = arith.constant 1 : i32
    %dma_start3A_329 = arith.constant 1 : i32
    %dma_start3A_330 = arith.constant 0 : i32
    %dma_start3A_331 = arith.constant 0 : i32
    %dma_start3A_332 = tpu.memref_slice %arg8[%dma_start3A_329, %dma_start3A_330, %dma_start3A_331] : memref<2x128x128xf32, #tpu.memory_space<vmem>> -> memref<1x128x128xf32, #tpu.memory_space<vmem>>
    %dma_start3A_333 = tpu.memref_squeeze %dma_start3A_332 : memref<1x128x128xf32, #tpu.memory_space<vmem>> -> memref<128x128xf32, #tpu.memory_space<vmem>>
    %dma_start3A_334 = arith.constant 0 : i32
    %dma_start3A_335 = tpu.memref_slice %arg6[%dma_start3A_328, %dma_start3A_334] : memref<2x128xi32, #tpu.memory_space<vmem>> -> memref<1x128xi32, #tpu.memory_space<vmem>>
    %dma_start3A_336 = tpu.memref_squeeze %dma_start3A_335 : memref<1x128xi32, #tpu.memory_space<vmem>> -> memref<128xi32, #tpu.memory_space<vmem>>
    %dma_start3A_337 = arith.constant 0 : i32
    %dma_start3A_338 = arith.constant 0 : i32
    %dma_start3A_339 = tpu.memref_slice %arg2[%dma_start3A_337, %dma_start3A_338] : memref<10240x128xf32, #tpu.memory_space<hbm>> -> memref<10240x128xf32, #tpu.memory_space<hbm>>
    tpu.enqueue_indirect_dma source(%dma_start3A_339 : memref<10240x128xf32, #tpu.memory_space<hbm>>) target(%dma_start3A_333 : memref<128x128xf32, #tpu.memory_space<vmem>>) offsets(%dma_start3A_336 : memref<128xi32, #tpu.memory_space<vmem>>) semaphore(%arg11 : memref<!tpu.dma_semaphore, #tpu.memory_space<semaphore_mem>>)
    %scan3A_340 = arith.constant 0 : i32
    %scan3A_341 = arith.constant 0 : i32
    %scan3A_342 = arith.constant 39 : i32
    %scan3A_343 = arith.addi %scan3A_341, %scan3A_342 : i32
    %scan3A_344 = arith.constant 1 : i32
    scf.for %scan3A_378 = %scan3A_341 to %scan3A_343 step %scan3A_344  : i32 {
      %mul3A_379 = arith.constant 2 : i32
      %mul3A_380 = arith.muli %scan3A_378, %mul3A_379 : i32
      %add3A_381 = arith.constant 0 : i32
      %add3A_382 = arith.addi %mul3A_380, %add3A_381 : i32
      %dma_wait3A_383 = arith.constant 0 : i32
      %dma_wait3A_384 = arith.constant 0 : i32
      %dma_wait3A_385 = arith.constant 0 : i32
      %dma_wait3A_386 = arith.constant 0 : i32
      %dma_wait3A_387 = tpu.memref_slice %arg8[%dma_wait3A_384, %dma_wait3A_385, %dma_wait3A_386] : memref<2x128x128xf32, #tpu.memory_space<vmem>> -> memref<1x128x128xf32, #tpu.memory_space<vmem>>
      %dma_wait3A_388 = tpu.memref_squeeze %dma_wait3A_387 : memref<1x128x128xf32, #tpu.memory_space<vmem>> -> memref<128x128xf32, #tpu.memory_space<vmem>>
      %dma_wait3A_389 = arith.constant 0 : i32
      %dma_wait3A_390 = tpu.memref_slice %arg6[%dma_wait3A_383, %dma_wait3A_389] : memref<2x128xi32, #tpu.memory_space<vmem>> -> memref<1x128xi32, #tpu.memory_space<vmem>>
      %dma_wait3A_391 = tpu.memref_squeeze %dma_wait3A_390 : memref<1x128xi32, #tpu.memory_space<vmem>> -> memref<128xi32, #tpu.memory_space<vmem>>
      %dma_wait3A_392 = arith.constant 0 : i32
      %dma_wait3A_393 = arith.constant 0 : i32
      %dma_wait3A_394 = tpu.memref_slice %arg2[%dma_wait3A_392, %dma_wait3A_393] : memref<10240x128xf32, #tpu.memory_space<hbm>> -> memref<10240x128xf32, #tpu.memory_space<hbm>>
      tpu.wait_indirect_dma semaphore(%arg10 : memref<!tpu.dma_semaphore, #tpu.memory_space<semaphore_mem>>) src(%dma_wait3A_394 : memref<10240x128xf32, #tpu.memory_space<hbm>>) dst(%dma_wait3A_388 : memref<128x128xf32, #tpu.memory_space<vmem>>)
      %run_scoped3A_395 = arith.constant 0 : i32
      %run_scoped3A_396 = arith.constant 0 : i32
      "tpu.region"() ({
        %run_scoped3A_715 = tpu.sem_alloc : memref<!tpu.dma_semaphore, #tpu.memory_space<semaphore_mem>>
        %dma_start3A_716 = arith.constant 0 : i32
        %dma_start3A_717 = arith.constant 0 : i32
        %dma_start3A_718 = tpu.memref_slice %arg8[%run_scoped3A_395, %dma_start3A_716, %dma_start3A_717] : memref<2x128x128xf32, #tpu.memory_space<vmem>> -> memref<1x128x128xf32, #tpu.memory_space<vmem>>
        %dma_start3A_719 = tpu.memref_squeeze %dma_start3A_718 : memref<1x128x128xf32, #tpu.memory_space<vmem>> -> memref<128x128xf32, #tpu.memory_space<vmem>>
        %dma_start3A_720 = arith.constant 0 : i32
        %dma_start3A_721 = tpu.memref_slice %arg7[%run_scoped3A_396, %dma_start3A_720] : memref<2x128xi32, #tpu.memory_space<vmem>> -> memref<1x128xi32, #tpu.memory_space<vmem>>
        %dma_start3A_722 = tpu.memref_squeeze %dma_start3A_721 : memref<1x128xi32, #tpu.memory_space<vmem>> -> memref<128xi32, #tpu.memory_space<vmem>>
        %dma_start3A_723 = arith.constant 0 : i32
        %dma_start3A_724 = arith.constant 0 : i32
        %dma_start3A_725 = tpu.memref_slice %arg9[%dma_start3A_723, %dma_start3A_724] : memref<10240x128xf32, #tpu.memory_space<vmem_shared>> -> memref<10240x128xf32, #tpu.memory_space<vmem_shared>>
        tpu.enqueue_indirect_dma source(%dma_start3A_719 : memref<128x128xf32, #tpu.memory_space<vmem>>) target(%dma_start3A_725 : memref<10240x128xf32, #tpu.memory_space<vmem_shared>>) offsets(%dma_start3A_722 : memref<128xi32, #tpu.memory_space<vmem>>) semaphore(%run_scoped3A_715 : memref<!tpu.dma_semaphore, #tpu.memory_space<semaphore_mem>>) {add = true}
        %dma_wait3A_726 = arith.constant 0 : i32
        %dma_wait3A_727 = arith.constant 0 : i32
        %dma_wait3A_728 = tpu.memref_slice %arg8[%run_scoped3A_395, %dma_wait3A_726, %dma_wait3A_727] : memref<2x128x128xf32, #tpu.memory_space<vmem>> -> memref<1x128x128xf32, #tpu.memory_space<vmem>>
        %dma_wait3A_729 = tpu.memref_squeeze %dma_wait3A_728 : memref<1x128x128xf32, #tpu.memory_space<vmem>> -> memref<128x128xf32, #tpu.memory_space<vmem>>
        %dma_wait3A_730 = arith.constant 0 : i32
        %dma_wait3A_731 = tpu.memref_slice %arg7[%run_scoped3A_396, %dma_wait3A_730] : memref<2x128xi32, #tpu.memory_space<vmem>> -> memref<1x128xi32, #tpu.memory_space<vmem>>
        %dma_wait3A_732 = tpu.memref_squeeze %dma_wait3A_731 : memref<1x128xi32, #tpu.memory_space<vmem>> -> memref<128xi32, #tpu.memory_space<vmem>>
        %dma_wait3A_733 = arith.constant 0 : i32
        %dma_wait3A_734 = arith.constant 0 : i32
        %dma_wait3A_735 = tpu.memref_slice %arg9[%dma_wait3A_733, %dma_wait3A_734] : memref<10240x128xf32, #tpu.memory_space<vmem_shared>> -> memref<10240x128xf32, #tpu.memory_space<vmem_shared>>
        tpu.wait_indirect_dma semaphore(%run_scoped3A_715 : memref<!tpu.dma_semaphore, #tpu.memory_space<semaphore_mem>>) src(%dma_wait3A_729 : memref<128x128xf32, #tpu.memory_space<vmem>>) dst(%dma_wait3A_735 : memref<10240x128xf32, #tpu.memory_space<vmem_shared>>)
        tpu.yield
      }) : () -> ()
      %add3A_397 = arith.constant 2 : i32
      %add3A_398 = arith.addi %add3A_382, %add3A_397 : i32
      %get3A_399 = arith.index_cast %add3A_398 : i32 to index
      %get3A_400 = arith.constant 0 : index
      %get3A_401 = tpu.vector_load %arg5[%get3A_399, %get3A_400] {strides = array<i32>} : memref<80x128xi32, #tpu.memory_space<vmem>>, vector<16xi32>,
      %and3A_402 = arith.constant 65535 : i32
      %and3A_403 = vector.broadcast %and3A_402 : i32 to vector<16xi32>
      %and3A_404 = arith.andi %get3A_401, %and3A_403 : vector<16xi32>
      %swap3A_405 = arith.constant 0 : i32
      %swap3A_406 = arith.index_cast %swap3A_405 : i32 to index
      %swap3A_407 = arith.constant 0 : index
      %swap3A_408 = tpu.vector_load %arg6[%swap3A_406, %swap3A_407] {strides = array<i32>} : memref<2x128xi32, #tpu.memory_space<vmem>>, vector<16xi32>,
      tpu.vector_store %arg6[%swap3A_406, %swap3A_407], %and3A_404 {strides = array<i32>} : memref<2x128xi32, #tpu.memory_space<vmem>>, vector<16xi32>,
      %shift_right_logical3A_409 = arith.constant 16 : i32
      %shift_right_logical3A_410 = vector.broadcast %shift_right_logical3A_409 : i32 to vector<16xi32>
      %shift_right_logical3A_411 = arith.shrui %get3A_401, %shift_right_logical3A_410 : vector<16xi32>
      %swap3A_412 = arith.constant 0 : i32
      %swap3A_413 = arith.index_cast %swap3A_412 : i32 to index
      %swap3A_414 = arith.constant 0 : index
      %swap3A_415 = tpu.vector_load %arg7[%swap3A_413, %swap3A_414] {strides = array<i32>} : memref<2x128xi32, #tpu.memory_space<vmem>>, vector<16xi32>,
      tpu.vector_store %arg7[%swap3A_413, %swap3A_414], %shift_right_logical3A_411 {strides = array<i32>} : memref<2x128xi32, #tpu.memory_space<vmem>>, vector<16xi32>,
      %get3A_416 = arith.index_cast %add3A_398 : i32 to index
      %get3A_417 = arith.constant 16 : index
      %get3A_418 = tpu.vector_load %arg5[%get3A_416, %get3A_417] {strides = array<i32>} : memref<80x128xi32, #tpu.memory_space<vmem>>, vector<16xi32>,
      %and3A_419 = arith.constant 65535 : i32
      %and3A_420 = vector.broadcast %and3A_419 : i32 to vector<16xi32>
      %and3A_421 = arith.andi %get3A_418, %and3A_420 : vector<16xi32>
      %swap3A_422 = arith.constant 0 : i32
      %swap3A_423 = arith.index_cast %swap3A_422 : i32 to index
      %swap3A_424 = arith.constant 16 : index
      %swap3A_425 = tpu.vector_load %arg6[%swap3A_423, %swap3A_424] {strides = array<i32>} : memref<2x128xi32, #tpu.memory_space<vmem>>, vector<16xi32>,
      tpu.vector_store %arg6[%swap3A_423, %swap3A_424], %and3A_421 {strides = array<i32>} : memref<2x128xi32, #tpu.memory_space<vmem>>, vector<16xi32>,
      %shift_right_logical3A_426 = arith.constant 16 : i32
      %shift_right_logical3A_427 = vector.broadcast %shift_right_logical3A_426 : i32 to vector<16xi32>
      %shift_right_logical3A_428 = arith.shrui %get3A_418, %shift_right_logical3A_427 : vector<16xi32>
      %swap3A_429 = arith.constant 0 : i32
      %swap3A_430 = arith.index_cast %swap3A_429 : i32 to index
      %swap3A_431 = arith.constant 16 : index
      %swap3A_432 = tpu.vector_load %arg7[%swap3A_430, %swap3A_431] {strides = array<i32>} : memref<2x128xi32, #tpu.memory_space<vmem>>, vector<16xi32>,
      tpu.vector_store %arg7[%swap3A_430, %swap3A_431], %shift_right_logical3A_428 {strides = array<i32>} : memref<2x128xi32, #tpu.memory_space<vmem>>, vector<16xi32>,
      %get3A_433 = arith.index_cast %add3A_398 : i32 to index
      %get3A_434 = arith.constant 32 : index
      %get3A_435 = tpu.vector_load %arg5[%get3A_433, %get3A_434] {strides = array<i32>} : memref<80x128xi32, #tpu.memory_space<vmem>>, vector<16xi32>,
      %and3A_436 = arith.constant 65535 : i32
      %and3A_437 = vector.broadcast %and3A_436 : i32 to vector<16xi32>
      %and3A_438 = arith.andi %get3A_435, %and3A_437 : vector<16xi32>
      %swap3A_439 = arith.constant 0 : i32
      %swap3A_440 = arith.index_cast %swap3A_439 : i32 to index
      %swap3A_441 = arith.constant 32 : index
      %swap3A_442 = tpu.vector_load %arg6[%swap3A_440, %swap3A_441] {strides = array<i32>} : memref<2x128xi32, #tpu.memory_space<vmem>>, vector<16xi32>,
      tpu.vector_store %arg6[%swap3A_440, %swap3A_441], %and3A_438 {strides = array<i32>} : memref<2x128xi32, #tpu.memory_space<vmem>>, vector<16xi32>,
      %shift_right_logical3A_443 = arith.constant 16 : i32
      %shift_right_logical3A_444 = vector.broadcast %shift_right_logical3A_443 : i32 to vector<16xi32>
      %shift_right_logical3A_445 = arith.shrui %get3A_435, %shift_right_logical3A_444 : vector<16xi32>
      %swap3A_446 = arith.constant 0 : i32
      %swap3A_447 = arith.index_cast %swap3A_446 : i32 to index
      %swap3A_448 = arith.constant 32 : index
      %swap3A_449 = tpu.vector_load %arg7[%swap3A_447, %swap3A_448] {strides = array<i32>} : memref<2x128xi32, #tpu.memory_space<vmem>>, vector<16xi32>,
      tpu.vector_store %arg7[%swap3A_447, %swap3A_448], %shift_right_logical3A_445 {strides = array<i32>} : memref<2x128xi32, #tpu.memory_space<vmem>>, vector<16xi32>,
      %get3A_450 = arith.index_cast %add3A_398 : i32 to index
      %get3A_451 = arith.constant 48 : index
      %get3A_452 = tpu.vector_load %arg5[%get3A_450, %get3A_451] {strides = array<i32>} : memref<80x128xi32, #tpu.memory_space<vmem>>, vector<16xi32>,
      %and3A_453 = arith.constant 65535 : i32
      %and3A_454 = vector.broadcast %and3A_453 : i32 to vector<16xi32>
      %and3A_455 = arith.andi %get3A_452, %and3A_454 : vector<16xi32>
      %swap3A_456 = arith.constant 0 : i32
      %swap3A_457 = arith.index_cast %swap3A_456 : i32 to index
      %swap3A_458 = arith.constant 48 : index
      %swap3A_459 = tpu.vector_load %arg6[%swap3A_457, %swap3A_458] {strides = array<i32>} : memref<2x128xi32, #tpu.memory_space<vmem>>, vector<16xi32>,
      tpu.vector_store %arg6[%swap3A_457, %swap3A_458], %and3A_455 {strides = array<i32>} : memref<2x128xi32, #tpu.memory_space<vmem>>, vector<16xi32>,
      %shift_right_logical3A_460 = arith.constant 16 : i32
      %shift_right_logical3A_461 = vector.broadcast %shift_right_logical3A_460 : i32 to vector<16xi32>
      %shift_right_logical3A_462 = arith.shrui %get3A_452, %shift_right_logical3A_461 : vector<16xi32>
      %swap3A_463 = arith.constant 0 : i32
      %swap3A_464 = arith.index_cast %swap3A_463 : i32 to index
      %swap3A_465 = arith.constant 48 : index
      %swap3A_466 = tpu.vector_load %arg7[%swap3A_464, %swap3A_465] {strides = array<i32>} : memref<2x128xi32, #tpu.memory_space<vmem>>, vector<16xi32>,
      tpu.vector_store %arg7[%swap3A_464, %swap3A_465], %shift_right_logical3A_462 {strides = array<i32>} : memref<2x128xi32, #tpu.memory_space<vmem>>, vector<16xi32>,
      %get3A_467 = arith.index_cast %add3A_398 : i32 to index
      %get3A_468 = arith.constant 64 : index
      %get3A_469 = tpu.vector_load %arg5[%get3A_467, %get3A_468] {strides = array<i32>} : memref<80x128xi32, #tpu.memory_space<vmem>>, vector<16xi32>,
      %and3A_470 = arith.constant 65535 : i32
      %and3A_471 = vector.broadcast %and3A_470 : i32 to vector<16xi32>
      %and3A_472 = arith.andi %get3A_469, %and3A_471 : vector<16xi32>
      %swap3A_473 = arith.constant 0 : i32
      %swap3A_474 = arith.index_cast %swap3A_473 : i32 to index
      %swap3A_475 = arith.constant 64 : index
      %swap3A_476 = tpu.vector_load %arg6[%swap3A_474, %swap3A_475] {strides = array<i32>} : memref<2x128xi32, #tpu.memory_space<vmem>>, vector<16xi32>,
      tpu.vector_store %arg6[%swap3A_474, %swap3A_475], %and3A_472 {strides = array<i32>} : memref<2x128xi32, #tpu.memory_space<vmem>>, vector<16xi32>,
      %shift_right_logical3A_477 = arith.constant 16 : i32
      %shift_right_logical3A_478 = vector.broadcast %shift_right_logical3A_477 : i32 to vector<16xi32>
      %shift_right_logical3A_479 = arith.shrui %get3A_469, %shift_right_logical3A_478 : vector<16xi32>
      %swap3A_480 = arith.constant 0 : i32
      %swap3A_481 = arith.index_cast %swap3A_480 : i32 to index
      %swap3A_482 = arith.constant 64 : index
      %swap3A_483 = tpu.vector_load %arg7[%swap3A_481, %swap3A_482] {strides = array<i32>} : memref<2x128xi32, #tpu.memory_space<vmem>>, vector<16xi32>,
      tpu.vector_store %arg7[%swap3A_481, %swap3A_482], %shift_right_logical3A_479 {strides = array<i32>} : memref<2x128xi32, #tpu.memory_space<vmem>>, vector<16xi32>,
      %get3A_484 = arith.index_cast %add3A_398 : i32 to index
      %get3A_485 = arith.constant 80 : index
      %get3A_486 = tpu.vector_load %arg5[%get3A_484, %get3A_485] {strides = array<i32>} : memref<80x128xi32, #tpu.memory_space<vmem>>, vector<16xi32>,
      %and3A_487 = arith.constant 65535 : i32
      %and3A_488 = vector.broadcast %and3A_487 : i32 to vector<16xi32>
      %and3A_489 = arith.andi %get3A_486, %and3A_488 : vector<16xi32>
      %swap3A_490 = arith.constant 0 : i32
      %swap3A_491 = arith.index_cast %swap3A_490 : i32 to index
      %swap3A_492 = arith.constant 80 : index
      %swap3A_493 = tpu.vector_load %arg6[%swap3A_491, %swap3A_492] {strides = array<i32>} : memref<2x128xi32, #tpu.memory_space<vmem>>, vector<16xi32>,
      tpu.vector_store %arg6[%swap3A_491, %swap3A_492], %and3A_489 {strides = array<i32>} : memref<2x128xi32, #tpu.memory_space<vmem>>, vector<16xi32>,
      %shift_right_logical3A_494 = arith.constant 16 : i32
      %shift_right_logical3A_495 = vector.broadcast %shift_right_logical3A_494 : i32 to vector<16xi32>
      %shift_right_logical3A_496 = arith.shrui %get3A_486, %shift_right_logical3A_495 : vector<16xi32>
      %swap3A_497 = arith.constant 0 : i32
      %swap3A_498 = arith.index_cast %swap3A_497 : i32 to index
      %swap3A_499 = arith.constant 80 : index
      %swap3A_500 = tpu.vector_load %arg7[%swap3A_498, %swap3A_499] {strides = array<i32>} : memref<2x128xi32, #tpu.memory_space<vmem>>, vector<16xi32>,
      tpu.vector_store %arg7[%swap3A_498, %swap3A_499], %shift_right_logical3A_496 {strides = array<i32>} : memref<2x128xi32, #tpu.memory_space<vmem>>, vector<16xi32>,
      %get3A_501 = arith.index_cast %add3A_398 : i32 to index
      %get3A_502 = arith.constant 96 : index
      %get3A_503 = tpu.vector_load %arg5[%get3A_501, %get3A_502] {strides = array<i32>} : memref<80x128xi32, #tpu.memory_space<vmem>>, vector<16xi32>,
      %and3A_504 = arith.constant 65535 : i32
      %and3A_505 = vector.broadcast %and3A_504 : i32 to vector<16xi32>
      %and3A_506 = arith.andi %get3A_503, %and3A_505 : vector<16xi32>
      %swap3A_507 = arith.constant 0 : i32
      %swap3A_508 = arith.index_cast %swap3A_507 : i32 to index
      %swap3A_509 = arith.constant 96 : index
      %swap3A_510 = tpu.vector_load %arg6[%swap3A_508, %swap3A_509] {strides = array<i32>} : memref<2x128xi32, #tpu.memory_space<vmem>>, vector<16xi32>,
      tpu.vector_store %arg6[%swap3A_508, %swap3A_509], %and3A_506 {strides = array<i32>} : memref<2x128xi32, #tpu.memory_space<vmem>>, vector<16xi32>,
      %shift_right_logical3A_511 = arith.constant 16 : i32
      %shift_right_logical3A_512 = vector.broadcast %shift_right_logical3A_511 : i32 to vector<16xi32>
      %shift_right_logical3A_513 = arith.shrui %get3A_503, %shift_right_logical3A_512 : vector<16xi32>
      %swap3A_514 = arith.constant 0 : i32
      %swap3A_515 = arith.index_cast %swap3A_514 : i32 to index
      %swap3A_516 = arith.constant 96 : index
      %swap3A_517 = tpu.vector_load %arg7[%swap3A_515, %swap3A_516] {strides = array<i32>} : memref<2x128xi32, #tpu.memory_space<vmem>>, vector<16xi32>,
      tpu.vector_store %arg7[%swap3A_515, %swap3A_516], %shift_right_logical3A_513 {strides = array<i32>} : memref<2x128xi32, #tpu.memory_space<vmem>>, vector<16xi32>,
      %get3A_518 = arith.index_cast %add3A_398 : i32 to index
      %get3A_519 = arith.constant 112 : index
      %get3A_520 = tpu.vector_load %arg5[%get3A_518, %get3A_519] {strides = array<i32>} : memref<80x128xi32, #tpu.memory_space<vmem>>, vector<16xi32>,
      %and3A_521 = arith.constant 65535 : i32
      %and3A_522 = vector.broadcast %and3A_521 : i32 to vector<16xi32>
      %and3A_523 = arith.andi %get3A_520, %and3A_522 : vector<16xi32>
      %swap3A_524 = arith.constant 0 : i32
      %swap3A_525 = arith.index_cast %swap3A_524 : i32 to index
      %swap3A_526 = arith.constant 112 : index
      %swap3A_527 = tpu.vector_load %arg6[%swap3A_525, %swap3A_526] {strides = array<i32>} : memref<2x128xi32, #tpu.memory_space<vmem>>, vector<16xi32>,
      tpu.vector_store %arg6[%swap3A_525, %swap3A_526], %and3A_523 {strides = array<i32>} : memref<2x128xi32, #tpu.memory_space<vmem>>, vector<16xi32>,
      %shift_right_logical3A_528 = arith.constant 16 : i32
      %shift_right_logical3A_529 = vector.broadcast %shift_right_logical3A_528 : i32 to vector<16xi32>
      %shift_right_logical3A_530 = arith.shrui %get3A_520, %shift_right_logical3A_529 : vector<16xi32>
      %swap3A_531 = arith.constant 0 : i32
      %swap3A_532 = arith.index_cast %swap3A_531 : i32 to index
      %swap3A_533 = arith.constant 112 : index
      %swap3A_534 = tpu.vector_load %arg7[%swap3A_532, %swap3A_533] {strides = array<i32>} : memref<2x128xi32, #tpu.memory_space<vmem>>, vector<16xi32>,
      tpu.vector_store %arg7[%swap3A_532, %swap3A_533], %shift_right_logical3A_530 {strides = array<i32>} : memref<2x128xi32, #tpu.memory_space<vmem>>, vector<16xi32>,
      %dma_start3A_535 = arith.constant 0 : i32
      %dma_start3A_536 = arith.constant 0 : i32
      %dma_start3A_537 = arith.constant 0 : i32
      %dma_start3A_538 = arith.constant 0 : i32
      %dma_start3A_539 = tpu.memref_slice %arg8[%dma_start3A_536, %dma_start3A_537, %dma_start3A_538] : memref<2x128x128xf32, #tpu.memory_space<vmem>> -> memref<1x128x128xf32, #tpu.memory_space<vmem>>
      %dma_start3A_540 = tpu.memref_squeeze %dma_start3A_539 : memref<1x128x128xf32, #tpu.memory_space<vmem>> -> memref<128x128xf32, #tpu.memory_space<vmem>>
      %dma_start3A_541 = arith.constant 0 : i32
      %dma_start3A_542 = tpu.memref_slice %arg6[%dma_start3A_535, %dma_start3A_541] : memref<2x128xi32, #tpu.memory_space<vmem>> -> memref<1x128xi32, #tpu.memory_space<vmem>>
      %dma_start3A_543 = tpu.memref_squeeze %dma_start3A_542 : memref<1x128xi32, #tpu.memory_space<vmem>> -> memref<128xi32, #tpu.memory_space<vmem>>
      %dma_start3A_544 = arith.constant 0 : i32
      %dma_start3A_545 = arith.constant 0 : i32
      %dma_start3A_546 = tpu.memref_slice %arg2[%dma_start3A_544, %dma_start3A_545] : memref<10240x128xf32, #tpu.memory_space<hbm>> -> memref<10240x128xf32, #tpu.memory_space<hbm>>
      tpu.enqueue_indirect_dma source(%dma_start3A_546 : memref<10240x128xf32, #tpu.memory_space<hbm>>) target(%dma_start3A_540 : memref<128x128xf32, #tpu.memory_space<vmem>>) offsets(%dma_start3A_543 : memref<128xi32, #tpu.memory_space<vmem>>) semaphore(%arg10 : memref<!tpu.dma_semaphore, #tpu.memory_space<semaphore_mem>>)
      %mul3A_547 = arith.constant 2 : i32
      %mul3A_548 = arith.muli %scan3A_378, %mul3A_547 : i32
      %add3A_549 = arith.constant 1 : i32
      %add3A_550 = arith.addi %mul3A_548, %add3A_549 : i32
      %dma_wait3A_551 = arith.constant 1 : i32
      %dma_wait3A_552 = arith.constant 1 : i32
      %dma_wait3A_553 = arith.constant 0 : i32
      %dma_wait3A_554 = arith.constant 0 : i32
      %dma_wait3A_555 = tpu.memref_slice %arg8[%dma_wait3A_552, %dma_wait3A_553, %dma_wait3A_554] : memref<2x128x128xf32, #tpu.memory_space<vmem>> -> memref<1x128x128xf32, #tpu.memory_space<vmem>>
      %dma_wait3A_556 = tpu.memref_squeeze %dma_wait3A_555 : memref<1x128x128xf32, #tpu.memory_space<vmem>> -> memref<128x128xf32, #tpu.memory_space<vmem>>
      %dma_wait3A_557 = arith.constant 0 : i32
      %dma_wait3A_558 = tpu.memref_slice %arg6[%dma_wait3A_551, %dma_wait3A_557] : memref<2x128xi32, #tpu.memory_space<vmem>> -> memref<1x128xi32, #tpu.memory_space<vmem>>
      %dma_wait3A_559 = tpu.memref_squeeze %dma_wait3A_558 : memref<1x128xi32, #tpu.memory_space<vmem>> -> memref<128xi32, #tpu.memory_space<vmem>>
      %dma_wait3A_560 = arith.constant 0 : i32
      %dma_wait3A_561 = arith.constant 0 : i32
      %dma_wait3A_562 = tpu.memref_slice %arg2[%dma_wait3A_560, %dma_wait3A_561] : memref<10240x128xf32, #tpu.memory_space<hbm>> -> memref<10240x128xf32, #tpu.memory_space<hbm>>
      tpu.wait_indirect_dma semaphore(%arg11 : memref<!tpu.dma_semaphore, #tpu.memory_space<semaphore_mem>>) src(%dma_wait3A_562 : memref<10240x128xf32, #tpu.memory_space<hbm>>) dst(%dma_wait3A_556 : memref<128x128xf32, #tpu.memory_space<vmem>>)
      %run_scoped3A_563 = arith.constant 1 : i32
      %run_scoped3A_564 = arith.constant 1 : i32
      "tpu.region"() ({
        %run_scoped3A_715 = tpu.sem_alloc : memref<!tpu.dma_semaphore, #tpu.memory_space<semaphore_mem>>
        %dma_start3A_716 = arith.constant 0 : i32
        %dma_start3A_717 = arith.constant 0 : i32
        %dma_start3A_718 = tpu.memref_slice %arg8[%run_scoped3A_563, %dma_start3A_716, %dma_start3A_717] : memref<2x128x128xf32, #tpu.memory_space<vmem>> -> memref<1x128x128xf32, #tpu.memory_space<vmem>>
        %dma_start3A_719 = tpu.memref_squeeze %dma_start3A_718 : memref<1x128x128xf32, #tpu.memory_space<vmem>> -> memref<128x128xf32, #tpu.memory_space<vmem>>
        %dma_start3A_720 = arith.constant 0 : i32
        %dma_start3A_721 = tpu.memref_slice %arg7[%run_scoped3A_564, %dma_start3A_720] : memref<2x128xi32, #tpu.memory_space<vmem>> -> memref<1x128xi32, #tpu.memory_space<vmem>>
        %dma_start3A_722 = tpu.memref_squeeze %dma_start3A_721 : memref<1x128xi32, #tpu.memory_space<vmem>> -> memref<128xi32, #tpu.memory_space<vmem>>
        %dma_start3A_723 = arith.constant 0 : i32
        %dma_start3A_724 = arith.constant 0 : i32
        %dma_start3A_725 = tpu.memref_slice %arg9[%dma_start3A_723, %dma_start3A_724] : memref<10240x128xf32, #tpu.memory_space<vmem_shared>> -> memref<10240x128xf32, #tpu.memory_space<vmem_shared>>
        tpu.enqueue_indirect_dma source(%dma_start3A_719 : memref<128x128xf32, #tpu.memory_space<vmem>>) target(%dma_start3A_725 : memref<10240x128xf32, #tpu.memory_space<vmem_shared>>) offsets(%dma_start3A_722 : memref<128xi32, #tpu.memory_space<vmem>>) semaphore(%run_scoped3A_715 : memref<!tpu.dma_semaphore, #tpu.memory_space<semaphore_mem>>) {add = true}
        %dma_wait3A_726 = arith.constant 0 : i32
        %dma_wait3A_727 = arith.constant 0 : i32
        %dma_wait3A_728 = tpu.memref_slice %arg8[%run_scoped3A_563, %dma_wait3A_726, %dma_wait3A_727] : memref<2x128x128xf32, #tpu.memory_space<vmem>> -> memref<1x128x128xf32, #tpu.memory_space<vmem>>
        %dma_wait3A_729 = tpu.memref_squeeze %dma_wait3A_728 : memref<1x128x128xf32, #tpu.memory_space<vmem>> -> memref<128x128xf32, #tpu.memory_space<vmem>>
        %dma_wait3A_730 = arith.constant 0 : i32
        %dma_wait3A_731 = tpu.memref_slice %arg7[%run_scoped3A_564, %dma_wait3A_730] : memref<2x128xi32, #tpu.memory_space<vmem>> -> memref<1x128xi32, #tpu.memory_space<vmem>>
        %dma_wait3A_732 = tpu.memref_squeeze %dma_wait3A_731 : memref<1x128xi32, #tpu.memory_space<vmem>> -> memref<128xi32, #tpu.memory_space<vmem>>
        %dma_wait3A_733 = arith.constant 0 : i32
        %dma_wait3A_734 = arith.constant 0 : i32
        %dma_wait3A_735 = tpu.memref_slice %arg9[%dma_wait3A_733, %dma_wait3A_734] : memref<10240x128xf32, #tpu.memory_space<vmem_shared>> -> memref<10240x128xf32, #tpu.memory_space<vmem_shared>>
        tpu.wait_indirect_dma semaphore(%run_scoped3A_715 : memref<!tpu.dma_semaphore, #tpu.memory_space<semaphore_mem>>) src(%dma_wait3A_729 : memref<128x128xf32, #tpu.memory_space<vmem>>) dst(%dma_wait3A_735 : memref<10240x128xf32, #tpu.memory_space<vmem_shared>>)
        tpu.yield
      }) : () -> ()
      %add3A_565 = arith.constant 2 : i32
      %add3A_566 = arith.addi %add3A_550, %add3A_565 : i32
      %get3A_567 = arith.index_cast %add3A_566 : i32 to index
      %get3A_568 = arith.constant 0 : index
      %get3A_569 = tpu.vector_load %arg5[%get3A_567, %get3A_568] {strides = array<i32>} : memref<80x128xi32, #tpu.memory_space<vmem>>, vector<16xi32>,
      %and3A_570 = arith.constant 65535 : i32
      %and3A_571 = vector.broadcast %and3A_570 : i32 to vector<16xi32>
      %and3A_572 = arith.andi %get3A_569, %and3A_571 : vector<16xi32>
      %swap3A_573 = arith.constant 1 : i32
      %swap3A_574 = arith.index_cast %swap3A_573 : i32 to index
      %swap3A_575 = arith.constant 0 : index
      %swap3A_576 = tpu.vector_load %arg6[%swap3A_574, %swap3A_575] {strides = array<i32>} : memref<2x128xi32, #tpu.memory_space<vmem>>, vector<16xi32>,
      tpu.vector_store %arg6[%swap3A_574, %swap3A_575], %and3A_572 {strides = array<i32>} : memref<2x128xi32, #tpu.memory_space<vmem>>, vector<16xi32>,
      %shift_right_logical3A_577 = arith.constant 16 : i32
      %shift_right_logical3A_578 = vector.broadcast %shift_right_logical3A_577 : i32 to vector<16xi32>
      %shift_right_logical3A_579 = arith.shrui %get3A_569, %shift_right_logical3A_578 : vector<16xi32>
      %swap3A_580 = arith.constant 1 : i32
      %swap3A_581 = arith.index_cast %swap3A_580 : i32 to index
      %swap3A_582 = arith.constant 0 : index
      %swap3A_583 = tpu.vector_load %arg7[%swap3A_581, %swap3A_582] {strides = array<i32>} : memref<2x128xi32, #tpu.memory_space<vmem>>, vector<16xi32>,
      tpu.vector_store %arg7[%swap3A_581, %swap3A_582], %shift_right_logical3A_579 {strides = array<i32>} : memref<2x128xi32, #tpu.memory_space<vmem>>, vector<16xi32>,
      %get3A_584 = arith.index_cast %add3A_566 : i32 to index
      %get3A_585 = arith.constant 16 : index
      %get3A_586 = tpu.vector_load %arg5[%get3A_584, %get3A_585] {strides = array<i32>} : memref<80x128xi32, #tpu.memory_space<vmem>>, vector<16xi32>,
      %and3A_587 = arith.constant 65535 : i32
      %and3A_588 = vector.broadcast %and3A_587 : i32 to vector<16xi32>
      %and3A_589 = arith.andi %get3A_586, %and3A_588 : vector<16xi32>
      %swap3A_590 = arith.constant 1 : i32
      %swap3A_591 = arith.index_cast %swap3A_590 : i32 to index
      %swap3A_592 = arith.constant 16 : index
      %swap3A_593 = tpu.vector_load %arg6[%swap3A_591, %swap3A_592] {strides = array<i32>} : memref<2x128xi32, #tpu.memory_space<vmem>>, vector<16xi32>,
      tpu.vector_store %arg6[%swap3A_591, %swap3A_592], %and3A_589 {strides = array<i32>} : memref<2x128xi32, #tpu.memory_space<vmem>>, vector<16xi32>,
      %shift_right_logical3A_594 = arith.constant 16 : i32
      %shift_right_logical3A_595 = vector.broadcast %shift_right_logical3A_594 : i32 to vector<16xi32>
      %shift_right_logical3A_596 = arith.shrui %get3A_586, %shift_right_logical3A_595 : vector<16xi32>
      %swap3A_597 = arith.constant 1 : i32
      %swap3A_598 = arith.index_cast %swap3A_597 : i32 to index
      %swap3A_599 = arith.constant 16 : index
      %swap3A_600 = tpu.vector_load %arg7[%swap3A_598, %swap3A_599] {strides = array<i32>} : memref<2x128xi32, #tpu.memory_space<vmem>>, vector<16xi32>,
      tpu.vector_store %arg7[%swap3A_598, %swap3A_599], %shift_right_logical3A_596 {strides = array<i32>} : memref<2x128xi32, #tpu.memory_space<vmem>>, vector<16xi32>,
      %get3A_601 = arith.index_cast %add3A_566 : i32 to index
      %get3A_602 = arith.constant 32 : index
      %get3A_603 = tpu.vector_load %arg5[%get3A_601, %get3A_602] {strides = array<i32>} : memref<80x128xi32, #tpu.memory_space<vmem>>, vector<16xi32>,
      %and3A_604 = arith.constant 65535 : i32
      %and3A_605 = vector.broadcast %and3A_604 : i32 to vector<16xi32>
      %and3A_606 = arith.andi %get3A_603, %and3A_605 : vector<16xi32>
      %swap3A_607 = arith.constant 1 : i32
      %swap3A_608 = arith.index_cast %swap3A_607 : i32 to index
      %swap3A_609 = arith.constant 32 : index
      %swap3A_610 = tpu.vector_load %arg6[%swap3A_608, %swap3A_609] {strides = array<i32>} : memref<2x128xi32, #tpu.memory_space<vmem>>, vector<16xi32>,
      tpu.vector_store %arg6[%swap3A_608, %swap3A_609], %and3A_606 {strides = array<i32>} : memref<2x128xi32, #tpu.memory_space<vmem>>, vector<16xi32>,
      %shift_right_logical3A_611 = arith.constant 16 : i32
      %shift_right_logical3A_612 = vector.broadcast %shift_right_logical3A_611 : i32 to vector<16xi32>
      %shift_right_logical3A_613 = arith.shrui %get3A_603, %shift_right_logical3A_612 : vector<16xi32>
      %swap3A_614 = arith.constant 1 : i32
      %swap3A_615 = arith.index_cast %swap3A_614 : i32 to index
      %swap3A_616 = arith.constant 32 : index
      %swap3A_617 = tpu.vector_load %arg7[%swap3A_615, %swap3A_616] {strides = array<i32>} : memref<2x128xi32, #tpu.memory_space<vmem>>, vector<16xi32>,
      tpu.vector_store %arg7[%swap3A_615, %swap3A_616], %shift_right_logical3A_613 {strides = array<i32>} : memref<2x128xi32, #tpu.memory_space<vmem>>, vector<16xi32>,
      %get3A_618 = arith.index_cast %add3A_566 : i32 to index
      %get3A_619 = arith.constant 48 : index
      %get3A_620 = tpu.vector_load %arg5[%get3A_618, %get3A_619] {strides = array<i32>} : memref<80x128xi32, #tpu.memory_space<vmem>>, vector<16xi32>,
      %and3A_621 = arith.constant 65535 : i32
      %and3A_622 = vector.broadcast %and3A_621 : i32 to vector<16xi32>
      %and3A_623 = arith.andi %get3A_620, %and3A_622 : vector<16xi32>
      %swap3A_624 = arith.constant 1 : i32
      %swap3A_625 = arith.index_cast %swap3A_624 : i32 to index
      %swap3A_626 = arith.constant 48 : index
      %swap3A_627 = tpu.vector_load %arg6[%swap3A_625, %swap3A_626] {strides = array<i32>} : memref<2x128xi32, #tpu.memory_space<vmem>>, vector<16xi32>,
      tpu.vector_store %arg6[%swap3A_625, %swap3A_626], %and3A_623 {strides = array<i32>} : memref<2x128xi32, #tpu.memory_space<vmem>>, vector<16xi32>,
      %shift_right_logical3A_628 = arith.constant 16 : i32
      %shift_right_logical3A_629 = vector.broadcast %shift_right_logical3A_628 : i32 to vector<16xi32>
      %shift_right_logical3A_630 = arith.shrui %get3A_620, %shift_right_logical3A_629 : vector<16xi32>
      %swap3A_631 = arith.constant 1 : i32
      %swap3A_632 = arith.index_cast %swap3A_631 : i32 to index
      %swap3A_633 = arith.constant 48 : index
      %swap3A_634 = tpu.vector_load %arg7[%swap3A_632, %swap3A_633] {strides = array<i32>} : memref<2x128xi32, #tpu.memory_space<vmem>>, vector<16xi32>,
      tpu.vector_store %arg7[%swap3A_632, %swap3A_633], %shift_right_logical3A_630 {strides = array<i32>} : memref<2x128xi32, #tpu.memory_space<vmem>>, vector<16xi32>,
      %get3A_635 = arith.index_cast %add3A_566 : i32 to index
      %get3A_636 = arith.constant 64 : index
      %get3A_637 = tpu.vector_load %arg5[%get3A_635, %get3A_636] {strides = array<i32>} : memref<80x128xi32, #tpu.memory_space<vmem>>, vector<16xi32>,
      %and3A_638 = arith.constant 65535 : i32
      %and3A_639 = vector.broadcast %and3A_638 : i32 to vector<16xi32>
      %and3A_640 = arith.andi %get3A_637, %and3A_639 : vector<16xi32>
      %swap3A_641 = arith.constant 1 : i32
      %swap3A_642 = arith.index_cast %swap3A_641 : i32 to index
      %swap3A_643 = arith.constant 64 : index
      %swap3A_644 = tpu.vector_load %arg6[%swap3A_642, %swap3A_643] {strides = array<i32>} : memref<2x128xi32, #tpu.memory_space<vmem>>, vector<16xi32>,
      tpu.vector_store %arg6[%swap3A_642, %swap3A_643], %and3A_640 {strides = array<i32>} : memref<2x128xi32, #tpu.memory_space<vmem>>, vector<16xi32>,
      %shift_right_logical3A_645 = arith.constant 16 : i32
      %shift_right_logical3A_646 = vector.broadcast %shift_right_logical3A_645 : i32 to vector<16xi32>
      %shift_right_logical3A_647 = arith.shrui %get3A_637, %shift_right_logical3A_646 : vector<16xi32>
      %swap3A_648 = arith.constant 1 : i32
      %swap3A_649 = arith.index_cast %swap3A_648 : i32 to index
      %swap3A_650 = arith.constant 64 : index
      %swap3A_651 = tpu.vector_load %arg7[%swap3A_649, %swap3A_650] {strides = array<i32>} : memref<2x128xi32, #tpu.memory_space<vmem>>, vector<16xi32>,
      tpu.vector_store %arg7[%swap3A_649, %swap3A_650], %shift_right_logical3A_647 {strides = array<i32>} : memref<2x128xi32, #tpu.memory_space<vmem>>, vector<16xi32>,
      %get3A_652 = arith.index_cast %add3A_566 : i32 to index
      %get3A_653 = arith.constant 80 : index
      %get3A_654 = tpu.vector_load %arg5[%get3A_652, %get3A_653] {strides = array<i32>} : memref<80x128xi32, #tpu.memory_space<vmem>>, vector<16xi32>,
      %and3A_655 = arith.constant 65535 : i32
      %and3A_656 = vector.broadcast %and3A_655 : i32 to vector<16xi32>
      %and3A_657 = arith.andi %get3A_654, %and3A_656 : vector<16xi32>
      %swap3A_658 = arith.constant 1 : i32
      %swap3A_659 = arith.index_cast %swap3A_658 : i32 to index
      %swap3A_660 = arith.constant 80 : index
      %swap3A_661 = tpu.vector_load %arg6[%swap3A_659, %swap3A_660] {strides = array<i32>} : memref<2x128xi32, #tpu.memory_space<vmem>>, vector<16xi32>,
      tpu.vector_store %arg6[%swap3A_659, %swap3A_660], %and3A_657 {strides = array<i32>} : memref<2x128xi32, #tpu.memory_space<vmem>>, vector<16xi32>,
      %shift_right_logical3A_662 = arith.constant 16 : i32
      %shift_right_logical3A_663 = vector.broadcast %shift_right_logical3A_662 : i32 to vector<16xi32>
      %shift_right_logical3A_664 = arith.shrui %get3A_654, %shift_right_logical3A_663 : vector<16xi32>
      %swap3A_665 = arith.constant 1 : i32
      %swap3A_666 = arith.index_cast %swap3A_665 : i32 to index
      %swap3A_667 = arith.constant 80 : index
      %swap3A_668 = tpu.vector_load %arg7[%swap3A_666, %swap3A_667] {strides = array<i32>} : memref<2x128xi32, #tpu.memory_space<vmem>>, vector<16xi32>,
      tpu.vector_store %arg7[%swap3A_666, %swap3A_667], %shift_right_logical3A_664 {strides = array<i32>} : memref<2x128xi32, #tpu.memory_space<vmem>>, vector<16xi32>,
      %get3A_669 = arith.index_cast %add3A_566 : i32 to index
      %get3A_670 = arith.constant 96 : index
      %get3A_671 = tpu.vector_load %arg5[%get3A_669, %get3A_670] {strides = array<i32>} : memref<80x128xi32, #tpu.memory_space<vmem>>, vector<16xi32>,
      %and3A_672 = arith.constant 65535 : i32
      %and3A_673 = vector.broadcast %and3A_672 : i32 to vector<16xi32>
      %and3A_674 = arith.andi %get3A_671, %and3A_673 : vector<16xi32>
      %swap3A_675 = arith.constant 1 : i32
      %swap3A_676 = arith.index_cast %swap3A_675 : i32 to index
      %swap3A_677 = arith.constant 96 : index
      %swap3A_678 = tpu.vector_load %arg6[%swap3A_676, %swap3A_677] {strides = array<i32>} : memref<2x128xi32, #tpu.memory_space<vmem>>, vector<16xi32>,
      tpu.vector_store %arg6[%swap3A_676, %swap3A_677], %and3A_674 {strides = array<i32>} : memref<2x128xi32, #tpu.memory_space<vmem>>, vector<16xi32>,
      %shift_right_logical3A_679 = arith.constant 16 : i32
      %shift_right_logical3A_680 = vector.broadcast %shift_right_logical3A_679 : i32 to vector<16xi32>
      %shift_right_logical3A_681 = arith.shrui %get3A_671, %shift_right_logical3A_680 : vector<16xi32>
      %swap3A_682 = arith.constant 1 : i32
      %swap3A_683 = arith.index_cast %swap3A_682 : i32 to index
      %swap3A_684 = arith.constant 96 : index
      %swap3A_685 = tpu.vector_load %arg7[%swap3A_683, %swap3A_684] {strides = array<i32>} : memref<2x128xi32, #tpu.memory_space<vmem>>, vector<16xi32>,
      tpu.vector_store %arg7[%swap3A_683, %swap3A_684], %shift_right_logical3A_681 {strides = array<i32>} : memref<2x128xi32, #tpu.memory_space<vmem>>, vector<16xi32>,
      %get3A_686 = arith.index_cast %add3A_566 : i32 to index
      %get3A_687 = arith.constant 112 : index
      %get3A_688 = tpu.vector_load %arg5[%get3A_686, %get3A_687] {strides = array<i32>} : memref<80x128xi32, #tpu.memory_space<vmem>>, vector<16xi32>,
      %and3A_689 = arith.constant 65535 : i32
      %and3A_690 = vector.broadcast %and3A_689 : i32 to vector<16xi32>
      %and3A_691 = arith.andi %get3A_688, %and3A_690 : vector<16xi32>
      %swap3A_692 = arith.constant 1 : i32
      %swap3A_693 = arith.index_cast %swap3A_692 : i32 to index
      %swap3A_694 = arith.constant 112 : index
      %swap3A_695 = tpu.vector_load %arg6[%swap3A_693, %swap3A_694] {strides = array<i32>} : memref<2x128xi32, #tpu.memory_space<vmem>>, vector<16xi32>,
      tpu.vector_store %arg6[%swap3A_693, %swap3A_694], %and3A_691 {strides = array<i32>} : memref<2x128xi32, #tpu.memory_space<vmem>>, vector<16xi32>,
      %shift_right_logical3A_696 = arith.constant 16 : i32
      %shift_right_logical3A_697 = vector.broadcast %shift_right_logical3A_696 : i32 to vector<16xi32>
      %shift_right_logical3A_698 = arith.shrui %get3A_688, %shift_right_logical3A_697 : vector<16xi32>
      %swap3A_699 = arith.constant 1 : i32
      %swap3A_700 = arith.index_cast %swap3A_699 : i32 to index
      %swap3A_701 = arith.constant 112 : index
      %swap3A_702 = tpu.vector_load %arg7[%swap3A_700, %swap3A_701] {strides = array<i32>} : memref<2x128xi32, #tpu.memory_space<vmem>>, vector<16xi32>,
      tpu.vector_store %arg7[%swap3A_700, %swap3A_701], %shift_right_logical3A_698 {strides = array<i32>} : memref<2x128xi32, #tpu.memory_space<vmem>>, vector<16xi32>,
      %dma_start3A_703 = arith.constant 1 : i32
      %dma_start3A_704 = arith.constant 1 : i32
      %dma_start3A_705 = arith.constant 0 : i32
      %dma_start3A_706 = arith.constant 0 : i32
      %dma_start3A_707 = tpu.memref_slice %arg8[%dma_start3A_704, %dma_start3A_705, %dma_start3A_706] : memref<2x128x128xf32, #tpu.memory_space<vmem>> -> memref<1x128x128xf32, #tpu.memory_space<vmem>>
      %dma_start3A_708 = tpu.memref_squeeze %dma_start3A_707 : memref<1x128x128xf32, #tpu.memory_space<vmem>> -> memref<128x128xf32, #tpu.memory_space<vmem>>
      %dma_start3A_709 = arith.constant 0 : i32
      %dma_start3A_710 = tpu.memref_slice %arg6[%dma_start3A_703, %dma_start3A_709] : memref<2x128xi32, #tpu.memory_space<vmem>> -> memref<1x128xi32, #tpu.memory_space<vmem>>
      %dma_start3A_711 = tpu.memref_squeeze %dma_start3A_710 : memref<1x128xi32, #tpu.memory_space<vmem>> -> memref<128xi32, #tpu.memory_space<vmem>>
      %dma_start3A_712 = arith.constant 0 : i32
      %dma_start3A_713 = arith.constant 0 : i32
      %dma_start3A_714 = tpu.memref_slice %arg2[%dma_start3A_712, %dma_start3A_713] : memref<10240x128xf32, #tpu.memory_space<hbm>> -> memref<10240x128xf32, #tpu.memory_space<hbm>>
      tpu.enqueue_indirect_dma source(%dma_start3A_714 : memref<10240x128xf32, #tpu.memory_space<hbm>>) target(%dma_start3A_708 : memref<128x128xf32, #tpu.memory_space<vmem>>) offsets(%dma_start3A_711 : memref<128xi32, #tpu.memory_space<vmem>>) semaphore(%arg11 : memref<!tpu.dma_semaphore, #tpu.memory_space<semaphore_mem>>)
    }
    %scan3A_345 = arith.constant 39 : i32
    %dma_wait3A = arith.constant 0 : i32
    %dma_wait3A_346 = arith.constant 0 : i32
    %dma_wait3A_347 = arith.constant 0 : i32
    %dma_wait3A_348 = arith.constant 0 : i32
    %dma_wait3A_349 = tpu.memref_slice %arg8[%dma_wait3A_346, %dma_wait3A_347, %dma_wait3A_348] : memref<2x128x128xf32, #tpu.memory_space<vmem>> -> memref<1x128x128xf32, #tpu.memory_space<vmem>>
    %dma_wait3A_350 = tpu.memref_squeeze %dma_wait3A_349 : memref<1x128x128xf32, #tpu.memory_space<vmem>> -> memref<128x128xf32, #tpu.memory_space<vmem>>
    %dma_wait3A_351 = arith.constant 0 : i32
    %dma_wait3A_352 = tpu.memref_slice %arg6[%dma_wait3A, %dma_wait3A_351] : memref<2x128xi32, #tpu.memory_space<vmem>> -> memref<1x128xi32, #tpu.memory_space<vmem>>
    %dma_wait3A_353 = tpu.memref_squeeze %dma_wait3A_352 : memref<1x128xi32, #tpu.memory_space<vmem>> -> memref<128xi32, #tpu.memory_space<vmem>>
    %dma_wait3A_354 = arith.constant 0 : i32
    %dma_wait3A_355 = arith.constant 0 : i32
    %dma_wait3A_356 = tpu.memref_slice %arg2[%dma_wait3A_354, %dma_wait3A_355] : memref<10240x128xf32, #tpu.memory_space<hbm>> -> memref<10240x128xf32, #tpu.memory_space<hbm>>
    tpu.wait_indirect_dma semaphore(%arg10 : memref<!tpu.dma_semaphore, #tpu.memory_space<semaphore_mem>>) src(%dma_wait3A_356 : memref<10240x128xf32, #tpu.memory_space<hbm>>) dst(%dma_wait3A_350 : memref<128x128xf32, #tpu.memory_space<vmem>>)
    %run_scoped3A_357 = arith.constant 0 : i32
    %run_scoped3A_358 = arith.constant 0 : i32
    "tpu.region"() ({
      %run_scoped3A_378 = tpu.sem_alloc : memref<!tpu.dma_semaphore, #tpu.memory_space<semaphore_mem>>
      %dma_start3A_379 = arith.constant 0 : i32
      %dma_start3A_380 = arith.constant 0 : i32
      %dma_start3A_381 = tpu.memref_slice %arg8[%run_scoped3A_357, %dma_start3A_379, %dma_start3A_380] : memref<2x128x128xf32, #tpu.memory_space<vmem>> -> memref<1x128x128xf32, #tpu.memory_space<vmem>>
      %dma_start3A_382 = tpu.memref_squeeze %dma_start3A_381 : memref<1x128x128xf32, #tpu.memory_space<vmem>> -> memref<128x128xf32, #tpu.memory_space<vmem>>
      %dma_start3A_383 = arith.constant 0 : i32
      %dma_start3A_384 = tpu.memref_slice %arg7[%run_scoped3A_358, %dma_start3A_383] : memref<2x128xi32, #tpu.memory_space<vmem>> -> memref<1x128xi32, #tpu.memory_space<vmem>>
      %dma_start3A_385 = tpu.memref_squeeze %dma_start3A_384 : memref<1x128xi32, #tpu.memory_space<vmem>> -> memref<128xi32, #tpu.memory_space<vmem>>
      %dma_start3A_386 = arith.constant 0 : i32
      %dma_start3A_387 = arith.constant 0 : i32
      %dma_start3A_388 = tpu.memref_slice %arg9[%dma_start3A_386, %dma_start3A_387] : memref<10240x128xf32, #tpu.memory_space<vmem_shared>> -> memref<10240x128xf32, #tpu.memory_space<vmem_shared>>
      tpu.enqueue_indirect_dma source(%dma_start3A_382 : memref<128x128xf32, #tpu.memory_space<vmem>>) target(%dma_start3A_388 : memref<10240x128xf32, #tpu.memory_space<vmem_shared>>) offsets(%dma_start3A_385 : memref<128xi32, #tpu.memory_space<vmem>>) semaphore(%run_scoped3A_378 : memref<!tpu.dma_semaphore, #tpu.memory_space<semaphore_mem>>) {add = true}
      %dma_wait3A_389 = arith.constant 0 : i32
      %dma_wait3A_390 = arith.constant 0 : i32
      %dma_wait3A_391 = tpu.memref_slice %arg8[%run_scoped3A_357, %dma_wait3A_389, %dma_wait3A_390] : memref<2x128x128xf32, #tpu.memory_space<vmem>> -> memref<1x128x128xf32, #tpu.memory_space<vmem>>
      %dma_wait3A_392 = tpu.memref_squeeze %dma_wait3A_391 : memref<1x128x128xf32, #tpu.memory_space<vmem>> -> memref<128x128xf32, #tpu.memory_space<vmem>>
      %dma_wait3A_393 = arith.constant 0 : i32
      %dma_wait3A_394 = tpu.memref_slice %arg7[%run_scoped3A_358, %dma_wait3A_393] : memref<2x128xi32, #tpu.memory_space<vmem>> -> memref<1x128xi32, #tpu.memory_space<vmem>>
      %dma_wait3A_395 = tpu.memref_squeeze %dma_wait3A_394 : memref<1x128xi32, #tpu.memory_space<vmem>> -> memref<128xi32, #tpu.memory_space<vmem>>
      %dma_wait3A_396 = arith.constant 0 : i32
      %dma_wait3A_397 = arith.constant 0 : i32
      %dma_wait3A_398 = tpu.memref_slice %arg9[%dma_wait3A_396, %dma_wait3A_397] : memref<10240x128xf32, #tpu.memory_space<vmem_shared>> -> memref<10240x128xf32, #tpu.memory_space<vmem_shared>>
      tpu.wait_indirect_dma semaphore(%run_scoped3A_378 : memref<!tpu.dma_semaphore, #tpu.memory_space<semaphore_mem>>) src(%dma_wait3A_392 : memref<128x128xf32, #tpu.memory_space<vmem>>) dst(%dma_wait3A_398 : memref<10240x128xf32, #tpu.memory_space<vmem_shared>>)
      tpu.yield
    }) : () -> ()
    %dma_wait3A_359 = arith.constant 1 : i32
    %dma_wait3A_360 = arith.constant 1 : i32
    %dma_wait3A_361 = arith.constant 0 : i32
    %dma_wait3A_362 = arith.constant 0 : i32
    %dma_wait3A_363 = tpu.memref_slice %arg8[%dma_wait3A_360, %dma_wait3A_361, %dma_wait3A_362] : memref<2x128x128xf32, #tpu.memory_space<vmem>> -> memref<1x128x128xf32, #tpu.memory_space<vmem>>
    %dma_wait3A_364 = tpu.memref_squeeze %dma_wait3A_363 : memref<1x128x128xf32, #tpu.memory_space<vmem>> -> memref<128x128xf32, #tpu.memory_space<vmem>>
    %dma_wait3A_365 = arith.constant 0 : i32
    %dma_wait3A_366 = tpu.memref_slice %arg6[%dma_wait3A_359, %dma_wait3A_365] : memref<2x128xi32, #tpu.memory_space<vmem>> -> memref<1x128xi32, #tpu.memory_space<vmem>>
    %dma_wait3A_367 = tpu.memref_squeeze %dma_wait3A_366 : memref<1x128xi32, #tpu.memory_space<vmem>> -> memref<128xi32, #tpu.memory_space<vmem>>
    %dma_wait3A_368 = arith.constant 0 : i32
    %dma_wait3A_369 = arith.constant 0 : i32
    %dma_wait3A_370 = tpu.memref_slice %arg2[%dma_wait3A_368, %dma_wait3A_369] : memref<10240x128xf32, #tpu.memory_space<hbm>> -> memref<10240x128xf32, #tpu.memory_space<hbm>>
    tpu.wait_indirect_dma semaphore(%arg11 : memref<!tpu.dma_semaphore, #tpu.memory_space<semaphore_mem>>) src(%dma_wait3A_370 : memref<10240x128xf32, #tpu.memory_space<hbm>>) dst(%dma_wait3A_364 : memref<128x128xf32, #tpu.memory_space<vmem>>)
    %run_scoped3A_371 = arith.constant 1 : i32
    %run_scoped3A_372 = arith.constant 1 : i32
    "tpu.region"() ({
      %run_scoped3A_378 = tpu.sem_alloc : memref<!tpu.dma_semaphore, #tpu.memory_space<semaphore_mem>>
      %dma_start3A_379 = arith.constant 0 : i32
      %dma_start3A_380 = arith.constant 0 : i32
      %dma_start3A_381 = tpu.memref_slice %arg8[%run_scoped3A_371, %dma_start3A_379, %dma_start3A_380] : memref<2x128x128xf32, #tpu.memory_space<vmem>> -> memref<1x128x128xf32, #tpu.memory_space<vmem>>
      %dma_start3A_382 = tpu.memref_squeeze %dma_start3A_381 : memref<1x128x128xf32, #tpu.memory_space<vmem>> -> memref<128x128xf32, #tpu.memory_space<vmem>>
      %dma_start3A_383 = arith.constant 0 : i32
      %dma_start3A_384 = tpu.memref_slice %arg7[%run_scoped3A_372, %dma_start3A_383] : memref<2x128xi32, #tpu.memory_space<vmem>> -> memref<1x128xi32, #tpu.memory_space<vmem>>
      %dma_start3A_385 = tpu.memref_squeeze %dma_start3A_384 : memref<1x128xi32, #tpu.memory_space<vmem>> -> memref<128xi32, #tpu.memory_space<vmem>>
      %dma_start3A_386 = arith.constant 0 : i32
      %dma_start3A_387 = arith.constant 0 : i32
      %dma_start3A_388 = tpu.memref_slice %arg9[%dma_start3A_386, %dma_start3A_387] : memref<10240x128xf32, #tpu.memory_space<vmem_shared>> -> memref<10240x128xf32, #tpu.memory_space<vmem_shared>>
      tpu.enqueue_indirect_dma source(%dma_start3A_382 : memref<128x128xf32, #tpu.memory_space<vmem>>) target(%dma_start3A_388 : memref<10240x128xf32, #tpu.memory_space<vmem_shared>>) offsets(%dma_start3A_385 : memref<128xi32, #tpu.memory_space<vmem>>) semaphore(%run_scoped3A_378 : memref<!tpu.dma_semaphore, #tpu.memory_space<semaphore_mem>>) {add = true}
      %dma_wait3A_389 = arith.constant 0 : i32
      %dma_wait3A_390 = arith.constant 0 : i32
      %dma_wait3A_391 = tpu.memref_slice %arg8[%run_scoped3A_371, %dma_wait3A_389, %dma_wait3A_390] : memref<2x128x128xf32, #tpu.memory_space<vmem>> -> memref<1x128x128xf32, #tpu.memory_space<vmem>>
      %dma_wait3A_392 = tpu.memref_squeeze %dma_wait3A_391 : memref<1x128x128xf32, #tpu.memory_space<vmem>> -> memref<128x128xf32, #tpu.memory_space<vmem>>
      %dma_wait3A_393 = arith.constant 0 : i32
      %dma_wait3A_394 = tpu.memref_slice %arg7[%run_scoped3A_372, %dma_wait3A_393] : memref<2x128xi32, #tpu.memory_space<vmem>> -> memref<1x128xi32, #tpu.memory_space<vmem>>
      %dma_wait3A_395 = tpu.memref_squeeze %dma_wait3A_394 : memref<1x128xi32, #tpu.memory_space<vmem>> -> memref<128xi32, #tpu.memory_space<vmem>>
      %dma_wait3A_396 = arith.constant 0 : i32
      %dma_wait3A_397 = arith.constant 0 : i32
      %dma_wait3A_398 = tpu.memref_slice %arg9[%dma_wait3A_396, %dma_wait3A_397] : memref<10240x128xf32, #tpu.memory_space<vmem_shared>> -> memref<10240x128xf32, #tpu.memory_space<vmem_shared>>
      tpu.wait_indirect_dma semaphore(%run_scoped3A_378 : memref<!tpu.dma_semaphore, #tpu.memory_space<semaphore_mem>>) src(%dma_wait3A_392 : memref<128x128xf32, #tpu.memory_space<vmem>>) dst(%dma_wait3A_398 : memref<10240x128xf32, #tpu.memory_space<vmem_shared>>)
      tpu.yield
    }) : () -> ()
    %barrier3A_373 = arith.constant 0 : index
    tpu.barrier barrier_id(%barrier3A_373)
    %mul3A_374 = arith.constant 640 : i32
    %mul3A_375 = arith.muli %arg1, %mul3A_374 : i32
    %mul3A_376 = arith.constant 640 : i32
    %mul3A_377 = arith.muli %arg1, %mul3A_376 : i32
    "tpu.region"() ({
      %run_scoped3A_378 = tpu.sem_alloc : memref<!tpu.dma_semaphore, #tpu.memory_space<semaphore_mem>>
      %dma_start3A_379 = arith.constant 0 : i32
      %dma_start3A_380 = tpu.memref_slice %arg4[%arg0, %mul3A_377, %dma_start3A_379] : memref<2x10240x128xf32, #tpu.memory_space<hbm>> -> memref<1x640x128xf32, #tpu.memory_space<hbm>>
      %dma_start3A_381 = tpu.memref_squeeze %dma_start3A_380 : memref<1x640x128xf32, #tpu.memory_space<hbm>> -> memref<640x128xf32, #tpu.memory_space<hbm>>
      %dma_start3A_382 = arith.constant 0 : i32
      %dma_start3A_383 = tpu.memref_slice %arg9[%mul3A_375, %dma_start3A_382] : memref<10240x128xf32, #tpu.memory_space<vmem_shared>> -> memref<640x128xf32, #tpu.memory_space<vmem_shared>>
      tpu.enqueue_dma source(%dma_start3A_383 : memref<640x128xf32, #tpu.memory_space<vmem_shared>>) target(%dma_start3A_381 : memref<640x128xf32, #tpu.memory_space<hbm>>) target_semaphore(%run_scoped3A_378 : memref<!tpu.dma_semaphore, #tpu.memory_space<semaphore_mem>>)
      %dma_wait3A_384 = arith.constant 0 : i32
      %dma_wait3A_385 = tpu.memref_slice %arg4[%arg0, %mul3A_377, %dma_wait3A_384] : memref<2x10240x128xf32, #tpu.memory_space<hbm>> -> memref<1x640x128xf32, #tpu.memory_space<hbm>>
      %dma_wait3A_386 = tpu.memref_squeeze %dma_wait3A_385 : memref<1x640x128xf32, #tpu.memory_space<hbm>> -> memref<640x128xf32, #tpu.memory_space<hbm>>
      %dma_wait3A_387 = arith.constant 0 : i32
      %dma_wait3A_388 = tpu.memref_slice %arg9[%mul3A_375, %dma_wait3A_387] : memref<10240x128xf32, #tpu.memory_space<vmem_shared>> -> memref<640x128xf32, #tpu.memory_space<vmem_shared>>
      tpu.wait_dma2 semaphore(%run_scoped3A_378 : memref<!tpu.dma_semaphore, #tpu.memory_space<semaphore_mem>>) src(%dma_wait3A_388 : memref<640x128xf32, #tpu.memory_space<vmem_shared>>) dst(%dma_wait3A_386 : memref<640x128xf32, #tpu.memory_space<hbm>>)
      tpu.yield
    }) : () -> ()
    return
  }
}

module attributes {stable_mosaic.version = 14 : i64} {
  func.func @_pre_body(%arg0: i32, %arg1: memref<512x128xf32, #tpu.memory_space<vmem>>, %arg2: memref<128x128xf32, #tpu.memory_space<vmem>>, %arg3: memref<128x128xf32, #tpu.memory_space<vmem>>, %arg4: memref<1x128xf32, #tpu.memory_space<vmem>>, %arg5: memref<512x128xf32, #tpu.memory_space<vmem>>, %arg6: memref<512x128xf32, #tpu.memory_space<vmem>>) attributes {dimension_semantics = [#tpu.dimension_semantics<arbitrary>], iteration_bounds = array<i64: 20>, scalar_prefetch = 0 : i64, scratch_operands = 0 : i64, tpu.core_type = #tpu.core_type<tc>, window_params = [{transform_indices = @transform_0, window_bounds = array<i64: 512, 128>}, {pipeline_mode = #tpu.pipeline_mode<synchronous>, transform_indices = @transform_1, window_bounds = array<i64: 128, 128>}, {pipeline_mode = #tpu.pipeline_mode<synchronous>, transform_indices = @transform_2, window_bounds = array<i64: 128, 128>}, {pipeline_mode = #tpu.pipeline_mode<synchronous>, transform_indices = @transform_3, window_bounds = array<i64: 1, 128>}, {transform_indices = @transform_4, window_bounds = array<i64: 512, 128>}, {transform_indices = @transform_5, window_bounds = array<i64: 512, 128>}]} {
    %get3A = arith.constant 0 : index
    %get3A_0 = arith.constant 0 : index
    %get3A_1 = vector.load %arg1[%get3A, %get3A_0] : memref<512x128xf32, #tpu.memory_space<vmem>>, vector<512x128xf32>
    %get3A_2 = arith.constant 0 : index
    %get3A_3 = arith.constant 0 : index
    %get3A_4 = vector.load %arg2[%get3A_2, %get3A_3] : memref<128x128xf32, #tpu.memory_space<vmem>>, vector<128x128xf32>
    %dot_general3A = arith.constant dense<0.000000e+00> : vector<512x128xf32>
    %dot_general3A_5 = tpu.matmul %get3A_1, %get3A_4, %dot_general3A {dimension_numbers = #tpu.dot_dimension_numbers<[1], [0], [0], [1], [0, 0, 1, 1], [], []>, transpose_lhs_hint = false} : vector<512x128xf32>, vector<128x128xf32>, vector<512x128xf32> -> vector<512x128xf32>
    %swap3A = arith.constant 0 : index
    %swap3A_6 = arith.constant 0 : index
    %swap3A_7 = vector.load %arg5[%swap3A, %swap3A_6] : memref<512x128xf32, #tpu.memory_space<vmem>>, vector<512x128xf32>
    tpu.vector_store %arg5[%swap3A, %swap3A_6], %dot_general3A_5 {strides = array<i32>} : memref<512x128xf32, #tpu.memory_space<vmem>>, vector<512x128xf32>,
    %get3A_8 = arith.constant 0 : index
    %get3A_9 = arith.constant 0 : index
    %get3A_10 = vector.load %arg3[%get3A_8, %get3A_9] : memref<128x128xf32, #tpu.memory_space<vmem>>, vector<128x128xf32>
    %dot_general3A_11 = arith.constant dense<0.000000e+00> : vector<512x128xf32>
    %dot_general3A_12 = tpu.matmul %get3A_1, %get3A_10, %dot_general3A_11 {dimension_numbers = #tpu.dot_dimension_numbers<[1], [0], [0], [1], [0, 0, 1, 1], [], []>, transpose_lhs_hint = false} : vector<512x128xf32>, vector<128x128xf32>, vector<512x128xf32> -> vector<512x128xf32>
    %get3A_13 = arith.constant 0 : index
    %get3A_14 = arith.constant 0 : index
    %get3A_15 = vector.load %arg4[%get3A_13, %get3A_14] : memref<1x128xf32, #tpu.memory_space<vmem>>, vector<1x128xf32>
    %add3A = vector.broadcast %get3A_15 : vector<1x128xf32> to vector<512x128xf32>
    %add3A_16 = arith.addf %dot_general3A_12, %add3A : vector<512x128xf32>
    %swap3A_17 = arith.constant 0 : index
    %swap3A_18 = arith.constant 0 : index
    %swap3A_19 = vector.load %arg6[%swap3A_17, %swap3A_18] : memref<512x128xf32, #tpu.memory_space<vmem>>, vector<512x128xf32>
    tpu.vector_store %arg6[%swap3A_17, %swap3A_18], %add3A_16 {strides = array<i32>} : memref<512x128xf32, #tpu.memory_space<vmem>>, vector<512x128xf32>,
    return
  }
  func.func @transform_0(%arg0: i32) -> (i32, i32) {
    %c0_i32 = arith.constant 0 : i32
    %c0_i32_0 = arith.constant 0 : i32
    return %arg0, %c0_i32 : i32, i32
  }
  func.func @transform_1(%arg0: i32) -> (i32, i32) {
    %c0_i32 = arith.constant 0 : i32
    %c0_i32_0 = arith.constant 0 : i32
    %c0_i32_1 = arith.constant 0 : i32
    return %c0_i32, %c0_i32_0 : i32, i32
  }
  func.func @transform_2(%arg0: i32) -> (i32, i32) {
    %c0_i32 = arith.constant 0 : i32
    %c0_i32_0 = arith.constant 0 : i32
    %c0_i32_1 = arith.constant 0 : i32
    return %c0_i32, %c0_i32_0 : i32, i32
  }
  func.func @transform_3(%arg0: i32) -> (i32, i32) {
    %c0_i32 = arith.constant 0 : i32
    %c0_i32_0 = arith.constant 0 : i32
    %c0_i32_1 = arith.constant 0 : i32
    return %c0_i32, %c0_i32_0 : i32, i32
  }
  func.func @transform_4(%arg0: i32) -> (i32, i32) {
    %c0_i32 = arith.constant 0 : i32
    %c0_i32_0 = arith.constant 0 : i32
    return %arg0, %c0_i32 : i32, i32
  }
  func.func @transform_5(%arg0: i32) -> (i32, i32) {
    %c0_i32 = arith.constant 0 : i32
    %c0_i32_0 = arith.constant 0 : i32
    return %arg0, %c0_i32 : i32, i32
  }
}

module attributes {stable_mosaic.version = 14 : i64} {
  func.func @_inv_body(%arg0: i32, %arg1: memref<32x2048xf32, #tpu.memory_space<vmem>>, %arg2: memref<1x2048xf32, #tpu.memory_space<vmem>>) attributes {dimension_semantics = [#tpu.dimension_semantics<arbitrary>], iteration_bounds = array<i64: 5>, scalar_prefetch = 0 : i64, scratch_operands = 0 : i64, tpu.core_type = #tpu.core_type<tc>, window_params = [{transform_indices = @transform_0, window_bounds = array<i64: 32, 2048>}, {transform_indices = @transform_1, window_bounds = array<i64: 1, 2048>}]} {
    %get3A = arith.constant 0 : index
    %get3A_0 = arith.constant 0 : index
    %get3A_1 = vector.load %arg1[%get3A, %get3A_0] : memref<32x2048xf32, #tpu.memory_space<vmem>>, vector<32x2048xf32>
    %reduce_sum3A = arith.constant dense<0.000000e+00> : vector<2048xf32>
    %reduce_sum3A_2 = vector.multi_reduction <add>, %get3A_1, %reduce_sum3A [0] : vector<32x2048xf32> to vector<2048xf32>
    %broadcast_in_dim3A = vector.shape_cast %reduce_sum3A_2 : vector<2048xf32> to vector<1x2048xf32>
    %max3A = arith.constant 1.000000e+00 : f32
    %max3A_3 = vector.broadcast %max3A : f32 to vector<1x2048xf32>
    %max3A_4 = arith.maximumf %broadcast_in_dim3A, %max3A_3 : vector<1x2048xf32>
    %div3A = arith.constant 1.000000e+00 : f32
    %div3A_5 = vector.broadcast %div3A : f32 to vector<1x2048xf32>
    %div3A_6 = arith.divf %div3A_5, %max3A_4 : vector<1x2048xf32>
    %swap3A = arith.constant 0 : index
    %swap3A_7 = arith.constant 0 : index
    %swap3A_8 = vector.load %arg2[%swap3A, %swap3A_7] : memref<1x2048xf32, #tpu.memory_space<vmem>>, vector<1x2048xf32>
    tpu.vector_store %arg2[%swap3A, %swap3A_7], %div3A_6 {strides = array<i32>} : memref<1x2048xf32, #tpu.memory_space<vmem>>, vector<1x2048xf32>,
    return
  }
  func.func @transform_0(%arg0: i32) -> (i32, i32) {
    %c0_i32 = arith.constant 0 : i32
    %c0_i32_0 = arith.constant 0 : i32
    return %c0_i32, %arg0 : i32, i32
  }
  func.func @transform_1(%arg0: i32) -> (i32, i32) {
    %c0_i32 = arith.constant 0 : i32
    %c0_i32_0 = arith.constant 0 : i32
    return %c0_i32, %arg0 : i32, i32
  }
}

module attributes {stable_mosaic.version = 14 : i64} {
  func.func @_post_body(%arg0: i32, %arg1: memref<2x512x128xf32, #tpu.memory_space<vmem>>, %arg2: memref<512x1xf32, #tpu.memory_space<vmem>>, %arg3: memref<512x128xf32, #tpu.memory_space<vmem>>, %arg4: memref<512x128xf32, #tpu.memory_space<vmem>>) attributes {dimension_semantics = [#tpu.dimension_semantics<arbitrary>], iteration_bounds = array<i64: 20>, scalar_prefetch = 0 : i64, scratch_operands = 0 : i64, tpu.core_type = #tpu.core_type<tc>, window_params = [{transform_indices = @transform_0, window_bounds = array<i64: 2, 512, 128>}, {transform_indices = @transform_1, window_bounds = array<i64: 512, 1>}, {transform_indices = @transform_2, window_bounds = array<i64: 512, 128>}, {transform_indices = @transform_3, window_bounds = array<i64: 512, 128>}]} {
    %get3A = arith.constant 0 : index
    %get3A_0 = arith.constant 0 : index
    %get3A_1 = arith.constant 0 : index
    %get3A_2 = vector.load %arg1[%get3A, %get3A_0, %get3A_1] : memref<2x512x128xf32, #tpu.memory_space<vmem>>, vector<1x512x128xf32>
    %get3A_3 = vector.shape_cast %get3A_2 : vector<1x512x128xf32> to vector<512x128xf32>
    %get3A_4 = arith.constant 1 : index
    %get3A_5 = arith.constant 0 : index
    %get3A_6 = arith.constant 0 : index
    %get3A_7 = vector.load %arg1[%get3A_4, %get3A_5, %get3A_6] : memref<2x512x128xf32, #tpu.memory_space<vmem>>, vector<1x512x128xf32>
    %get3A_8 = vector.shape_cast %get3A_7 : vector<1x512x128xf32> to vector<512x128xf32>
    %add3A = arith.addf %get3A_3, %get3A_8 : vector<512x128xf32>
    %get3A_9 = arith.constant 0 : index
    %get3A_10 = arith.constant 0 : index
    %get3A_11 = vector.load %arg2[%get3A_9, %get3A_10] : memref<512x1xf32, #tpu.memory_space<vmem>>, vector<512x1xf32>
    %mul3A = vector.broadcast %get3A_11 : vector<512x1xf32> to vector<512x128xf32>
    %mul3A_12 = arith.mulf %add3A, %mul3A : vector<512x128xf32>
    %get3A_13 = arith.constant 0 : index
    %get3A_14 = arith.constant 0 : index
    %get3A_15 = vector.load %arg3[%get3A_13, %get3A_14] : memref<512x128xf32, #tpu.memory_space<vmem>>, vector<512x128xf32>
    %add3A_16 = arith.addf %mul3A_12, %get3A_15 : vector<512x128xf32>
    %swap3A = arith.constant 0 : index
    %swap3A_17 = arith.constant 0 : index
    %swap3A_18 = vector.load %arg4[%swap3A, %swap3A_17] : memref<512x128xf32, #tpu.memory_space<vmem>>, vector<512x128xf32>
    tpu.vector_store %arg4[%swap3A, %swap3A_17], %add3A_16 {strides = array<i32>} : memref<512x128xf32, #tpu.memory_space<vmem>>, vector<512x128xf32>,
    return
  }
  func.func @transform_0(%arg0: i32) -> (i32, i32, i32) {
    %c0_i32 = arith.constant 0 : i32
    %c0_i32_0 = arith.constant 0 : i32
    %c0_i32_1 = arith.constant 0 : i32
    return %c0_i32, %arg0, %c0_i32_0 : i32, i32, i32
  }
  func.func @transform_1(%arg0: i32) -> (i32, i32) {
    %c0_i32 = arith.constant 0 : i32
    %c0_i32_0 = arith.constant 0 : i32
    return %arg0, %c0_i32 : i32, i32
  }
  func.func @transform_2(%arg0: i32) -> (i32, i32) {
    %c0_i32 = arith.constant 0 : i32
    %c0_i32_0 = arith.constant 0 : i32
    return %arg0, %c0_i32 : i32, i32
  }
  func.func @transform_3(%arg0: i32) -> (i32, i32) {
    %c0_i32 = arith.constant 0 : i32
    %c0_i32_0 = arith.constant 0 : i32
    return %arg0, %c0_i32 : i32, i32
  }
}

module attributes {stable_mosaic.version = 14 : i64} {
  func.func @_mid_body(%arg0: i32, %arg1: memref<2x512x128xf32, #tpu.memory_space<vmem>>, %arg2: memref<512x1xf32, #tpu.memory_space<vmem>>, %arg3: memref<512x128xf32, #tpu.memory_space<vmem>>, %arg4: memref<128x128xf32, #tpu.memory_space<vmem>>, %arg5: memref<128x128xf32, #tpu.memory_space<vmem>>, %arg6: memref<1x128xf32, #tpu.memory_space<vmem>>, %arg7: memref<512x128xf32, #tpu.memory_space<vmem>>, %arg8: memref<512x128xf32, #tpu.memory_space<vmem>>) attributes {dimension_semantics = [#tpu.dimension_semantics<arbitrary>], iteration_bounds = array<i64: 20>, scalar_prefetch = 0 : i64, scratch_operands = 0 : i64, tpu.core_type = #tpu.core_type<tc>, window_params = [{transform_indices = @transform_0, window_bounds = array<i64: 2, 512, 128>}, {transform_indices = @transform_1, window_bounds = array<i64: 512, 1>}, {transform_indices = @transform_2, window_bounds = array<i64: 512, 128>}, {pipeline_mode = #tpu.pipeline_mode<synchronous>, transform_indices = @transform_3, window_bounds = array<i64: 128, 128>}, {pipeline_mode = #tpu.pipeline_mode<synchronous>, transform_indices = @transform_4, window_bounds = array<i64: 128, 128>}, {pipeline_mode = #tpu.pipeline_mode<synchronous>, transform_indices = @transform_5, window_bounds = array<i64: 1, 128>}, {transform_indices = @transform_6, window_bounds = array<i64: 512, 128>}, {transform_indices = @transform_7, window_bounds = array<i64: 512, 128>}]} {
    %get3A = arith.constant 0 : index
    %get3A_0 = arith.constant 0 : index
    %get3A_1 = arith.constant 0 : index
    %get3A_2 = vector.load %arg1[%get3A, %get3A_0, %get3A_1] : memref<2x512x128xf32, #tpu.memory_space<vmem>>, vector<1x512x128xf32>
    %get3A_3 = vector.shape_cast %get3A_2 : vector<1x512x128xf32> to vector<512x128xf32>
    %get3A_4 = arith.constant 1 : index
    %get3A_5 = arith.constant 0 : index
    %get3A_6 = arith.constant 0 : index
    %get3A_7 = vector.load %arg1[%get3A_4, %get3A_5, %get3A_6] : memref<2x512x128xf32, #tpu.memory_space<vmem>>, vector<1x512x128xf32>
    %get3A_8 = vector.shape_cast %get3A_7 : vector<1x512x128xf32> to vector<512x128xf32>
    %add3A = arith.addf %get3A_3, %get3A_8 : vector<512x128xf32>
    %get3A_9 = arith.constant 0 : index
    %get3A_10 = arith.constant 0 : index
    %get3A_11 = vector.load %arg2[%get3A_9, %get3A_10] : memref<512x1xf32, #tpu.memory_space<vmem>>, vector<512x1xf32>
    %mul3A = vector.broadcast %get3A_11 : vector<512x1xf32> to vector<512x128xf32>
    %mul3A_12 = arith.mulf %add3A, %mul3A : vector<512x128xf32>
    %get3A_13 = arith.constant 0 : index
    %get3A_14 = arith.constant 0 : index
    %get3A_15 = vector.load %arg3[%get3A_13, %get3A_14] : memref<512x128xf32, #tpu.memory_space<vmem>>, vector<512x128xf32>
    %add3A_16 = arith.addf %mul3A_12, %get3A_15 : vector<512x128xf32>
    %max3A = arith.constant 0.000000e+00 : f32
    %max3A_17 = vector.broadcast %max3A : f32 to vector<512x128xf32>
    %max3A_18 = arith.maximumf %add3A_16, %max3A_17 : vector<512x128xf32>
    %get3A_19 = arith.constant 0 : index
    %get3A_20 = arith.constant 0 : index
    %get3A_21 = vector.load %arg4[%get3A_19, %get3A_20] : memref<128x128xf32, #tpu.memory_space<vmem>>, vector<128x128xf32>
    %dot_general3A = arith.constant dense<0.000000e+00> : vector<512x128xf32>
    %dot_general3A_22 = tpu.matmul %max3A_18, %get3A_21, %dot_general3A {dimension_numbers = #tpu.dot_dimension_numbers<[1], [0], [0], [1], [0, 0, 1, 1], [], []>, transpose_lhs_hint = false} : vector<512x128xf32>, vector<128x128xf32>, vector<512x128xf32> -> vector<512x128xf32>
    %swap3A = arith.constant 0 : index
    %swap3A_23 = arith.constant 0 : index
    %swap3A_24 = vector.load %arg7[%swap3A, %swap3A_23] : memref<512x128xf32, #tpu.memory_space<vmem>>, vector<512x128xf32>
    tpu.vector_store %arg7[%swap3A, %swap3A_23], %dot_general3A_22 {strides = array<i32>} : memref<512x128xf32, #tpu.memory_space<vmem>>, vector<512x128xf32>,
    %get3A_25 = arith.constant 0 : index
    %get3A_26 = arith.constant 0 : index
    %get3A_27 = vector.load %arg5[%get3A_25, %get3A_26] : memref<128x128xf32, #tpu.memory_space<vmem>>, vector<128x128xf32>
    %dot_general3A_28 = arith.constant dense<0.000000e+00> : vector<512x128xf32>
    %dot_general3A_29 = tpu.matmul %max3A_18, %get3A_27, %dot_general3A_28 {dimension_numbers = #tpu.dot_dimension_numbers<[1], [0], [0], [1], [0, 0, 1, 1], [], []>, transpose_lhs_hint = false} : vector<512x128xf32>, vector<128x128xf32>, vector<512x128xf32> -> vector<512x128xf32>
    %get3A_30 = arith.constant 0 : index
    %get3A_31 = arith.constant 0 : index
    %get3A_32 = vector.load %arg6[%get3A_30, %get3A_31] : memref<1x128xf32, #tpu.memory_space<vmem>>, vector<1x128xf32>
    %add3A_33 = vector.broadcast %get3A_32 : vector<1x128xf32> to vector<512x128xf32>
    %add3A_34 = arith.addf %dot_general3A_29, %add3A_33 : vector<512x128xf32>
    %add3A_35 = arith.addf %add3A_34, %max3A_18 : vector<512x128xf32>
    %swap3A_36 = arith.constant 0 : index
    %swap3A_37 = arith.constant 0 : index
    %swap3A_38 = vector.load %arg8[%swap3A_36, %swap3A_37] : memref<512x128xf32, #tpu.memory_space<vmem>>, vector<512x128xf32>
    tpu.vector_store %arg8[%swap3A_36, %swap3A_37], %add3A_35 {strides = array<i32>} : memref<512x128xf32, #tpu.memory_space<vmem>>, vector<512x128xf32>,
    return
  }
  func.func @transform_0(%arg0: i32) -> (i32, i32, i32) {
    %c0_i32 = arith.constant 0 : i32
    %c0_i32_0 = arith.constant 0 : i32
    %c0_i32_1 = arith.constant 0 : i32
    return %c0_i32, %arg0, %c0_i32_0 : i32, i32, i32
  }
  func.func @transform_1(%arg0: i32) -> (i32, i32) {
    %c0_i32 = arith.constant 0 : i32
    %c0_i32_0 = arith.constant 0 : i32
    return %arg0, %c0_i32 : i32, i32
  }
  func.func @transform_2(%arg0: i32) -> (i32, i32) {
    %c0_i32 = arith.constant 0 : i32
    %c0_i32_0 = arith.constant 0 : i32
    return %arg0, %c0_i32 : i32, i32
  }
  func.func @transform_3(%arg0: i32) -> (i32, i32) {
    %c0_i32 = arith.constant 0 : i32
    %c0_i32_0 = arith.constant 0 : i32
    %c0_i32_1 = arith.constant 0 : i32
    return %c0_i32, %c0_i32_0 : i32, i32
  }
  func.func @transform_4(%arg0: i32) -> (i32, i32) {
    %c0_i32 = arith.constant 0 : i32
    %c0_i32_0 = arith.constant 0 : i32
    %c0_i32_1 = arith.constant 0 : i32
    return %c0_i32, %c0_i32_0 : i32, i32
  }
  func.func @transform_5(%arg0: i32) -> (i32, i32) {
    %c0_i32 = arith.constant 0 : i32
    %c0_i32_0 = arith.constant 0 : i32
    %c0_i32_1 = arith.constant 0 : i32
    return %c0_i32, %c0_i32_0 : i32, i32
  }
  func.func @transform_6(%arg0: i32) -> (i32, i32) {
    %c0_i32 = arith.constant 0 : i32
    %c0_i32_0 = arith.constant 0 : i32
    return %arg0, %c0_i32 : i32, i32
  }
  func.func @transform_7(%arg0: i32) -> (i32, i32) {
    %c0_i32 = arith.constant 0 : i32
    %c0_i32_0 = arith.constant 0 : i32
    return %arg0, %c0_i32 : i32, i32
  }
}

</mosaic_0001>

<sc_bundles>
// kernel: kernel.12.cloned.1.call-start
scs
__scs_entry_jumppad:
0x0: {  	(pc) =	sbr.rel $0x88, $3  }
0x1: {  	(tag) =	ssettag $0x0;
	lr =	simm.s32 $0x1  }
0x2: {  	[smem:$0x3F99] =	sst lr;
	_ =	strace $0xD0000000  }
0x3: {  	_ = 	snop  }
0x4: {  	_ = 	snop  }
0x5: {  	_ = 	snop  }
0x6: {  	_ = 	snop  }
0x7: {  	_ = 	snop  }
__scs_overlays_trampoline_lowered:
0x8: {  	[smem:$0x3FA8] =	sst s0  }
0x9: {  	[smem:$0x3FA9] =	sst s1  }
0xa: {  	[smem:$0x3FAA] =	sst s2  }
0xb: {  	[smem:$0x3FAB] =	sst s3  }
0xc: {  	[smem:$0x3FAC] =	sst s4  }
0xd: {  	[smem:$0x3FAD] =	sst s5  }
0xe: {  	[smem:$0x3FAE] =	sst s6  }
0xf: {  	[smem:$0x3FAF] =	sst s7  }
0x10: {  	[smem:$0x3FB0] =	sst s8  }
0x11: {  	[smem:$0x3FB1] =	sst s9;
	s0 =	simm.s32 @!p0 $0x0  }
0x12: {  	s1 =	sld [smem:$0x3F97];
	s0 =	simm.s32 @p0 $0x1  }
0x13: {  	[smem:$0x3FB2] =	sst s0;
	s0 =	simm.s32 @!p1 $0x0  }
0x14: {  	s2 =	sld [smem:$0x3F96];
	s0 =	simm.s32 @p1 $0x1  }
0x15: {  	[smem:$0x3FB3] =	sst s0;
	s0 =	simm.s32 @!p2 $0x0  }
0x16: {  	s3 =	sld [smem:$0x3FDB];
	s0 =	simm.s32 @p2 $0x1  }
0x17: {  	s4 =	simm.s32 $0x1BF5;
	[smem:$0x3FB5] =	sst s0  }
0x18: {  	s0 =	sld [smem:$0x3F98];
	_ =	swait.ge [sflag:s4], $0x0  }
0x19: {  	s7 =	sld [smem:$0x3F99]  }
0x1a: {  	s8 =	sadd.s32 $0xFFFFE003, lr  }
0x1b: {  	s9 =	sadd.s32 $0xFFFFFEF7, lr;
	s5 =	simm.s32 $0xFFFFFFFF;
	p2 =	slt.u32 s8, $0xFFFFF086  }
0x1c: {  	p1 =	slt.u32 s9, $0xF7A;
	s5 =	simm.s32 @!p2 $0x0  }
0x1d: {  	s5 =	simm.s32 @p1 $0x1;
	p0 =	seq.s32 s7, s2  }
0x1e: {  	s7 =	smul.u32 @!p0 $0xF7A, s2;
	p2 =	seq.s32 @!p0 s5, $0x0  }
0x1f: {  	s9 =	smul.u32 $0xF7A, s1;
	s8 =	simm.s32 @!p0 $0x1BF5;
	p2 =	por !p2, p0  }
0x20: {  	[sflag:s8] =	ssyncset.s32 @!p0 $0xFFFFF086;
	s6 =	sadd.s32 @!p0 s3, s7;
	s7 =	simm.s32 @!p0 $0x108  }
0x21: {  	s3 =	sadd.s32 s3, s9;
	s6 =	sadd.s32 @!p0 $0x88, s6;
	s7 =	simm.s32 @p2 $0x1082  }
0x22: {  	[simem:s7], [sflag:s8] =	dma.local @!p0 [hbm:s6], $0xF7A  }
0x23: {  	s9 =	sor.u32 $0xD0000000, s2;
	s6 =	simm.s32 $0x108;
	_ =	swait.ge @!p0 [sflag:s8], $0x0  }
0x24: {  	s3 =	sadd.s32 $0x88, s3;
	s6 =	simm.s32 @!p1 $0x1082;
	[sflag:s4] =	ssyncset.s32 $0xFFFFF086  }
0x25: {  	[simem:s6], [sflag:s4] =	dma.local [hbm:s3], $0xF7A  }
0x26: {  	[smem:$0x3F99] =	sst s1;
	(tag) =	ssettag s2;
	_ =	strace s9  }
0x27: {  	s1 =	sld [smem:$0x3FA9]  }
0x28: {  	s2 =	sld [smem:$0x3FAA]  }
0x29: {  	s4 =	sld [smem:$0x3FAC]  }
0x2a: {  	p0 =	seq.s32 s5, $0x0;
	s5 =	sld [smem:$0x3FAD]  }
0x2b: {  	s6 =	sld [smem:$0x3FAE]  }
0x2c: {  	s7 =	sld [smem:$0x3FAF]  }
0x2d: {  	s3 =	simm.s32 $0x108;
	s8 =	sld [smem:$0x3FB0]  }
0x2e: {  	s3 =	simm.s32 @!p0 $0x1082;
	s9 =	sld [smem:$0x3FB1]  }
0x2f: {  	lr =	sadd.s32 s0, s3;
	s0 =	sld [smem:$0x3FA8]  }
0x30: {  	s3 =	sld [smem:$0x3FAB]  }
0x31: {  	[smem:$0x3FB4] =	sst s10  }
0x32: {  	s10 =	sld [smem:$0x3FB2];
	_ =	sdelay $0x3  }
0x33: {  	p0 =	seq.s32 s10, $0x1;
	s10 =	sld [smem:$0x3FB4];
	_ =	sdelay $0x3  }
0x34: {  	[smem:$0x3FB4] =	sst s10  }
0x35: {  	s10 =	sld [smem:$0x3FB3];
	_ =	sdelay $0x3  }
0x36: {  	p1 =	seq.s32 s10, $0x1;
	s10 =	sld [smem:$0x3FB4];
	_ =	sdelay $0x3  }
0x37: {  	[smem:$0x3FB4] =	sst s10  }
0x38: {  	s10 =	sld [smem:$0x3FB5]  }
0x39: {  	_ = 	snop;
	(pc) =	sbr.ind lr, $3  }
0x3a: {  	_ = 	snop  }
0x3b: {  	_ = 	snop  }
0x3c: {  	p2 =	seq.s32 s10, $0x1;
	s10 =	sld [smem:$0x3FB4]  }
0x3d: {  	_ =	shalt  }
0x3e: {  	_ =	shalt  }
0x3f: {  	_ =	shalt  }
0x40: {  	_ =	shalt  }
0x41: {  	_ =	shalt  }
0x42: {  	_ =	shalt  }
0x43: {  	_ =	shalt  }
0x44: {  	_ =	shalt  }
0x45: {  	_ =	shalt  }
0x46: {  	_ =	shalt  }
0x47: {  	_ =	shalt  }
0x48: {  	_ =	shalt  }
0x49: {  	_ =	shalt  }
0x4a: {  	_ =	shalt  }
0x4b: {  	_ =	shalt  }
0x4c: {  	_ =	shalt  }
0x4d: {  	_ =	shalt  }
0x4e: {  	_ =	shalt  }
0x4f: {  	_ =	shalt  }
0x50: {  	_ =	shalt  }
0x51: {  	_ =	shalt  }
0x52: {  	_ =	shalt  }
0x53: {  	_ =	shalt  }
0x54: {  	_ =	shalt  }
0x55: {  	_ =	shalt  }
0x56: {  	_ =	shalt  }
0x57: {  	_ =	shalt  }
0x58: {  	_ =	shalt  }
0x59: {  	_ =	shalt  }
0x5a: {  	_ =	shalt  }
0x5b: {  	_ =	shalt  }
0x5c: {  	_ =	shalt  }
0x5d: {  	_ =	shalt  }
0x5e: {  	_ =	shalt  }
0x5f: {  	_ =	shalt  }
0x60: {  	_ =	shalt  }
0x61: {  	_ =	shalt  }
0x62: {  	_ =	shalt  }
0x63: {  	_ =	shalt  }
0x64: {  	_ =	shalt  }
0x65: {  	_ =	shalt  }
0x66: {  	_ =	shalt  }
0x67: {  	_ =	shalt  }
0x68: {  	_ =	shalt  }
0x69: {  	_ =	shalt  }
0x6a: {  	_ =	shalt  }
0x6b: {  	_ =	shalt  }
0x6c: {  	_ =	shalt  }
0x6d: {  	_ =	shalt  }
0x6e: {  	_ =	shalt  }
0x6f: {  	_ =	shalt  }
0x70: {  	_ =	shalt  }
0x71: {  	_ =	shalt  }
0x72: {  	_ =	shalt  }
0x73: {  	_ =	shalt  }
0x74: {  	_ =	shalt  }
0x75: {  	_ =	shalt  }
0x76: {  	_ =	shalt  }
0x77: {  	_ =	shalt  }
0x78: {  	_ =	shalt  }
0x79: {  	_ =	shalt  }
0x7a: {  	_ =	shalt  }
0x7b: {  	_ =	shalt  }
0x7c: {  	_ =	shalt  }
0x7d: {  	_ =	shalt  }
0x7e: {  	_ =	shalt  }
0x7f: {  	_ =	shalt  }
0x80: {  	_ =	shalt  }
0x81: {  	_ =	shalt  }
0x82: {  	_ =	shalt  }
0x83: {  	_ =	shalt  }
0x84: {  	_ =	shalt  }
0x85: {  	_ =	shalt  }
0x86: {  	_ =	shalt  }
0x87: {  	_ =	shalt  }
.Lfunc_end0:
.L_simem_size_0:
called_computation.1_lowered:
.L_overlay_start_0:
0x88: {  	s2 =	sld [smem:$0x3FD9]  }
0x89: {  	s3 =	sld [smem:$0x3FFE];
	_ =	sdelay $0x1  }
0x8a: {  	s1 =	srdreg.scid  }
0x8b: {  	s0 =	sand.u32 $0x1, s1  }
0x8c: {  	s17 =	sshll.u32 s0, $0xA;
	s2 =	sadd.s32 s3, s2  }
0x8d: {  	s2 =	sadd.s32 s2, s17  }
0x8e: {  	[smem:$0x3FC0] =	sst s2  }
0x8f: {  	_ = 	snop  }
0x90: {  	s18 =	sld [smem:$0x3FD0];
	(tm) =	ssettm $0x1  }
0x91: {  	s19 =	sld [smem:$0x3FFB];
	_ =	sdelay $0x3  }
0x92: {  	_ =	strace s19  }
0x93: {  	s2 =	sld [smem:$0x3FFC];
	_ =	sdelay $0x3  }
0x94: {  	_ =	strace s2  }
0x95: {  	s2 =	sld [smem:$0x3FFD];
	_ =	sdelay $0x3  }
0x96: {  	_ =	strace s2  }
0x97: {  	_ =	strace $0x8FFFFFFF  }
0x98: {  	s20 =	sld [smem:$0x3FDB];
	_ =	sdelay $0x1  }
0x99: {  	s4 =	simm.s32 $_scs_section_size  }
0x9a: {  	s5 =	simm.s32 $_size__tile_overlayer_lowered;
	s6 =	simm.s32 $_tile_overlayer_lowered  }
0x9b: {  	s7 =	simm.s32 $0x1BFF;
	s21 =	sshll.u32 s6, $0x1;
	s4 =	sadd.s32 s4, s20  }
0x9c: {  	s22 =	simm.s32 $0x0;
	s5 =	sshll.u32 s5, $0x1;
	s6 =	sadd.s32 s21, s4  }
0x9d: {  	[timem:s22], [sflag:s7] =	dma.local [hbm:s6], s5  }
0x9e: {  	_ =	swait.ge [sflag:s7], s5  }
0x9f: {  	s5 =	ssub.s32 $0x0, s5;
	[sflag:s7] =	ssyncset.done $0x0  }
0xa0: {  	[sflag:s7] =	ssyncadd.s32 s5;
	_ =	sdelay $0x1  }
0xa1: {  	s23 =	simm.s32 $0x1B8B  }
0xa2: {  	_ =	swait.ge [sflag:s23], $0x1  }
0xa3: {  	[sflag:s23] =	ssyncset.done $0x0  }
0xa4: {  	[sflag:s23] =	ssyncadd.s32 $0xFFFFFFFF  }
0xa5: {  	s5 =	sld [smem:$0x0]  }
0xa6: {  	s6 =	sand.u32 $0xFFFFFFFE, s1  }
0xa7: {  	p0 =	sne.s32 s1, s6  }
0xa8: {  	s6 =	sshll.u32 @p0 s6, $0xE  }
0xa9: {  	s6 =	sadd.s32 @p0 $0x11B8D, s6;
	s7 =	sshll.u32 @p0 s5, $0x11  }
0xaa: {  	s6 =	sor.u32 @p0 s7, s6  }
0xab: {  	[sflag:s6] =	ssyncadd.remote.s32 @p0 $0x1;
	_ =	sdelay $0x1  }
0xac: {  	s6 =	simm.s32 @p0 $0x1B8D  }
0xad: {  	_ =	swait.eq @p0 [sflag:s6], $0x1  }
0xae: {  	[sflag:s6] =	ssyncadd.s32 @p0 $0xFFFFFFFF  }
0xaf: {  	s7 =	sshll.u32 @!p0 s1, $0xE  }
0xb0: {  	s7 =	sor.u32 @!p0 $0x4000, s7;
	s6 =	simm.s32 @!p0 $0x1B8D  }
0xb1: {  	s5 =	sshll.u32 @!p0 s5, $0x11;
	s7 =	sadd.s32 @!p0 $0x11B8D, s7;
	_ =	swait.eq @!p0 [sflag:s6], $0x1  }
0xb2: {  	s5 =	sor.u32 @!p0 s5, s7;
	[sflag:s6] =	ssyncadd.s32 @!p0 $0xFFFFFFFF  }
0xb3: {  	s25 =	simm.s32 $0x1B8E;
	s24 =	sld [smem:$0x3FFE];
	[sflag:s5] =	ssyncadd.remote.s32 @!p0 $0x1  }
0xb4: {  	s26 =	simm.s32 $execute0_lowered;
	[smem:$0x3FD2] =	sst s25  }
0xb5: {  	s6 =	sshll.u32 s26, $0x1;
	_ =	strace $0x80000049;
	[dreg:$0x1] =	wrdreg $0xFFFFFFFF  }
0xb6: {  	s28 =	simm.s32 $_size_execute0_lowered;
	s4 =	sadd.s32 s4, s6;
	[dreg:$0x0] =	wrdreg $0x0  }
0xb7: {  	s6 =	sshll.u32 s28, $0x1;
	[dreg:$0x2] =	wrdreg s4  }
0xb8: {  	[dreg:$0x3] =	wrdreg s6  }
0xb9: {  	[dreg:$0x4] =	wrdreg $0xC0  }
0xba: {  	_ =	task [dreg:s22], $0x5FFFF  }
0xbb: {  	[dreg:$0x1] =	wrdreg $0xFFFFFFFF  }
0xbc: {  	[dreg:$0x0] =	wrdreg $0x60  }
0xbd: {  	[dreg:$0x2] =	wrdreg s24  }
0xbe: {  	[dreg:$0x3] =	wrdreg s18  }
0xbf: {  	[dreg:$0x4] =	wrdreg $0xAA000  }
0xc0: {  	[dreg:$0x5] =	wrdreg $0xA  }
0xc1: {  	_ =	task.clear_ibuf [dreg:s22], $0x6FFFF;
	_ =	strace $0x90000049  }
0xc2: {  	s29 =	simm.s32 $0xA;
	_ =	strace $0x8000004B  }
0xc3: {  	_ =	swait.ge [sflag:s29], $0x1  }
0xc4: {  	[sflag:s29] =	ssyncadd.s32 $0xFFFFFFFF  }
0xc5: {  	_ =	strace $0x9000004B  }
0xc6: {  	_ =	sfence  }
0xc7: {  	s30 =	sld [smem:$0x0];
	_ =	sdelay $0x2  }
0xc8: {  	s31 =	sshll.u32 s1, $0xD;
	s1 =	sshrl.u32 s1, $0x2  }
0xc9: {  	s4 =	sand.u32 $0x4000, s31;
	s1 =	sadd.s32 s1, s30  }
0xca: {  	s0 =	sor.u32 s4, s0;
	s1 =	sshll.u32 s1, $0x11  }
0xcb: {  	s0 =	sor.u32 s1, s0  }
0xcc: {  	s0 =	sadd.s32 $0x8F2B, s0  }
0xcd: {  	[sflag:s0] =	ssyncadd.remote.s32 $0x1  }
0xce: {  	_ =	sfence.sel $0xFFFF  }
0xcf: {  	[dreg:$0x0] =	wrdreg $0xFFFFFFFF;
	(pc) =	sbr.abs _section_cstart, $3  }
0xd0: {  	[dreg:$0x1] =	wrdreg $0xFFFFFFFF  }
0xd1: {  	_ =	task.clear_ibuf [dreg:s22], $0x2FFFF;
	_ =	strace $0x9FFFFFFF  }
0xd2: {  	(tm) =	ssettm $0x7FFFFFFF  }
0xd3: {  	_ =	shalt  }
tec
execute0_lowered:
.L_overlay_start_1:
0x0: {  	(tag) =	ssettag $0x1  }
0x1: {  	s5 =	rddreg [dreg:$0x0]  }
0x2: {  	s10 =	rddreg [dreg:$0x1]  }
0x3: {  	s0 =	srdreg.scid;
	s2 =	rddreg [dreg:$0x2]  }
0x4: {  	s1 =	stileid.u32;
	s3 =	simm.s32 $0x0;
	s14 =	simm.s32 $0x3  }
0x5: {  	s15 =	simm.s32 $0x80;
	s16 =	simm.s32 $0x2800;
	s17 =	simm.s32 $0x2880  }
0x6: {  	s18 =	simm.s32 $0x6A00;
	s19 =	simm.s32 $0x1;
	s20 =	simm.s32 $0x2900  }
0x7: {  	s21 =	simm.s32 $0x2;
	s22 =	simm.s32 $0x2980;
	s7 =	smul.u32 $0x14000, s1  }
0x8: {  	s6 =	sand.u32 $0x1, s0;
	s0 =	rddreg [dreg:$0x3];
	s8 =	smul.u32 $0x50000, s1  }
0x9: {  	s23 =	simm.s32 $0x0;
	[smem:$0x7FF] =	sst s3;
	s4 =	smul.u32 $0x140000, s6  }
0xa: {  	_ =	strace $0x8000004A;
	s30 =	ssub.s32 $0x2, s6;
	s6 =	sshll.u32 s6, $0x4  }
0xb: {  	s31 =	sshrl.u32 s30, $0x1;
	s6 =	sor.u32 s1, s6;
	s8 =	sshrl.u32 s8, $0x2  }
0xc: {  	s7 =	sadd.s32 s7, s4;
	s12 =	ssub.s32 s30, s31;
	s13 =	smul.u32 $0x500, s6  }
0xd: {  	s4 =	sadd.s32 $0xC400, s5;
	s7 =	sshrl.u32 s7, $0x3;
	s12 =	smax.u32 s12, $0x1  }
0xe: {  	s11 =	sadd.s32 s7, s5;
	s5 =	sadd.s32 s8, s2;
	s10 =	sadd.s32 s10, s13  }
0xf: {  	s13 =	simm.s32 $0x2A00;
	s6 =	sadd.s32 $0x4000, s5;
	s7 =	sadd.s32 $0x8000, s5  }
0x10: {  	v0 =	vimm.f32 $0.0e+00;
	s8 =	sadd.s32 $0xC000, s5;
	s9 =	sadd.s32 $0x10000, s5;
	s11 =	sadd.s32 $0x34400, s11  }
.LBB2_1:
0x11: {  	s24 =	simm.s32 $0x0;
	s25 =	simm.s32 $0x200  }
.LBB2_2:
0x12: {  	p0 =	sne.s32 s25, $0xFE00;
	[tilespmem:s24+$0x2A70] =	vst v0  }
0x13: {  	[tilespmem:s24+$0x2A00] =	vst v0  }
0x14: {  	[tilespmem:s24+$0x2A10] =	vst v0  }
.Ltmp0:
0x15: {  	[tilespmem:s24+$0x2A20] =	vst v0;
	(pc) =	sbr.rel @p0 .LBB2_2-.Ltmp0, $4  }
0x16: {  	[tilespmem:s24+$0x2A30] =	vst v0  }
0x17: {  	[tilespmem:s24+$0x2A40] =	vst v0  }
0x18: {  	[tilespmem:s24+$0x2A50] =	vst v0  }
0x19: {  	[tilespmem:s24+$0x2A60] =	vst v0;
	s24 =	sshra.s32 s25, $0x2;
	s25 =	sadd.s32 $0x200, s25  }
0x1a: {  	[tilespmem:s24+$0x2A70] =	vst v0  }
0x1b: {  	[tilespmem:s24+$0x2A00] =	vst v0  }
0x1c: {  	[tilespmem:s24+$0x2A10] =	vst v0  }
0x1d: {  	[tilespmem:s24+$0x2A20] =	vst v0  }
0x1e: {  	[tilespmem:s24+$0x2A30] =	vst v0  }
0x1f: {  	[tilespmem:s24+$0x2A40] =	vst v0  }
0x20: {  	[tilespmem:s24+$0x2A50] =	vst v0  }
0x21: {  	[tilespmem:s24+$0x2A60] =	vst v0  }
0x22: {  	[spmem:s5] =	stream.linear.scatter [tilespmem:s13], [sflag:$0x3], $0x4000, $0x38;
	[tilespmem:$0x1EA00] =	vst v63  }
0x23: {  	_ =	swait.ge [sflag:s14], $0x4000  }
0x24: {  	[sflag:s14] =	ssyncset.done $0x0  }
0x25: {  	[sflag:s14] =	ssyncadd.s32 $0xFFFFC000  }
0x26: {  	[spmem:s6] =	stream.linear.scatter [tilespmem:s13], [sflag:$0x3], $0x4000, $0x38;
	[tilespmem:$0x1EA00] =	vst v63  }
0x27: {  	_ =	swait.ge [sflag:s14], $0x4000  }
0x28: {  	[sflag:s14] =	ssyncset.done $0x0  }
0x29: {  	[sflag:s14] =	ssyncadd.s32 $0xFFFFC000  }
0x2a: {  	[spmem:s7] =	stream.linear.scatter [tilespmem:s13], [sflag:$0x3], $0x4000, $0x38;
	[tilespmem:$0x1EA00] =	vst v63  }
0x2b: {  	_ =	swait.ge [sflag:s14], $0x4000  }
0x2c: {  	[sflag:s14] =	ssyncset.done $0x0  }
0x2d: {  	[sflag:s14] =	ssyncadd.s32 $0xFFFFC000  }
0x2e: {  	[spmem:s8] =	stream.linear.scatter [tilespmem:s13], [sflag:$0x3], $0x4000, $0x38;
	[tilespmem:$0x1EA00] =	vst v63  }
0x2f: {  	_ =	swait.ge [sflag:s14], $0x4000  }
0x30: {  	[sflag:s14] =	ssyncset.done $0x0  }
0x31: {  	[sflag:s14] =	ssyncadd.s32 $0xFFFFC000  }
0x32: {  	[spmem:s9] =	stream.linear.scatter [tilespmem:s13], [sflag:$0x3], $0x4000, $0x38;
	[tilespmem:$0x1EA00] =	vst v63  }
0x33: {  	_ =	swait.ge [sflag:s14], $0x4000  }
0x34: {  	[sflag:s14] =	ssyncset.done $0x0  }
0x35: {  	[sflag:s14] =	ssyncadd.s32 $0xFFFFC000  }
0x36: {  	[tilespmem:s3], [sflag:$0x3] =	stream.linear.gather [hbm4b:s10+s3], $0x2800, $0x38;
	[tilespmem:$0x1EA00] =	vst v63  }
0x37: {  	_ =	swait.ge [sflag:s14], $0x2800  }
0x38: {  	[sflag:s14] =	ssyncset.done $0x0  }
0x39: {  	[sflag:s14] =	ssyncadd.s32 $0xFFFFD800  }
0x3a: {  	[bflag:$0x0] =	sbarrier.arrive $0xFFFF  }
0x3b: {  	v1 =	vld [tilespmem:$0x0];
	_ =	sdelay $0x1  }
0x3c: {  	v2 =	vld [tilespmem:$0x10];
	_ =	sdelay $0x1  }
0x3d: {  	v3 =	vld [tilespmem:$0x20]  }
0x3e: {  	v4 =	vand.u32 $0xFFFF, v1  }
0x3f: {  	v59 =	vld [tilespmem:$0x30];
	v1 =	vshrl.u32 v1, $0x10;
	[tilespmem:$0x2800] =	vst v4  }
0x40: {  	[tilespmem:$0x2900] =	vst v1;
	v1 =	vand.u32 $0xFFFF, v2  }
0x41: {  	[tilespmem:$0x2810] =	vst v1;
	v1 =	vshrl.u32 v2, $0x10;
	v2 =	vld [tilespmem:$0x40]  }
0x42: {  	[tilespmem:$0x2910] =	vst v1;
	v1 =	vand.u32 $0xFFFF, v3  }
0x43: {  	[tilespmem:$0x2820] =	vst v1;
	v1 =	vshrl.u32 v3, $0x10;
	v3 =	vld [tilespmem:$0x50]  }
0x44: {  	[tilespmem:$0x2920] =	vst v1;
	v1 =	vand.u32 $0xFFFF, v59  }
0x45: {  	v60 =	vld [tilespmem:$0x60];
	[tilespmem:$0x2830] =	vst v1;
	v1 =	vshrl.u32 v59, $0x10  }
0x46: {  	[tilespmem:$0x2930] =	vst v1;
	v1 =	vand.u32 $0xFFFF, v2  }
0x47: {  	[tilespmem:$0x2840] =	vst v1;
	v1 =	vshrl.u32 v2, $0x10;
	v2 =	vld [tilespmem:$0x70]  }
0x48: {  	[tilespmem:$0x2940] =	vst v1;
	v1 =	vand.u32 $0xFFFF, v3  }
0x49: {  	[tilespmem:$0x2850] =	vst v1;
	v1 =	vshrl.u32 v3, $0x10  }
0x4a: {  	[tilespmem:$0x2950] =	vst v1;
	v1 =	vand.u32 $0xFFFF, v60  }
0x4b: {  	[tilespmem:$0x2860] =	vst v1;
	v1 =	vshrl.u32 v60, $0x10  }
0x4c: {  	[tilespmem:$0x2960] =	vst v1;
	v1 =	vand.u32 $0xFFFF, v2  }
0x4d: {  	[tilespmem:$0x2870] =	vst v1;
	v1 =	vshrl.u32 v2, $0x10  }
0x4e: {  	[tilespmem:$0x2970] =	vst v1  }
0x4f: {  	[tilespmem:s13], [sflag:$0x1] =	stream.indirect.gather [hbm4b:s4+s15], $0x80, s16, s15, $0xb8;
	[tilespmem:$0x1EA00] =	vst v63  }
0x50: {  	v1 =	vld [tilespmem:$0x80];
	_ =	sdelay $0x1  }
0x51: {  	v2 =	vld [tilespmem:$0x90];
	_ =	sdelay $0x1  }
0x52: {  	v3 =	vld [tilespmem:$0xA0]  }
0x53: {  	v61 =	vand.u32 $0xFFFF, v1  }
0x54: {  	v62 =	vld [tilespmem:$0xB0];
	v1 =	vshrl.u32 v1, $0x10;
	[tilespmem:$0x2880] =	vst v61  }
0x55: {  	[tilespmem:$0x2980] =	vst v1;
	v1 =	vand.u32 $0xFFFF, v2  }
0x56: {  	[tilespmem:$0x2890] =	vst v1;
	v1 =	vshrl.u32 v2, $0x10;
	v2 =	vld [tilespmem:$0xC0]  }
0x57: {  	[tilespmem:$0x2990] =	vst v1;
	v1 =	vand.u32 $0xFFFF, v3  }
0x58: {  	[tilespmem:$0x28A0] =	vst v1;
	v1 =	vshrl.u32 v3, $0x10;
	v3 =	vld [tilespmem:$0xD0]  }
0x59: {  	[tilespmem:$0x29A0] =	vst v1;
	v1 =	vand.u32 $0xFFFF, v62  }
0x5a: {  	v63 =	vld [tilespmem:$0xE0];
	[tilespmem:$0x28B0] =	vst v1;
	v1 =	vshrl.u32 v62, $0x10  }
0x5b: {  	[tilespmem:$0x29B0] =	vst v1;
	v1 =	vand.u32 $0xFFFF, v2  }
0x5c: {  	[tilespmem:$0x28C0] =	vst v1;
	v1 =	vshrl.u32 v2, $0x10;
	v2 =	vld [tilespmem:$0xF0]  }
0x5d: {  	[tilespmem:$0x29C0] =	vst v1;
	v1 =	vand.u32 $0xFFFF, v3  }
0x5e: {  	[tilespmem:$0x28D0] =	vst v1;
	v1 =	vshrl.u32 v3, $0x10  }
0x5f: {  	[tilespmem:$0x29D0] =	vst v1;
	v1 =	vand.u32 $0xFFFF, v63  }
0x60: {  	[tilespmem:$0x28E0] =	vst v1;
	v1 =	vshrl.u32 v63, $0x10  }
0x61: {  	[tilespmem:$0x29E0] =	vst v1;
	v1 =	vand.u32 $0xFFFF, v2  }
0x62: {  	[tilespmem:$0x28F0] =	vst v1;
	v1 =	vshrl.u32 v2, $0x10  }
0x63: {  	[tilespmem:$0x29F0] =	vst v1  }
0x64: {  	[tilespmem:s18], [sflag:$0x2] =	stream.indirect.gather [hbm4b:s4+s15], $0x80, s17, s15, $0xb8;
	[tilespmem:$0x1EA00] =	vst v63  }
0x65: {  	_ =	swait.ge [sflag:s19], $0x4000  }
0x66: {  	[sflag:s19] =	ssyncset.done $0x0  }
0x67: {  	[sflag:s19] =	ssyncadd.s32 $0xFFFFC000  }
0x68: {  	[spmem:s2] =	stream.indirect.scatter.add.f32 [tilespmem:s13], [sflag:$0x3], $0x80, s20, s15, $0xb8;
	[tilespmem:$0x1EA00] =	vst v63  }
0x69: {  	_ =	swait.ge [sflag:s14], $0x4000  }
0x6a: {  	[sflag:s14] =	ssyncset.done $0x0  }
0x6b: {  	s24 =	simm.s32 $0x1F0;
	[sflag:s14] =	ssyncadd.s32 $0xFFFFC000  }
0x6c: {  	v1 =	vld [tilespmem:s24+$0xFFFFFF10];
	_ =	sdelay $0x4  }
0x6d: {  	v2 =	vand.u32 $0xFFFF, v1  }
0x6e: {  	v1 =	vshrl.u32 v1, $0x10;
	[tilespmem:$0x2800] =	vst v2  }
0x6f: {  	[tilespmem:$0x2900] =	vst v1  }
0x70: {  	v1 =	vld [tilespmem:s24+$0xFFFFFF20];
	_ =	sdelay $0x4  }
0x71: {  	v2 =	vand.u32 $0xFFFF, v1  }
0x72: {  	v1 =	vshrl.u32 v1, $0x10;
	[tilespmem:$0x2810] =	vst v2  }
0x73: {  	[tilespmem:$0x2910] =	vst v1  }
0x74: {  	v1 =	vld [tilespmem:s24+$0xFFFFFF30];
	_ =	sdelay $0x4  }
0x75: {  	v2 =	vand.u32 $0xFFFF, v1  }
0x76: {  	v1 =	vshrl.u32 v1, $0x10;
	[tilespmem:$0x2820] =	vst v2  }
0x77: {  	[tilespmem:$0x2920] =	vst v1  }
0x78: {  	v1 =	vld [tilespmem:s24+$0xFFFFFF40];
	_ =	sdelay $0x4  }
0x79: {  	v2 =	vand.u32 $0xFFFF, v1  }
0x7a: {  	v1 =	vshrl.u32 v1, $0x10;
	[tilespmem:$0x2830] =	vst v2  }
0x7b: {  	[tilespmem:$0x2930] =	vst v1  }
0x7c: {  	v1 =	vld [tilespmem:s24+$0xFFFFFF50];
	_ =	sdelay $0x4  }
0x7d: {  	v2 =	vand.u32 $0xFFFF, v1  }
0x7e: {  	v1 =	vshrl.u32 v1, $0x10;
	[tilespmem:$0x2840] =	vst v2  }
0x7f: {  	[tilespmem:$0x2940] =	vst v1  }
0x80: {  	v1 =	vld [tilespmem:s24+$0xFFFFFF60];
	_ =	sdelay $0x4  }
0x81: {  	v2 =	vand.u32 $0xFFFF, v1  }
0x82: {  	v1 =	vshrl.u32 v1, $0x10;
	[tilespmem:$0x2850] =	vst v2  }
0x83: {  	[tilespmem:$0x2950] =	vst v1  }
0x84: {  	v1 =	vld [tilespmem:s24+$0xFFFFFF70];
	_ =	sdelay $0x4  }
0x85: {  	v2 =	vand.u32 $0xFFFF, v1  }
0x86: {  	v1 =	vshrl.u32 v1, $0x10;
	[tilespmem:$0x2860] =	vst v2  }
0x87: {  	[tilespmem:$0x2960] =	vst v1  }
0x88: {  	v1 =	vld [tilespmem:s24+$0xFFFFFF80];
	_ =	sdelay $0x4  }
0x89: {  	v2 =	vand.u32 $0xFFFF, v1  }
0x8a: {  	v1 =	vshrl.u32 v1, $0x10;
	[tilespmem:$0x2870] =	vst v2  }
0x8b: {  	[tilespmem:$0x2970] =	vst v1  }
0x8c: {  	[tilespmem:s13], [sflag:$0x1] =	stream.indirect.gather [hbm4b:s4+s15], $0x80, s16, s15, $0xb8;
	[tilespmem:$0x1EA00] =	vst v63  }
0x8d: {  	_ =	swait.ge [sflag:s21], $0x4000  }
0x8e: {  	[sflag:s21] =	ssyncset.done $0x0  }
0x8f: {  	[sflag:s21] =	ssyncadd.s32 $0xFFFFC000  }
0x90: {  	[spmem:s2] =	stream.indirect.scatter.add.f32 [tilespmem:s18], [sflag:$0x3], $0x80, s22, s15, $0xb8;
	[tilespmem:$0x1EA00] =	vst v63  }
0x91: {  	_ =	swait.ge [sflag:s14], $0x4000  }
0x92: {  	[sflag:s14] =	ssyncset.done $0x0  }
0x93: {  	[sflag:s14] =	ssyncadd.s32 $0xFFFFC000  }
0x94: {  	v1 =	vld [tilespmem:s24+$0xFFFFFF90];
	_ =	sdelay $0x4  }
0x95: {  	v2 =	vand.u32 $0xFFFF, v1  }
0x96: {  	v1 =	vshrl.u32 v1, $0x10;
	[tilespmem:$0x2880] =	vst v2  }
0x97: {  	[tilespmem:$0x2980] =	vst v1  }
0x98: {  	v1 =	vld [tilespmem:s24+$0xFFFFFFA0];
	_ =	sdelay $0x4  }
0x99: {  	v2 =	vand.u32 $0xFFFF, v1  }
0x9a: {  	v1 =	vshrl.u32 v1, $0x10;
	[tilespmem:$0x2890] =	vst v2  }
0x9b: {  	[tilespmem:$0x2990] =	vst v1  }
0x9c: {  	v1 =	vld [tilespmem:s24+$0xFFFFFFB0];
	_ =	sdelay $0x4  }
0x9d: {  	v2 =	vand.u32 $0xFFFF, v1  }
0x9e: {  	v1 =	vshrl.u32 v1, $0x10;
	[tilespmem:$0x28A0] =	vst v2  }
0x9f: {  	[tilespmem:$0x29A0] =	vst v1  }
0xa0: {  	v1 =	vld [tilespmem:s24+$0xFFFFFFC0];
	_ =	sdelay $0x4  }
0xa1: {  	v2 =	vand.u32 $0xFFFF, v1  }
0xa2: {  	v1 =	vshrl.u32 v1, $0x10;
	[tilespmem:$0x28B0] =	vst v2  }
0xa3: {  	[tilespmem:$0x29B0] =	vst v1  }
0xa4: {  	v1 =	vld [tilespmem:s24+$0xFFFFFFD0];
	_ =	sdelay $0x4  }
0xa5: {  	v2 =	vand.u32 $0xFFFF, v1  }
0xa6: {  	v1 =	vshrl.u32 v1, $0x10;
	[tilespmem:$0x28C0] =	vst v2  }
0xa7: {  	[tilespmem:$0x29C0] =	vst v1  }
0xa8: {  	v1 =	vld [tilespmem:s24+$0xFFFFFFE0];
	_ =	sdelay $0x4  }
0xa9: {  	v2 =	vand.u32 $0xFFFF, v1  }
0xaa: {  	v1 =	vshrl.u32 v1, $0x10;
	[tilespmem:$0x28D0] =	vst v2  }
0xab: {  	s25 =	simm.s32 $0xBC0;
	[tilespmem:$0x29D0] =	vst v1  }
.LBB2_4:
0xac: {  	p0 =	sne.s32 s25, $0x9FC0;
	v1 =	vld [tilespmem:s24+$0xFFFFFFF0];
	s26 =	smov.u32 s25;
	s25 =	sadd.s32 $0x400, s25  }
0xad: {  	_ =	sdelay $0x3  }
0xae: {  	v2 =	vand.u32 $0xFFFF, v1;
	v1 =	vshrl.u32 v1, $0x10  }
0xaf: {  	[tilespmem:$0x28E0] =	vst v2  }
0xb0: {  	[tilespmem:$0x29E0] =	vst v1  }
0xb1: {  	v1 =	vld [tilespmem:s24+$0x0];
	_ =	sdelay $0x4  }
0xb2: {  	v2 =	vand.u32 $0xFFFF, v1;
	v1 =	vshrl.u32 v1, $0x10  }
0xb3: {  	[tilespmem:$0x28F0] =	vst v2  }
0xb4: {  	[tilespmem:$0x29F0] =	vst v1  }
0xb5: {  	[tilespmem:s18], [sflag:$0x2] =	stream.indirect.gather [hbm4b:s4+s15], $0x80, s17, s15, $0xb8;
	[tilespmem:$0x1EA00] =	vst v63  }
0xb6: {  	_ =	swait.ge [sflag:s19], $0x4000  }
0xb7: {  	[sflag:s19] =	ssyncset.done $0x0  }
0xb8: {  	[sflag:s19] =	ssyncadd.s32 $0xFFFFC000  }
0xb9: {  	[spmem:s2] =	stream.indirect.scatter.add.f32 [tilespmem:s13], [sflag:$0x3], $0x80, s20, s15, $0xb8;
	[tilespmem:$0x1EA00] =	vst v63  }
0xba: {  	_ =	swait.ge [sflag:s14], $0x4000  }
0xbb: {  	[sflag:s14] =	ssyncset.done $0x0  }
0xbc: {  	s24 =	sshra.s32 s26, $0x2;
	[sflag:s14] =	ssyncadd.s32 $0xFFFFC000  }
0xbd: {  	v1 =	vld [tilespmem:s24+$0xFFFFFF10];
	_ =	sdelay $0x4  }
0xbe: {  	v2 =	vand.u32 $0xFFFF, v1;
	v1 =	vshrl.u32 v1, $0x10  }
0xbf: {  	[tilespmem:$0x2800] =	vst v2  }
0xc0: {  	[tilespmem:$0x2900] =	vst v1  }
0xc1: {  	v1 =	vld [tilespmem:s24+$0xFFFFFF20];
	_ =	sdelay $0x4  }
0xc2: {  	v2 =	vand.u32 $0xFFFF, v1;
	v1 =	vshrl.u32 v1, $0x10  }
0xc3: {  	[tilespmem:$0x2810] =	vst v2  }
0xc4: {  	[tilespmem:$0x2910] =	vst v1  }
0xc5: {  	v1 =	vld [tilespmem:s24+$0xFFFFFF30];
	_ =	sdelay $0x4  }
0xc6: {  	v2 =	vand.u32 $0xFFFF, v1;
	v1 =	vshrl.u32 v1, $0x10  }
0xc7: {  	[tilespmem:$0x2820] =	vst v2  }
0xc8: {  	[tilespmem:$0x2920] =	vst v1  }
0xc9: {  	v1 =	vld [tilespmem:s24+$0xFFFFFF40];
	_ =	sdelay $0x4  }
0xca: {  	v2 =	vand.u32 $0xFFFF, v1;
	v1 =	vshrl.u32 v1, $0x10  }
0xcb: {  	[tilespmem:$0x2830] =	vst v2  }
0xcc: {  	[tilespmem:$0x2930] =	vst v1  }
0xcd: {  	v1 =	vld [tilespmem:s24+$0xFFFFFF50];
	_ =	sdelay $0x4  }
0xce: {  	v2 =	vand.u32 $0xFFFF, v1;
	v1 =	vshrl.u32 v1, $0x10  }
0xcf: {  	[tilespmem:$0x2840] =	vst v2  }
0xd0: {  	[tilespmem:$0x2940] =	vst v1  }
0xd1: {  	v1 =	vld [tilespmem:s24+$0xFFFFFF60];
	_ =	sdelay $0x4  }
0xd2: {  	v2 =	vand.u32 $0xFFFF, v1;
	v1 =	vshrl.u32 v1, $0x10  }
0xd3: {  	[tilespmem:$0x2850] =	vst v2  }
0xd4: {  	[tilespmem:$0x2950] =	vst v1  }
0xd5: {  	v1 =	vld [tilespmem:s24+$0xFFFFFF70];
	_ =	sdelay $0x4  }
0xd6: {  	v2 =	vand.u32 $0xFFFF, v1;
	v1 =	vshrl.u32 v1, $0x10  }
0xd7: {  	[tilespmem:$0x2860] =	vst v2  }
0xd8: {  	[tilespmem:$0x2960] =	vst v1  }
0xd9: {  	v1 =	vld [tilespmem:s24+$0xFFFFFF80];
	_ =	sdelay $0x4  }
0xda: {  	v2 =	vand.u32 $0xFFFF, v1;
	v1 =	vshrl.u32 v1, $0x10  }
0xdb: {  	[tilespmem:$0x2870] =	vst v2  }
0xdc: {  	[tilespmem:$0x2970] =	vst v1  }
0xdd: {  	[tilespmem:s13], [sflag:$0x1] =	stream.indirect.gather [hbm4b:s4+s15], $0x80, s16, s15, $0xb8;
	[tilespmem:$0x1EA00] =	vst v63  }
0xde: {  	_ =	swait.ge [sflag:s21], $0x4000  }
0xdf: {  	[sflag:s21] =	ssyncset.done $0x0  }
0xe0: {  	[sflag:s21] =	ssyncadd.s32 $0xFFFFC000  }
0xe1: {  	[spmem:s2] =	stream.indirect.scatter.add.f32 [tilespmem:s18], [sflag:$0x3], $0x80, s22, s15, $0xb8;
	[tilespmem:$0x1EA00] =	vst v63  }
0xe2: {  	_ =	swait.ge [sflag:s14], $0x4000  }
0xe3: {  	[sflag:s14] =	ssyncset.done $0x0  }
0xe4: {  	[sflag:s14] =	ssyncadd.s32 $0xFFFFC000  }
0xe5: {  	v1 =	vld [tilespmem:s24+$0xFFFFFF90];
	_ =	sdelay $0x4  }
0xe6: {  	v2 =	vand.u32 $0xFFFF, v1;
	v1 =	vshrl.u32 v1, $0x10  }
0xe7: {  	[tilespmem:$0x2880] =	vst v2  }
0xe8: {  	[tilespmem:$0x2980] =	vst v1  }
0xe9: {  	v1 =	vld [tilespmem:s24+$0xFFFFFFA0];
	_ =	sdelay $0x4  }
0xea: {  	v2 =	vand.u32 $0xFFFF, v1;
	v1 =	vshrl.u32 v1, $0x10  }
0xeb: {  	[tilespmem:$0x2890] =	vst v2  }
0xec: {  	[tilespmem:$0x2990] =	vst v1  }
0xed: {  	v1 =	vld [tilespmem:s24+$0xFFFFFFB0];
	_ =	sdelay $0x4  }
0xee: {  	v2 =	vand.u32 $0xFFFF, v1;
	v1 =	vshrl.u32 v1, $0x10  }
0xef: {  	[tilespmem:$0x28A0] =	vst v2  }
0xf0: {  	[tilespmem:$0x29A0] =	vst v1  }
0xf1: {  	v1 =	vld [tilespmem:s24+$0xFFFFFFC0];
	_ =	sdelay $0x4  }
0xf2: {  	v2 =	vand.u32 $0xFFFF, v1;
	v1 =	vshrl.u32 v1, $0x10  }
0xf3: {  	[tilespmem:$0x28B0] =	vst v2  }
0xf4: {  	[tilespmem:$0x29B0] =	vst v1  }
0xf5: {  	v1 =	vld [tilespmem:s24+$0xFFFFFFD0];
	_ =	sdelay $0x4  }
0xf6: {  	v2 =	vand.u32 $0xFFFF, v1;
	v1 =	vshrl.u32 v1, $0x10  }
0xf7: {  	[tilespmem:$0x28C0] =	vst v2  }
0xf8: {  	[tilespmem:$0x29C0] =	vst v1  }
0xf9: {  	v1 =	vld [tilespmem:s24+$0xFFFFFFE0];
	_ =	sdelay $0x2  }
.Ltmp1:
0xfa: {  	(pc) =	sbr.rel @p0 .LBB2_4-.Ltmp1, $4  }
0xfb: {  	_ = 	snop  }
0xfc: {  	v2 =	vand.u32 $0xFFFF, v1;
	v1 =	vshrl.u32 v1, $0x10  }
0xfd: {  	[tilespmem:$0x28D0] =	vst v2  }
0xfe: {  	[tilespmem:$0x29D0] =	vst v1  }
0xff: {  	v1 =	vld [tilespmem:s24+$0xFFFFFFF0];
	_ =	sdelay $0x4  }
0x100: {  	v2 =	vand.u32 $0xFFFF, v1  }
0x101: {  	v1 =	vshrl.u32 v1, $0x10;
	[tilespmem:$0x28E0] =	vst v2  }
0x102: {  	[tilespmem:$0x29E0] =	vst v1  }
0x103: {  	v1 =	vld [tilespmem:s24+$0x0];
	_ =	sdelay $0x4  }
0x104: {  	v2 =	vand.u32 $0xFFFF, v1  }
0x105: {  	v1 =	vshrl.u32 v1, $0x10;
	[tilespmem:$0x28F0] =	vst v2  }
0x106: {  	[tilespmem:$0x29F0] =	vst v1  }
0x107: {  	[tilespmem:s18], [sflag:$0x2] =	stream.indirect.gather [hbm4b:s4+s15], $0x80, s17, s15, $0xb8;
	[tilespmem:$0x1EA00] =	vst v63  }
0x108: {  	_ =	swait.ge [sflag:s19], $0x4000  }
0x109: {  	[sflag:s19] =	ssyncset.done $0x0  }
0x10a: {  	[sflag:s19] =	ssyncadd.s32 $0xFFFFC000  }
0x10b: {  	[spmem:s2] =	stream.indirect.scatter.add.f32 [tilespmem:s13], [sflag:$0x3], $0x80, s20, s15, $0xb8;
	[tilespmem:$0x1EA00] =	vst v63  }
0x10c: {  	_ =	swait.ge [sflag:s14], $0x4000  }
0x10d: {  	[sflag:s14] =	ssyncset.done $0x0  }
0x10e: {  	[sflag:s14] =	ssyncadd.s32 $0xFFFFC000  }
0x10f: {  	_ =	swait.ge [sflag:s21], $0x4000  }
0x110: {  	[sflag:s21] =	ssyncset.done $0x0  }
0x111: {  	[sflag:s21] =	ssyncadd.s32 $0xFFFFC000  }
0x112: {  	[spmem:s2] =	stream.indirect.scatter.add.f32 [tilespmem:s18], [sflag:$0x3], $0x80, s22, s15, $0xb8;
	[tilespmem:$0x1EA00] =	vst v63  }
0x113: {  	_ =	swait.ge [sflag:s14], $0x4000  }
0x114: {  	s31 =	sshll.u32 s1, $0x6;
	s23 =	sadd.s32 $0x1, s23;
	[sflag:s14] =	ssyncset.done $0x0  }
0x115: {  	s25 =	sshrl.u32 s5, $0x3;
	p0 =	sne.s32 s23, s12;
	[sflag:s14] =	ssyncadd.s32 $0xFFFFC000  }
.Ltmp2:
0x116: {  	s24 =	sor.u32 $0x1C03, s31;
	[bflag:$0x0] =	sbarrier.arrive $0xFFFF;
	(pc) =	sbr.rel @p0 .LBB2_1-.Ltmp2, $4  }
0x117: {  	[hbm:s11], [sflag:s24] =	dma.local [spmem:s25], $0x2800  }
0x118: {  	_ =	swait.ge [sflag:s14], $0x2800  }
0x119: {  	[sflag:s14] =	ssyncset.done $0x0  }
0x11a: {  	[sflag:s14] =	ssyncadd.s32 $0xFFFFD800  }
0x11b: {  	_ =	sfence.sel $0x180000  }
0x11c: {  	[bflag:$0x0] =	sbarrier.arrive $0xFFFF  }
0x11d: {  	p0 =	sne.s32 s1, $0x0;
	_ =	strace $0x9000004A  }
0x11e: {  	s0 =	sadd.s32 @!p0 $0x100000, s0;
	[bflag:$0x2] =	sbarrier.arrive $0xFFFF  }
0x11f: {  	[sflag:s0] =	ssyncadd.tile.s32 @!p0 $0x1;
	_ =	shalt  }
.Lfunc_end2:
_tile_overlayer_lowered:
.L_overlay_start_2:
0x120: {  	(tag) =	ssettag $0x2  }
0x121: {  	s0 =	rddreg [dreg:$0x0];
	s2 =	stileid.u32  }
0x122: {  	s1 =	rddreg [dreg:$0x1];
	p0 =	sne.s32 s2, $0x0  }
0x123: {  	s3 =	rddreg [dreg:$0x2];
	[bflag:$0x3] =	sbarrier.arrive $0xFFFF;
	s2 =	simm.s32 @!p0 $0x1C03  }
0x124: {  	[timem:s3], [sflag:s2] =	dma.local @!p0 [hbm:s0], s1  }
0x125: {  	s0 =	simm.s32 @!p0 $0x3  }
0x126: {  	_ =	swait.ge @!p0 [sflag:s0], s1  }
0x127: {  	s1 =	ssub.s32 @!p0 $0x0, s1;
	[sflag:s0] =	ssyncset.done @!p0 $0x0  }
0x128: {  	[sflag:s0] =	ssyncadd.s32 @!p0 s1  }
0x129: {  	[bflag:$0x3] =	sbarrier.arrive $0xFFFF  }
0x12a: {  	_ =	shalt  }

// kernel: kernel.15.cloned.1.call-start
scs
__scs_entry_jumppad:
0x0: {  	(pc) =	sbr.rel $0x88, $3  }
0x1: {  	(tag) =	ssettag $0x0;
	lr =	simm.s32 $0x1  }
0x2: {  	[smem:$0x3F99] =	sst lr;
	_ =	strace $0xD0000000  }
0x3: {  	_ = 	snop  }
0x4: {  	_ = 	snop  }
0x5: {  	_ = 	snop  }
0x6: {  	_ = 	snop  }
0x7: {  	_ = 	snop  }
__scs_overlays_trampoline_lowered:
0x8: {  	[smem:$0x3FA8] =	sst s0  }
0x9: {  	[smem:$0x3FA9] =	sst s1  }
0xa: {  	[smem:$0x3FAA] =	sst s2  }
0xb: {  	[smem:$0x3FAB] =	sst s3  }
0xc: {  	[smem:$0x3FAC] =	sst s4  }
0xd: {  	[smem:$0x3FAD] =	sst s5  }
0xe: {  	[smem:$0x3FAE] =	sst s6  }
0xf: {  	[smem:$0x3FAF] =	sst s7  }
0x10: {  	[smem:$0x3FB0] =	sst s8  }
0x11: {  	[smem:$0x3FB1] =	sst s9;
	s0 =	simm.s32 @!p0 $0x0  }
0x12: {  	s1 =	sld [smem:$0x3F97];
	s0 =	simm.s32 @p0 $0x1  }
0x13: {  	[smem:$0x3FB2] =	sst s0;
	s0 =	simm.s32 @!p1 $0x0  }
0x14: {  	s2 =	sld [smem:$0x3F96];
	s0 =	simm.s32 @p1 $0x1  }
0x15: {  	[smem:$0x3FB3] =	sst s0;
	s0 =	simm.s32 @!p2 $0x0  }
0x16: {  	s3 =	sld [smem:$0x3FDB];
	s0 =	simm.s32 @p2 $0x1  }
0x17: {  	s4 =	simm.s32 $0x1BF5;
	[smem:$0x3FB5] =	sst s0  }
0x18: {  	s0 =	sld [smem:$0x3F98];
	_ =	swait.ge [sflag:s4], $0x0  }
0x19: {  	s7 =	sld [smem:$0x3F99]  }
0x1a: {  	s8 =	sadd.s32 $0xFFFFE003, lr  }
0x1b: {  	s9 =	sadd.s32 $0xFFFFFEF7, lr;
	s5 =	simm.s32 $0xFFFFFFFF;
	p2 =	slt.u32 s8, $0xFFFFF086  }
0x1c: {  	p1 =	slt.u32 s9, $0xF7A;
	s5 =	simm.s32 @!p2 $0x0  }
0x1d: {  	s5 =	simm.s32 @p1 $0x1;
	p0 =	seq.s32 s7, s2  }
0x1e: {  	s7 =	smul.u32 @!p0 $0xF7A, s2;
	p2 =	seq.s32 @!p0 s5, $0x0  }
0x1f: {  	s9 =	smul.u32 $0xF7A, s1;
	s8 =	simm.s32 @!p0 $0x1BF5;
	p2 =	por !p2, p0  }
0x20: {  	[sflag:s8] =	ssyncset.s32 @!p0 $0xFFFFF086;
	s6 =	sadd.s32 @!p0 s3, s7;
	s7 =	simm.s32 @!p0 $0x108  }
0x21: {  	s3 =	sadd.s32 s3, s9;
	s6 =	sadd.s32 @!p0 $0x88, s6;
	s7 =	simm.s32 @p2 $0x1082  }
0x22: {  	[simem:s7], [sflag:s8] =	dma.local @!p0 [hbm:s6], $0xF7A  }
0x23: {  	s9 =	sor.u32 $0xD0000000, s2;
	s6 =	simm.s32 $0x108;
	_ =	swait.ge @!p0 [sflag:s8], $0x0  }
0x24: {  	s3 =	sadd.s32 $0x88, s3;
	s6 =	simm.s32 @!p1 $0x1082;
	[sflag:s4] =	ssyncset.s32 $0xFFFFF086  }
0x25: {  	[simem:s6], [sflag:s4] =	dma.local [hbm:s3], $0xF7A  }
0x26: {  	[smem:$0x3F99] =	sst s1;
	(tag) =	ssettag s2;
	_ =	strace s9  }
0x27: {  	s1 =	sld [smem:$0x3FA9]  }
0x28: {  	s2 =	sld [smem:$0x3FAA]  }
0x29: {  	s4 =	sld [smem:$0x3FAC]  }
0x2a: {  	p0 =	seq.s32 s5, $0x0;
	s5 =	sld [smem:$0x3FAD]  }
0x2b: {  	s6 =	sld [smem:$0x3FAE]  }
0x2c: {  	s7 =	sld [smem:$0x3FAF]  }
0x2d: {  	s3 =	simm.s32 $0x108;
	s8 =	sld [smem:$0x3FB0]  }
0x2e: {  	s3 =	simm.s32 @!p0 $0x1082;
	s9 =	sld [smem:$0x3FB1]  }
0x2f: {  	lr =	sadd.s32 s0, s3;
	s0 =	sld [smem:$0x3FA8]  }
0x30: {  	s3 =	sld [smem:$0x3FAB]  }
0x31: {  	[smem:$0x3FB4] =	sst s10  }
0x32: {  	s10 =	sld [smem:$0x3FB2];
	_ =	sdelay $0x3  }
0x33: {  	p0 =	seq.s32 s10, $0x1;
	s10 =	sld [smem:$0x3FB4];
	_ =	sdelay $0x3  }
0x34: {  	[smem:$0x3FB4] =	sst s10  }
0x35: {  	s10 =	sld [smem:$0x3FB3];
	_ =	sdelay $0x3  }
0x36: {  	p1 =	seq.s32 s10, $0x1;
	s10 =	sld [smem:$0x3FB4];
	_ =	sdelay $0x3  }
0x37: {  	[smem:$0x3FB4] =	sst s10  }
0x38: {  	s10 =	sld [smem:$0x3FB5]  }
0x39: {  	_ = 	snop;
	(pc) =	sbr.ind lr, $3  }
0x3a: {  	_ = 	snop  }
0x3b: {  	_ = 	snop  }
0x3c: {  	p2 =	seq.s32 s10, $0x1;
	s10 =	sld [smem:$0x3FB4]  }
0x3d: {  	_ =	shalt  }
0x3e: {  	_ =	shalt  }
0x3f: {  	_ =	shalt  }
0x40: {  	_ =	shalt  }
0x41: {  	_ =	shalt  }
0x42: {  	_ =	shalt  }
0x43: {  	_ =	shalt  }
0x44: {  	_ =	shalt  }
0x45: {  	_ =	shalt  }
0x46: {  	_ =	shalt  }
0x47: {  	_ =	shalt  }
0x48: {  	_ =	shalt  }
0x49: {  	_ =	shalt  }
0x4a: {  	_ =	shalt  }
0x4b: {  	_ =	shalt  }
0x4c: {  	_ =	shalt  }
0x4d: {  	_ =	shalt  }
0x4e: {  	_ =	shalt  }
0x4f: {  	_ =	shalt  }
0x50: {  	_ =	shalt  }
0x51: {  	_ =	shalt  }
0x52: {  	_ =	shalt  }
0x53: {  	_ =	shalt  }
0x54: {  	_ =	shalt  }
0x55: {  	_ =	shalt  }
0x56: {  	_ =	shalt  }
0x57: {  	_ =	shalt  }
0x58: {  	_ =	shalt  }
0x59: {  	_ =	shalt  }
0x5a: {  	_ =	shalt  }
0x5b: {  	_ =	shalt  }
0x5c: {  	_ =	shalt  }
0x5d: {  	_ =	shalt  }
0x5e: {  	_ =	shalt  }
0x5f: {  	_ =	shalt  }
0x60: {  	_ =	shalt  }
0x61: {  	_ =	shalt  }
0x62: {  	_ =	shalt  }
0x63: {  	_ =	shalt  }
0x64: {  	_ =	shalt  }
0x65: {  	_ =	shalt  }
0x66: {  	_ =	shalt  }
0x67: {  	_ =	shalt  }
0x68: {  	_ =	shalt  }
0x69: {  	_ =	shalt  }
0x6a: {  	_ =	shalt  }
0x6b: {  	_ =	shalt  }
0x6c: {  	_ =	shalt  }
0x6d: {  	_ =	shalt  }
0x6e: {  	_ =	shalt  }
0x6f: {  	_ =	shalt  }
0x70: {  	_ =	shalt  }
0x71: {  	_ =	shalt  }
0x72: {  	_ =	shalt  }
0x73: {  	_ =	shalt  }
0x74: {  	_ =	shalt  }
0x75: {  	_ =	shalt  }
0x76: {  	_ =	shalt  }
0x77: {  	_ =	shalt  }
0x78: {  	_ =	shalt  }
0x79: {  	_ =	shalt  }
0x7a: {  	_ =	shalt  }
0x7b: {  	_ =	shalt  }
0x7c: {  	_ =	shalt  }
0x7d: {  	_ =	shalt  }
0x7e: {  	_ =	shalt  }
0x7f: {  	_ =	shalt  }
0x80: {  	_ =	shalt  }
0x81: {  	_ =	shalt  }
0x82: {  	_ =	shalt  }
0x83: {  	_ =	shalt  }
0x84: {  	_ =	shalt  }
0x85: {  	_ =	shalt  }
0x86: {  	_ =	shalt  }
0x87: {  	_ =	shalt  }
.Lfunc_end0:
.L_simem_size_0:
called_computation.2_lowered:
.L_overlay_start_0:
0x88: {  	s2 =	sld [smem:$0x3FD9]  }
0x89: {  	s3 =	sld [smem:$0x3FFE];
	_ =	sdelay $0x1  }
0x8a: {  	s1 =	srdreg.scid  }
0x8b: {  	s0 =	sand.u32 $0x1, s1  }
0x8c: {  	s17 =	sshll.u32 s0, $0xA;
	s2 =	sadd.s32 s3, s2  }
0x8d: {  	s2 =	sadd.s32 s2, s17  }
0x8e: {  	[smem:$0x3FC0] =	sst s2  }
0x8f: {  	_ = 	snop  }
0x90: {  	s2 =	sld [smem:$0x3FD0];
	(tm) =	ssettm $0x1  }
0x91: {  	s18 =	sld [smem:$0x3FFB];
	_ =	sdelay $0x3  }
0x92: {  	_ =	strace s18  }
0x93: {  	s3 =	sld [smem:$0x3FFC];
	_ =	sdelay $0x3  }
0x94: {  	_ =	strace s3  }
0x95: {  	s3 =	sld [smem:$0x3FFD];
	_ =	sdelay $0x3  }
0x96: {  	_ =	strace s3  }
0x97: {  	_ =	strace $0x8FFFFFFF  }
0x98: {  	s19 =	sld [smem:$0x3FDB];
	_ =	sdelay $0x1  }
0x99: {  	s4 =	simm.s32 $_scs_section_size  }
0x9a: {  	s5 =	simm.s32 $_size__tile_overlayer_lowered;
	s6 =	simm.s32 $_tile_overlayer_lowered  }
0x9b: {  	s22 =	simm.s32 $0x1BFF;
	s21 =	sshll.u32 s6, $0x1;
	s3 =	sadd.s32 s4, s19  }
0x9c: {  	s7 =	simm.s32 $0x0;
	s20 =	sshll.u32 s5, $0x1;
	s5 =	sadd.s32 s21, s3  }
0x9d: {  	[timem:s7], [sflag:s22] =	dma.local [hbm:s5], s20  }
0x9e: {  	_ =	swait.ge [sflag:s22], s20  }
0x9f: {  	s4 =	ssub.s32 $0x0, s20;
	[sflag:s22] =	ssyncset.done $0x0  }
0xa0: {  	[sflag:s22] =	ssyncadd.s32 s4;
	_ =	sdelay $0x1  }
0xa1: {  	s23 =	simm.s32 $0x1B8B  }
0xa2: {  	_ =	swait.ge [sflag:s23], $0x1  }
0xa3: {  	[sflag:s23] =	ssyncset.done $0x0  }
0xa4: {  	s25 =	simm.s32 $0x1B8E;
	s24 =	sld [smem:$0x3FFE];
	[sflag:s23] =	ssyncadd.s32 $0xFFFFFFFF  }
0xa5: {  	s26 =	simm.s32 $execute0_lowered;
	[smem:$0x3FD2] =	sst s25  }
0xa6: {  	s5 =	sshll.u32 s26, $0x1;
	_ =	strace $0x8000004C;
	[dreg:$0x1] =	wrdreg $0xFFFFFFFF  }
0xa7: {  	s28 =	simm.s32 $_size_execute0_lowered;
	s3 =	sadd.s32 s3, s5;
	[dreg:$0x0] =	wrdreg $0x0  }
0xa8: {  	s5 =	sshll.u32 s28, $0x1;
	[dreg:$0x2] =	wrdreg s3  }
0xa9: {  	[dreg:$0x3] =	wrdreg s5  }
0xaa: {  	[dreg:$0x4] =	wrdreg $0xC0  }
0xab: {  	_ =	task [dreg:s7], $0x5FFFF  }
0xac: {  	[dreg:$0x1] =	wrdreg $0xFFFFFFFF  }
0xad: {  	[dreg:$0x0] =	wrdreg $0x60  }
0xae: {  	[dreg:$0x2] =	wrdreg s24  }
0xaf: {  	[dreg:$0x3] =	wrdreg s2  }
0xb0: {  	[dreg:$0x4] =	wrdreg $0xAA000  }
0xb1: {  	[dreg:$0x5] =	wrdreg $0x9  }
0xb2: {  	_ =	task.clear_ibuf [dreg:s7], $0x6FFFF;
	_ =	strace $0x9000004C  }
0xb3: {  	s29 =	simm.s32 $0x9;
	_ =	strace $0x8000004E  }
0xb4: {  	_ =	swait.ge [sflag:s29], $0x1  }
0xb5: {  	[sflag:s29] =	ssyncadd.s32 $0xFFFFFFFF  }
0xb6: {  	_ =	strace $0x9000004E  }
0xb7: {  	_ =	sfence  }
0xb8: {  	s30 =	sld [smem:$0x0];
	_ =	sdelay $0x2  }
0xb9: {  	s31 =	sshll.u32 s1, $0xD;
	s1 =	sshrl.u32 s1, $0x2  }
0xba: {  	s3 =	sand.u32 $0x4000, s31;
	s1 =	sadd.s32 s1, s30  }
0xbb: {  	s0 =	sor.u32 s3, s0;
	s1 =	sshll.u32 s1, $0x11  }
0xbc: {  	s0 =	sor.u32 s1, s0  }
0xbd: {  	s0 =	sadd.s32 $0x8F2B, s0  }
0xbe: {  	[sflag:s0] =	ssyncadd.remote.s32 $0x1  }
0xbf: {  	_ =	sfence.sel $0xFFFF  }
0xc0: {  	[dreg:$0x0] =	wrdreg $0xFFFFFFFF;
	(pc) =	sbr.abs _section_cstart, $3  }
0xc1: {  	[dreg:$0x1] =	wrdreg $0xFFFFFFFF  }
0xc2: {  	_ =	task.clear_ibuf [dreg:s7], $0x2FFFF;
	_ =	strace $0x9FFFFFFF  }
0xc3: {  	(tm) =	ssettm $0x7FFFFFFF  }
tec
execute0_lowered:
.L_overlay_start_1:
0x0: {  	(tag) =	ssettag $0x1  }
0x1: {  	s5 =	rddreg [dreg:$0x0]  }
0x2: {  	s10 =	rddreg [dreg:$0x1]  }
0x3: {  	s0 =	srdreg.scid;
	s2 =	rddreg [dreg:$0x2]  }
0x4: {  	s1 =	stileid.u32;
	s3 =	simm.s32 $0x0;
	s14 =	simm.s32 $0x3  }
0x5: {  	s15 =	simm.s32 $0x80;
	s16 =	simm.s32 $0x2800;
	s17 =	simm.s32 $0x2880  }
0x6: {  	s18 =	simm.s32 $0x6A00;
	s19 =	simm.s32 $0x1;
	s20 =	simm.s32 $0x2900  }
0x7: {  	s21 =	simm.s32 $0x2;
	s22 =	simm.s32 $0x2980;
	s7 =	smul.u32 $0x14000, s1  }
0x8: {  	s6 =	sand.u32 $0x1, s0;
	s0 =	rddreg [dreg:$0x3];
	s8 =	smul.u32 $0x50000, s1  }
0x9: {  	s23 =	simm.s32 $0x0;
	[smem:$0x7FF] =	sst s3;
	s4 =	smul.u32 $0x140000, s6  }
0xa: {  	_ =	strace $0x8000004D;
	s30 =	ssub.s32 $0x2, s6;
	s6 =	sshll.u32 s6, $0x4  }
0xb: {  	s31 =	sshrl.u32 s30, $0x1;
	s6 =	sor.u32 s1, s6;
	s8 =	sshrl.u32 s8, $0x2  }
0xc: {  	s7 =	sadd.s32 s7, s4;
	s12 =	ssub.s32 s30, s31;
	s13 =	smul.u32 $0x500, s6  }
0xd: {  	s4 =	sadd.s32 $0x2400, s5;
	s7 =	sshrl.u32 s7, $0x3;
	s12 =	smax.u32 s12, $0x1  }
0xe: {  	s11 =	sadd.s32 s7, s5;
	s5 =	sadd.s32 s8, s2;
	s10 =	sadd.s32 s10, s13  }
0xf: {  	s13 =	simm.s32 $0x2A00;
	s6 =	sadd.s32 $0x4000, s5;
	s7 =	sadd.s32 $0x8000, s5  }
0x10: {  	v0 =	vimm.f32 $0.0e+00;
	s8 =	sadd.s32 $0xC000, s5;
	s9 =	sadd.s32 $0x10000, s5;
	s11 =	sadd.s32 $0x2A400, s11  }
.LBB2_1:
0x11: {  	s24 =	simm.s32 $0x0;
	s25 =	simm.s32 $0x200  }
.LBB2_2:
0x12: {  	p0 =	sne.s32 s25, $0xFE00;
	[tilespmem:s24+$0x2A70] =	vst v0  }
0x13: {  	[tilespmem:s24+$0x2A00] =	vst v0  }
0x14: {  	[tilespmem:s24+$0x2A10] =	vst v0  }
.Ltmp0:
0x15: {  	[tilespmem:s24+$0x2A20] =	vst v0;
	(pc) =	sbr.rel @p0 .LBB2_2-.Ltmp0, $4  }
0x16: {  	[tilespmem:s24+$0x2A30] =	vst v0  }
0x17: {  	[tilespmem:s24+$0x2A40] =	vst v0  }
0x18: {  	[tilespmem:s24+$0x2A50] =	vst v0  }
0x19: {  	[tilespmem:s24+$0x2A60] =	vst v0;
	s24 =	sshra.s32 s25, $0x2;
	s25 =	sadd.s32 $0x200, s25  }
0x1a: {  	[tilespmem:s24+$0x2A70] =	vst v0  }
0x1b: {  	[tilespmem:s24+$0x2A00] =	vst v0  }
0x1c: {  	[tilespmem:s24+$0x2A10] =	vst v0  }
0x1d: {  	[tilespmem:s24+$0x2A20] =	vst v0  }
0x1e: {  	[tilespmem:s24+$0x2A30] =	vst v0  }
0x1f: {  	[tilespmem:s24+$0x2A40] =	vst v0  }
0x20: {  	[tilespmem:s24+$0x2A50] =	vst v0  }
0x21: {  	[tilespmem:s24+$0x2A60] =	vst v0  }
0x22: {  	[spmem:s5] =	stream.linear.scatter [tilespmem:s13], [sflag:$0x3], $0x4000, $0x38;
	[tilespmem:$0x1EA00] =	vst v63  }
0x23: {  	_ =	swait.ge [sflag:s14], $0x4000  }
0x24: {  	[sflag:s14] =	ssyncset.done $0x0  }
0x25: {  	[sflag:s14] =	ssyncadd.s32 $0xFFFFC000  }
0x26: {  	[spmem:s6] =	stream.linear.scatter [tilespmem:s13], [sflag:$0x3], $0x4000, $0x38;
	[tilespmem:$0x1EA00] =	vst v63  }
0x27: {  	_ =	swait.ge [sflag:s14], $0x4000  }
0x28: {  	[sflag:s14] =	ssyncset.done $0x0  }
0x29: {  	[sflag:s14] =	ssyncadd.s32 $0xFFFFC000  }
0x2a: {  	[spmem:s7] =	stream.linear.scatter [tilespmem:s13], [sflag:$0x3], $0x4000, $0x38;
	[tilespmem:$0x1EA00] =	vst v63  }
0x2b: {  	_ =	swait.ge [sflag:s14], $0x4000  }
0x2c: {  	[sflag:s14] =	ssyncset.done $0x0  }
0x2d: {  	[sflag:s14] =	ssyncadd.s32 $0xFFFFC000  }
0x2e: {  	[spmem:s8] =	stream.linear.scatter [tilespmem:s13], [sflag:$0x3], $0x4000, $0x38;
	[tilespmem:$0x1EA00] =	vst v63  }
0x2f: {  	_ =	swait.ge [sflag:s14], $0x4000  }
0x30: {  	[sflag:s14] =	ssyncset.done $0x0  }
0x31: {  	[sflag:s14] =	ssyncadd.s32 $0xFFFFC000  }
0x32: {  	[spmem:s9] =	stream.linear.scatter [tilespmem:s13], [sflag:$0x3], $0x4000, $0x38;
	[tilespmem:$0x1EA00] =	vst v63  }
0x33: {  	_ =	swait.ge [sflag:s14], $0x4000  }
0x34: {  	[sflag:s14] =	ssyncset.done $0x0  }
0x35: {  	[sflag:s14] =	ssyncadd.s32 $0xFFFFC000  }
0x36: {  	[tilespmem:s3], [sflag:$0x3] =	stream.linear.gather [hbm4b:s10+s3], $0x2800, $0x38;
	[tilespmem:$0x1EA00] =	vst v63  }
0x37: {  	_ =	swait.ge [sflag:s14], $0x2800  }
0x38: {  	[sflag:s14] =	ssyncset.done $0x0  }
0x39: {  	[sflag:s14] =	ssyncadd.s32 $0xFFFFD800  }
0x3a: {  	[bflag:$0x0] =	sbarrier.arrive $0xFFFF  }
0x3b: {  	v1 =	vld [tilespmem:$0x0];
	_ =	sdelay $0x1  }
0x3c: {  	v2 =	vld [tilespmem:$0x10];
	_ =	sdelay $0x1  }
0x3d: {  	v3 =	vld [tilespmem:$0x20]  }
0x3e: {  	v4 =	vand.u32 $0xFFFF, v1  }
0x3f: {  	v59 =	vld [tilespmem:$0x30];
	v1 =	vshrl.u32 v1, $0x10;
	[tilespmem:$0x2800] =	vst v4  }
0x40: {  	[tilespmem:$0x2900] =	vst v1;
	v1 =	vand.u32 $0xFFFF, v2  }
0x41: {  	[tilespmem:$0x2810] =	vst v1;
	v1 =	vshrl.u32 v2, $0x10;
	v2 =	vld [tilespmem:$0x40]  }
0x42: {  	[tilespmem:$0x2910] =	vst v1;
	v1 =	vand.u32 $0xFFFF, v3  }
0x43: {  	[tilespmem:$0x2820] =	vst v1;
	v1 =	vshrl.u32 v3, $0x10;
	v3 =	vld [tilespmem:$0x50]  }
0x44: {  	[tilespmem:$0x2920] =	vst v1;
	v1 =	vand.u32 $0xFFFF, v59  }
0x45: {  	v60 =	vld [tilespmem:$0x60];
	[tilespmem:$0x2830] =	vst v1;
	v1 =	vshrl.u32 v59, $0x10  }
0x46: {  	[tilespmem:$0x2930] =	vst v1;
	v1 =	vand.u32 $0xFFFF, v2  }
0x47: {  	[tilespmem:$0x2840] =	vst v1;
	v1 =	vshrl.u32 v2, $0x10;
	v2 =	vld [tilespmem:$0x70]  }
0x48: {  	[tilespmem:$0x2940] =	vst v1;
	v1 =	vand.u32 $0xFFFF, v3  }
0x49: {  	[tilespmem:$0x2850] =	vst v1;
	v1 =	vshrl.u32 v3, $0x10  }
0x4a: {  	[tilespmem:$0x2950] =	vst v1;
	v1 =	vand.u32 $0xFFFF, v60  }
0x4b: {  	[tilespmem:$0x2860] =	vst v1;
	v1 =	vshrl.u32 v60, $0x10  }
0x4c: {  	[tilespmem:$0x2960] =	vst v1;
	v1 =	vand.u32 $0xFFFF, v2  }
0x4d: {  	[tilespmem:$0x2870] =	vst v1;
	v1 =	vshrl.u32 v2, $0x10  }
0x4e: {  	[tilespmem:$0x2970] =	vst v1  }
0x4f: {  	[tilespmem:s13], [sflag:$0x1] =	stream.indirect.gather [hbm4b:s4+s15], $0x80, s16, s15, $0xb8;
	[tilespmem:$0x1EA00] =	vst v63  }
0x50: {  	v1 =	vld [tilespmem:$0x80];
	_ =	sdelay $0x1  }
0x51: {  	v2 =	vld [tilespmem:$0x90];
	_ =	sdelay $0x1  }
0x52: {  	v3 =	vld [tilespmem:$0xA0]  }
0x53: {  	v61 =	vand.u32 $0xFFFF, v1  }
0x54: {  	v62 =	vld [tilespmem:$0xB0];
	v1 =	vshrl.u32 v1, $0x10;
	[tilespmem:$0x2880] =	vst v61  }
0x55: {  	[tilespmem:$0x2980] =	vst v1;
	v1 =	vand.u32 $0xFFFF, v2  }
0x56: {  	[tilespmem:$0x2890] =	vst v1;
	v1 =	vshrl.u32 v2, $0x10;
	v2 =	vld [tilespmem:$0xC0]  }
0x57: {  	[tilespmem:$0x2990] =	vst v1;
	v1 =	vand.u32 $0xFFFF, v3  }
0x58: {  	[tilespmem:$0x28A0] =	vst v1;
	v1 =	vshrl.u32 v3, $0x10;
	v3 =	vld [tilespmem:$0xD0]  }
0x59: {  	[tilespmem:$0x29A0] =	vst v1;
	v1 =	vand.u32 $0xFFFF, v62  }
0x5a: {  	v63 =	vld [tilespmem:$0xE0];
	[tilespmem:$0x28B0] =	vst v1;
	v1 =	vshrl.u32 v62, $0x10  }
0x5b: {  	[tilespmem:$0x29B0] =	vst v1;
	v1 =	vand.u32 $0xFFFF, v2  }
0x5c: {  	[tilespmem:$0x28C0] =	vst v1;
	v1 =	vshrl.u32 v2, $0x10;
	v2 =	vld [tilespmem:$0xF0]  }
0x5d: {  	[tilespmem:$0x29C0] =	vst v1;
	v1 =	vand.u32 $0xFFFF, v3  }
0x5e: {  	[tilespmem:$0x28D0] =	vst v1;
	v1 =	vshrl.u32 v3, $0x10  }
0x5f: {  	[tilespmem:$0x29D0] =	vst v1;
	v1 =	vand.u32 $0xFFFF, v63  }
0x60: {  	[tilespmem:$0x28E0] =	vst v1;
	v1 =	vshrl.u32 v63, $0x10  }
0x61: {  	[tilespmem:$0x29E0] =	vst v1;
	v1 =	vand.u32 $0xFFFF, v2  }
0x62: {  	[tilespmem:$0x28F0] =	vst v1;
	v1 =	vshrl.u32 v2, $0x10  }
0x63: {  	[tilespmem:$0x29F0] =	vst v1  }
0x64: {  	[tilespmem:s18], [sflag:$0x2] =	stream.indirect.gather [hbm4b:s4+s15], $0x80, s17, s15, $0xb8;
	[tilespmem:$0x1EA00] =	vst v63  }
0x65: {  	_ =	swait.ge [sflag:s19], $0x4000  }
0x66: {  	[sflag:s19] =	ssyncset.done $0x0  }
0x67: {  	[sflag:s19] =	ssyncadd.s32 $0xFFFFC000  }
0x68: {  	[spmem:s2] =	stream.indirect.scatter.add.f32 [tilespmem:s13], [sflag:$0x3], $0x80, s20, s15, $0xb8;
	[tilespmem:$0x1EA00] =	vst v63  }
0x69: {  	_ =	swait.ge [sflag:s14], $0x4000  }
0x6a: {  	[sflag:s14] =	ssyncset.done $0x0  }
0x6b: {  	s24 =	simm.s32 $0x1F0;
	[sflag:s14] =	ssyncadd.s32 $0xFFFFC000  }
0x6c: {  	v1 =	vld [tilespmem:s24+$0xFFFFFF10];
	_ =	sdelay $0x4  }
0x6d: {  	v2 =	vand.u32 $0xFFFF, v1  }
0x6e: {  	v1 =	vshrl.u32 v1, $0x10;
	[tilespmem:$0x2800] =	vst v2  }
0x6f: {  	[tilespmem:$0x2900] =	vst v1  }
0x70: {  	v1 =	vld [tilespmem:s24+$0xFFFFFF20];
	_ =	sdelay $0x4  }
0x71: {  	v2 =	vand.u32 $0xFFFF, v1  }
0x72: {  	v1 =	vshrl.u32 v1, $0x10;
	[tilespmem:$0x2810] =	vst v2  }
0x73: {  	[tilespmem:$0x2910] =	vst v1  }
0x74: {  	v1 =	vld [tilespmem:s24+$0xFFFFFF30];
	_ =	sdelay $0x4  }
0x75: {  	v2 =	vand.u32 $0xFFFF, v1  }
0x76: {  	v1 =	vshrl.u32 v1, $0x10;
	[tilespmem:$0x2820] =	vst v2  }
0x77: {  	[tilespmem:$0x2920] =	vst v1  }
0x78: {  	v1 =	vld [tilespmem:s24+$0xFFFFFF40];
	_ =	sdelay $0x4  }
0x79: {  	v2 =	vand.u32 $0xFFFF, v1  }
0x7a: {  	v1 =	vshrl.u32 v1, $0x10;
	[tilespmem:$0x2830] =	vst v2  }
0x7b: {  	[tilespmem:$0x2930] =	vst v1  }
0x7c: {  	v1 =	vld [tilespmem:s24+$0xFFFFFF50];
	_ =	sdelay $0x4  }
0x7d: {  	v2 =	vand.u32 $0xFFFF, v1  }
0x7e: {  	v1 =	vshrl.u32 v1, $0x10;
	[tilespmem:$0x2840] =	vst v2  }
0x7f: {  	[tilespmem:$0x2940] =	vst v1  }
0x80: {  	v1 =	vld [tilespmem:s24+$0xFFFFFF60];
	_ =	sdelay $0x4  }
0x81: {  	v2 =	vand.u32 $0xFFFF, v1  }
0x82: {  	v1 =	vshrl.u32 v1, $0x10;
	[tilespmem:$0x2850] =	vst v2  }
0x83: {  	[tilespmem:$0x2950] =	vst v1  }
0x84: {  	v1 =	vld [tilespmem:s24+$0xFFFFFF70];
	_ =	sdelay $0x4  }
0x85: {  	v2 =	vand.u32 $0xFFFF, v1  }
0x86: {  	v1 =	vshrl.u32 v1, $0x10;
	[tilespmem:$0x2860] =	vst v2  }
0x87: {  	[tilespmem:$0x2960] =	vst v1  }
0x88: {  	v1 =	vld [tilespmem:s24+$0xFFFFFF80];
	_ =	sdelay $0x4  }
0x89: {  	v2 =	vand.u32 $0xFFFF, v1  }
0x8a: {  	v1 =	vshrl.u32 v1, $0x10;
	[tilespmem:$0x2870] =	vst v2  }
0x8b: {  	[tilespmem:$0x2970] =	vst v1  }
0x8c: {  	[tilespmem:s13], [sflag:$0x1] =	stream.indirect.gather [hbm4b:s4+s15], $0x80, s16, s15, $0xb8;
	[tilespmem:$0x1EA00] =	vst v63  }
0x8d: {  	_ =	swait.ge [sflag:s21], $0x4000  }
0x8e: {  	[sflag:s21] =	ssyncset.done $0x0  }
0x8f: {  	[sflag:s21] =	ssyncadd.s32 $0xFFFFC000  }
0x90: {  	[spmem:s2] =	stream.indirect.scatter.add.f32 [tilespmem:s18], [sflag:$0x3], $0x80, s22, s15, $0xb8;
	[tilespmem:$0x1EA00] =	vst v63  }
0x91: {  	_ =	swait.ge [sflag:s14], $0x4000  }
0x92: {  	[sflag:s14] =	ssyncset.done $0x0  }
0x93: {  	[sflag:s14] =	ssyncadd.s32 $0xFFFFC000  }
0x94: {  	v1 =	vld [tilespmem:s24+$0xFFFFFF90];
	_ =	sdelay $0x4  }
0x95: {  	v2 =	vand.u32 $0xFFFF, v1  }
0x96: {  	v1 =	vshrl.u32 v1, $0x10;
	[tilespmem:$0x2880] =	vst v2  }
0x97: {  	[tilespmem:$0x2980] =	vst v1  }
0x98: {  	v1 =	vld [tilespmem:s24+$0xFFFFFFA0];
	_ =	sdelay $0x4  }
0x99: {  	v2 =	vand.u32 $0xFFFF, v1  }
0x9a: {  	v1 =	vshrl.u32 v1, $0x10;
	[tilespmem:$0x2890] =	vst v2  }
0x9b: {  	[tilespmem:$0x2990] =	vst v1  }
0x9c: {  	v1 =	vld [tilespmem:s24+$0xFFFFFFB0];
	_ =	sdelay $0x4  }
0x9d: {  	v2 =	vand.u32 $0xFFFF, v1  }
0x9e: {  	v1 =	vshrl.u32 v1, $0x10;
	[tilespmem:$0x28A0] =	vst v2  }
0x9f: {  	[tilespmem:$0x29A0] =	vst v1  }
0xa0: {  	v1 =	vld [tilespmem:s24+$0xFFFFFFC0];
	_ =	sdelay $0x4  }
0xa1: {  	v2 =	vand.u32 $0xFFFF, v1  }
0xa2: {  	v1 =	vshrl.u32 v1, $0x10;
	[tilespmem:$0x28B0] =	vst v2  }
0xa3: {  	[tilespmem:$0x29B0] =	vst v1  }
0xa4: {  	v1 =	vld [tilespmem:s24+$0xFFFFFFD0];
	_ =	sdelay $0x4  }
0xa5: {  	v2 =	vand.u32 $0xFFFF, v1  }
0xa6: {  	v1 =	vshrl.u32 v1, $0x10;
	[tilespmem:$0x28C0] =	vst v2  }
0xa7: {  	[tilespmem:$0x29C0] =	vst v1  }
0xa8: {  	v1 =	vld [tilespmem:s24+$0xFFFFFFE0];
	_ =	sdelay $0x4  }
0xa9: {  	v2 =	vand.u32 $0xFFFF, v1  }
0xaa: {  	v1 =	vshrl.u32 v1, $0x10;
	[tilespmem:$0x28D0] =	vst v2  }
0xab: {  	s25 =	simm.s32 $0xBC0;
	[tilespmem:$0x29D0] =	vst v1  }
.LBB2_4:
0xac: {  	p0 =	sne.s32 s25, $0x9FC0;
	v1 =	vld [tilespmem:s24+$0xFFFFFFF0];
	s26 =	smov.u32 s25;
	s25 =	sadd.s32 $0x400, s25  }
0xad: {  	_ =	sdelay $0x3  }
0xae: {  	v2 =	vand.u32 $0xFFFF, v1;
	v1 =	vshrl.u32 v1, $0x10  }
0xaf: {  	[tilespmem:$0x28E0] =	vst v2  }
0xb0: {  	[tilespmem:$0x29E0] =	vst v1  }
0xb1: {  	v1 =	vld [tilespmem:s24+$0x0];
	_ =	sdelay $0x4  }
0xb2: {  	v2 =	vand.u32 $0xFFFF, v1;
	v1 =	vshrl.u32 v1, $0x10  }
0xb3: {  	[tilespmem:$0x28F0] =	vst v2  }
0xb4: {  	[tilespmem:$0x29F0] =	vst v1  }
0xb5: {  	[tilespmem:s18], [sflag:$0x2] =	stream.indirect.gather [hbm4b:s4+s15], $0x80, s17, s15, $0xb8;
	[tilespmem:$0x1EA00] =	vst v63  }
0xb6: {  	_ =	swait.ge [sflag:s19], $0x4000  }
0xb7: {  	[sflag:s19] =	ssyncset.done $0x0  }
0xb8: {  	[sflag:s19] =	ssyncadd.s32 $0xFFFFC000  }
0xb9: {  	[spmem:s2] =	stream.indirect.scatter.add.f32 [tilespmem:s13], [sflag:$0x3], $0x80, s20, s15, $0xb8;
	[tilespmem:$0x1EA00] =	vst v63  }
0xba: {  	_ =	swait.ge [sflag:s14], $0x4000  }
0xbb: {  	[sflag:s14] =	ssyncset.done $0x0  }
0xbc: {  	s24 =	sshra.s32 s26, $0x2;
	[sflag:s14] =	ssyncadd.s32 $0xFFFFC000  }
0xbd: {  	v1 =	vld [tilespmem:s24+$0xFFFFFF10];
	_ =	sdelay $0x4  }
0xbe: {  	v2 =	vand.u32 $0xFFFF, v1;
	v1 =	vshrl.u32 v1, $0x10  }
0xbf: {  	[tilespmem:$0x2800] =	vst v2  }
0xc0: {  	[tilespmem:$0x2900] =	vst v1  }
0xc1: {  	v1 =	vld [tilespmem:s24+$0xFFFFFF20];
	_ =	sdelay $0x4  }
0xc2: {  	v2 =	vand.u32 $0xFFFF, v1;
	v1 =	vshrl.u32 v1, $0x10  }
0xc3: {  	[tilespmem:$0x2810] =	vst v2  }
0xc4: {  	[tilespmem:$0x2910] =	vst v1  }
0xc5: {  	v1 =	vld [tilespmem:s24+$0xFFFFFF30];
	_ =	sdelay $0x4  }
0xc6: {  	v2 =	vand.u32 $0xFFFF, v1;
	v1 =	vshrl.u32 v1, $0x10  }
0xc7: {  	[tilespmem:$0x2820] =	vst v2  }
0xc8: {  	[tilespmem:$0x2920] =	vst v1  }
0xc9: {  	v1 =	vld [tilespmem:s24+$0xFFFFFF40];
	_ =	sdelay $0x4  }
0xca: {  	v2 =	vand.u32 $0xFFFF, v1;
	v1 =	vshrl.u32 v1, $0x10  }
0xcb: {  	[tilespmem:$0x2830] =	vst v2  }
0xcc: {  	[tilespmem:$0x2930] =	vst v1  }
0xcd: {  	v1 =	vld [tilespmem:s24+$0xFFFFFF50];
	_ =	sdelay $0x4  }
0xce: {  	v2 =	vand.u32 $0xFFFF, v1;
	v1 =	vshrl.u32 v1, $0x10  }
0xcf: {  	[tilespmem:$0x2840] =	vst v2  }
0xd0: {  	[tilespmem:$0x2940] =	vst v1  }
0xd1: {  	v1 =	vld [tilespmem:s24+$0xFFFFFF60];
	_ =	sdelay $0x4  }
0xd2: {  	v2 =	vand.u32 $0xFFFF, v1;
	v1 =	vshrl.u32 v1, $0x10  }
0xd3: {  	[tilespmem:$0x2850] =	vst v2  }
0xd4: {  	[tilespmem:$0x2950] =	vst v1  }
0xd5: {  	v1 =	vld [tilespmem:s24+$0xFFFFFF70];
	_ =	sdelay $0x4  }
0xd6: {  	v2 =	vand.u32 $0xFFFF, v1;
	v1 =	vshrl.u32 v1, $0x10  }
0xd7: {  	[tilespmem:$0x2860] =	vst v2  }
0xd8: {  	[tilespmem:$0x2960] =	vst v1  }
0xd9: {  	v1 =	vld [tilespmem:s24+$0xFFFFFF80];
	_ =	sdelay $0x4  }
0xda: {  	v2 =	vand.u32 $0xFFFF, v1;
	v1 =	vshrl.u32 v1, $0x10  }
0xdb: {  	[tilespmem:$0x2870] =	vst v2  }
0xdc: {  	[tilespmem:$0x2970] =	vst v1  }
0xdd: {  	[tilespmem:s13], [sflag:$0x1] =	stream.indirect.gather [hbm4b:s4+s15], $0x80, s16, s15, $0xb8;
	[tilespmem:$0x1EA00] =	vst v63  }
0xde: {  	_ =	swait.ge [sflag:s21], $0x4000  }
0xdf: {  	[sflag:s21] =	ssyncset.done $0x0  }
0xe0: {  	[sflag:s21] =	ssyncadd.s32 $0xFFFFC000  }
0xe1: {  	[spmem:s2] =	stream.indirect.scatter.add.f32 [tilespmem:s18], [sflag:$0x3], $0x80, s22, s15, $0xb8;
	[tilespmem:$0x1EA00] =	vst v63  }
0xe2: {  	_ =	swait.ge [sflag:s14], $0x4000  }
0xe3: {  	[sflag:s14] =	ssyncset.done $0x0  }
0xe4: {  	[sflag:s14] =	ssyncadd.s32 $0xFFFFC000  }
0xe5: {  	v1 =	vld [tilespmem:s24+$0xFFFFFF90];
	_ =	sdelay $0x4  }
0xe6: {  	v2 =	vand.u32 $0xFFFF, v1;
	v1 =	vshrl.u32 v1, $0x10  }
0xe7: {  	[tilespmem:$0x2880] =	vst v2  }
0xe8: {  	[tilespmem:$0x2980] =	vst v1  }
0xe9: {  	v1 =	vld [tilespmem:s24+$0xFFFFFFA0];
	_ =	sdelay $0x4  }
0xea: {  	v2 =	vand.u32 $0xFFFF, v1;
	v1 =	vshrl.u32 v1, $0x10  }
0xeb: {  	[tilespmem:$0x2890] =	vst v2  }
0xec: {  	[tilespmem:$0x2990] =	vst v1  }
0xed: {  	v1 =	vld [tilespmem:s24+$0xFFFFFFB0];
	_ =	sdelay $0x4  }
0xee: {  	v2 =	vand.u32 $0xFFFF, v1;
	v1 =	vshrl.u32 v1, $0x10  }
0xef: {  	[tilespmem:$0x28A0] =	vst v2  }
0xf0: {  	[tilespmem:$0x29A0] =	vst v1  }
0xf1: {  	v1 =	vld [tilespmem:s24+$0xFFFFFFC0];
	_ =	sdelay $0x4  }
0xf2: {  	v2 =	vand.u32 $0xFFFF, v1;
	v1 =	vshrl.u32 v1, $0x10  }
0xf3: {  	[tilespmem:$0x28B0] =	vst v2  }
0xf4: {  	[tilespmem:$0x29B0] =	vst v1  }
0xf5: {  	v1 =	vld [tilespmem:s24+$0xFFFFFFD0];
	_ =	sdelay $0x4  }
0xf6: {  	v2 =	vand.u32 $0xFFFF, v1;
	v1 =	vshrl.u32 v1, $0x10  }
0xf7: {  	[tilespmem:$0x28C0] =	vst v2  }
0xf8: {  	[tilespmem:$0x29C0] =	vst v1  }
0xf9: {  	v1 =	vld [tilespmem:s24+$0xFFFFFFE0];
	_ =	sdelay $0x2  }
.Ltmp1:
0xfa: {  	(pc) =	sbr.rel @p0 .LBB2_4-.Ltmp1, $4  }
0xfb: {  	_ = 	snop  }
0xfc: {  	v2 =	vand.u32 $0xFFFF, v1;
	v1 =	vshrl.u32 v1, $0x10  }
0xfd: {  	[tilespmem:$0x28D0] =	vst v2  }
0xfe: {  	[tilespmem:$0x29D0] =	vst v1  }
0xff: {  	v1 =	vld [tilespmem:s24+$0xFFFFFFF0];
	_ =	sdelay $0x4  }
0x100: {  	v2 =	vand.u32 $0xFFFF, v1  }
0x101: {  	v1 =	vshrl.u32 v1, $0x10;
	[tilespmem:$0x28E0] =	vst v2  }
0x102: {  	[tilespmem:$0x29E0] =	vst v1  }
0x103: {  	v1 =	vld [tilespmem:s24+$0x0];
	_ =	sdelay $0x4  }
0x104: {  	v2 =	vand.u32 $0xFFFF, v1  }
0x105: {  	v1 =	vshrl.u32 v1, $0x10;
	[tilespmem:$0x28F0] =	vst v2  }
0x106: {  	[tilespmem:$0x29F0] =	vst v1  }
0x107: {  	[tilespmem:s18], [sflag:$0x2] =	stream.indirect.gather [hbm4b:s4+s15], $0x80, s17, s15, $0xb8;
	[tilespmem:$0x1EA00] =	vst v63  }
0x108: {  	_ =	swait.ge [sflag:s19], $0x4000  }
0x109: {  	[sflag:s19] =	ssyncset.done $0x0  }
0x10a: {  	[sflag:s19] =	ssyncadd.s32 $0xFFFFC000  }
0x10b: {  	[spmem:s2] =	stream.indirect.scatter.add.f32 [tilespmem:s13], [sflag:$0x3], $0x80, s20, s15, $0xb8;
	[tilespmem:$0x1EA00] =	vst v63  }
0x10c: {  	_ =	swait.ge [sflag:s14], $0x4000  }
0x10d: {  	[sflag:s14] =	ssyncset.done $0x0  }
0x10e: {  	[sflag:s14] =	ssyncadd.s32 $0xFFFFC000  }
0x10f: {  	_ =	swait.ge [sflag:s21], $0x4000  }
0x110: {  	[sflag:s21] =	ssyncset.done $0x0  }
0x111: {  	[sflag:s21] =	ssyncadd.s32 $0xFFFFC000  }
0x112: {  	[spmem:s2] =	stream.indirect.scatter.add.f32 [tilespmem:s18], [sflag:$0x3], $0x80, s22, s15, $0xb8;
	[tilespmem:$0x1EA00] =	vst v63  }
0x113: {  	_ =	swait.ge [sflag:s14], $0x4000  }
0x114: {  	s31 =	sshll.u32 s1, $0x6;
	s23 =	sadd.s32 $0x1, s23;
	[sflag:s14] =	ssyncset.done $0x0  }
0x115: {  	s25 =	sshrl.u32 s5, $0x3;
	p0 =	sne.s32 s23, s12;
	[sflag:s14] =	ssyncadd.s32 $0xFFFFC000  }
.Ltmp2:
0x116: {  	s24 =	sor.u32 $0x1C03, s31;
	[bflag:$0x0] =	sbarrier.arrive $0xFFFF;
	(pc) =	sbr.rel @p0 .LBB2_1-.Ltmp2, $4  }
0x117: {  	[hbm:s11], [sflag:s24] =	dma.local [spmem:s25], $0x2800  }
0x118: {  	_ =	swait.ge [sflag:s14], $0x2800  }
0x119: {  	[sflag:s14] =	ssyncset.done $0x0  }
0x11a: {  	[sflag:s14] =	ssyncadd.s32 $0xFFFFD800  }
0x11b: {  	_ =	sfence.sel $0x180000  }
0x11c: {  	[bflag:$0x0] =	sbarrier.arrive $0xFFFF  }
0x11d: {  	p0 =	sne.s32 s1, $0x0;
	_ =	strace $0x9000004D  }
0x11e: {  	s0 =	sadd.s32 @!p0 $0x100000, s0;
	[bflag:$0x2] =	sbarrier.arrive $0xFFFF  }
0x11f: {  	[sflag:s0] =	ssyncadd.tile.s32 @!p0 $0x1;
	_ =	shalt  }
.Lfunc_end2:
_tile_overlayer_lowered:
.L_overlay_start_2:
0x120: {  	(tag) =	ssettag $0x2  }
0x121: {  	s0 =	rddreg [dreg:$0x0];
	s2 =	stileid.u32  }
0x122: {  	s1 =	rddreg [dreg:$0x1];
	p0 =	sne.s32 s2, $0x0  }
0x123: {  	s3 =	rddreg [dreg:$0x2];
	[bflag:$0x3] =	sbarrier.arrive $0xFFFF;
	s2 =	simm.s32 @!p0 $0x1C03  }
0x124: {  	[timem:s3], [sflag:s2] =	dma.local @!p0 [hbm:s0], s1  }
0x125: {  	s0 =	simm.s32 @!p0 $0x3  }
0x126: {  	_ =	swait.ge @!p0 [sflag:s0], s1  }
0x127: {  	s1 =	ssub.s32 @!p0 $0x0, s1;
	[sflag:s0] =	ssyncset.done @!p0 $0x0  }
0x128: {  	[sflag:s0] =	ssyncadd.s32 @!p0 s1  }
0x129: {  	[bflag:$0x3] =	sbarrier.arrive $0xFFFF  }
0x12a: {  	_ =	shalt  }

// kernel: kernel.9.cloned.1.call-start
scs
__scs_entry_jumppad:
0x0: {  	(pc) =	sbr.rel $0x88, $3  }
0x1: {  	(tag) =	ssettag $0x0;
	lr =	simm.s32 $0x1  }
0x2: {  	[smem:$0x3F99] =	sst lr;
	_ =	strace $0xD0000000  }
0x3: {  	_ = 	snop  }
0x4: {  	_ = 	snop  }
0x5: {  	_ = 	snop  }
0x6: {  	_ = 	snop  }
0x7: {  	_ = 	snop  }
__scs_overlays_trampoline_lowered:
0x8: {  	[smem:$0x3FA8] =	sst s0  }
0x9: {  	[smem:$0x3FA9] =	sst s1  }
0xa: {  	[smem:$0x3FAA] =	sst s2  }
0xb: {  	[smem:$0x3FAB] =	sst s3  }
0xc: {  	[smem:$0x3FAC] =	sst s4  }
0xd: {  	[smem:$0x3FAD] =	sst s5  }
0xe: {  	[smem:$0x3FAE] =	sst s6  }
0xf: {  	[smem:$0x3FAF] =	sst s7  }
0x10: {  	[smem:$0x3FB0] =	sst s8  }
0x11: {  	[smem:$0x3FB1] =	sst s9;
	s0 =	simm.s32 @!p0 $0x0  }
0x12: {  	s1 =	sld [smem:$0x3F97];
	s0 =	simm.s32 @p0 $0x1  }
0x13: {  	[smem:$0x3FB2] =	sst s0;
	s0 =	simm.s32 @!p1 $0x0  }
0x14: {  	s2 =	sld [smem:$0x3F96];
	s0 =	simm.s32 @p1 $0x1  }
0x15: {  	[smem:$0x3FB3] =	sst s0;
	s0 =	simm.s32 @!p2 $0x0  }
0x16: {  	s3 =	sld [smem:$0x3FDB];
	s0 =	simm.s32 @p2 $0x1  }
0x17: {  	s4 =	simm.s32 $0x1BF5;
	[smem:$0x3FB5] =	sst s0  }
0x18: {  	s0 =	sld [smem:$0x3F98];
	_ =	swait.ge [sflag:s4], $0x0  }
0x19: {  	s7 =	sld [smem:$0x3F99]  }
0x1a: {  	s8 =	sadd.s32 $0xFFFFE003, lr  }
0x1b: {  	s9 =	sadd.s32 $0xFFFFFEF7, lr;
	s5 =	simm.s32 $0xFFFFFFFF;
	p2 =	slt.u32 s8, $0xFFFFF086  }
0x1c: {  	p1 =	slt.u32 s9, $0xF7A;
	s5 =	simm.s32 @!p2 $0x0  }
0x1d: {  	s5 =	simm.s32 @p1 $0x1;
	p0 =	seq.s32 s7, s2  }
0x1e: {  	s7 =	smul.u32 @!p0 $0xF7A, s2;
	p2 =	seq.s32 @!p0 s5, $0x0  }
0x1f: {  	s9 =	smul.u32 $0xF7A, s1;
	s8 =	simm.s32 @!p0 $0x1BF5;
	p2 =	por !p2, p0  }
0x20: {  	[sflag:s8] =	ssyncset.s32 @!p0 $0xFFFFF086;
	s6 =	sadd.s32 @!p0 s3, s7;
	s7 =	simm.s32 @!p0 $0x108  }
0x21: {  	s3 =	sadd.s32 s3, s9;
	s6 =	sadd.s32 @!p0 $0x88, s6;
	s7 =	simm.s32 @p2 $0x1082  }
0x22: {  	[simem:s7], [sflag:s8] =	dma.local @!p0 [hbm:s6], $0xF7A  }
0x23: {  	s9 =	sor.u32 $0xD0000000, s2;
	s6 =	simm.s32 $0x108;
	_ =	swait.ge @!p0 [sflag:s8], $0x0  }
0x24: {  	s3 =	sadd.s32 $0x88, s3;
	s6 =	simm.s32 @!p1 $0x1082;
	[sflag:s4] =	ssyncset.s32 $0xFFFFF086  }
0x25: {  	[simem:s6], [sflag:s4] =	dma.local [hbm:s3], $0xF7A  }
0x26: {  	[smem:$0x3F99] =	sst s1;
	(tag) =	ssettag s2;
	_ =	strace s9  }
0x27: {  	s1 =	sld [smem:$0x3FA9]  }
0x28: {  	s2 =	sld [smem:$0x3FAA]  }
0x29: {  	s4 =	sld [smem:$0x3FAC]  }
0x2a: {  	p0 =	seq.s32 s5, $0x0;
	s5 =	sld [smem:$0x3FAD]  }
0x2b: {  	s6 =	sld [smem:$0x3FAE]  }
0x2c: {  	s7 =	sld [smem:$0x3FAF]  }
0x2d: {  	s3 =	simm.s32 $0x108;
	s8 =	sld [smem:$0x3FB0]  }
0x2e: {  	s3 =	simm.s32 @!p0 $0x1082;
	s9 =	sld [smem:$0x3FB1]  }
0x2f: {  	lr =	sadd.s32 s0, s3;
	s0 =	sld [smem:$0x3FA8]  }
0x30: {  	s3 =	sld [smem:$0x3FAB]  }
0x31: {  	[smem:$0x3FB4] =	sst s10  }
0x32: {  	s10 =	sld [smem:$0x3FB2];
	_ =	sdelay $0x3  }
0x33: {  	p0 =	seq.s32 s10, $0x1;
	s10 =	sld [smem:$0x3FB4];
	_ =	sdelay $0x3  }
0x34: {  	[smem:$0x3FB4] =	sst s10  }
0x35: {  	s10 =	sld [smem:$0x3FB3];
	_ =	sdelay $0x3  }
0x36: {  	p1 =	seq.s32 s10, $0x1;
	s10 =	sld [smem:$0x3FB4];
	_ =	sdelay $0x3  }
0x37: {  	[smem:$0x3FB4] =	sst s10  }
0x38: {  	s10 =	sld [smem:$0x3FB5]  }
0x39: {  	_ = 	snop;
	(pc) =	sbr.ind lr, $3  }
0x3a: {  	_ = 	snop  }
0x3b: {  	_ = 	snop  }
0x3c: {  	p2 =	seq.s32 s10, $0x1;
	s10 =	sld [smem:$0x3FB4]  }
0x3d: {  	_ =	shalt  }
0x3e: {  	_ =	shalt  }
0x3f: {  	_ =	shalt  }
0x40: {  	_ =	shalt  }
0x41: {  	_ =	shalt  }
0x42: {  	_ =	shalt  }
0x43: {  	_ =	shalt  }
0x44: {  	_ =	shalt  }
0x45: {  	_ =	shalt  }
0x46: {  	_ =	shalt  }
0x47: {  	_ =	shalt  }
0x48: {  	_ =	shalt  }
0x49: {  	_ =	shalt  }
0x4a: {  	_ =	shalt  }
0x4b: {  	_ =	shalt  }
0x4c: {  	_ =	shalt  }
0x4d: {  	_ =	shalt  }
0x4e: {  	_ =	shalt  }
0x4f: {  	_ =	shalt  }
0x50: {  	_ =	shalt  }
0x51: {  	_ =	shalt  }
0x52: {  	_ =	shalt  }
0x53: {  	_ =	shalt  }
0x54: {  	_ =	shalt  }
0x55: {  	_ =	shalt  }
0x56: {  	_ =	shalt  }
0x57: {  	_ =	shalt  }
0x58: {  	_ =	shalt  }
0x59: {  	_ =	shalt  }
0x5a: {  	_ =	shalt  }
0x5b: {  	_ =	shalt  }
0x5c: {  	_ =	shalt  }
0x5d: {  	_ =	shalt  }
0x5e: {  	_ =	shalt  }
0x5f: {  	_ =	shalt  }
0x60: {  	_ =	shalt  }
0x61: {  	_ =	shalt  }
0x62: {  	_ =	shalt  }
0x63: {  	_ =	shalt  }
0x64: {  	_ =	shalt  }
0x65: {  	_ =	shalt  }
0x66: {  	_ =	shalt  }
0x67: {  	_ =	shalt  }
0x68: {  	_ =	shalt  }
0x69: {  	_ =	shalt  }
0x6a: {  	_ =	shalt  }
0x6b: {  	_ =	shalt  }
0x6c: {  	_ =	shalt  }
0x6d: {  	_ =	shalt  }
0x6e: {  	_ =	shalt  }
0x6f: {  	_ =	shalt  }
0x70: {  	_ =	shalt  }
0x71: {  	_ =	shalt  }
0x72: {  	_ =	shalt  }
0x73: {  	_ =	shalt  }
0x74: {  	_ =	shalt  }
0x75: {  	_ =	shalt  }
0x76: {  	_ =	shalt  }
0x77: {  	_ =	shalt  }
0x78: {  	_ =	shalt  }
0x79: {  	_ =	shalt  }
0x7a: {  	_ =	shalt  }
0x7b: {  	_ =	shalt  }
0x7c: {  	_ =	shalt  }
0x7d: {  	_ =	shalt  }
0x7e: {  	_ =	shalt  }
0x7f: {  	_ =	shalt  }
0x80: {  	_ =	shalt  }
0x81: {  	_ =	shalt  }
0x82: {  	_ =	shalt  }
0x83: {  	_ =	shalt  }
0x84: {  	_ =	shalt  }
0x85: {  	_ =	shalt  }
0x86: {  	_ =	shalt  }
0x87: {  	_ =	shalt  }
.Lfunc_end0:
.L_simem_size_0:
called_computation_lowered:
.L_overlay_start_0:
0x88: {  	s2 =	sld [smem:$0x3FD9]  }
0x89: {  	s3 =	sld [smem:$0x3FFE];
	_ =	sdelay $0x1  }
0x8a: {  	s1 =	srdreg.scid  }
0x8b: {  	s0 =	sand.u32 $0x1, s1  }
0x8c: {  	s17 =	sshll.u32 s0, $0xA;
	s2 =	sadd.s32 s3, s2  }
0x8d: {  	s2 =	sadd.s32 s2, s17  }
0x8e: {  	[smem:$0x3FC0] =	sst s2  }
0x8f: {  	_ = 	snop  }
0x90: {  	s2 =	sld [smem:$0x3FD0];
	(tm) =	ssettm $0x1  }
0x91: {  	s18 =	sld [smem:$0x3FFB];
	_ =	sdelay $0x3  }
0x92: {  	_ =	strace s18  }
0x93: {  	s3 =	sld [smem:$0x3FFC];
	_ =	sdelay $0x3  }
0x94: {  	_ =	strace s3  }
0x95: {  	s3 =	sld [smem:$0x3FFD];
	_ =	sdelay $0x3  }
0x96: {  	_ =	strace s3  }
0x97: {  	_ =	strace $0x8FFFFFFF  }
0x98: {  	s19 =	sld [smem:$0x3FDB];
	_ =	sdelay $0x1  }
0x99: {  	s4 =	simm.s32 $_scs_section_size  }
0x9a: {  	s5 =	simm.s32 $_size__tile_overlayer_lowered;
	s6 =	simm.s32 $_tile_overlayer_lowered  }
0x9b: {  	s22 =	simm.s32 $0x1BFF;
	s21 =	sshll.u32 s6, $0x1;
	s3 =	sadd.s32 s4, s19  }
0x9c: {  	s7 =	simm.s32 $0x0;
	s20 =	sshll.u32 s5, $0x1;
	s5 =	sadd.s32 s21, s3  }
0x9d: {  	[timem:s7], [sflag:s22] =	dma.local [hbm:s5], s20  }
0x9e: {  	_ =	swait.ge [sflag:s22], s20  }
0x9f: {  	s4 =	ssub.s32 $0x0, s20;
	[sflag:s22] =	ssyncset.done $0x0  }
0xa0: {  	[sflag:s22] =	ssyncadd.s32 s4;
	_ =	sdelay $0x1  }
0xa1: {  	s23 =	simm.s32 $0x1B8B  }
0xa2: {  	_ =	swait.ge [sflag:s23], $0x1  }
0xa3: {  	[sflag:s23] =	ssyncset.done $0x0  }
0xa4: {  	s25 =	simm.s32 $0x1B8E;
	s24 =	sld [smem:$0x3FFE];
	[sflag:s23] =	ssyncadd.s32 $0xFFFFFFFF  }
0xa5: {  	s26 =	simm.s32 $execute0_lowered;
	[smem:$0x3FD2] =	sst s25  }
0xa6: {  	s5 =	sshll.u32 s26, $0x1;
	_ =	strace $0x80000046;
	[dreg:$0x1] =	wrdreg $0xFFFFFFFF  }
0xa7: {  	s28 =	simm.s32 $_size_execute0_lowered;
	s3 =	sadd.s32 s3, s5;
	[dreg:$0x0] =	wrdreg $0x0  }
0xa8: {  	s5 =	sshll.u32 s28, $0x1;
	[dreg:$0x2] =	wrdreg s3  }
0xa9: {  	[dreg:$0x3] =	wrdreg s5  }
0xaa: {  	[dreg:$0x4] =	wrdreg $0xC0  }
0xab: {  	_ =	task [dreg:s7], $0x5FFFF  }
0xac: {  	[dreg:$0x1] =	wrdreg $0xFFFFFFFF  }
0xad: {  	[dreg:$0x0] =	wrdreg $0x60  }
0xae: {  	[dreg:$0x2] =	wrdreg s2  }
0xaf: {  	[dreg:$0x3] =	wrdreg s24  }
0xb0: {  	[dreg:$0x4] =	wrdreg $0x9  }
0xb1: {  	_ =	task.clear_ibuf [dreg:s7], $0x5FFFF;
	_ =	strace $0x90000046  }
0xb2: {  	s29 =	simm.s32 $0x9;
	_ =	strace $0x80000048  }
0xb3: {  	_ =	swait.ge [sflag:s29], $0x1  }
0xb4: {  	[sflag:s29] =	ssyncadd.s32 $0xFFFFFFFF  }
0xb5: {  	_ =	strace $0x90000048  }
0xb6: {  	_ =	sfence  }
0xb7: {  	s30 =	sld [smem:$0x0];
	_ =	sdelay $0x2  }
0xb8: {  	s31 =	sshll.u32 s1, $0xD;
	s1 =	sshrl.u32 s1, $0x2  }
0xb9: {  	s3 =	sand.u32 $0x4000, s31;
	s1 =	sadd.s32 s1, s30  }
0xba: {  	s0 =	sor.u32 s3, s0;
	s1 =	sshll.u32 s1, $0x11  }
0xbb: {  	s0 =	sor.u32 s1, s0  }
0xbc: {  	s0 =	sadd.s32 $0x8F2B, s0  }
0xbd: {  	[sflag:s0] =	ssyncadd.remote.s32 $0x1  }
0xbe: {  	_ =	sfence.sel $0xFFFF  }
0xbf: {  	[dreg:$0x0] =	wrdreg $0xFFFFFFFF;
	(pc) =	sbr.abs _section_cstart, $3  }
0xc0: {  	[dreg:$0x1] =	wrdreg $0xFFFFFFFF  }
0xc1: {  	_ =	task.clear_ibuf [dreg:s7], $0x2FFFF;
	_ =	strace $0x9FFFFFFF  }
0xc2: {  	(tm) =	ssettm $0x7FFFFFFF  }
0xc3: {  	_ =	shalt  }
tec
execute0_lowered:
.L_overlay_start_1:
0x0: {  	(tag) =	ssettag $0x1  }
0x1: {  	s0 =	srdreg.scid  }
0x2: {  	s3 =	sand.u32 $0x1, s0  }
0x3: {  	s4 =	rddreg [dreg:$0x0];
	s0 =	stileid.u32;
	s1 =	sshll.u32 s3, $0x4  }
0x4: {  	s5 =	rddreg [dreg:$0x1];
	s2 =	simm.s32 $0x0;
	s6 =	sor.u32 s0, s1  }
0x5: {  	s9 =	simm.s32 $0x400;
	[smem:$0x7FF] =	sst s2;
	s7 =	sshrl.u32 s6, $0x3  }
0x6: {  	s8 =	sshll.u32 s0, $0x7;
	s3 =	ssub.s32 $0x2, s3;
	s7 =	smul.u32 $0x14000, s7  }
0x7: {  	s1 =	rddreg [dreg:$0x2];
	s8 =	sand.u32 $0x380, s8;
	s6 =	smul.u32 $0x500, s6  }
0x8: {  	_ =	strace $0x80000047;
	s30 =	sshrl.u32 s3, $0x1;
	s7 =	sor.u32 s8, s7  }
0x9: {  	s31 =	ssub.s32 s3, s30;
	s3 =	sadd.s32 s4, s6;
	s7 =	sshrl.u32 s7, $0x3  }
0xa: {  	s6 =	simm.s32 $0x1;
	s8 =	simm.s32 $0x80;
	s5 =	sadd.s32 s7, s5  }
0xb: {  	v0 =	vimm.f32 $0.0e+00;
	v1 =	vimm.f32 $1.000000000e+00;
	s7 =	simm.s32 $0x2800;
	s4 =	sadd.s32 $0x2400, s5;
	s5 =	smax.u32 s31, $0x1  }
.LBB2_1:
0xc: {  	s10 =	simm.s32 $0x40;
	s11 =	simm.s32 $0x0  }
.LBB2_2:
0xd: {  	p0 =	sne.s32 s10, $0x9FC0;
	[tilespmem:s11+$0x2800] =	vst v0;
	s11 =	smov.u32 s10;
	s10 =	sadd.s32 $0x40, s10  }
.Ltmp0:
0xe: {  	(pc) =	sbr.rel @p0 .LBB2_2-.Ltmp0, $2  }
0xf: {  	_ =	sdelay $0x2  }
0x10: {  	s11 =	sshra.s32 s11, $0x2  }
0x11: {  	[tilespmem:s11+$0x2800] =	vst v0;
	s10 =	simm.s32 $0x0  }
0x12: {  	[tilespmem:s10], [sflag:$0x1] =	stream.linear.gather [hbm4b:s3+s10], $0x2800, $0x38;
	[tilespmem:$0x5000] =	vst v63  }
0x13: {  	_ =	swait.ge [sflag:s6], $0x2800  }
0x14: {  	[sflag:s6] =	ssyncset.done $0x0  }
0x15: {  	[sflag:s6] =	ssyncadd.s32 $0xFFFFD800  }
.LBB2_4:
0x16: {  	s11 =	sshra.s32 s10, $0x2  }
0x17: {  	v2 =	vld [tilespmem:s11+$0x0];
	_ =	sdelay $0x4  }
0x18: {  	v2 =	vshrl.u32 v2, $0x10;
	_ =	sdelay $0x4  }
0x19: {  	[tilespmem:v2+s7+$0x0] =	vst.idx.add.f32.msk $0xffff, v1  }
0x1a: {  	v2 =	vld [tilespmem:s11+$0x10];
	_ =	sdelay $0x4  }
0x1b: {  	v2 =	vshrl.u32 v2, $0x10;
	_ =	sdelay $0x4  }
0x1c: {  	[tilespmem:v2+s7+$0x0] =	vst.idx.add.f32.msk $0xffff, v1  }
0x1d: {  	v2 =	vld [tilespmem:s11+$0x20];
	_ =	sdelay $0x4  }
0x1e: {  	v2 =	vshrl.u32 v2, $0x10;
	_ =	sdelay $0x4  }
0x1f: {  	[tilespmem:v2+s7+$0x0] =	vst.idx.add.f32.msk $0xffff, v1  }
0x20: {  	v2 =	vld [tilespmem:s11+$0x30];
	_ =	sdelay $0x4  }
0x21: {  	v2 =	vshrl.u32 v2, $0x10;
	_ =	sdelay $0x4  }
0x22: {  	[tilespmem:v2+s7+$0x0] =	vst.idx.add.f32.msk $0xffff, v1  }
0x23: {  	v2 =	vld [tilespmem:s11+$0x40];
	_ =	sdelay $0x4  }
0x24: {  	v2 =	vshrl.u32 v2, $0x10;
	_ =	sdelay $0x4  }
0x25: {  	[tilespmem:v2+s7+$0x0] =	vst.idx.add.f32.msk $0xffff, v1  }
0x26: {  	v2 =	vld [tilespmem:s11+$0x50];
	_ =	sdelay $0x4  }
0x27: {  	v2 =	vshrl.u32 v2, $0x10;
	_ =	sdelay $0x4  }
0x28: {  	[tilespmem:v2+s7+$0x0] =	vst.idx.add.f32.msk $0xffff, v1  }
0x29: {  	v2 =	vld [tilespmem:s11+$0x60];
	_ =	sdelay $0x4  }
0x2a: {  	v2 =	vshrl.u32 v2, $0x10;
	_ =	sdelay $0x4  }
0x2b: {  	[tilespmem:v2+s7+$0x0] =	vst.idx.add.f32.msk $0xffff, v1  }
0x2c: {  	v2 =	vld [tilespmem:s11+$0x70];
	_ =	sdelay $0x4  }
0x2d: {  	p0 =	sne.s32 s10, $0x9E00;
	v2 =	vshrl.u32 v2, $0x10  }
.Ltmp1:
0x2e: {  	_ = 	snop;
	(pc) =	sbr.rel @p0 .LBB2_4-.Ltmp1, $2  }
0x2f: {  	_ =	sdelay $0x2  }
0x30: {  	s10 =	sadd.s32 $0x200, s10;
	[tilespmem:v2+s7+$0x0] =	vst.idx.add.f32.msk $0xffff, v1  }
0x31: {  	s2 =	sadd.s32 $0x1, s2  }
0x32: {  	p0 =	sne.s32 s2, s5  }
.Ltmp2:
0x33: {  	_ = 	snop;
	(pc) =	sbr.rel @p0 .LBB2_1-.Ltmp2, $4  }
0x34: {  	[hbm4b:s4+s8] =	stream.strided.scatter [tilespmem:s7], [sflag:$0x1], $0x2800, s9, s8, $0x38;
	[tilespmem:$0x5000] =	vst v63  }
0x35: {  	_ =	swait.ge [sflag:s6], $0x2800  }
0x36: {  	[sflag:s6] =	ssyncset.done $0x0  }
0x37: {  	[sflag:s6] =	ssyncadd.s32 $0xFFFFD800  }
0x38: {  	_ =	sfence.sel $0x180000  }
0x39: {  	[bflag:$0x0] =	sbarrier.arrive $0xFFFF  }
0x3a: {  	p0 =	sne.s32 s0, $0x0;
	_ =	strace $0x90000047  }
0x3b: {  	s0 =	sadd.s32 @!p0 $0x100000, s1;
	[bflag:$0x2] =	sbarrier.arrive $0xFFFF  }
0x3c: {  	[sflag:s0] =	ssyncadd.tile.s32 @!p0 $0x1;
	_ =	shalt  }
.Lfunc_end2:
_tile_overlayer_lowered:
.L_overlay_start_2:
0x3d: {  	(tag) =	ssettag $0x2  }
0x3e: {  	s0 =	rddreg [dreg:$0x0];
	s2 =	stileid.u32  }
0x3f: {  	s1 =	rddreg [dreg:$0x1];
	p0 =	sne.s32 s2, $0x0  }
0x40: {  	s3 =	rddreg [dreg:$0x2];
	[bflag:$0x3] =	sbarrier.arrive $0xFFFF;
	s2 =	simm.s32 @!p0 $0x1C01  }
0x41: {  	[timem:s3], [sflag:s2] =	dma.local @!p0 [hbm:s0], s1  }
0x42: {  	s0 =	simm.s32 @!p0 $0x1  }
0x43: {  	_ =	swait.ge @!p0 [sflag:s0], s1  }
0x44: {  	s1 =	ssub.s32 @!p0 $0x0, s1;
	[sflag:s0] =	ssyncset.done @!p0 $0x0  }
0x45: {  	[sflag:s0] =	ssyncadd.s32 @!p0 s1  }
0x46: {  	[bflag:$0x3] =	sbarrier.arrive $0xFFFF  }
0x47: {  	_ =	shalt  }

</sc_bundles>
